<compile_context>
chip_gen: v7x
topology: tpu7x:2x2x1
jax: 0.10.2.dev20260603
libtpu: 0.0.44.dev20260713+nightly
codegen_flags: <defaults>
</compile_context>

<pallas_src>
import functools

import jax
import jax.numpy as jnp
import numpy as np
from jax import lax
from jax.experimental import pallas as pl
from jax.experimental.pallas import tpu as pltpu
from jax.experimental.pallas import tpu_sc as plsc

EMBED_DIM = 64
NUM_EMBED = 64
BB = 128
NPIX7 = 49
NL = NPIX7 * BB

_INTERPRET = False


def _dot(a, b):
    return jax.lax.dot_general(a, b, (((1,), (0,)), ((), ())),
                               preferred_element_type=jnp.float32)


_E2 = [
    dict(r=0, s=0, feeds=[(1, 1), (2, 0), (0, 2)]),
    dict(r=1, s=0, feeds=[(2, 2), (3, 1)]),
    dict(r=1, s=-1, feeds=[(0, 0)]),
]
_E3 = [
    dict(p=0, s=0, feeds=[(1, 0), (0, 1)]),
    dict(p=1, s=0, feeds=[(2, 0), (1, 1), (0, 2)]),
    dict(p=2, s=0, feeds=[(3, 0), (2, 1), (1, 2)]),
    dict(p=3, s=0, feeds=[(3, 1), (2, 2)]),
    dict(p=0, s=1, feeds=[(3, 2)]),
    dict(p=3, s=-1, feeds=[(0, 0)]),
]


def _enc_body(x_ref, a1_ref, c1b_ref, w2f_ref, c2b_ref, enct_ref, encb_ref,
              cb_ref, z_ref, idx_ref, xp, h1p, p2, hft):
    i = pl.program_id(0)

    @pl.when(i == 0)
    def _zero():
        xp[:] = jnp.zeros((900, BB), jnp.float32)
        h1p[:] = jnp.zeros((7200, BB), jnp.float32)

    for y in range(28):
        xp[y * 30:y * 30 + 28, :] = x_ref[y, :, 0, :]

    a1 = a1_ref[:]
    c1b = c1b_ref[:]
    for i1 in range(14):
        rows = xp[2 * i1 * 30: 2 * i1 * 30 + 90, :]
        val = jnp.maximum(_dot(a1, rows) + c1b, 0.0)
        h1p[i1 * 480: i1 * 480 + 448, :] = val

    for ij in range(NPIX7):
        i2, j2 = divmod(ij, 7)
        for dy in range(3):
            src = ((2 * i2 + dy) * 15 + 2 * j2) * 32
            p2[dy * 96:(dy + 1) * 96, ij * BB:(ij + 1) * BB] = \
                h1p[src: src + 96, :]
    h2 = jnp.maximum(_dot(w2f_ref[:], p2[:]) + c2b_ref[:], 0.0)

    for ij in range(NPIX7):
        hft[ij * 64:(ij + 1) * 64, :] = h2[:, ij * BB:(ij + 1) * BB]
    zt = _dot(enct_ref[:], hft[:]) + encb_ref[:]
    z_ref[:] = zt

    cb = cb_ref[:]
    cbn = jnp.sum(cb * cb, axis=1, keepdims=True)
    dist = cbn - 2.0 * _dot(cb, zt)
    mn = jnp.min(dist, axis=0, keepdims=True)
    ki = jax.lax.broadcasted_iota(jnp.int32, (NUM_EMBED, BB), 0)
    cand = jnp.where(dist <= mn, ki, NUM_EMBED)
    idx = jnp.min(cand, axis=0, keepdims=True)
    idx_ref[:] = idx.reshape(1, 1, BB)


def _shift2d(src, su, sv):
    plan = []
    v0 = max(0, -sv)
    v1 = 7 - max(0, sv)
    for u in range(max(0, -su), 7 - max(0, su)):
        dst = (u * 7 + v0) * BB
        srcl = ((u + su) * 7 + v0 + sv) * BB
        plan.append((dst, srcl, (v1 - v0) * BB))
    return plan


def _dec_body(idx_ref, dct_ref, decb_ref, ws1_ref, b1_ref,
              wsx_ref, b2_ref, w3_ref, b3_ref, perm_ref,
              rec_ref, srcs1, s2, ish, sall3):
    i = pl.program_id(0)

    @pl.when(i == 0)
    def _zero():
        srcs1[:] = jnp.zeros((128, NL), jnp.float32)
        s2[:] = jnp.zeros((384, NL), jnp.float32)
        ish[:] = jnp.zeros((128, NL), jnp.float32)
        sall3[:] = jnp.zeros((1152, NL), jnp.float32)

    ki = jax.lax.broadcasted_iota(jnp.int32, (NUM_EMBED, BB), 0)
    oh = (ki == idx_ref[0]).astype(jnp.float32)
    d1t = jnp.maximum(_dot(dct_ref[:], oh) + decb_ref[:], 0.0)

    for p in range(NPIX7):
        srcs1[0:32, p * BB:(p + 1) * BB] = d1t[p * 32:(p + 1) * 32, :]
    for r, (su, sv) in enumerate([(-1, 0), (0, -1), (-1, -1)]):
        for dst, src, w in _shift2d(None, su, sv):
            srcs1[(r + 1) * 32:(r + 2) * 32, dst:dst + w] = \
                srcs1[0:32, src:src + w]

    p1 = jnp.maximum(_dot(ws1_ref[:], srcs1[:]) + b1_ref[:], 0.0)

    for ry in range(2):
        base = ry * 192
        s2[base:base + 64, :] = p1[ry * 128:ry * 128 + 64, :]
        s2[base + 64:base + 128, :] = p1[ry * 128 + 64:ry * 128 + 128, :]
        for dst, src, w in _shift2d(None, 0, -1):
            s2[base + 128:base + 192, dst:dst + w] = \
                p1[ry * 128 + 64:ry * 128 + 128, src:src + w]
    i0 = _dot(wsx_ref[:], s2[0:192, :])
    i1 = _dot(wsx_ref[:], s2[192:384, :])
    for dst, src, w in _shift2d(None, -1, 0):
        ish[:, dst:dst + w] = i1[0:128, src:src + w]
    r2 = jnp.concatenate([
        i0[256:384, :] + ish[:],
        i0[128:256, :],
        i0[0:128, :] + i1[256:384, :],
        i1[128:256, :],
    ], axis=0)
    r2 = jnp.maximum(r2 + b2_ref[:], 0.0)
    for py in range(4):
        for px in range(4):
            sall3[(py * 6 + px) * 32:(py * 6 + px) * 32 + 32, :] = \
                r2[(py * 4 + px) * 32:(py * 4 + px) * 32 + 32, :]

    for ie in range(6):
        for je in range(6):
            if ie < 4 and je < 4:
                continue
            sy, sx = _E3[ie]['p'], _E3[je]['p']
            su, sv = _E3[ie]['s'], _E3[je]['s']
            srow = (sy * 6 + sx) * 32
            drow = (ie * 6 + je) * 32
            for dst, src, w in _shift2d(None, su, sv):
                sall3[drow:drow + 32, dst:dst + w] = \
                    sall3[srow:srow + 32, src:src + w]

    r3 = jax.nn.sigmoid(_dot(w3_ref[:], sall3[:]) + b3_ref[:])

    cat = [r3[:, g * BB:(g + 1) * BB] for g in range(NPIX7)]
    cat2 = jnp.concatenate(cat, axis=0)
    rec_ref[:] = _dot(perm_ref[:], cat2)


def _loss_body(q_ref, zt_ref, loss_ref):
    i = pl.program_id(0)

    @pl.when(i == 0)
    def _zero():
        loss_ref[:] = jnp.zeros((8, 128), jnp.float32)

    qt = q_ref[:, 0:EMBED_DIM].T
    diff = qt - zt_ref[:]
    loss_ref[:] += jnp.sum(diff * diff)


def _sc_gather(codebook, idx):
    table = jnp.pad(codebook, ((0, 0), (0, 128 - EMBED_DIM)))
    info = plsc.get_sparse_core_info()
    nw = info.num_cores * info.num_subcores
    n = idx.shape[0]
    bpw = n // nw
    mesh = plsc.VectorSubcoreMesh(core_axis_name="c", subcore_axis_name="s")

    @functools.partial(
        pl.kernel, mesh=mesh,
        out_type=jax.ShapeDtypeStruct((n, 128), jnp.float32),
        scratch_types=[
            pltpu.VMEM((bpw,), jnp.int32),
            pltpu.VMEM((bpw, 128), jnp.float32),
            pltpu.SemaphoreType.DMA,
        ],
    )
    def k(table_hbm, idx_hbm, out_hbm, idx_v, rows_v, sem):
        wid = lax.axis_index("s") * info.num_cores + lax.axis_index("c")
        base = wid * bpw
        pltpu.sync_copy(idx_hbm.at[pl.ds(base, bpw)], idx_v)
        pltpu.async_copy(table_hbm.at[idx_v], rows_v, sem).wait()
        pltpu.sync_copy(rows_v, out_hbm.at[pl.ds(base, bpw)])

    return k(table, idx)


def kernel(inputs, conv1_w, conv1_b, conv2_w, conv2_b, enc_w, enc_b, codebook,
           dec_w, dec_b, deconv1_w, deconv1_b, deconv2_w, deconv2_b,
           deconv3_w, deconv3_b):
    batch = inputs.shape[0]
    nblk = batch // BB
    f32 = jnp.float32

    w1p = conv1_w[:, :, 0, :]
    sel = np.zeros((14, 3, 30), np.float32)
    for j in range(14):
        for dx in range(3):
            sel[j, dx, 2 * j + dx] = 1.0
    a1 = jnp.einsum('yxc,jxm->jcym', w1p, jnp.asarray(sel)).reshape(448, 90)
    c1b = jnp.tile(conv1_b.reshape(1, 32), (14, 1)).reshape(448, 1)
    w2f = conv2_w.reshape(288, 64).T
    c2b = conv2_b.reshape(64, 1)
    enct = enc_w.T
    encb = enc_b.reshape(64, 1)

    dct = (codebook @ dec_w).T
    decb = dec_b.reshape(1568, 1)
    feeds1 = [[(0, (2, 2)), (1, (0, 2)), (2, (2, 0)), (3, (0, 0))],
              [(0, (2, 1)), (1, (0, 1))],
              [(0, (1, 2)), (2, (1, 0))],
              [(0, (1, 1))]]
    sel1 = np.zeros((4, 4, 3, 3), np.float32)
    for p, feeds in enumerate(feeds1):
        for (r, (dy, dx)) in feeds:
            sel1[p, r, dy, dx] = 1.0
    ws1 = jnp.einsum('pryx,yxio->pori', jnp.asarray(sel1),
                     deconv1_w).reshape(256, 128)
    b1 = jnp.tile(deconv1_b.reshape(1, 64), (4, 1)).reshape(256, 1)

    selx = np.zeros((3, 4, 3), np.float32)
    for e, ex in enumerate(_E2):
        for (px, tx) in ex['feeds']:
            selx[e, px, tx] = 1.0
    wsx = jnp.einsum('ept,ytio->ypoei', jnp.asarray(selx),
                     deconv2_w).reshape(384, 192)
    b2 = jnp.tile(deconv2_b.reshape(1, 32), (16, 1)).reshape(512, 1)

    sel3 = np.zeros((16, 36, 3, 3), np.float32)
    for ie in range(6):
        for je in range(6):
            s36 = ie * 6 + je
            for (py, ty) in _E3[ie]['feeds']:
                for (px, tx) in _E3[je]['feeds']:
                    sel3[py * 4 + px, s36, ty, tx] = 1.0
    w3 = jnp.einsum('pstu,tuc->psc', jnp.asarray(sel3),
                    deconv3_w[:, :, :, 0]).reshape(16, 1152)
    b3 = deconv3_b.reshape(1, 1)

    perm = np.zeros((784, 784), np.float32)
    for gy in range(7):
        for gx in range(7):
            for py in range(4):
                for px in range(4):
                    perm[(4 * gy + py) * 28 + 4 * gx + px,
                         (gy * 7 + gx) * 16 + py * 4 + px] = 1.0
    perm = jnp.asarray(perm)

    x2d = inputs.transpose(1, 2, 3, 0)

    full = lambda shape: pl.BlockSpec(shape, lambda i: tuple(0 for _ in shape))
    zt_all, idx_all = pl.pallas_call(
        _enc_body,
        grid=(nblk,),
        in_specs=[
            pl.BlockSpec((28, 28, 1, BB), lambda i: (0, 0, 0, i)),
            full((448, 90)), full((448, 1)), full((64, 288)), full((64, 1)),
            full((64, 3136)), full((64, 1)), full((NUM_EMBED, EMBED_DIM)),
        ],
        out_specs=[
            pl.BlockSpec((EMBED_DIM, BB), lambda i: (0, i)),
            pl.BlockSpec((1, 1, BB), lambda i: (i, 0, 0)),
        ],
        out_shape=[
            jax.ShapeDtypeStruct((EMBED_DIM, batch), f32),
            jax.ShapeDtypeStruct((nblk, 1, BB), jnp.int32),
        ],
        scratch_shapes=[
            pltpu.VMEM((900, BB), f32), pltpu.VMEM((7200, BB), f32),
            pltpu.VMEM((288, NL), f32), pltpu.VMEM((3136, BB), f32),
        ],
        compiler_params=pltpu.CompilerParams(
            vmem_limit_bytes=120 * 1024 * 1024),
        interpret=_INTERPRET,
    )(x2d, a1, c1b, w2f, c2b, enct, encb, codebook)

    q = _sc_gather(codebook, idx_all.reshape(batch))

    rec2d = pl.pallas_call(
        _dec_body,
        grid=(nblk,),
        in_specs=[
            pl.BlockSpec((1, 1, BB), lambda i: (i, 0, 0)),
            full((1568, 64)), full((1568, 1)), full((256, 128)), full((256, 1)),
            full((384, 192)), full((512, 1)), full((16, 1152)), full((1, 1)),
            full((784, 784)),
        ],
        out_specs=pl.BlockSpec((784, BB), lambda i: (0, i)),
        out_shape=jax.ShapeDtypeStruct((784, batch), f32),
        scratch_shapes=[
            pltpu.VMEM((128, NL), f32), pltpu.VMEM((384, NL), f32),
            pltpu.VMEM((128, NL), f32), pltpu.VMEM((1152, NL), f32),
        ],
        compiler_params=pltpu.CompilerParams(
            vmem_limit_bytes=120 * 1024 * 1024),
        interpret=_INTERPRET,
    )(idx_all, dct, decb, ws1, b1, wsx, b2, w3, b3, perm)

    lb = min(512, batch)
    loss_acc = pl.pallas_call(
        _loss_body,
        grid=(batch // lb,),
        in_specs=[
            pl.BlockSpec((lb, 128), lambda i: (i, 0)),
            pl.BlockSpec((EMBED_DIM, lb), lambda i: (0, i)),
        ],
        out_specs=pl.BlockSpec((8, 128), lambda i: (0, 0)),
        out_shape=jax.ShapeDtypeStruct((8, 128), f32),
        interpret=_INTERPRET,
    )(q, zt_all)

    vq_loss = 2.0 * loss_acc[0, 0] / (batch * EMBED_DIM)
    reconstructed = jax.lax.reshape(rec2d, (batch, 28, 28, 1),
                                    dimensions=(1, 0))
    return (reconstructed, vq_loss)

# --- scband reference (transcript-rebuilt; emitter-appended) ---
"""Pipeline reference for scband-vqvae-83296595739421 (READ-ONLY COPY).

The authoritative reference and input builder live on the scoring server;
editing this copy changes nothing except your own understanding.
"""

import jax, jax.numpy as jnp
import numpy as np

EMBED_DIM = 64
NUM_EMBED = 64
BATCH = 4096

def _conv(x, w, b, stride):
    y = jax.lax.conv_general_dilated(x, w, (stride, stride), 'SAME',
                                     dimension_numbers=('NHWC', 'HWIO', 'NHWC'))
    return y + b

def _conv_t(x, w, b, stride):
    y = jax.lax.conv_transpose(x, w, (stride, stride), 'SAME',
                               dimension_numbers=('NHWC', 'HWIO', 'NHWC'))
    return y + b

def setup_inputs(seed: int = 0):
    key = jax.random.key(seed)
    ks = jax.random.split(key, 17)
    inp = {}
    inp['inputs'] = jax.random.uniform(ks[0], (BATCH, 28, 28, 1), dtype=jnp.float32)
    inp['conv1_w'] = jax.random.normal(ks[1], (3, 3, 1, 32), dtype=jnp.float32) * 0.1
    inp['conv1_b'] = jnp.zeros((32,), dtype=jnp.float32)
    inp['conv2_w'] = jax.random.normal(ks[2], (3, 3, 32, 64), dtype=jnp.float32) * 0.05
    inp['conv2_b'] = jnp.zeros((64,), dtype=jnp.float32)
    inp['enc_w'] = jax.random.normal(ks[3], (7 * 7 * 64, EMBED_DIM), dtype=jnp.float32) * 0.02
    inp['enc_b'] = jnp.zeros((EMBED_DIM,), dtype=jnp.float32)
    inp['codebook'] = jax.random.normal(ks[4], (NUM_EMBED, EMBED_DIM), dtype=jnp.float32) * 0.05
    inp['dec_w'] = jax.random.normal(ks[5], (EMBED_DIM, 7 * 7 * 32), dtype=jnp.float32) * 0.05
    inp['dec_b'] = jnp.zeros((7 * 7 * 32,), dtype=jnp.float32)
    inp['deconv1_w'] = jax.random.normal(ks[6], (3, 3, 32, 64), dtype=jnp.float32) * 0.05
    inp['deconv1_b'] = jnp.zeros((64,), dtype=jnp.float32)
    inp['deconv2_w'] = jax.random.normal(ks[7], (3, 3, 64, 32), dtype=jnp.float32) * 0.05
    inp['deconv2_b'] = jnp.zeros((32,), dtype=jnp.float32)
    inp['deconv3_w'] = jax.random.normal(ks[8], (3, 3, 32, 1), dtype=jnp.float32) * 0.05
    inp['deconv3_b'] = jnp.zeros((1,), dtype=jnp.float32)
    return inp

def reference(inputs, conv1_w, conv1_b, conv2_w, conv2_b, enc_w, enc_b, codebook,
              dec_w, dec_b, deconv1_w, deconv1_b, deconv2_w, deconv2_b, deconv3_w, deconv3_b):
    sg = jax.lax.stop_gradient
    # encoder
    h = jax.nn.relu(_conv(inputs, conv1_w, conv1_b, 2))   # [B,14,14,32]
    h = jax.nn.relu(_conv(h, conv2_w, conv2_b, 2))        # [B,7,7,64]
    h = h.reshape(h.shape[0], -1)                          # [B,3136]
    z = h @ enc_w + enc_b                                  # [B,64]
    # vector quantizer
    flat = z.reshape(-1, EMBED_DIM)
    distances = (jnp.sum(flat ** 2, axis=1, keepdims=True)
                 + jnp.sum(codebook ** 2, axis=1)
                 - 2.0 * flat @ codebook.T)
    encoding_indices = jnp.argmin(distances, axis=1)
    encodings = jax.nn.one_hot(encoding_indices, NUM_EMBED, dtype=flat.dtype)
    quantized = encodings @ codebook
    quantized = quantized.reshape(z.shape)
    e_latent_loss = jnp.mean((sg(quantized) - z) ** 2)
    q_latent_loss = jnp.mean((quantized - sg(z)) ** 2)
    vq_loss = q_latent_loss + sg(e_latent_loss)
    quantized = z + sg(quantized - z)
    # decoder
    d = jax.nn.relu(quantized @ dec_w + dec_b)             # [B,1568]
    d = d.reshape(-1, 7, 7, 32)
    d = jax.nn.relu(_conv_t(d, deconv1_w, deconv1_b, 2))   # [B,14,14,64]
    d = jax.nn.relu(_conv_t(d, deconv2_w, deconv2_b, 2))   # [B,28,28,32]
    reconstructed = jax.nn.sigmoid(_conv_t(d, deconv3_w, deconv3_b, 1))  # [B,28,28,1]
    return (reconstructed, vq_loss)

if __name__ == "__main__":
    import jax
    _d = setup_inputs()
    print(jax.jit(kernel)(*tuple(_d.values())))

</pallas_src>

<mosaic_0001>
#map = affine_map<(d0, d1) -> (0, 0)>
#map1 = affine_map<(d0, d1) -> (0)>
module attributes {stable_mosaic.version = 14 : i64} {
  func.func @k(%arg0: i32, %arg1: i32, %arg2: memref<64x128xf32, #tpu.memory_space<hbm>>, %arg3: memref<4096xi32, #tpu.memory_space<hbm>>, %arg4: memref<4096x128xf32, #tpu.memory_space<hbm>>, %arg5: memref<128xi32, #tpu.memory_space<vmem>>, %arg6: memref<128x128xf32, #tpu.memory_space<vmem>>, %arg7: memref<!tpu.dma_semaphore, #tpu.memory_space<semaphore_mem>>) attributes {dimension_semantics = [#tpu.dimension_semantics<core_parallel>, #tpu.dimension_semantics<subcore_parallel>], iteration_bounds = array<i64: 2, 16>, scalar_prefetch = 0 : i64, scratch_operands = 3 : i64, tpu.core_type = #tpu.core_type<sc_vector_subcore>, window_params = [{transform_indices = #map}, {transform_indices = #map1}, {transform_indices = #map}]} {
    %mul3A = arith.constant 2 : i32
    %mul3A_0 = arith.muli %arg1, %mul3A : i32
    %add3A = arith.addi %mul3A_0, %arg0 : i32
    %mul3A_1 = arith.constant 128 : i32
    %mul3A_2 = arith.muli %add3A, %mul3A_1 : i32
    "tpu.region"() ({
      %run_scoped3A = tpu.sem_alloc : memref<!tpu.dma_semaphore, #tpu.memory_space<semaphore_mem>>
      %dma_start3A_7 = tpu.memref_slice %arg3[%mul3A_2] : memref<4096xi32, #tpu.memory_space<hbm>> -> memref<128xi32, #tpu.memory_space<hbm>>
      %dma_start3A_8 = tpu.memref_slice %arg3[%mul3A_2] : memref<4096xi32, #tpu.memory_space<hbm>> -> memref<128xi32, #tpu.memory_space<hbm>>
      tpu.enqueue_dma source(%dma_start3A_8 : memref<128xi32, #tpu.memory_space<hbm>>) target(%arg5 : memref<128xi32, #tpu.memory_space<vmem>>) target_semaphore(%run_scoped3A : memref<!tpu.dma_semaphore, #tpu.memory_space<semaphore_mem>>)
      %dma_wait3A_9 = tpu.memref_slice %arg3[%mul3A_2] : memref<4096xi32, #tpu.memory_space<hbm>> -> memref<128xi32, #tpu.memory_space<hbm>>
      %dma_wait3A_10 = tpu.memref_slice %arg3[%mul3A_2] : memref<4096xi32, #tpu.memory_space<hbm>> -> memref<128xi32, #tpu.memory_space<hbm>>
      tpu.wait_dma2 semaphore(%run_scoped3A : memref<!tpu.dma_semaphore, #tpu.memory_space<semaphore_mem>>) src(%dma_wait3A_10 : memref<128xi32, #tpu.memory_space<hbm>>) dst(%arg5 : memref<128xi32, #tpu.memory_space<vmem>>)
      tpu.yield
    }) : () -> ()
    %dma_start3A = arith.constant 0 : i32
    %dma_start3A_3 = arith.constant 0 : i32
    %dma_start3A_4 = tpu.memref_slice %arg2[%dma_start3A, %dma_start3A_3] : memref<64x128xf32, #tpu.memory_space<hbm>> -> memref<64x128xf32, #tpu.memory_space<hbm>>
    tpu.enqueue_indirect_dma source(%dma_start3A_4 : memref<64x128xf32, #tpu.memory_space<hbm>>) target(%arg6 : memref<128x128xf32, #tpu.memory_space<vmem>>) offsets(%arg5 : memref<128xi32, #tpu.memory_space<vmem>>) semaphore(%arg7 : memref<!tpu.dma_semaphore, #tpu.memory_space<semaphore_mem>>)
    %dma_wait3A = arith.constant 0 : i32
    %dma_wait3A_5 = arith.constant 0 : i32
    %dma_wait3A_6 = tpu.memref_slice %arg2[%dma_wait3A, %dma_wait3A_5] : memref<64x128xf32, #tpu.memory_space<hbm>> -> memref<64x128xf32, #tpu.memory_space<hbm>>
    tpu.wait_indirect_dma semaphore(%arg7 : memref<!tpu.dma_semaphore, #tpu.memory_space<semaphore_mem>>) src(%dma_wait3A_6 : memref<64x128xf32, #tpu.memory_space<hbm>>) dst(%arg6 : memref<128x128xf32, #tpu.memory_space<vmem>>)
    "tpu.region"() ({
      %run_scoped3A = tpu.sem_alloc : memref<!tpu.dma_semaphore, #tpu.memory_space<semaphore_mem>>
      %dma_start3A_7 = arith.constant 0 : i32
      %dma_start3A_8 = tpu.memref_slice %arg4[%mul3A_2, %dma_start3A_7] : memref<4096x128xf32, #tpu.memory_space<hbm>> -> memref<128x128xf32, #tpu.memory_space<hbm>>
      %dma_start3A_9 = arith.constant 0 : i32
      %dma_start3A_10 = tpu.memref_slice %arg4[%mul3A_2, %dma_start3A_9] : memref<4096x128xf32, #tpu.memory_space<hbm>> -> memref<128x128xf32, #tpu.memory_space<hbm>>
      tpu.enqueue_dma source(%arg6 : memref<128x128xf32, #tpu.memory_space<vmem>>) target(%dma_start3A_10 : memref<128x128xf32, #tpu.memory_space<hbm>>) target_semaphore(%run_scoped3A : memref<!tpu.dma_semaphore, #tpu.memory_space<semaphore_mem>>)
      %dma_wait3A_11 = arith.constant 0 : i32
      %dma_wait3A_12 = tpu.memref_slice %arg4[%mul3A_2, %dma_wait3A_11] : memref<4096x128xf32, #tpu.memory_space<hbm>> -> memref<128x128xf32, #tpu.memory_space<hbm>>
      %dma_wait3A_13 = arith.constant 0 : i32
      %dma_wait3A_14 = tpu.memref_slice %arg4[%mul3A_2, %dma_wait3A_13] : memref<4096x128xf32, #tpu.memory_space<hbm>> -> memref<128x128xf32, #tpu.memory_space<hbm>>
      tpu.wait_dma2 semaphore(%run_scoped3A : memref<!tpu.dma_semaphore, #tpu.memory_space<semaphore_mem>>) src(%arg6 : memref<128x128xf32, #tpu.memory_space<vmem>>) dst(%dma_wait3A_14 : memref<128x128xf32, #tpu.memory_space<hbm>>)
      tpu.yield
    }) : () -> ()
    return
  }
}

module attributes {stable_mosaic.version = 14 : i64} {
  func.func @_enc_body(%arg0: i32, %arg1: memref<28x28x1x128xf32, #tpu.memory_space<vmem>>, %arg2: memref<448x90xf32, #tpu.memory_space<vmem>>, %arg3: memref<448x1xf32, #tpu.memory_space<vmem>>, %arg4: memref<64x288xf32, #tpu.memory_space<vmem>>, %arg5: memref<64x1xf32, #tpu.memory_space<vmem>>, %arg6: memref<64x3136xf32, #tpu.memory_space<vmem>>, %arg7: memref<64x1xf32, #tpu.memory_space<vmem>>, %arg8: memref<64x64xf32, #tpu.memory_space<vmem>>, %arg9: memref<64x128xf32, #tpu.memory_space<vmem>>, %arg10: memref<1x1x128xi32, #tpu.memory_space<vmem>>, %arg11: memref<900x128xf32, #tpu.memory_space<vmem>>, %arg12: memref<7200x128xf32, #tpu.memory_space<vmem>>, %arg13: memref<288x6272xf32, #tpu.memory_space<vmem>>, %arg14: memref<3136x128xf32, #tpu.memory_space<vmem>>) attributes {dimension_semantics = [#tpu.dimension_semantics<arbitrary>], iteration_bounds = array<i64: 32>, scalar_prefetch = 0 : i64, scratch_operands = 4 : i64, tpu.core_type = #tpu.core_type<tc>, window_params = [{transform_indices = @transform_0, window_bounds = array<i64: 28, 28, 1, 128>}, {pipeline_mode = #tpu.pipeline_mode<synchronous>, transform_indices = @transform_1, window_bounds = array<i64: 448, 90>}, {pipeline_mode = #tpu.pipeline_mode<synchronous>, transform_indices = @transform_2, window_bounds = array<i64: 448, 1>}, {pipeline_mode = #tpu.pipeline_mode<synchronous>, transform_indices = @transform_3, window_bounds = array<i64: 64, 288>}, {pipeline_mode = #tpu.pipeline_mode<synchronous>, transform_indices = @transform_4, window_bounds = array<i64: 64, 1>}, {pipeline_mode = #tpu.pipeline_mode<synchronous>, transform_indices = @transform_5, window_bounds = array<i64: 64, 3136>}, {pipeline_mode = #tpu.pipeline_mode<synchronous>, transform_indices = @transform_6, window_bounds = array<i64: 64, 1>}, {pipeline_mode = #tpu.pipeline_mode<synchronous>, transform_indices = @transform_7, window_bounds = array<i64: 64, 64>}, {transform_indices = @transform_8, window_bounds = array<i64: 64, 128>}, {transform_indices = @transform_9, window_bounds = array<i64: 1, 1, 128>}]} {
    %eq3A = arith.constant 0 : i32
    %eq3A_0 = arith.cmpi eq, %arg0, %eq3A : i32
    %convert_element_type3A = arith.extui %eq3A_0 : i1 to i32
    %cond3A = arith.constant 0 : i32
    %cond3A_1 = arith.cmpi ne, %convert_element_type3A, %cond3A : i32
    scf.if %cond3A_1 {
      %broadcast_in_dim3A_1567 = arith.constant 0.000000e+00 : f32
      %broadcast_in_dim3A_1568 = vector.broadcast %broadcast_in_dim3A_1567 : f32 to vector<900x128xf32>
      %swap3A_1569 = arith.constant 0 : index
      %swap3A_1570 = arith.constant 0 : index
      %swap3A_1571 = vector.load %arg11[%swap3A_1569, %swap3A_1570] : memref<900x128xf32, #tpu.memory_space<vmem>>, vector<900x128xf32>
      tpu.vector_store %arg11[%swap3A_1569, %swap3A_1570], %broadcast_in_dim3A_1568 {strides = array<i32>} : memref<900x128xf32, #tpu.memory_space<vmem>>, vector<900x128xf32>,
      %broadcast_in_dim3A_1572 = arith.constant 0.000000e+00 : f32
      %broadcast_in_dim3A_1573 = vector.broadcast %broadcast_in_dim3A_1572 : f32 to vector<7200x128xf32>
      %swap3A_1574 = arith.constant 0 : index
      %swap3A_1575 = arith.constant 0 : index
      %swap3A_1576 = vector.load %arg12[%swap3A_1574, %swap3A_1575] : memref<7200x128xf32, #tpu.memory_space<vmem>>, vector<7200x128xf32>
      tpu.vector_store %arg12[%swap3A_1574, %swap3A_1575], %broadcast_in_dim3A_1573 {strides = array<i32>} : memref<7200x128xf32, #tpu.memory_space<vmem>>, vector<7200x128xf32>,
    } else {
    }
    %get3A = arith.constant 0 : index
    %get3A_2 = arith.constant 0 : index
    %get3A_3 = arith.constant 0 : index
    %get3A_4 = arith.constant 0 : index
    %get3A_5 = vector.load %arg1[%get3A, %get3A_2, %get3A_3, %get3A_4] : memref<28x28x1x128xf32, #tpu.memory_space<vmem>>, vector<1x28x1x128xf32>
    %get3A_6 = vector.shape_cast %get3A_5 : vector<1x28x1x128xf32> to vector<28x128xf32>
    %swap3A = arith.constant 0 : index
    %swap3A_7 = arith.constant 0 : index
    %swap3A_8 = vector.load %arg11[%swap3A, %swap3A_7] : memref<900x128xf32, #tpu.memory_space<vmem>>, vector<28x128xf32>
    tpu.vector_store %arg11[%swap3A, %swap3A_7], %get3A_6 {strides = array<i32>} : memref<900x128xf32, #tpu.memory_space<vmem>>, vector<28x128xf32>,
    %get3A_9 = arith.constant 1 : index
    %get3A_10 = arith.constant 0 : index
    %get3A_11 = arith.constant 0 : index
    %get3A_12 = arith.constant 0 : index
    %get3A_13 = vector.load %arg1[%get3A_9, %get3A_10, %get3A_11, %get3A_12] : memref<28x28x1x128xf32, #tpu.memory_space<vmem>>, vector<1x28x1x128xf32>
    %get3A_14 = vector.shape_cast %get3A_13 : vector<1x28x1x128xf32> to vector<28x128xf32>
    %swap3A_15 = arith.constant 30 : index
    %swap3A_16 = arith.constant 0 : index
    %swap3A_17 = vector.load %arg11[%swap3A_15, %swap3A_16] : memref<900x128xf32, #tpu.memory_space<vmem>>, vector<28x128xf32>
    tpu.vector_store %arg11[%swap3A_15, %swap3A_16], %get3A_14 {strides = array<i32>} : memref<900x128xf32, #tpu.memory_space<vmem>>, vector<28x128xf32>,
    %get3A_18 = arith.constant 2 : index
    %get3A_19 = arith.constant 0 : index
    %get3A_20 = arith.constant 0 : index
    %get3A_21 = arith.constant 0 : index
    %get3A_22 = vector.load %arg1[%get3A_18, %get3A_19, %get3A_20, %get3A_21] : memref<28x28x1x128xf32, #tpu.memory_space<vmem>>, vector<1x28x1x128xf32>
    %get3A_23 = vector.shape_cast %get3A_22 : vector<1x28x1x128xf32> to vector<28x128xf32>
    %swap3A_24 = arith.constant 60 : index
    %swap3A_25 = arith.constant 0 : index
    %swap3A_26 = vector.load %arg11[%swap3A_24, %swap3A_25] : memref<900x128xf32, #tpu.memory_space<vmem>>, vector<28x128xf32>
    tpu.vector_store %arg11[%swap3A_24, %swap3A_25], %get3A_23 {strides = array<i32>} : memref<900x128xf32, #tpu.memory_space<vmem>>, vector<28x128xf32>,
    %get3A_27 = arith.constant 3 : index
    %get3A_28 = arith.constant 0 : index
    %get3A_29 = arith.constant 0 : index
    %get3A_30 = arith.constant 0 : index
    %get3A_31 = vector.load %arg1[%get3A_27, %get3A_28, %get3A_29, %get3A_30] : memref<28x28x1x128xf32, #tpu.memory_space<vmem>>, vector<1x28x1x128xf32>
    %get3A_32 = vector.shape_cast %get3A_31 : vector<1x28x1x128xf32> to vector<28x128xf32>
    %swap3A_33 = arith.constant 90 : index
    %swap3A_34 = arith.constant 0 : index
    %swap3A_35 = vector.load %arg11[%swap3A_33, %swap3A_34] : memref<900x128xf32, #tpu.memory_space<vmem>>, vector<28x128xf32>
    tpu.vector_store %arg11[%swap3A_33, %swap3A_34], %get3A_32 {strides = array<i32>} : memref<900x128xf32, #tpu.memory_space<vmem>>, vector<28x128xf32>,
    %get3A_36 = arith.constant 4 : index
    %get3A_37 = arith.constant 0 : index
    %get3A_38 = arith.constant 0 : index
    %get3A_39 = arith.constant 0 : index
    %get3A_40 = vector.load %arg1[%get3A_36, %get3A_37, %get3A_38, %get3A_39] : memref<28x28x1x128xf32, #tpu.memory_space<vmem>>, vector<1x28x1x128xf32>
    %get3A_41 = vector.shape_cast %get3A_40 : vector<1x28x1x128xf32> to vector<28x128xf32>
    %swap3A_42 = arith.constant 120 : index
    %swap3A_43 = arith.constant 0 : index
    %swap3A_44 = vector.load %arg11[%swap3A_42, %swap3A_43] : memref<900x128xf32, #tpu.memory_space<vmem>>, vector<28x128xf32>
    tpu.vector_store %arg11[%swap3A_42, %swap3A_43], %get3A_41 {strides = array<i32>} : memref<900x128xf32, #tpu.memory_space<vmem>>, vector<28x128xf32>,
    %get3A_45 = arith.constant 5 : index
    %get3A_46 = arith.constant 0 : index
    %get3A_47 = arith.constant 0 : index
    %get3A_48 = arith.constant 0 : index
    %get3A_49 = vector.load %arg1[%get3A_45, %get3A_46, %get3A_47, %get3A_48] : memref<28x28x1x128xf32, #tpu.memory_space<vmem>>, vector<1x28x1x128xf32>
    %get3A_50 = vector.shape_cast %get3A_49 : vector<1x28x1x128xf32> to vector<28x128xf32>
    %swap3A_51 = arith.constant 150 : index
    %swap3A_52 = arith.constant 0 : index
    %swap3A_53 = vector.load %arg11[%swap3A_51, %swap3A_52] : memref<900x128xf32, #tpu.memory_space<vmem>>, vector<28x128xf32>
    tpu.vector_store %arg11[%swap3A_51, %swap3A_52], %get3A_50 {strides = array<i32>} : memref<900x128xf32, #tpu.memory_space<vmem>>, vector<28x128xf32>,
    %get3A_54 = arith.constant 6 : index
    %get3A_55 = arith.constant 0 : index
    %get3A_56 = arith.constant 0 : index
    %get3A_57 = arith.constant 0 : index
    %get3A_58 = vector.load %arg1[%get3A_54, %get3A_55, %get3A_56, %get3A_57] : memref<28x28x1x128xf32, #tpu.memory_space<vmem>>, vector<1x28x1x128xf32>
    %get3A_59 = vector.shape_cast %get3A_58 : vector<1x28x1x128xf32> to vector<28x128xf32>
    %swap3A_60 = arith.constant 180 : index
    %swap3A_61 = arith.constant 0 : index
    %swap3A_62 = vector.load %arg11[%swap3A_60, %swap3A_61] : memref<900x128xf32, #tpu.memory_space<vmem>>, vector<28x128xf32>
    tpu.vector_store %arg11[%swap3A_60, %swap3A_61], %get3A_59 {strides = array<i32>} : memref<900x128xf32, #tpu.memory_space<vmem>>, vector<28x128xf32>,
    %get3A_63 = arith.constant 7 : index
    %get3A_64 = arith.constant 0 : index
    %get3A_65 = arith.constant 0 : index
    %get3A_66 = arith.constant 0 : index
    %get3A_67 = vector.load %arg1[%get3A_63, %get3A_64, %get3A_65, %get3A_66] : memref<28x28x1x128xf32, #tpu.memory_space<vmem>>, vector<1x28x1x128xf32>
    %get3A_68 = vector.shape_cast %get3A_67 : vector<1x28x1x128xf32> to vector<28x128xf32>
    %swap3A_69 = arith.constant 210 : index
    %swap3A_70 = arith.constant 0 : index
    %swap3A_71 = vector.load %arg11[%swap3A_69, %swap3A_70] : memref<900x128xf32, #tpu.memory_space<vmem>>, vector<28x128xf32>
    tpu.vector_store %arg11[%swap3A_69, %swap3A_70], %get3A_68 {strides = array<i32>} : memref<900x128xf32, #tpu.memory_space<vmem>>, vector<28x128xf32>,
    %get3A_72 = arith.constant 8 : index
    %get3A_73 = arith.constant 0 : index
    %get3A_74 = arith.constant 0 : index
    %get3A_75 = arith.constant 0 : index
    %get3A_76 = vector.load %arg1[%get3A_72, %get3A_73, %get3A_74, %get3A_75] : memref<28x28x1x128xf32, #tpu.memory_space<vmem>>, vector<1x28x1x128xf32>
    %get3A_77 = vector.shape_cast %get3A_76 : vector<1x28x1x128xf32> to vector<28x128xf32>
    %swap3A_78 = arith.constant 240 : index
    %swap3A_79 = arith.constant 0 : index
    %swap3A_80 = vector.load %arg11[%swap3A_78, %swap3A_79] : memref<900x128xf32, #tpu.memory_space<vmem>>, vector<28x128xf32>
    tpu.vector_store %arg11[%swap3A_78, %swap3A_79], %get3A_77 {strides = array<i32>} : memref<900x128xf32, #tpu.memory_space<vmem>>, vector<28x128xf32>,
    %get3A_81 = arith.constant 9 : index
    %get3A_82 = arith.constant 0 : index
    %get3A_83 = arith.constant 0 : index
    %get3A_84 = arith.constant 0 : index
    %get3A_85 = vector.load %arg1[%get3A_81, %get3A_82, %get3A_83, %get3A_84] : memref<28x28x1x128xf32, #tpu.memory_space<vmem>>, vector<1x28x1x128xf32>
    %get3A_86 = vector.shape_cast %get3A_85 : vector<1x28x1x128xf32> to vector<28x128xf32>
    %swap3A_87 = arith.constant 270 : index
    %swap3A_88 = arith.constant 0 : index
    %swap3A_89 = vector.load %arg11[%swap3A_87, %swap3A_88] : memref<900x128xf32, #tpu.memory_space<vmem>>, vector<28x128xf32>
    tpu.vector_store %arg11[%swap3A_87, %swap3A_88], %get3A_86 {strides = array<i32>} : memref<900x128xf32, #tpu.memory_space<vmem>>, vector<28x128xf32>,
    %get3A_90 = arith.constant 10 : index
    %get3A_91 = arith.constant 0 : index
    %get3A_92 = arith.constant 0 : index
    %get3A_93 = arith.constant 0 : index
    %get3A_94 = vector.load %arg1[%get3A_90, %get3A_91, %get3A_92, %get3A_93] : memref<28x28x1x128xf32, #tpu.memory_space<vmem>>, vector<1x28x1x128xf32>
    %get3A_95 = vector.shape_cast %get3A_94 : vector<1x28x1x128xf32> to vector<28x128xf32>
    %swap3A_96 = arith.constant 300 : index
    %swap3A_97 = arith.constant 0 : index
    %swap3A_98 = vector.load %arg11[%swap3A_96, %swap3A_97] : memref<900x128xf32, #tpu.memory_space<vmem>>, vector<28x128xf32>
    tpu.vector_store %arg11[%swap3A_96, %swap3A_97], %get3A_95 {strides = array<i32>} : memref<900x128xf32, #tpu.memory_space<vmem>>, vector<28x128xf32>,
    %get3A_99 = arith.constant 11 : index
    %get3A_100 = arith.constant 0 : index
    %get3A_101 = arith.constant 0 : index
    %get3A_102 = arith.constant 0 : index
    %get3A_103 = vector.load %arg1[%get3A_99, %get3A_100, %get3A_101, %get3A_102] : memref<28x28x1x128xf32, #tpu.memory_space<vmem>>, vector<1x28x1x128xf32>
    %get3A_104 = vector.shape_cast %get3A_103 : vector<1x28x1x128xf32> to vector<28x128xf32>
    %swap3A_105 = arith.constant 330 : index
    %swap3A_106 = arith.constant 0 : index
    %swap3A_107 = vector.load %arg11[%swap3A_105, %swap3A_106] : memref<900x128xf32, #tpu.memory_space<vmem>>, vector<28x128xf32>
    tpu.vector_store %arg11[%swap3A_105, %swap3A_106], %get3A_104 {strides = array<i32>} : memref<900x128xf32, #tpu.memory_space<vmem>>, vector<28x128xf32>,
    %get3A_108 = arith.constant 12 : index
    %get3A_109 = arith.constant 0 : index
    %get3A_110 = arith.constant 0 : index
    %get3A_111 = arith.constant 0 : index
    %get3A_112 = vector.load %arg1[%get3A_108, %get3A_109, %get3A_110, %get3A_111] : memref<28x28x1x128xf32, #tpu.memory_space<vmem>>, vector<1x28x1x128xf32>
    %get3A_113 = vector.shape_cast %get3A_112 : vector<1x28x1x128xf32> to vector<28x128xf32>
    %swap3A_114 = arith.constant 360 : index
    %swap3A_115 = arith.constant 0 : index
    %swap3A_116 = vector.load %arg11[%swap3A_114, %swap3A_115] : memref<900x128xf32, #tpu.memory_space<vmem>>, vector<28x128xf32>
    tpu.vector_store %arg11[%swap3A_114, %swap3A_115], %get3A_113 {strides = array<i32>} : memref<900x128xf32, #tpu.memory_space<vmem>>, vector<28x128xf32>,
    %get3A_117 = arith.constant 13 : index
    %get3A_118 = arith.constant 0 : index
    %get3A_119 = arith.constant 0 : index
    %get3A_120 = arith.constant 0 : index
    %get3A_121 = vector.load %arg1[%get3A_117, %get3A_118, %get3A_119, %get3A_120] : memref<28x28x1x128xf32, #tpu.memory_space<vmem>>, vector<1x28x1x128xf32>
    %get3A_122 = vector.shape_cast %get3A_121 : vector<1x28x1x128xf32> to vector<28x128xf32>
    %swap3A_123 = arith.constant 390 : index
    %swap3A_124 = arith.constant 0 : index
    %swap3A_125 = vector.load %arg11[%swap3A_123, %swap3A_124] : memref<900x128xf32, #tpu.memory_space<vmem>>, vector<28x128xf32>
    tpu.vector_store %arg11[%swap3A_123, %swap3A_124], %get3A_122 {strides = array<i32>} : memref<900x128xf32, #tpu.memory_space<vmem>>, vector<28x128xf32>,
    %get3A_126 = arith.constant 14 : index
    %get3A_127 = arith.constant 0 : index
    %get3A_128 = arith.constant 0 : index
    %get3A_129 = arith.constant 0 : index
    %get3A_130 = vector.load %arg1[%get3A_126, %get3A_127, %get3A_128, %get3A_129] : memref<28x28x1x128xf32, #tpu.memory_space<vmem>>, vector<1x28x1x128xf32>
    %get3A_131 = vector.shape_cast %get3A_130 : vector<1x28x1x128xf32> to vector<28x128xf32>
    %swap3A_132 = arith.constant 420 : index
    %swap3A_133 = arith.constant 0 : index
    %swap3A_134 = vector.load %arg11[%swap3A_132, %swap3A_133] : memref<900x128xf32, #tpu.memory_space<vmem>>, vector<28x128xf32>
    tpu.vector_store %arg11[%swap3A_132, %swap3A_133], %get3A_131 {strides = array<i32>} : memref<900x128xf32, #tpu.memory_space<vmem>>, vector<28x128xf32>,
    %get3A_135 = arith.constant 15 : index
    %get3A_136 = arith.constant 0 : index
    %get3A_137 = arith.constant 0 : index
    %get3A_138 = arith.constant 0 : index
    %get3A_139 = vector.load %arg1[%get3A_135, %get3A_136, %get3A_137, %get3A_138] : memref<28x28x1x128xf32, #tpu.memory_space<vmem>>, vector<1x28x1x128xf32>
    %get3A_140 = vector.shape_cast %get3A_139 : vector<1x28x1x128xf32> to vector<28x128xf32>
    %swap3A_141 = arith.constant 450 : index
    %swap3A_142 = arith.constant 0 : index
    %swap3A_143 = vector.load %arg11[%swap3A_141, %swap3A_142] : memref<900x128xf32, #tpu.memory_space<vmem>>, vector<28x128xf32>
    tpu.vector_store %arg11[%swap3A_141, %swap3A_142], %get3A_140 {strides = array<i32>} : memref<900x128xf32, #tpu.memory_space<vmem>>, vector<28x128xf32>,
    %get3A_144 = arith.constant 16 : index
    %get3A_145 = arith.constant 0 : index
    %get3A_146 = arith.constant 0 : index
    %get3A_147 = arith.constant 0 : index
    %get3A_148 = vector.load %arg1[%get3A_144, %get3A_145, %get3A_146, %get3A_147] : memref<28x28x1x128xf32, #tpu.memory_space<vmem>>, vector<1x28x1x128xf32>
    %get3A_149 = vector.shape_cast %get3A_148 : vector<1x28x1x128xf32> to vector<28x128xf32>
    %swap3A_150 = arith.constant 480 : index
    %swap3A_151 = arith.constant 0 : index
    %swap3A_152 = vector.load %arg11[%swap3A_150, %swap3A_151] : memref<900x128xf32, #tpu.memory_space<vmem>>, vector<28x128xf32>
    tpu.vector_store %arg11[%swap3A_150, %swap3A_151], %get3A_149 {strides = array<i32>} : memref<900x128xf32, #tpu.memory_space<vmem>>, vector<28x128xf32>,
    %get3A_153 = arith.constant 17 : index
    %get3A_154 = arith.constant 0 : index
    %get3A_155 = arith.constant 0 : index
    %get3A_156 = arith.constant 0 : index
    %get3A_157 = vector.load %arg1[%get3A_153, %get3A_154, %get3A_155, %get3A_156] : memref<28x28x1x128xf32, #tpu.memory_space<vmem>>, vector<1x28x1x128xf32>
    %get3A_158 = vector.shape_cast %get3A_157 : vector<1x28x1x128xf32> to vector<28x128xf32>
    %swap3A_159 = arith.constant 510 : index
    %swap3A_160 = arith.constant 0 : index
    %swap3A_161 = vector.load %arg11[%swap3A_159, %swap3A_160] : memref<900x128xf32, #tpu.memory_space<vmem>>, vector<28x128xf32>
    tpu.vector_store %arg11[%swap3A_159, %swap3A_160], %get3A_158 {strides = array<i32>} : memref<900x128xf32, #tpu.memory_space<vmem>>, vector<28x128xf32>,
    %get3A_162 = arith.constant 18 : index
    %get3A_163 = arith.constant 0 : index
    %get3A_164 = arith.constant 0 : index
    %get3A_165 = arith.constant 0 : index
    %get3A_166 = vector.load %arg1[%get3A_162, %get3A_163, %get3A_164, %get3A_165] : memref<28x28x1x128xf32, #tpu.memory_space<vmem>>, vector<1x28x1x128xf32>
    %get3A_167 = vector.shape_cast %get3A_166 : vector<1x28x1x128xf32> to vector<28x128xf32>
    %swap3A_168 = arith.constant 540 : index
    %swap3A_169 = arith.constant 0 : index
    %swap3A_170 = vector.load %arg11[%swap3A_168, %swap3A_169] : memref<900x128xf32, #tpu.memory_space<vmem>>, vector<28x128xf32>
    tpu.vector_store %arg11[%swap3A_168, %swap3A_169], %get3A_167 {strides = array<i32>} : memref<900x128xf32, #tpu.memory_space<vmem>>, vector<28x128xf32>,
    %get3A_171 = arith.constant 19 : index
    %get3A_172 = arith.constant 0 : index
    %get3A_173 = arith.constant 0 : index
    %get3A_174 = arith.constant 0 : index
    %get3A_175 = vector.load %arg1[%get3A_171, %get3A_172, %get3A_173, %get3A_174] : memref<28x28x1x128xf32, #tpu.memory_space<vmem>>, vector<1x28x1x128xf32>
    %get3A_176 = vector.shape_cast %get3A_175 : vector<1x28x1x128xf32> to vector<28x128xf32>
    %swap3A_177 = arith.constant 570 : index
    %swap3A_178 = arith.constant 0 : index
    %swap3A_179 = vector.load %arg11[%swap3A_177, %swap3A_178] : memref<900x128xf32, #tpu.memory_space<vmem>>, vector<28x128xf32>
    tpu.vector_store %arg11[%swap3A_177, %swap3A_178], %get3A_176 {strides = array<i32>} : memref<900x128xf32, #tpu.memory_space<vmem>>, vector<28x128xf32>,
    %get3A_180 = arith.constant 20 : index
    %get3A_181 = arith.constant 0 : index
    %get3A_182 = arith.constant 0 : index
    %get3A_183 = arith.constant 0 : index
    %get3A_184 = vector.load %arg1[%get3A_180, %get3A_181, %get3A_182, %get3A_183] : memref<28x28x1x128xf32, #tpu.memory_space<vmem>>, vector<1x28x1x128xf32>
    %get3A_185 = vector.shape_cast %get3A_184 : vector<1x28x1x128xf32> to vector<28x128xf32>
    %swap3A_186 = arith.constant 600 : index
    %swap3A_187 = arith.constant 0 : index
    %swap3A_188 = vector.load %arg11[%swap3A_186, %swap3A_187] : memref<900x128xf32, #tpu.memory_space<vmem>>, vector<28x128xf32>
    tpu.vector_store %arg11[%swap3A_186, %swap3A_187], %get3A_185 {strides = array<i32>} : memref<900x128xf32, #tpu.memory_space<vmem>>, vector<28x128xf32>,
    %get3A_189 = arith.constant 21 : index
    %get3A_190 = arith.constant 0 : index
    %get3A_191 = arith.constant 0 : index
    %get3A_192 = arith.constant 0 : index
    %get3A_193 = vector.load %arg1[%get3A_189, %get3A_190, %get3A_191, %get3A_192] : memref<28x28x1x128xf32, #tpu.memory_space<vmem>>, vector<1x28x1x128xf32>
    %get3A_194 = vector.shape_cast %get3A_193 : vector<1x28x1x128xf32> to vector<28x128xf32>
    %swap3A_195 = arith.constant 630 : index
    %swap3A_196 = arith.constant 0 : index
    %swap3A_197 = vector.load %arg11[%swap3A_195, %swap3A_196] : memref<900x128xf32, #tpu.memory_space<vmem>>, vector<28x128xf32>
    tpu.vector_store %arg11[%swap3A_195, %swap3A_196], %get3A_194 {strides = array<i32>} : memref<900x128xf32, #tpu.memory_space<vmem>>, vector<28x128xf32>,
    %get3A_198 = arith.constant 22 : index
    %get3A_199 = arith.constant 0 : index
    %get3A_200 = arith.constant 0 : index
    %get3A_201 = arith.constant 0 : index
    %get3A_202 = vector.load %arg1[%get3A_198, %get3A_199, %get3A_200, %get3A_201] : memref<28x28x1x128xf32, #tpu.memory_space<vmem>>, vector<1x28x1x128xf32>
    %get3A_203 = vector.shape_cast %get3A_202 : vector<1x28x1x128xf32> to vector<28x128xf32>
    %swap3A_204 = arith.constant 660 : index
    %swap3A_205 = arith.constant 0 : index
    %swap3A_206 = vector.load %arg11[%swap3A_204, %swap3A_205] : memref<900x128xf32, #tpu.memory_space<vmem>>, vector<28x128xf32>
    tpu.vector_store %arg11[%swap3A_204, %swap3A_205], %get3A_203 {strides = array<i32>} : memref<900x128xf32, #tpu.memory_space<vmem>>, vector<28x128xf32>,
    %get3A_207 = arith.constant 23 : index
    %get3A_208 = arith.constant 0 : index
    %get3A_209 = arith.constant 0 : index
    %get3A_210 = arith.constant 0 : index
    %get3A_211 = vector.load %arg1[%get3A_207, %get3A_208, %get3A_209, %get3A_210] : memref<28x28x1x128xf32, #tpu.memory_space<vmem>>, vector<1x28x1x128xf32>
    %get3A_212 = vector.shape_cast %get3A_211 : vector<1x28x1x128xf32> to vector<28x128xf32>
    %swap3A_213 = arith.constant 690 : index
    %swap3A_214 = arith.constant 0 : index
    %swap3A_215 = vector.load %arg11[%swap3A_213, %swap3A_214] : memref<900x128xf32, #tpu.memory_space<vmem>>, vector<28x128xf32>
    tpu.vector_store %arg11[%swap3A_213, %swap3A_214], %get3A_212 {strides = array<i32>} : memref<900x128xf32, #tpu.memory_space<vmem>>, vector<28x128xf32>,
    %get3A_216 = arith.constant 24 : index
    %get3A_217 = arith.constant 0 : index
    %get3A_218 = arith.constant 0 : index
    %get3A_219 = arith.constant 0 : index
    %get3A_220 = vector.load %arg1[%get3A_216, %get3A_217, %get3A_218, %get3A_219] : memref<28x28x1x128xf32, #tpu.memory_space<vmem>>, vector<1x28x1x128xf32>
    %get3A_221 = vector.shape_cast %get3A_220 : vector<1x28x1x128xf32> to vector<28x128xf32>
    %swap3A_222 = arith.constant 720 : index
    %swap3A_223 = arith.constant 0 : index
    %swap3A_224 = vector.load %arg11[%swap3A_222, %swap3A_223] : memref<900x128xf32, #tpu.memory_space<vmem>>, vector<28x128xf32>
    tpu.vector_store %arg11[%swap3A_222, %swap3A_223], %get3A_221 {strides = array<i32>} : memref<900x128xf32, #tpu.memory_space<vmem>>, vector<28x128xf32>,
    %get3A_225 = arith.constant 25 : index
    %get3A_226 = arith.constant 0 : index
    %get3A_227 = arith.constant 0 : index
    %get3A_228 = arith.constant 0 : index
    %get3A_229 = vector.load %arg1[%get3A_225, %get3A_226, %get3A_227, %get3A_228] : memref<28x28x1x128xf32, #tpu.memory_space<vmem>>, vector<1x28x1x128xf32>
    %get3A_230 = vector.shape_cast %get3A_229 : vector<1x28x1x128xf32> to vector<28x128xf32>
    %swap3A_231 = arith.constant 750 : index
    %swap3A_232 = arith.constant 0 : index
    %swap3A_233 = vector.load %arg11[%swap3A_231, %swap3A_232] : memref<900x128xf32, #tpu.memory_space<vmem>>, vector<28x128xf32>
    tpu.vector_store %arg11[%swap3A_231, %swap3A_232], %get3A_230 {strides = array<i32>} : memref<900x128xf32, #tpu.memory_space<vmem>>, vector<28x128xf32>,
    %get3A_234 = arith.constant 26 : index
    %get3A_235 = arith.constant 0 : index
    %get3A_236 = arith.constant 0 : index
    %get3A_237 = arith.constant 0 : index
    %get3A_238 = vector.load %arg1[%get3A_234, %get3A_235, %get3A_236, %get3A_237] : memref<28x28x1x128xf32, #tpu.memory_space<vmem>>, vector<1x28x1x128xf32>
    %get3A_239 = vector.shape_cast %get3A_238 : vector<1x28x1x128xf32> to vector<28x128xf32>
    %swap3A_240 = arith.constant 780 : index
    %swap3A_241 = arith.constant 0 : index
    %swap3A_242 = vector.load %arg11[%swap3A_240, %swap3A_241] : memref<900x128xf32, #tpu.memory_space<vmem>>, vector<28x128xf32>
    tpu.vector_store %arg11[%swap3A_240, %swap3A_241], %get3A_239 {strides = array<i32>} : memref<900x128xf32, #tpu.memory_space<vmem>>, vector<28x128xf32>,
    %get3A_243 = arith.constant 27 : index
    %get3A_244 = arith.constant 0 : index
    %get3A_245 = arith.constant 0 : index
    %get3A_246 = arith.constant 0 : index
    %get3A_247 = vector.load %arg1[%get3A_243, %get3A_244, %get3A_245, %get3A_246] : memref<28x28x1x128xf32, #tpu.memory_space<vmem>>, vector<1x28x1x128xf32>
    %get3A_248 = vector.shape_cast %get3A_247 : vector<1x28x1x128xf32> to vector<28x128xf32>
    %swap3A_249 = arith.constant 810 : index
    %swap3A_250 = arith.constant 0 : index
    %swap3A_251 = vector.load %arg11[%swap3A_249, %swap3A_250] : memref<900x128xf32, #tpu.memory_space<vmem>>, vector<28x128xf32>
    tpu.vector_store %arg11[%swap3A_249, %swap3A_250], %get3A_248 {strides = array<i32>} : memref<900x128xf32, #tpu.memory_space<vmem>>, vector<28x128xf32>,
    %get3A_252 = arith.constant 0 : index
    %get3A_253 = arith.constant 0 : index
    %get3A_254 = vector.load %arg2[%get3A_252, %get3A_253] : memref<448x90xf32, #tpu.memory_space<vmem>>, vector<448x90xf32>
    %get3A_255 = arith.constant 0 : index
    %get3A_256 = arith.constant 0 : index
    %get3A_257 = vector.load %arg3[%get3A_255, %get3A_256] : memref<448x1xf32, #tpu.memory_space<vmem>>, vector<448x1xf32>
    %get3A_258 = arith.constant 0 : index
    %get3A_259 = arith.constant 0 : index
    %get3A_260 = vector.load %arg11[%get3A_258, %get3A_259] : memref<900x128xf32, #tpu.memory_space<vmem>>, vector<90x128xf32>
    %dot_general3A = arith.constant dense<0.000000e+00> : vector<448x128xf32>
    %dot_general3A_261 = tpu.matmul %get3A_254, %get3A_260, %dot_general3A {dimension_numbers = #tpu.dot_dimension_numbers<[1], [0], [0], [1], [0, 0, 1, 1], [], []>, transpose_lhs_hint = false} : vector<448x90xf32>, vector<90x128xf32>, vector<448x128xf32> -> vector<448x128xf32>
    %add3A = vector.broadcast %get3A_257 : vector<448x1xf32> to vector<448x128xf32>
    %add3A_262 = arith.addf %dot_general3A_261, %add3A : vector<448x128xf32>
    %max3A = arith.constant 0.000000e+00 : f32
    %max3A_263 = vector.broadcast %max3A : f32 to vector<448x128xf32>
    %max3A_264 = arith.maximumf %add3A_262, %max3A_263 : vector<448x128xf32>
    %swap3A_265 = arith.constant 0 : index
    %swap3A_266 = arith.constant 0 : index
    %swap3A_267 = vector.load %arg12[%swap3A_265, %swap3A_266] : memref<7200x128xf32, #tpu.memory_space<vmem>>, vector<448x128xf32>
    tpu.vector_store %arg12[%swap3A_265, %swap3A_266], %max3A_264 {strides = array<i32>} : memref<7200x128xf32, #tpu.memory_space<vmem>>, vector<448x128xf32>,
    %get3A_268 = arith.constant 60 : index
    %get3A_269 = arith.constant 0 : index
    %get3A_270 = vector.load %arg11[%get3A_268, %get3A_269] : memref<900x128xf32, #tpu.memory_space<vmem>>, vector<90x128xf32>
    %dot_general3A_271 = arith.constant dense<0.000000e+00> : vector<448x128xf32>
    %dot_general3A_272 = tpu.matmul %get3A_254, %get3A_270, %dot_general3A_271 {dimension_numbers = #tpu.dot_dimension_numbers<[1], [0], [0], [1], [0, 0, 1, 1], [], []>, transpose_lhs_hint = false} : vector<448x90xf32>, vector<90x128xf32>, vector<448x128xf32> -> vector<448x128xf32>
    %add3A_273 = vector.broadcast %get3A_257 : vector<448x1xf32> to vector<448x128xf32>
    %add3A_274 = arith.addf %dot_general3A_272, %add3A_273 : vector<448x128xf32>
    %max3A_275 = arith.constant 0.000000e+00 : f32
    %max3A_276 = vector.broadcast %max3A_275 : f32 to vector<448x128xf32>
    %max3A_277 = arith.maximumf %add3A_274, %max3A_276 : vector<448x128xf32>
    %swap3A_278 = arith.constant 480 : index
    %swap3A_279 = arith.constant 0 : index
    %swap3A_280 = vector.load %arg12[%swap3A_278, %swap3A_279] : memref<7200x128xf32, #tpu.memory_space<vmem>>, vector<448x128xf32>
    tpu.vector_store %arg12[%swap3A_278, %swap3A_279], %max3A_277 {strides = array<i32>} : memref<7200x128xf32, #tpu.memory_space<vmem>>, vector<448x128xf32>,
    %get3A_281 = arith.constant 120 : index
    %get3A_282 = arith.constant 0 : index
    %get3A_283 = vector.load %arg11[%get3A_281, %get3A_282] : memref<900x128xf32, #tpu.memory_space<vmem>>, vector<90x128xf32>
    %dot_general3A_284 = arith.constant dense<0.000000e+00> : vector<448x128xf32>
    %dot_general3A_285 = tpu.matmul %get3A_254, %get3A_283, %dot_general3A_284 {dimension_numbers = #tpu.dot_dimension_numbers<[1], [0], [0], [1], [0, 0, 1, 1], [], []>, transpose_lhs_hint = false} : vector<448x90xf32>, vector<90x128xf32>, vector<448x128xf32> -> vector<448x128xf32>
    %add3A_286 = vector.broadcast %get3A_257 : vector<448x1xf32> to vector<448x128xf32>
    %add3A_287 = arith.addf %dot_general3A_285, %add3A_286 : vector<448x128xf32>
    %max3A_288 = arith.constant 0.000000e+00 : f32
    %max3A_289 = vector.broadcast %max3A_288 : f32 to vector<448x128xf32>
    %max3A_290 = arith.maximumf %add3A_287, %max3A_289 : vector<448x128xf32>
    %swap3A_291 = arith.constant 960 : index
    %swap3A_292 = arith.constant 0 : index
    %swap3A_293 = vector.load %arg12[%swap3A_291, %swap3A_292] : memref<7200x128xf32, #tpu.memory_space<vmem>>, vector<448x128xf32>
    tpu.vector_store %arg12[%swap3A_291, %swap3A_292], %max3A_290 {strides = array<i32>} : memref<7200x128xf32, #tpu.memory_space<vmem>>, vector<448x128xf32>,
    %get3A_294 = arith.constant 180 : index
    %get3A_295 = arith.constant 0 : index
    %get3A_296 = vector.load %arg11[%get3A_294, %get3A_295] : memref<900x128xf32, #tpu.memory_space<vmem>>, vector<90x128xf32>
    %dot_general3A_297 = arith.constant dense<0.000000e+00> : vector<448x128xf32>
    %dot_general3A_298 = tpu.matmul %get3A_254, %get3A_296, %dot_general3A_297 {dimension_numbers = #tpu.dot_dimension_numbers<[1], [0], [0], [1], [0, 0, 1, 1], [], []>, transpose_lhs_hint = false} : vector<448x90xf32>, vector<90x128xf32>, vector<448x128xf32> -> vector<448x128xf32>
    %add3A_299 = vector.broadcast %get3A_257 : vector<448x1xf32> to vector<448x128xf32>
    %add3A_300 = arith.addf %dot_general3A_298, %add3A_299 : vector<448x128xf32>
    %max3A_301 = arith.constant 0.000000e+00 : f32
    %max3A_302 = vector.broadcast %max3A_301 : f32 to vector<448x128xf32>
    %max3A_303 = arith.maximumf %add3A_300, %max3A_302 : vector<448x128xf32>
    %swap3A_304 = arith.constant 1440 : index
    %swap3A_305 = arith.constant 0 : index
    %swap3A_306 = vector.load %arg12[%swap3A_304, %swap3A_305] : memref<7200x128xf32, #tpu.memory_space<vmem>>, vector<448x128xf32>
    tpu.vector_store %arg12[%swap3A_304, %swap3A_305], %max3A_303 {strides = array<i32>} : memref<7200x128xf32, #tpu.memory_space<vmem>>, vector<448x128xf32>,
    %get3A_307 = arith.constant 240 : index
    %get3A_308 = arith.constant 0 : index
    %get3A_309 = vector.load %arg11[%get3A_307, %get3A_308] : memref<900x128xf32, #tpu.memory_space<vmem>>, vector<90x128xf32>
    %dot_general3A_310 = arith.constant dense<0.000000e+00> : vector<448x128xf32>
    %dot_general3A_311 = tpu.matmul %get3A_254, %get3A_309, %dot_general3A_310 {dimension_numbers = #tpu.dot_dimension_numbers<[1], [0], [0], [1], [0, 0, 1, 1], [], []>, transpose_lhs_hint = false} : vector<448x90xf32>, vector<90x128xf32>, vector<448x128xf32> -> vector<448x128xf32>
    %add3A_312 = vector.broadcast %get3A_257 : vector<448x1xf32> to vector<448x128xf32>
    %add3A_313 = arith.addf %dot_general3A_311, %add3A_312 : vector<448x128xf32>
    %max3A_314 = arith.constant 0.000000e+00 : f32
    %max3A_315 = vector.broadcast %max3A_314 : f32 to vector<448x128xf32>
    %max3A_316 = arith.maximumf %add3A_313, %max3A_315 : vector<448x128xf32>
    %swap3A_317 = arith.constant 1920 : index
    %swap3A_318 = arith.constant 0 : index
    %swap3A_319 = vector.load %arg12[%swap3A_317, %swap3A_318] : memref<7200x128xf32, #tpu.memory_space<vmem>>, vector<448x128xf32>
    tpu.vector_store %arg12[%swap3A_317, %swap3A_318], %max3A_316 {strides = array<i32>} : memref<7200x128xf32, #tpu.memory_space<vmem>>, vector<448x128xf32>,
    %get3A_320 = arith.constant 300 : index
    %get3A_321 = arith.constant 0 : index
    %get3A_322 = vector.load %arg11[%get3A_320, %get3A_321] : memref<900x128xf32, #tpu.memory_space<vmem>>, vector<90x128xf32>
    %dot_general3A_323 = arith.constant dense<0.000000e+00> : vector<448x128xf32>
    %dot_general3A_324 = tpu.matmul %get3A_254, %get3A_322, %dot_general3A_323 {dimension_numbers = #tpu.dot_dimension_numbers<[1], [0], [0], [1], [0, 0, 1, 1], [], []>, transpose_lhs_hint = false} : vector<448x90xf32>, vector<90x128xf32>, vector<448x128xf32> -> vector<448x128xf32>
    %add3A_325 = vector.broadcast %get3A_257 : vector<448x1xf32> to vector<448x128xf32>
    %add3A_326 = arith.addf %dot_general3A_324, %add3A_325 : vector<448x128xf32>
    %max3A_327 = arith.constant 0.000000e+00 : f32
    %max3A_328 = vector.broadcast %max3A_327 : f32 to vector<448x128xf32>
    %max3A_329 = arith.maximumf %add3A_326, %max3A_328 : vector<448x128xf32>
    %swap3A_330 = arith.constant 2400 : index
    %swap3A_331 = arith.constant 0 : index
    %swap3A_332 = vector.load %arg12[%swap3A_330, %swap3A_331] : memref<7200x128xf32, #tpu.memory_space<vmem>>, vector<448x128xf32>
    tpu.vector_store %arg12[%swap3A_330, %swap3A_331], %max3A_329 {strides = array<i32>} : memref<7200x128xf32, #tpu.memory_space<vmem>>, vector<448x128xf32>,
    %get3A_333 = arith.constant 360 : index
    %get3A_334 = arith.constant 0 : index
    %get3A_335 = vector.load %arg11[%get3A_333, %get3A_334] : memref<900x128xf32, #tpu.memory_space<vmem>>, vector<90x128xf32>
    %dot_general3A_336 = arith.constant dense<0.000000e+00> : vector<448x128xf32>
    %dot_general3A_337 = tpu.matmul %get3A_254, %get3A_335, %dot_general3A_336 {dimension_numbers = #tpu.dot_dimension_numbers<[1], [0], [0], [1], [0, 0, 1, 1], [], []>, transpose_lhs_hint = false} : vector<448x90xf32>, vector<90x128xf32>, vector<448x128xf32> -> vector<448x128xf32>
    %add3A_338 = vector.broadcast %get3A_257 : vector<448x1xf32> to vector<448x128xf32>
    %add3A_339 = arith.addf %dot_general3A_337, %add3A_338 : vector<448x128xf32>
    %max3A_340 = arith.constant 0.000000e+00 : f32
    %max3A_341 = vector.broadcast %max3A_340 : f32 to vector<448x128xf32>
    %max3A_342 = arith.maximumf %add3A_339, %max3A_341 : vector<448x128xf32>
    %swap3A_343 = arith.constant 2880 : index
    %swap3A_344 = arith.constant 0 : index
    %swap3A_345 = vector.load %arg12[%swap3A_343, %swap3A_344] : memref<7200x128xf32, #tpu.memory_space<vmem>>, vector<448x128xf32>
    tpu.vector_store %arg12[%swap3A_343, %swap3A_344], %max3A_342 {strides = array<i32>} : memref<7200x128xf32, #tpu.memory_space<vmem>>, vector<448x128xf32>,
    %get3A_346 = arith.constant 420 : index
    %get3A_347 = arith.constant 0 : index
    %get3A_348 = vector.load %arg11[%get3A_346, %get3A_347] : memref<900x128xf32, #tpu.memory_space<vmem>>, vector<90x128xf32>
    %dot_general3A_349 = arith.constant dense<0.000000e+00> : vector<448x128xf32>
    %dot_general3A_350 = tpu.matmul %get3A_254, %get3A_348, %dot_general3A_349 {dimension_numbers = #tpu.dot_dimension_numbers<[1], [0], [0], [1], [0, 0, 1, 1], [], []>, transpose_lhs_hint = false} : vector<448x90xf32>, vector<90x128xf32>, vector<448x128xf32> -> vector<448x128xf32>
    %add3A_351 = vector.broadcast %get3A_257 : vector<448x1xf32> to vector<448x128xf32>
    %add3A_352 = arith.addf %dot_general3A_350, %add3A_351 : vector<448x128xf32>
    %max3A_353 = arith.constant 0.000000e+00 : f32
    %max3A_354 = vector.broadcast %max3A_353 : f32 to vector<448x128xf32>
    %max3A_355 = arith.maximumf %add3A_352, %max3A_354 : vector<448x128xf32>
    %swap3A_356 = arith.constant 3360 : index
    %swap3A_357 = arith.constant 0 : index
    %swap3A_358 = vector.load %arg12[%swap3A_356, %swap3A_357] : memref<7200x128xf32, #tpu.memory_space<vmem>>, vector<448x128xf32>
    tpu.vector_store %arg12[%swap3A_356, %swap3A_357], %max3A_355 {strides = array<i32>} : memref<7200x128xf32, #tpu.memory_space<vmem>>, vector<448x128xf32>,
    %get3A_359 = arith.constant 480 : index
    %get3A_360 = arith.constant 0 : index
    %get3A_361 = vector.load %arg11[%get3A_359, %get3A_360] : memref<900x128xf32, #tpu.memory_space<vmem>>, vector<90x128xf32>
    %dot_general3A_362 = arith.constant dense<0.000000e+00> : vector<448x128xf32>
    %dot_general3A_363 = tpu.matmul %get3A_254, %get3A_361, %dot_general3A_362 {dimension_numbers = #tpu.dot_dimension_numbers<[1], [0], [0], [1], [0, 0, 1, 1], [], []>, transpose_lhs_hint = false} : vector<448x90xf32>, vector<90x128xf32>, vector<448x128xf32> -> vector<448x128xf32>
    %add3A_364 = vector.broadcast %get3A_257 : vector<448x1xf32> to vector<448x128xf32>
    %add3A_365 = arith.addf %dot_general3A_363, %add3A_364 : vector<448x128xf32>
    %max3A_366 = arith.constant 0.000000e+00 : f32
    %max3A_367 = vector.broadcast %max3A_366 : f32 to vector<448x128xf32>
    %max3A_368 = arith.maximumf %add3A_365, %max3A_367 : vector<448x128xf32>
    %swap3A_369 = arith.constant 3840 : index
    %swap3A_370 = arith.constant 0 : index
    %swap3A_371 = vector.load %arg12[%swap3A_369, %swap3A_370] : memref<7200x128xf32, #tpu.memory_space<vmem>>, vector<448x128xf32>
    tpu.vector_store %arg12[%swap3A_369, %swap3A_370], %max3A_368 {strides = array<i32>} : memref<7200x128xf32, #tpu.memory_space<vmem>>, vector<448x128xf32>,
    %get3A_372 = arith.constant 540 : index
    %get3A_373 = arith.constant 0 : index
    %get3A_374 = vector.load %arg11[%get3A_372, %get3A_373] : memref<900x128xf32, #tpu.memory_space<vmem>>, vector<90x128xf32>
    %dot_general3A_375 = arith.constant dense<0.000000e+00> : vector<448x128xf32>
    %dot_general3A_376 = tpu.matmul %get3A_254, %get3A_374, %dot_general3A_375 {dimension_numbers = #tpu.dot_dimension_numbers<[1], [0], [0], [1], [0, 0, 1, 1], [], []>, transpose_lhs_hint = false} : vector<448x90xf32>, vector<90x128xf32>, vector<448x128xf32> -> vector<448x128xf32>
    %add3A_377 = vector.broadcast %get3A_257 : vector<448x1xf32> to vector<448x128xf32>
    %add3A_378 = arith.addf %dot_general3A_376, %add3A_377 : vector<448x128xf32>
    %max3A_379 = arith.constant 0.000000e+00 : f32
    %max3A_380 = vector.broadcast %max3A_379 : f32 to vector<448x128xf32>
    %max3A_381 = arith.maximumf %add3A_378, %max3A_380 : vector<448x128xf32>
    %swap3A_382 = arith.constant 4320 : index
    %swap3A_383 = arith.constant 0 : index
    %swap3A_384 = vector.load %arg12[%swap3A_382, %swap3A_383] : memref<7200x128xf32, #tpu.memory_space<vmem>>, vector<448x128xf32>
    tpu.vector_store %arg12[%swap3A_382, %swap3A_383], %max3A_381 {strides = array<i32>} : memref<7200x128xf32, #tpu.memory_space<vmem>>, vector<448x128xf32>,
    %get3A_385 = arith.constant 600 : index
    %get3A_386 = arith.constant 0 : index
    %get3A_387 = vector.load %arg11[%get3A_385, %get3A_386] : memref<900x128xf32, #tpu.memory_space<vmem>>, vector<90x128xf32>
    %dot_general3A_388 = arith.constant dense<0.000000e+00> : vector<448x128xf32>
    %dot_general3A_389 = tpu.matmul %get3A_254, %get3A_387, %dot_general3A_388 {dimension_numbers = #tpu.dot_dimension_numbers<[1], [0], [0], [1], [0, 0, 1, 1], [], []>, transpose_lhs_hint = false} : vector<448x90xf32>, vector<90x128xf32>, vector<448x128xf32> -> vector<448x128xf32>
    %add3A_390 = vector.broadcast %get3A_257 : vector<448x1xf32> to vector<448x128xf32>
    %add3A_391 = arith.addf %dot_general3A_389, %add3A_390 : vector<448x128xf32>
    %max3A_392 = arith.constant 0.000000e+00 : f32
    %max3A_393 = vector.broadcast %max3A_392 : f32 to vector<448x128xf32>
    %max3A_394 = arith.maximumf %add3A_391, %max3A_393 : vector<448x128xf32>
    %swap3A_395 = arith.constant 4800 : index
    %swap3A_396 = arith.constant 0 : index
    %swap3A_397 = vector.load %arg12[%swap3A_395, %swap3A_396] : memref<7200x128xf32, #tpu.memory_space<vmem>>, vector<448x128xf32>
    tpu.vector_store %arg12[%swap3A_395, %swap3A_396], %max3A_394 {strides = array<i32>} : memref<7200x128xf32, #tpu.memory_space<vmem>>, vector<448x128xf32>,
    %get3A_398 = arith.constant 660 : index
    %get3A_399 = arith.constant 0 : index
    %get3A_400 = vector.load %arg11[%get3A_398, %get3A_399] : memref<900x128xf32, #tpu.memory_space<vmem>>, vector<90x128xf32>
    %dot_general3A_401 = arith.constant dense<0.000000e+00> : vector<448x128xf32>
    %dot_general3A_402 = tpu.matmul %get3A_254, %get3A_400, %dot_general3A_401 {dimension_numbers = #tpu.dot_dimension_numbers<[1], [0], [0], [1], [0, 0, 1, 1], [], []>, transpose_lhs_hint = false} : vector<448x90xf32>, vector<90x128xf32>, vector<448x128xf32> -> vector<448x128xf32>
    %add3A_403 = vector.broadcast %get3A_257 : vector<448x1xf32> to vector<448x128xf32>
    %add3A_404 = arith.addf %dot_general3A_402, %add3A_403 : vector<448x128xf32>
    %max3A_405 = arith.constant 0.000000e+00 : f32
    %max3A_406 = vector.broadcast %max3A_405 : f32 to vector<448x128xf32>
    %max3A_407 = arith.maximumf %add3A_404, %max3A_406 : vector<448x128xf32>
    %swap3A_408 = arith.constant 5280 : index
    %swap3A_409 = arith.constant 0 : index
    %swap3A_410 = vector.load %arg12[%swap3A_408, %swap3A_409] : memref<7200x128xf32, #tpu.memory_space<vmem>>, vector<448x128xf32>
    tpu.vector_store %arg12[%swap3A_408, %swap3A_409], %max3A_407 {strides = array<i32>} : memref<7200x128xf32, #tpu.memory_space<vmem>>, vector<448x128xf32>,
    %get3A_411 = arith.constant 720 : index
    %get3A_412 = arith.constant 0 : index
    %get3A_413 = vector.load %arg11[%get3A_411, %get3A_412] : memref<900x128xf32, #tpu.memory_space<vmem>>, vector<90x128xf32>
    %dot_general3A_414 = arith.constant dense<0.000000e+00> : vector<448x128xf32>
    %dot_general3A_415 = tpu.matmul %get3A_254, %get3A_413, %dot_general3A_414 {dimension_numbers = #tpu.dot_dimension_numbers<[1], [0], [0], [1], [0, 0, 1, 1], [], []>, transpose_lhs_hint = false} : vector<448x90xf32>, vector<90x128xf32>, vector<448x128xf32> -> vector<448x128xf32>
    %add3A_416 = vector.broadcast %get3A_257 : vector<448x1xf32> to vector<448x128xf32>
    %add3A_417 = arith.addf %dot_general3A_415, %add3A_416 : vector<448x128xf32>
    %max3A_418 = arith.constant 0.000000e+00 : f32
    %max3A_419 = vector.broadcast %max3A_418 : f32 to vector<448x128xf32>
    %max3A_420 = arith.maximumf %add3A_417, %max3A_419 : vector<448x128xf32>
    %swap3A_421 = arith.constant 5760 : index
    %swap3A_422 = arith.constant 0 : index
    %swap3A_423 = vector.load %arg12[%swap3A_421, %swap3A_422] : memref<7200x128xf32, #tpu.memory_space<vmem>>, vector<448x128xf32>
    tpu.vector_store %arg12[%swap3A_421, %swap3A_422], %max3A_420 {strides = array<i32>} : memref<7200x128xf32, #tpu.memory_space<vmem>>, vector<448x128xf32>,
    %get3A_424 = arith.constant 780 : index
    %get3A_425 = arith.constant 0 : index
    %get3A_426 = vector.load %arg11[%get3A_424, %get3A_425] : memref<900x128xf32, #tpu.memory_space<vmem>>, vector<90x128xf32>
    %dot_general3A_427 = arith.constant dense<0.000000e+00> : vector<448x128xf32>
    %dot_general3A_428 = tpu.matmul %get3A_254, %get3A_426, %dot_general3A_427 {dimension_numbers = #tpu.dot_dimension_numbers<[1], [0], [0], [1], [0, 0, 1, 1], [], []>, transpose_lhs_hint = false} : vector<448x90xf32>, vector<90x128xf32>, vector<448x128xf32> -> vector<448x128xf32>
    %add3A_429 = vector.broadcast %get3A_257 : vector<448x1xf32> to vector<448x128xf32>
    %add3A_430 = arith.addf %dot_general3A_428, %add3A_429 : vector<448x128xf32>
    %max3A_431 = arith.constant 0.000000e+00 : f32
    %max3A_432 = vector.broadcast %max3A_431 : f32 to vector<448x128xf32>
    %max3A_433 = arith.maximumf %add3A_430, %max3A_432 : vector<448x128xf32>
    %swap3A_434 = arith.constant 6240 : index
    %swap3A_435 = arith.constant 0 : index
    %swap3A_436 = vector.load %arg12[%swap3A_434, %swap3A_435] : memref<7200x128xf32, #tpu.memory_space<vmem>>, vector<448x128xf32>
    tpu.vector_store %arg12[%swap3A_434, %swap3A_435], %max3A_433 {strides = array<i32>} : memref<7200x128xf32, #tpu.memory_space<vmem>>, vector<448x128xf32>,
    %get3A_437 = arith.constant 0 : index
    %get3A_438 = arith.constant 0 : index
    %get3A_439 = vector.load %arg12[%get3A_437, %get3A_438] : memref<7200x128xf32, #tpu.memory_space<vmem>>, vector<96x128xf32>
    %swap3A_440 = arith.constant 0 : index
    %swap3A_441 = arith.constant 0 : index
    %swap3A_442 = vector.load %arg13[%swap3A_440, %swap3A_441] : memref<288x6272xf32, #tpu.memory_space<vmem>>, vector<96x128xf32>
    tpu.vector_store %arg13[%swap3A_440, %swap3A_441], %get3A_439 {strides = array<i32>} : memref<288x6272xf32, #tpu.memory_space<vmem>>, vector<96x128xf32>,
    %get3A_443 = arith.constant 480 : index
    %get3A_444 = arith.constant 0 : index
    %get3A_445 = vector.load %arg12[%get3A_443, %get3A_444] : memref<7200x128xf32, #tpu.memory_space<vmem>>, vector<96x128xf32>
    %swap3A_446 = arith.constant 96 : index
    %swap3A_447 = arith.constant 0 : index
    %swap3A_448 = vector.load %arg13[%swap3A_446, %swap3A_447] : memref<288x6272xf32, #tpu.memory_space<vmem>>, vector<96x128xf32>
    tpu.vector_store %arg13[%swap3A_446, %swap3A_447], %get3A_445 {strides = array<i32>} : memref<288x6272xf32, #tpu.memory_space<vmem>>, vector<96x128xf32>,
    %get3A_449 = arith.constant 960 : index
    %get3A_450 = arith.constant 0 : index
    %get3A_451 = vector.load %arg12[%get3A_449, %get3A_450] : memref<7200x128xf32, #tpu.memory_space<vmem>>, vector<96x128xf32>
    %swap3A_452 = arith.constant 192 : index
    %swap3A_453 = arith.constant 0 : index
    %swap3A_454 = vector.load %arg13[%swap3A_452, %swap3A_453] : memref<288x6272xf32, #tpu.memory_space<vmem>>, vector<96x128xf32>
    tpu.vector_store %arg13[%swap3A_452, %swap3A_453], %get3A_451 {strides = array<i32>} : memref<288x6272xf32, #tpu.memory_space<vmem>>, vector<96x128xf32>,
    %get3A_455 = arith.constant 64 : index
    %get3A_456 = arith.constant 0 : index
    %get3A_457 = vector.load %arg12[%get3A_455, %get3A_456] : memref<7200x128xf32, #tpu.memory_space<vmem>>, vector<96x128xf32>
    %swap3A_458 = arith.constant 0 : index
    %swap3A_459 = arith.constant 128 : index
    %swap3A_460 = vector.load %arg13[%swap3A_458, %swap3A_459] : memref<288x6272xf32, #tpu.memory_space<vmem>>, vector<96x128xf32>
    tpu.vector_store %arg13[%swap3A_458, %swap3A_459], %get3A_457 {strides = array<i32>} : memref<288x6272xf32, #tpu.memory_space<vmem>>, vector<96x128xf32>,
    %get3A_461 = arith.constant 544 : index
    %get3A_462 = arith.constant 0 : index
    %get3A_463 = vector.load %arg12[%get3A_461, %get3A_462] : memref<7200x128xf32, #tpu.memory_space<vmem>>, vector<96x128xf32>
    %swap3A_464 = arith.constant 96 : index
    %swap3A_465 = arith.constant 128 : index
    %swap3A_466 = vector.load %arg13[%swap3A_464, %swap3A_465] : memref<288x6272xf32, #tpu.memory_space<vmem>>, vector<96x128xf32>
    tpu.vector_store %arg13[%swap3A_464, %swap3A_465], %get3A_463 {strides = array<i32>} : memref<288x6272xf32, #tpu.memory_space<vmem>>, vector<96x128xf32>,
    %get3A_467 = arith.constant 1024 : index
    %get3A_468 = arith.constant 0 : index
    %get3A_469 = vector.load %arg12[%get3A_467, %get3A_468] : memref<7200x128xf32, #tpu.memory_space<vmem>>, vector<96x128xf32>
    %swap3A_470 = arith.constant 192 : index
    %swap3A_471 = arith.constant 128 : index
    %swap3A_472 = vector.load %arg13[%swap3A_470, %swap3A_471] : memref<288x6272xf32, #tpu.memory_space<vmem>>, vector<96x128xf32>
    tpu.vector_store %arg13[%swap3A_470, %swap3A_471], %get3A_469 {strides = array<i32>} : memref<288x6272xf32, #tpu.memory_space<vmem>>, vector<96x128xf32>,
    %get3A_473 = arith.constant 128 : index
    %get3A_474 = arith.constant 0 : index
    %get3A_475 = vector.load %arg12[%get3A_473, %get3A_474] : memref<7200x128xf32, #tpu.memory_space<vmem>>, vector<96x128xf32>
    %swap3A_476 = arith.constant 0 : index
    %swap3A_477 = arith.constant 256 : index
    %swap3A_478 = vector.load %arg13[%swap3A_476, %swap3A_477] : memref<288x6272xf32, #tpu.memory_space<vmem>>, vector<96x128xf32>
    tpu.vector_store %arg13[%swap3A_476, %swap3A_477], %get3A_475 {strides = array<i32>} : memref<288x6272xf32, #tpu.memory_space<vmem>>, vector<96x128xf32>,
    %get3A_479 = arith.constant 608 : index
    %get3A_480 = arith.constant 0 : index
    %get3A_481 = vector.load %arg12[%get3A_479, %get3A_480] : memref<7200x128xf32, #tpu.memory_space<vmem>>, vector<96x128xf32>
    %swap3A_482 = arith.constant 96 : index
    %swap3A_483 = arith.constant 256 : index
    %swap3A_484 = vector.load %arg13[%swap3A_482, %swap3A_483] : memref<288x6272xf32, #tpu.memory_space<vmem>>, vector<96x128xf32>
    tpu.vector_store %arg13[%swap3A_482, %swap3A_483], %get3A_481 {strides = array<i32>} : memref<288x6272xf32, #tpu.memory_space<vmem>>, vector<96x128xf32>,
    %get3A_485 = arith.constant 1088 : index
    %get3A_486 = arith.constant 0 : index
    %get3A_487 = vector.load %arg12[%get3A_485, %get3A_486] : memref<7200x128xf32, #tpu.memory_space<vmem>>, vector<96x128xf32>
    %swap3A_488 = arith.constant 192 : index
    %swap3A_489 = arith.constant 256 : index
    %swap3A_490 = vector.load %arg13[%swap3A_488, %swap3A_489] : memref<288x6272xf32, #tpu.memory_space<vmem>>, vector<96x128xf32>
    tpu.vector_store %arg13[%swap3A_488, %swap3A_489], %get3A_487 {strides = array<i32>} : memref<288x6272xf32, #tpu.memory_space<vmem>>, vector<96x128xf32>,
    %get3A_491 = arith.constant 192 : index
    %get3A_492 = arith.constant 0 : index
    %get3A_493 = vector.load %arg12[%get3A_491, %get3A_492] : memref<7200x128xf32, #tpu.memory_space<vmem>>, vector<96x128xf32>
    %swap3A_494 = arith.constant 0 : index
    %swap3A_495 = arith.constant 384 : index
    %swap3A_496 = vector.load %arg13[%swap3A_494, %swap3A_495] : memref<288x6272xf32, #tpu.memory_space<vmem>>, vector<96x128xf32>
    tpu.vector_store %arg13[%swap3A_494, %swap3A_495], %get3A_493 {strides = array<i32>} : memref<288x6272xf32, #tpu.memory_space<vmem>>, vector<96x128xf32>,
    %get3A_497 = arith.constant 672 : index
    %get3A_498 = arith.constant 0 : index
    %get3A_499 = vector.load %arg12[%get3A_497, %get3A_498] : memref<7200x128xf32, #tpu.memory_space<vmem>>, vector<96x128xf32>
    %swap3A_500 = arith.constant 96 : index
    %swap3A_501 = arith.constant 384 : index
    %swap3A_502 = vector.load %arg13[%swap3A_500, %swap3A_501] : memref<288x6272xf32, #tpu.memory_space<vmem>>, vector<96x128xf32>
    tpu.vector_store %arg13[%swap3A_500, %swap3A_501], %get3A_499 {strides = array<i32>} : memref<288x6272xf32, #tpu.memory_space<vmem>>, vector<96x128xf32>,
    %get3A_503 = arith.constant 1152 : index
    %get3A_504 = arith.constant 0 : index
    %get3A_505 = vector.load %arg12[%get3A_503, %get3A_504] : memref<7200x128xf32, #tpu.memory_space<vmem>>, vector<96x128xf32>
    %swap3A_506 = arith.constant 192 : index
    %swap3A_507 = arith.constant 384 : index
    %swap3A_508 = vector.load %arg13[%swap3A_506, %swap3A_507] : memref<288x6272xf32, #tpu.memory_space<vmem>>, vector<96x128xf32>
    tpu.vector_store %arg13[%swap3A_506, %swap3A_507], %get3A_505 {strides = array<i32>} : memref<288x6272xf32, #tpu.memory_space<vmem>>, vector<96x128xf32>,
    %get3A_509 = arith.constant 256 : index
    %get3A_510 = arith.constant 0 : index
    %get3A_511 = vector.load %arg12[%get3A_509, %get3A_510] : memref<7200x128xf32, #tpu.memory_space<vmem>>, vector<96x128xf32>
    %swap3A_512 = arith.constant 0 : index
    %swap3A_513 = arith.constant 512 : index
    %swap3A_514 = vector.load %arg13[%swap3A_512, %swap3A_513] : memref<288x6272xf32, #tpu.memory_space<vmem>>, vector<96x128xf32>
    tpu.vector_store %arg13[%swap3A_512, %swap3A_513], %get3A_511 {strides = array<i32>} : memref<288x6272xf32, #tpu.memory_space<vmem>>, vector<96x128xf32>,
    %get3A_515 = arith.constant 736 : index
    %get3A_516 = arith.constant 0 : index
    %get3A_517 = vector.load %arg12[%get3A_515, %get3A_516] : memref<7200x128xf32, #tpu.memory_space<vmem>>, vector<96x128xf32>
    %swap3A_518 = arith.constant 96 : index
    %swap3A_519 = arith.constant 512 : index
    %swap3A_520 = vector.load %arg13[%swap3A_518, %swap3A_519] : memref<288x6272xf32, #tpu.memory_space<vmem>>, vector<96x128xf32>
    tpu.vector_store %arg13[%swap3A_518, %swap3A_519], %get3A_517 {strides = array<i32>} : memref<288x6272xf32, #tpu.memory_space<vmem>>, vector<96x128xf32>,
    %get3A_521 = arith.constant 1216 : index
    %get3A_522 = arith.constant 0 : index
    %get3A_523 = vector.load %arg12[%get3A_521, %get3A_522] : memref<7200x128xf32, #tpu.memory_space<vmem>>, vector<96x128xf32>
    %swap3A_524 = arith.constant 192 : index
    %swap3A_525 = arith.constant 512 : index
    %swap3A_526 = vector.load %arg13[%swap3A_524, %swap3A_525] : memref<288x6272xf32, #tpu.memory_space<vmem>>, vector<96x128xf32>
    tpu.vector_store %arg13[%swap3A_524, %swap3A_525], %get3A_523 {strides = array<i32>} : memref<288x6272xf32, #tpu.memory_space<vmem>>, vector<96x128xf32>,
    %get3A_527 = arith.constant 320 : index
    %get3A_528 = arith.constant 0 : index
    %get3A_529 = vector.load %arg12[%get3A_527, %get3A_528] : memref<7200x128xf32, #tpu.memory_space<vmem>>, vector<96x128xf32>
    %swap3A_530 = arith.constant 0 : index
    %swap3A_531 = arith.constant 640 : index
    %swap3A_532 = vector.load %arg13[%swap3A_530, %swap3A_531] : memref<288x6272xf32, #tpu.memory_space<vmem>>, vector<96x128xf32>
    tpu.vector_store %arg13[%swap3A_530, %swap3A_531], %get3A_529 {strides = array<i32>} : memref<288x6272xf32, #tpu.memory_space<vmem>>, vector<96x128xf32>,
    %get3A_533 = arith.constant 800 : index
    %get3A_534 = arith.constant 0 : index
    %get3A_535 = vector.load %arg12[%get3A_533, %get3A_534] : memref<7200x128xf32, #tpu.memory_space<vmem>>, vector<96x128xf32>
    %swap3A_536 = arith.constant 96 : index
    %swap3A_537 = arith.constant 640 : index
    %swap3A_538 = vector.load %arg13[%swap3A_536, %swap3A_537] : memref<288x6272xf32, #tpu.memory_space<vmem>>, vector<96x128xf32>
    tpu.vector_store %arg13[%swap3A_536, %swap3A_537], %get3A_535 {strides = array<i32>} : memref<288x6272xf32, #tpu.memory_space<vmem>>, vector<96x128xf32>,
    %get3A_539 = arith.constant 1280 : index
    %get3A_540 = arith.constant 0 : index
    %get3A_541 = vector.load %arg12[%get3A_539, %get3A_540] : memref<7200x128xf32, #tpu.memory_space<vmem>>, vector<96x128xf32>
    %swap3A_542 = arith.constant 192 : index
    %swap3A_543 = arith.constant 640 : index
    %swap3A_544 = vector.load %arg13[%swap3A_542, %swap3A_543] : memref<288x6272xf32, #tpu.memory_space<vmem>>, vector<96x128xf32>
    tpu.vector_store %arg13[%swap3A_542, %swap3A_543], %get3A_541 {strides = array<i32>} : memref<288x6272xf32, #tpu.memory_space<vmem>>, vector<96x128xf32>,
    %get3A_545 = arith.constant 384 : index
    %get3A_546 = arith.constant 0 : index
    %get3A_547 = vector.load %arg12[%get3A_545, %get3A_546] : memref<7200x128xf32, #tpu.memory_space<vmem>>, vector<96x128xf32>
    %swap3A_548 = arith.constant 0 : index
    %swap3A_549 = arith.constant 768 : index
    %swap3A_550 = vector.load %arg13[%swap3A_548, %swap3A_549] : memref<288x6272xf32, #tpu.memory_space<vmem>>, vector<96x128xf32>
    tpu.vector_store %arg13[%swap3A_548, %swap3A_549], %get3A_547 {strides = array<i32>} : memref<288x6272xf32, #tpu.memory_space<vmem>>, vector<96x128xf32>,
    %get3A_551 = arith.constant 864 : index
    %get3A_552 = arith.constant 0 : index
    %get3A_553 = vector.load %arg12[%get3A_551, %get3A_552] : memref<7200x128xf32, #tpu.memory_space<vmem>>, vector<96x128xf32>
    %swap3A_554 = arith.constant 96 : index
    %swap3A_555 = arith.constant 768 : index
    %swap3A_556 = vector.load %arg13[%swap3A_554, %swap3A_555] : memref<288x6272xf32, #tpu.memory_space<vmem>>, vector<96x128xf32>
    tpu.vector_store %arg13[%swap3A_554, %swap3A_555], %get3A_553 {strides = array<i32>} : memref<288x6272xf32, #tpu.memory_space<vmem>>, vector<96x128xf32>,
    %get3A_557 = arith.constant 1344 : index
    %get3A_558 = arith.constant 0 : index
    %get3A_559 = vector.load %arg12[%get3A_557, %get3A_558] : memref<7200x128xf32, #tpu.memory_space<vmem>>, vector<96x128xf32>
    %swap3A_560 = arith.constant 192 : index
    %swap3A_561 = arith.constant 768 : index
    %swap3A_562 = vector.load %arg13[%swap3A_560, %swap3A_561] : memref<288x6272xf32, #tpu.memory_space<vmem>>, vector<96x128xf32>
    tpu.vector_store %arg13[%swap3A_560, %swap3A_561], %get3A_559 {strides = array<i32>} : memref<288x6272xf32, #tpu.memory_space<vmem>>, vector<96x128xf32>,
    %get3A_563 = arith.constant 960 : index
    %get3A_564 = arith.constant 0 : index
    %get3A_565 = vector.load %arg12[%get3A_563, %get3A_564] : memref<7200x128xf32, #tpu.memory_space<vmem>>, vector<96x128xf32>
    %swap3A_566 = arith.constant 0 : index
    %swap3A_567 = arith.constant 896 : index
    %swap3A_568 = vector.load %arg13[%swap3A_566, %swap3A_567] : memref<288x6272xf32, #tpu.memory_space<vmem>>, vector<96x128xf32>
    tpu.vector_store %arg13[%swap3A_566, %swap3A_567], %get3A_565 {strides = array<i32>} : memref<288x6272xf32, #tpu.memory_space<vmem>>, vector<96x128xf32>,
    %get3A_569 = arith.constant 1440 : index
    %get3A_570 = arith.constant 0 : index
    %get3A_571 = vector.load %arg12[%get3A_569, %get3A_570] : memref<7200x128xf32, #tpu.memory_space<vmem>>, vector<96x128xf32>
    %swap3A_572 = arith.constant 96 : index
    %swap3A_573 = arith.constant 896 : index
    %swap3A_574 = vector.load %arg13[%swap3A_572, %swap3A_573] : memref<288x6272xf32, #tpu.memory_space<vmem>>, vector<96x128xf32>
    tpu.vector_store %arg13[%swap3A_572, %swap3A_573], %get3A_571 {strides = array<i32>} : memref<288x6272xf32, #tpu.memory_space<vmem>>, vector<96x128xf32>,
    %get3A_575 = arith.constant 1920 : index
    %get3A_576 = arith.constant 0 : index
    %get3A_577 = vector.load %arg12[%get3A_575, %get3A_576] : memref<7200x128xf32, #tpu.memory_space<vmem>>, vector<96x128xf32>
    %swap3A_578 = arith.constant 192 : index
    %swap3A_579 = arith.constant 896 : index
    %swap3A_580 = vector.load %arg13[%swap3A_578, %swap3A_579] : memref<288x6272xf32, #tpu.memory_space<vmem>>, vector<96x128xf32>
    tpu.vector_store %arg13[%swap3A_578, %swap3A_579], %get3A_577 {strides = array<i32>} : memref<288x6272xf32, #tpu.memory_space<vmem>>, vector<96x128xf32>,
    %get3A_581 = arith.constant 1024 : index
    %get3A_582 = arith.constant 0 : index
    %get3A_583 = vector.load %arg12[%get3A_581, %get3A_582] : memref<7200x128xf32, #tpu.memory_space<vmem>>, vector<96x128xf32>
    %swap3A_584 = arith.constant 0 : index
    %swap3A_585 = arith.constant 1024 : index
    %swap3A_586 = vector.load %arg13[%swap3A_584, %swap3A_585] : memref<288x6272xf32, #tpu.memory_space<vmem>>, vector<96x128xf32>
    tpu.vector_store %arg13[%swap3A_584, %swap3A_585], %get3A_583 {strides = array<i32>} : memref<288x6272xf32, #tpu.memory_space<vmem>>, vector<96x128xf32>,
    %get3A_587 = arith.constant 1504 : index
    %get3A_588 = arith.constant 0 : index
    %get3A_589 = vector.load %arg12[%get3A_587, %get3A_588] : memref<7200x128xf32, #tpu.memory_space<vmem>>, vector<96x128xf32>
    %swap3A_590 = arith.constant 96 : index
    %swap3A_591 = arith.constant 1024 : index
    %swap3A_592 = vector.load %arg13[%swap3A_590, %swap3A_591] : memref<288x6272xf32, #tpu.memory_space<vmem>>, vector<96x128xf32>
    tpu.vector_store %arg13[%swap3A_590, %swap3A_591], %get3A_589 {strides = array<i32>} : memref<288x6272xf32, #tpu.memory_space<vmem>>, vector<96x128xf32>,
    %get3A_593 = arith.constant 1984 : index
    %get3A_594 = arith.constant 0 : index
    %get3A_595 = vector.load %arg12[%get3A_593, %get3A_594] : memref<7200x128xf32, #tpu.memory_space<vmem>>, vector<96x128xf32>
    %swap3A_596 = arith.constant 192 : index
    %swap3A_597 = arith.constant 1024 : index
    %swap3A_598 = vector.load %arg13[%swap3A_596, %swap3A_597] : memref<288x6272xf32, #tpu.memory_space<vmem>>, vector<96x128xf32>
    tpu.vector_store %arg13[%swap3A_596, %swap3A_597], %get3A_595 {strides = array<i32>} : memref<288x6272xf32, #tpu.memory_space<vmem>>, vector<96x128xf32>,
    %get3A_599 = arith.constant 1088 : index
    %get3A_600 = arith.constant 0 : index
    %get3A_601 = vector.load %arg12[%get3A_599, %get3A_600] : memref<7200x128xf32, #tpu.memory_space<vmem>>, vector<96x128xf32>
    %swap3A_602 = arith.constant 0 : index
    %swap3A_603 = arith.constant 1152 : index
    %swap3A_604 = vector.load %arg13[%swap3A_602, %swap3A_603] : memref<288x6272xf32, #tpu.memory_space<vmem>>, vector<96x128xf32>
    tpu.vector_store %arg13[%swap3A_602, %swap3A_603], %get3A_601 {strides = array<i32>} : memref<288x6272xf32, #tpu.memory_space<vmem>>, vector<96x128xf32>,
    %get3A_605 = arith.constant 1568 : index
    %get3A_606 = arith.constant 0 : index
    %get3A_607 = vector.load %arg12[%get3A_605, %get3A_606] : memref<7200x128xf32, #tpu.memory_space<vmem>>, vector<96x128xf32>
    %swap3A_608 = arith.constant 96 : index
    %swap3A_609 = arith.constant 1152 : index
    %swap3A_610 = vector.load %arg13[%swap3A_608, %swap3A_609] : memref<288x6272xf32, #tpu.memory_space<vmem>>, vector<96x128xf32>
    tpu.vector_store %arg13[%swap3A_608, %swap3A_609], %get3A_607 {strides = array<i32>} : memref<288x6272xf32, #tpu.memory_space<vmem>>, vector<96x128xf32>,
    %get3A_611 = arith.constant 2048 : index
    %get3A_612 = arith.constant 0 : index
    %get3A_613 = vector.load %arg12[%get3A_611, %get3A_612] : memref<7200x128xf32, #tpu.memory_space<vmem>>, vector<96x128xf32>
    %swap3A_614 = arith.constant 192 : index
    %swap3A_615 = arith.constant 1152 : index
    %swap3A_616 = vector.load %arg13[%swap3A_614, %swap3A_615] : memref<288x6272xf32, #tpu.memory_space<vmem>>, vector<96x128xf32>
    tpu.vector_store %arg13[%swap3A_614, %swap3A_615], %get3A_613 {strides = array<i32>} : memref<288x6272xf32, #tpu.memory_space<vmem>>, vector<96x128xf32>,
    %get3A_617 = arith.constant 1152 : index
    %get3A_618 = arith.constant 0 : index
    %get3A_619 = vector.load %arg12[%get3A_617, %get3A_618] : memref<7200x128xf32, #tpu.memory_space<vmem>>, vector<96x128xf32>
    %swap3A_620 = arith.constant 0 : index
    %swap3A_621 = arith.constant 1280 : index
    %swap3A_622 = vector.load %arg13[%swap3A_620, %swap3A_621] : memref<288x6272xf32, #tpu.memory_space<vmem>>, vector<96x128xf32>
    tpu.vector_store %arg13[%swap3A_620, %swap3A_621], %get3A_619 {strides = array<i32>} : memref<288x6272xf32, #tpu.memory_space<vmem>>, vector<96x128xf32>,
    %get3A_623 = arith.constant 1632 : index
    %get3A_624 = arith.constant 0 : index
    %get3A_625 = vector.load %arg12[%get3A_623, %get3A_624] : memref<7200x128xf32, #tpu.memory_space<vmem>>, vector<96x128xf32>
    %swap3A_626 = arith.constant 96 : index
    %swap3A_627 = arith.constant 1280 : index
    %swap3A_628 = vector.load %arg13[%swap3A_626, %swap3A_627] : memref<288x6272xf32, #tpu.memory_space<vmem>>, vector<96x128xf32>
    tpu.vector_store %arg13[%swap3A_626, %swap3A_627], %get3A_625 {strides = array<i32>} : memref<288x6272xf32, #tpu.memory_space<vmem>>, vector<96x128xf32>,
    %get3A_629 = arith.constant 2112 : index
    %get3A_630 = arith.constant 0 : index
    %get3A_631 = vector.load %arg12[%get3A_629, %get3A_630] : memref<7200x128xf32, #tpu.memory_space<vmem>>, vector<96x128xf32>
    %swap3A_632 = arith.constant 192 : index
    %swap3A_633 = arith.constant 1280 : index
    %swap3A_634 = vector.load %arg13[%swap3A_632, %swap3A_633] : memref<288x6272xf32, #tpu.memory_space<vmem>>, vector<96x128xf32>
    tpu.vector_store %arg13[%swap3A_632, %swap3A_633], %get3A_631 {strides = array<i32>} : memref<288x6272xf32, #tpu.memory_space<vmem>>, vector<96x128xf32>,
    %get3A_635 = arith.constant 1216 : index
    %get3A_636 = arith.constant 0 : index
    %get3A_637 = vector.load %arg12[%get3A_635, %get3A_636] : memref<7200x128xf32, #tpu.memory_space<vmem>>, vector<96x128xf32>
    %swap3A_638 = arith.constant 0 : index
    %swap3A_639 = arith.constant 1408 : index
    %swap3A_640 = vector.load %arg13[%swap3A_638, %swap3A_639] : memref<288x6272xf32, #tpu.memory_space<vmem>>, vector<96x128xf32>
    tpu.vector_store %arg13[%swap3A_638, %swap3A_639], %get3A_637 {strides = array<i32>} : memref<288x6272xf32, #tpu.memory_space<vmem>>, vector<96x128xf32>,
    %get3A_641 = arith.constant 1696 : index
    %get3A_642 = arith.constant 0 : index
    %get3A_643 = vector.load %arg12[%get3A_641, %get3A_642] : memref<7200x128xf32, #tpu.memory_space<vmem>>, vector<96x128xf32>
    %swap3A_644 = arith.constant 96 : index
    %swap3A_645 = arith.constant 1408 : index
    %swap3A_646 = vector.load %arg13[%swap3A_644, %swap3A_645] : memref<288x6272xf32, #tpu.memory_space<vmem>>, vector<96x128xf32>
    tpu.vector_store %arg13[%swap3A_644, %swap3A_645], %get3A_643 {strides = array<i32>} : memref<288x6272xf32, #tpu.memory_space<vmem>>, vector<96x128xf32>,
    %get3A_647 = arith.constant 2176 : index
    %get3A_648 = arith.constant 0 : index
    %get3A_649 = vector.load %arg12[%get3A_647, %get3A_648] : memref<7200x128xf32, #tpu.memory_space<vmem>>, vector<96x128xf32>
    %swap3A_650 = arith.constant 192 : index
    %swap3A_651 = arith.constant 1408 : index
    %swap3A_652 = vector.load %arg13[%swap3A_650, %swap3A_651] : memref<288x6272xf32, #tpu.memory_space<vmem>>, vector<96x128xf32>
    tpu.vector_store %arg13[%swap3A_650, %swap3A_651], %get3A_649 {strides = array<i32>} : memref<288x6272xf32, #tpu.memory_space<vmem>>, vector<96x128xf32>,
    %get3A_653 = arith.constant 1280 : index
    %get3A_654 = arith.constant 0 : index
    %get3A_655 = vector.load %arg12[%get3A_653, %get3A_654] : memref<7200x128xf32, #tpu.memory_space<vmem>>, vector<96x128xf32>
    %swap3A_656 = arith.constant 0 : index
    %swap3A_657 = arith.constant 1536 : index
    %swap3A_658 = vector.load %arg13[%swap3A_656, %swap3A_657] : memref<288x6272xf32, #tpu.memory_space<vmem>>, vector<96x128xf32>
    tpu.vector_store %arg13[%swap3A_656, %swap3A_657], %get3A_655 {strides = array<i32>} : memref<288x6272xf32, #tpu.memory_space<vmem>>, vector<96x128xf32>,
    %get3A_659 = arith.constant 1760 : index
    %get3A_660 = arith.constant 0 : index
    %get3A_661 = vector.load %arg12[%get3A_659, %get3A_660] : memref<7200x128xf32, #tpu.memory_space<vmem>>, vector<96x128xf32>
    %swap3A_662 = arith.constant 96 : index
    %swap3A_663 = arith.constant 1536 : index
    %swap3A_664 = vector.load %arg13[%swap3A_662, %swap3A_663] : memref<288x6272xf32, #tpu.memory_space<vmem>>, vector<96x128xf32>
    tpu.vector_store %arg13[%swap3A_662, %swap3A_663], %get3A_661 {strides = array<i32>} : memref<288x6272xf32, #tpu.memory_space<vmem>>, vector<96x128xf32>,
    %get3A_665 = arith.constant 2240 : index
    %get3A_666 = arith.constant 0 : index
    %get3A_667 = vector.load %arg12[%get3A_665, %get3A_666] : memref<7200x128xf32, #tpu.memory_space<vmem>>, vector<96x128xf32>
    %swap3A_668 = arith.constant 192 : index
    %swap3A_669 = arith.constant 1536 : index
    %swap3A_670 = vector.load %arg13[%swap3A_668, %swap3A_669] : memref<288x6272xf32, #tpu.memory_space<vmem>>, vector<96x128xf32>
    tpu.vector_store %arg13[%swap3A_668, %swap3A_669], %get3A_667 {strides = array<i32>} : memref<288x6272xf32, #tpu.memory_space<vmem>>, vector<96x128xf32>,
    %get3A_671 = arith.constant 1344 : index
    %get3A_672 = arith.constant 0 : index
    %get3A_673 = vector.load %arg12[%get3A_671, %get3A_672] : memref<7200x128xf32, #tpu.memory_space<vmem>>, vector<96x128xf32>
    %swap3A_674 = arith.constant 0 : index
    %swap3A_675 = arith.constant 1664 : index
    %swap3A_676 = vector.load %arg13[%swap3A_674, %swap3A_675] : memref<288x6272xf32, #tpu.memory_space<vmem>>, vector<96x128xf32>
    tpu.vector_store %arg13[%swap3A_674, %swap3A_675], %get3A_673 {strides = array<i32>} : memref<288x6272xf32, #tpu.memory_space<vmem>>, vector<96x128xf32>,
    %get3A_677 = arith.constant 1824 : index
    %get3A_678 = arith.constant 0 : index
    %get3A_679 = vector.load %arg12[%get3A_677, %get3A_678] : memref<7200x128xf32, #tpu.memory_space<vmem>>, vector<96x128xf32>
    %swap3A_680 = arith.constant 96 : index
    %swap3A_681 = arith.constant 1664 : index
    %swap3A_682 = vector.load %arg13[%swap3A_680, %swap3A_681] : memref<288x6272xf32, #tpu.memory_space<vmem>>, vector<96x128xf32>
    tpu.vector_store %arg13[%swap3A_680, %swap3A_681], %get3A_679 {strides = array<i32>} : memref<288x6272xf32, #tpu.memory_space<vmem>>, vector<96x128xf32>,
    %get3A_683 = arith.constant 2304 : index
    %get3A_684 = arith.constant 0 : index
    %get3A_685 = vector.load %arg12[%get3A_683, %get3A_684] : memref<7200x128xf32, #tpu.memory_space<vmem>>, vector<96x128xf32>
    %swap3A_686 = arith.constant 192 : index
    %swap3A_687 = arith.constant 1664 : index
    %swap3A_688 = vector.load %arg13[%swap3A_686, %swap3A_687] : memref<288x6272xf32, #tpu.memory_space<vmem>>, vector<96x128xf32>
    tpu.vector_store %arg13[%swap3A_686, %swap3A_687], %get3A_685 {strides = array<i32>} : memref<288x6272xf32, #tpu.memory_space<vmem>>, vector<96x128xf32>,
    %get3A_689 = arith.constant 1920 : index
    %get3A_690 = arith.constant 0 : index
    %get3A_691 = vector.load %arg12[%get3A_689, %get3A_690] : memref<7200x128xf32, #tpu.memory_space<vmem>>, vector<96x128xf32>
    %swap3A_692 = arith.constant 0 : index
    %swap3A_693 = arith.constant 1792 : index
    %swap3A_694 = vector.load %arg13[%swap3A_692, %swap3A_693] : memref<288x6272xf32, #tpu.memory_space<vmem>>, vector<96x128xf32>
    tpu.vector_store %arg13[%swap3A_692, %swap3A_693], %get3A_691 {strides = array<i32>} : memref<288x6272xf32, #tpu.memory_space<vmem>>, vector<96x128xf32>,
    %get3A_695 = arith.constant 2400 : index
    %get3A_696 = arith.constant 0 : index
    %get3A_697 = vector.load %arg12[%get3A_695, %get3A_696] : memref<7200x128xf32, #tpu.memory_space<vmem>>, vector<96x128xf32>
    %swap3A_698 = arith.constant 96 : index
    %swap3A_699 = arith.constant 1792 : index
    %swap3A_700 = vector.load %arg13[%swap3A_698, %swap3A_699] : memref<288x6272xf32, #tpu.memory_space<vmem>>, vector<96x128xf32>
    tpu.vector_store %arg13[%swap3A_698, %swap3A_699], %get3A_697 {strides = array<i32>} : memref<288x6272xf32, #tpu.memory_space<vmem>>, vector<96x128xf32>,
    %get3A_701 = arith.constant 2880 : index
    %get3A_702 = arith.constant 0 : index
    %get3A_703 = vector.load %arg12[%get3A_701, %get3A_702] : memref<7200x128xf32, #tpu.memory_space<vmem>>, vector<96x128xf32>
    %swap3A_704 = arith.constant 192 : index
    %swap3A_705 = arith.constant 1792 : index
    %swap3A_706 = vector.load %arg13[%swap3A_704, %swap3A_705] : memref<288x6272xf32, #tpu.memory_space<vmem>>, vector<96x128xf32>
    tpu.vector_store %arg13[%swap3A_704, %swap3A_705], %get3A_703 {strides = array<i32>} : memref<288x6272xf32, #tpu.memory_space<vmem>>, vector<96x128xf32>,
    %get3A_707 = arith.constant 1984 : index
    %get3A_708 = arith.constant 0 : index
    %get3A_709 = vector.load %arg12[%get3A_707, %get3A_708] : memref<7200x128xf32, #tpu.memory_space<vmem>>, vector<96x128xf32>
    %swap3A_710 = arith.constant 0 : index
    %swap3A_711 = arith.constant 1920 : index
    %swap3A_712 = vector.load %arg13[%swap3A_710, %swap3A_711] : memref<288x6272xf32, #tpu.memory_space<vmem>>, vector<96x128xf32>
    tpu.vector_store %arg13[%swap3A_710, %swap3A_711], %get3A_709 {strides = array<i32>} : memref<288x6272xf32, #tpu.memory_space<vmem>>, vector<96x128xf32>,
    %get3A_713 = arith.constant 2464 : index
    %get3A_714 = arith.constant 0 : index
    %get3A_715 = vector.load %arg12[%get3A_713, %get3A_714] : memref<7200x128xf32, #tpu.memory_space<vmem>>, vector<96x128xf32>
    %swap3A_716 = arith.constant 96 : index
    %swap3A_717 = arith.constant 1920 : index
    %swap3A_718 = vector.load %arg13[%swap3A_716, %swap3A_717] : memref<288x6272xf32, #tpu.memory_space<vmem>>, vector<96x128xf32>
    tpu.vector_store %arg13[%swap3A_716, %swap3A_717], %get3A_715 {strides = array<i32>} : memref<288x6272xf32, #tpu.memory_space<vmem>>, vector<96x128xf32>,
    %get3A_719 = arith.constant 2944 : index
    %get3A_720 = arith.constant 0 : index
    %get3A_721 = vector.load %arg12[%get3A_719, %get3A_720] : memref<7200x128xf32, #tpu.memory_space<vmem>>, vector<96x128xf32>
    %swap3A_722 = arith.constant 192 : index
    %swap3A_723 = arith.constant 1920 : index
    %swap3A_724 = vector.load %arg13[%swap3A_722, %swap3A_723] : memref<288x6272xf32, #tpu.memory_space<vmem>>, vector<96x128xf32>
    tpu.vector_store %arg13[%swap3A_722, %swap3A_723], %get3A_721 {strides = array<i32>} : memref<288x6272xf32, #tpu.memory_space<vmem>>, vector<96x128xf32>,
    %get3A_725 = arith.constant 2048 : index
    %get3A_726 = arith.constant 0 : index
    %get3A_727 = vector.load %arg12[%get3A_725, %get3A_726] : memref<7200x128xf32, #tpu.memory_space<vmem>>, vector<96x128xf32>
    %swap3A_728 = arith.constant 0 : index
    %swap3A_729 = arith.constant 2048 : index
    %swap3A_730 = vector.load %arg13[%swap3A_728, %swap3A_729] : memref<288x6272xf32, #tpu.memory_space<vmem>>, vector<96x128xf32>
    tpu.vector_store %arg13[%swap3A_728, %swap3A_729], %get3A_727 {strides = array<i32>} : memref<288x6272xf32, #tpu.memory_space<vmem>>, vector<96x128xf32>,
    %get3A_731 = arith.constant 2528 : index
    %get3A_732 = arith.constant 0 : index
    %get3A_733 = vector.load %arg12[%get3A_731, %get3A_732] : memref<7200x128xf32, #tpu.memory_space<vmem>>, vector<96x128xf32>
    %swap3A_734 = arith.constant 96 : index
    %swap3A_735 = arith.constant 2048 : index
    %swap3A_736 = vector.load %arg13[%swap3A_734, %swap3A_735] : memref<288x6272xf32, #tpu.memory_space<vmem>>, vector<96x128xf32>
    tpu.vector_store %arg13[%swap3A_734, %swap3A_735], %get3A_733 {strides = array<i32>} : memref<288x6272xf32, #tpu.memory_space<vmem>>, vector<96x128xf32>,
    %get3A_737 = arith.constant 3008 : index
    %get3A_738 = arith.constant 0 : index
    %get3A_739 = vector.load %arg12[%get3A_737, %get3A_738] : memref<7200x128xf32, #tpu.memory_space<vmem>>, vector<96x128xf32>
    %swap3A_740 = arith.constant 192 : index
    %swap3A_741 = arith.constant 2048 : index
    %swap3A_742 = vector.load %arg13[%swap3A_740, %swap3A_741] : memref<288x6272xf32, #tpu.memory_space<vmem>>, vector<96x128xf32>
    tpu.vector_store %arg13[%swap3A_740, %swap3A_741], %get3A_739 {strides = array<i32>} : memref<288x6272xf32, #tpu.memory_space<vmem>>, vector<96x128xf32>,
    %get3A_743 = arith.constant 2112 : index
    %get3A_744 = arith.constant 0 : index
    %get3A_745 = vector.load %arg12[%get3A_743, %get3A_744] : memref<7200x128xf32, #tpu.memory_space<vmem>>, vector<96x128xf32>
    %swap3A_746 = arith.constant 0 : index
    %swap3A_747 = arith.constant 2176 : index
    %swap3A_748 = vector.load %arg13[%swap3A_746, %swap3A_747] : memref<288x6272xf32, #tpu.memory_space<vmem>>, vector<96x128xf32>
    tpu.vector_store %arg13[%swap3A_746, %swap3A_747], %get3A_745 {strides = array<i32>} : memref<288x6272xf32, #tpu.memory_space<vmem>>, vector<96x128xf32>,
    %get3A_749 = arith.constant 2592 : index
    %get3A_750 = arith.constant 0 : index
    %get3A_751 = vector.load %arg12[%get3A_749, %get3A_750] : memref<7200x128xf32, #tpu.memory_space<vmem>>, vector<96x128xf32>
    %swap3A_752 = arith.constant 96 : index
    %swap3A_753 = arith.constant 2176 : index
    %swap3A_754 = vector.load %arg13[%swap3A_752, %swap3A_753] : memref<288x6272xf32, #tpu.memory_space<vmem>>, vector<96x128xf32>
    tpu.vector_store %arg13[%swap3A_752, %swap3A_753], %get3A_751 {strides = array<i32>} : memref<288x6272xf32, #tpu.memory_space<vmem>>, vector<96x128xf32>,
    %get3A_755 = arith.constant 3072 : index
    %get3A_756 = arith.constant 0 : index
    %get3A_757 = vector.load %arg12[%get3A_755, %get3A_756] : memref<7200x128xf32, #tpu.memory_space<vmem>>, vector<96x128xf32>
    %swap3A_758 = arith.constant 192 : index
    %swap3A_759 = arith.constant 2176 : index
    %swap3A_760 = vector.load %arg13[%swap3A_758, %swap3A_759] : memref<288x6272xf32, #tpu.memory_space<vmem>>, vector<96x128xf32>
    tpu.vector_store %arg13[%swap3A_758, %swap3A_759], %get3A_757 {strides = array<i32>} : memref<288x6272xf32, #tpu.memory_space<vmem>>, vector<96x128xf32>,
    %get3A_761 = arith.constant 2176 : index
    %get3A_762 = arith.constant 0 : index
    %get3A_763 = vector.load %arg12[%get3A_761, %get3A_762] : memref<7200x128xf32, #tpu.memory_space<vmem>>, vector<96x128xf32>
    %swap3A_764 = arith.constant 0 : index
    %swap3A_765 = arith.constant 2304 : index
    %swap3A_766 = vector.load %arg13[%swap3A_764, %swap3A_765] : memref<288x6272xf32, #tpu.memory_space<vmem>>, vector<96x128xf32>
    tpu.vector_store %arg13[%swap3A_764, %swap3A_765], %get3A_763 {strides = array<i32>} : memref<288x6272xf32, #tpu.memory_space<vmem>>, vector<96x128xf32>,
    %get3A_767 = arith.constant 2656 : index
    %get3A_768 = arith.constant 0 : index
    %get3A_769 = vector.load %arg12[%get3A_767, %get3A_768] : memref<7200x128xf32, #tpu.memory_space<vmem>>, vector<96x128xf32>
    %swap3A_770 = arith.constant 96 : index
    %swap3A_771 = arith.constant 2304 : index
    %swap3A_772 = vector.load %arg13[%swap3A_770, %swap3A_771] : memref<288x6272xf32, #tpu.memory_space<vmem>>, vector<96x128xf32>
    tpu.vector_store %arg13[%swap3A_770, %swap3A_771], %get3A_769 {strides = array<i32>} : memref<288x6272xf32, #tpu.memory_space<vmem>>, vector<96x128xf32>,
    %get3A_773 = arith.constant 3136 : index
    %get3A_774 = arith.constant 0 : index
    %get3A_775 = vector.load %arg12[%get3A_773, %get3A_774] : memref<7200x128xf32, #tpu.memory_space<vmem>>, vector<96x128xf32>
    %swap3A_776 = arith.constant 192 : index
    %swap3A_777 = arith.constant 2304 : index
    %swap3A_778 = vector.load %arg13[%swap3A_776, %swap3A_777] : memref<288x6272xf32, #tpu.memory_space<vmem>>, vector<96x128xf32>
    tpu.vector_store %arg13[%swap3A_776, %swap3A_777], %get3A_775 {strides = array<i32>} : memref<288x6272xf32, #tpu.memory_space<vmem>>, vector<96x128xf32>,
    %get3A_779 = arith.constant 2240 : index
    %get3A_780 = arith.constant 0 : index
    %get3A_781 = vector.load %arg12[%get3A_779, %get3A_780] : memref<7200x128xf32, #tpu.memory_space<vmem>>, vector<96x128xf32>
    %swap3A_782 = arith.constant 0 : index
    %swap3A_783 = arith.constant 2432 : index
    %swap3A_784 = vector.load %arg13[%swap3A_782, %swap3A_783] : memref<288x6272xf32, #tpu.memory_space<vmem>>, vector<96x128xf32>
    tpu.vector_store %arg13[%swap3A_782, %swap3A_783], %get3A_781 {strides = array<i32>} : memref<288x6272xf32, #tpu.memory_space<vmem>>, vector<96x128xf32>,
    %get3A_785 = arith.constant 2720 : index
    %get3A_786 = arith.constant 0 : index
    %get3A_787 = vector.load %arg12[%get3A_785, %get3A_786] : memref<7200x128xf32, #tpu.memory_space<vmem>>, vector<96x128xf32>
    %swap3A_788 = arith.constant 96 : index
    %swap3A_789 = arith.constant 2432 : index
    %swap3A_790 = vector.load %arg13[%swap3A_788, %swap3A_789] : memref<288x6272xf32, #tpu.memory_space<vmem>>, vector<96x128xf32>
    tpu.vector_store %arg13[%swap3A_788, %swap3A_789], %get3A_787 {strides = array<i32>} : memref<288x6272xf32, #tpu.memory_space<vmem>>, vector<96x128xf32>,
    %get3A_791 = arith.constant 3200 : index
    %get3A_792 = arith.constant 0 : index
    %get3A_793 = vector.load %arg12[%get3A_791, %get3A_792] : memref<7200x128xf32, #tpu.memory_space<vmem>>, vector<96x128xf32>
    %swap3A_794 = arith.constant 192 : index
    %swap3A_795 = arith.constant 2432 : index
    %swap3A_796 = vector.load %arg13[%swap3A_794, %swap3A_795] : memref<288x6272xf32, #tpu.memory_space<vmem>>, vector<96x128xf32>
    tpu.vector_store %arg13[%swap3A_794, %swap3A_795], %get3A_793 {strides = array<i32>} : memref<288x6272xf32, #tpu.memory_space<vmem>>, vector<96x128xf32>,
    %get3A_797 = arith.constant 2304 : index
    %get3A_798 = arith.constant 0 : index
    %get3A_799 = vector.load %arg12[%get3A_797, %get3A_798] : memref<7200x128xf32, #tpu.memory_space<vmem>>, vector<96x128xf32>
    %swap3A_800 = arith.constant 0 : index
    %swap3A_801 = arith.constant 2560 : index
    %swap3A_802 = vector.load %arg13[%swap3A_800, %swap3A_801] : memref<288x6272xf32, #tpu.memory_space<vmem>>, vector<96x128xf32>
    tpu.vector_store %arg13[%swap3A_800, %swap3A_801], %get3A_799 {strides = array<i32>} : memref<288x6272xf32, #tpu.memory_space<vmem>>, vector<96x128xf32>,
    %get3A_803 = arith.constant 2784 : index
    %get3A_804 = arith.constant 0 : index
    %get3A_805 = vector.load %arg12[%get3A_803, %get3A_804] : memref<7200x128xf32, #tpu.memory_space<vmem>>, vector<96x128xf32>
    %swap3A_806 = arith.constant 96 : index
    %swap3A_807 = arith.constant 2560 : index
    %swap3A_808 = vector.load %arg13[%swap3A_806, %swap3A_807] : memref<288x6272xf32, #tpu.memory_space<vmem>>, vector<96x128xf32>
    tpu.vector_store %arg13[%swap3A_806, %swap3A_807], %get3A_805 {strides = array<i32>} : memref<288x6272xf32, #tpu.memory_space<vmem>>, vector<96x128xf32>,
    %get3A_809 = arith.constant 3264 : index
    %get3A_810 = arith.constant 0 : index
    %get3A_811 = vector.load %arg12[%get3A_809, %get3A_810] : memref<7200x128xf32, #tpu.memory_space<vmem>>, vector<96x128xf32>
    %swap3A_812 = arith.constant 192 : index
    %swap3A_813 = arith.constant 2560 : index
    %swap3A_814 = vector.load %arg13[%swap3A_812, %swap3A_813] : memref<288x6272xf32, #tpu.memory_space<vmem>>, vector<96x128xf32>
    tpu.vector_store %arg13[%swap3A_812, %swap3A_813], %get3A_811 {strides = array<i32>} : memref<288x6272xf32, #tpu.memory_space<vmem>>, vector<96x128xf32>,
    %get3A_815 = arith.constant 2880 : index
    %get3A_816 = arith.constant 0 : index
    %get3A_817 = vector.load %arg12[%get3A_815, %get3A_816] : memref<7200x128xf32, #tpu.memory_space<vmem>>, vector<96x128xf32>
    %swap3A_818 = arith.constant 0 : index
    %swap3A_819 = arith.constant 2688 : index
    %swap3A_820 = vector.load %arg13[%swap3A_818, %swap3A_819] : memref<288x6272xf32, #tpu.memory_space<vmem>>, vector<96x128xf32>
    tpu.vector_store %arg13[%swap3A_818, %swap3A_819], %get3A_817 {strides = array<i32>} : memref<288x6272xf32, #tpu.memory_space<vmem>>, vector<96x128xf32>,
    %get3A_821 = arith.constant 3360 : index
    %get3A_822 = arith.constant 0 : index
    %get3A_823 = vector.load %arg12[%get3A_821, %get3A_822] : memref<7200x128xf32, #tpu.memory_space<vmem>>, vector<96x128xf32>
    %swap3A_824 = arith.constant 96 : index
    %swap3A_825 = arith.constant 2688 : index
    %swap3A_826 = vector.load %arg13[%swap3A_824, %swap3A_825] : memref<288x6272xf32, #tpu.memory_space<vmem>>, vector<96x128xf32>
    tpu.vector_store %arg13[%swap3A_824, %swap3A_825], %get3A_823 {strides = array<i32>} : memref<288x6272xf32, #tpu.memory_space<vmem>>, vector<96x128xf32>,
    %get3A_827 = arith.constant 3840 : index
    %get3A_828 = arith.constant 0 : index
    %get3A_829 = vector.load %arg12[%get3A_827, %get3A_828] : memref<7200x128xf32, #tpu.memory_space<vmem>>, vector<96x128xf32>
    %swap3A_830 = arith.constant 192 : index
    %swap3A_831 = arith.constant 2688 : index
    %swap3A_832 = vector.load %arg13[%swap3A_830, %swap3A_831] : memref<288x6272xf32, #tpu.memory_space<vmem>>, vector<96x128xf32>
    tpu.vector_store %arg13[%swap3A_830, %swap3A_831], %get3A_829 {strides = array<i32>} : memref<288x6272xf32, #tpu.memory_space<vmem>>, vector<96x128xf32>,
    %get3A_833 = arith.constant 2944 : index
    %get3A_834 = arith.constant 0 : index
    %get3A_835 = vector.load %arg12[%get3A_833, %get3A_834] : memref<7200x128xf32, #tpu.memory_space<vmem>>, vector<96x128xf32>
    %swap3A_836 = arith.constant 0 : index
    %swap3A_837 = arith.constant 2816 : index
    %swap3A_838 = vector.load %arg13[%swap3A_836, %swap3A_837] : memref<288x6272xf32, #tpu.memory_space<vmem>>, vector<96x128xf32>
    tpu.vector_store %arg13[%swap3A_836, %swap3A_837], %get3A_835 {strides = array<i32>} : memref<288x6272xf32, #tpu.memory_space<vmem>>, vector<96x128xf32>,
    %get3A_839 = arith.constant 3424 : index
    %get3A_840 = arith.constant 0 : index
    %get3A_841 = vector.load %arg12[%get3A_839, %get3A_840] : memref<7200x128xf32, #tpu.memory_space<vmem>>, vector<96x128xf32>
    %swap3A_842 = arith.constant 96 : index
    %swap3A_843 = arith.constant 2816 : index
    %swap3A_844 = vector.load %arg13[%swap3A_842, %swap3A_843] : memref<288x6272xf32, #tpu.memory_space<vmem>>, vector<96x128xf32>
    tpu.vector_store %arg13[%swap3A_842, %swap3A_843], %get3A_841 {strides = array<i32>} : memref<288x6272xf32, #tpu.memory_space<vmem>>, vector<96x128xf32>,
    %get3A_845 = arith.constant 3904 : index
    %get3A_846 = arith.constant 0 : index
    %get3A_847 = vector.load %arg12[%get3A_845, %get3A_846] : memref<7200x128xf32, #tpu.memory_space<vmem>>, vector<96x128xf32>
    %swap3A_848 = arith.constant 192 : index
    %swap3A_849 = arith.constant 2816 : index
    %swap3A_850 = vector.load %arg13[%swap3A_848, %swap3A_849] : memref<288x6272xf32, #tpu.memory_space<vmem>>, vector<96x128xf32>
    tpu.vector_store %arg13[%swap3A_848, %swap3A_849], %get3A_847 {strides = array<i32>} : memref<288x6272xf32, #tpu.memory_space<vmem>>, vector<96x128xf32>,
    %get3A_851 = arith.constant 3008 : index
    %get3A_852 = arith.constant 0 : index
    %get3A_853 = vector.load %arg12[%get3A_851, %get3A_852] : memref<7200x128xf32, #tpu.memory_space<vmem>>, vector<96x128xf32>
    %swap3A_854 = arith.constant 0 : index
    %swap3A_855 = arith.constant 2944 : index
    %swap3A_856 = vector.load %arg13[%swap3A_854, %swap3A_855] : memref<288x6272xf32, #tpu.memory_space<vmem>>, vector<96x128xf32>
    tpu.vector_store %arg13[%swap3A_854, %swap3A_855], %get3A_853 {strides = array<i32>} : memref<288x6272xf32, #tpu.memory_space<vmem>>, vector<96x128xf32>,
    %get3A_857 = arith.constant 3488 : index
    %get3A_858 = arith.constant 0 : index
    %get3A_859 = vector.load %arg12[%get3A_857, %get3A_858] : memref<7200x128xf32, #tpu.memory_space<vmem>>, vector<96x128xf32>
    %swap3A_860 = arith.constant 96 : index
    %swap3A_861 = arith.constant 2944 : index
    %swap3A_862 = vector.load %arg13[%swap3A_860, %swap3A_861] : memref<288x6272xf32, #tpu.memory_space<vmem>>, vector<96x128xf32>
    tpu.vector_store %arg13[%swap3A_860, %swap3A_861], %get3A_859 {strides = array<i32>} : memref<288x6272xf32, #tpu.memory_space<vmem>>, vector<96x128xf32>,
    %get3A_863 = arith.constant 3968 : index
    %get3A_864 = arith.constant 0 : index
    %get3A_865 = vector.load %arg12[%get3A_863, %get3A_864] : memref<7200x128xf32, #tpu.memory_space<vmem>>, vector<96x128xf32>
    %swap3A_866 = arith.constant 192 : index
    %swap3A_867 = arith.constant 2944 : index
    %swap3A_868 = vector.load %arg13[%swap3A_866, %swap3A_867] : memref<288x6272xf32, #tpu.memory_space<vmem>>, vector<96x128xf32>
    tpu.vector_store %arg13[%swap3A_866, %swap3A_867], %get3A_865 {strides = array<i32>} : memref<288x6272xf32, #tpu.memory_space<vmem>>, vector<96x128xf32>,
    %get3A_869 = arith.constant 3072 : index
    %get3A_870 = arith.constant 0 : index
    %get3A_871 = vector.load %arg12[%get3A_869, %get3A_870] : memref<7200x128xf32, #tpu.memory_space<vmem>>, vector<96x128xf32>
    %swap3A_872 = arith.constant 0 : index
    %swap3A_873 = arith.constant 3072 : index
    %swap3A_874 = vector.load %arg13[%swap3A_872, %swap3A_873] : memref<288x6272xf32, #tpu.memory_space<vmem>>, vector<96x128xf32>
    tpu.vector_store %arg13[%swap3A_872, %swap3A_873], %get3A_871 {strides = array<i32>} : memref<288x6272xf32, #tpu.memory_space<vmem>>, vector<96x128xf32>,
    %get3A_875 = arith.constant 3552 : index
    %get3A_876 = arith.constant 0 : index
    %get3A_877 = vector.load %arg12[%get3A_875, %get3A_876] : memref<7200x128xf32, #tpu.memory_space<vmem>>, vector<96x128xf32>
    %swap3A_878 = arith.constant 96 : index
    %swap3A_879 = arith.constant 3072 : index
    %swap3A_880 = vector.load %arg13[%swap3A_878, %swap3A_879] : memref<288x6272xf32, #tpu.memory_space<vmem>>, vector<96x128xf32>
    tpu.vector_store %arg13[%swap3A_878, %swap3A_879], %get3A_877 {strides = array<i32>} : memref<288x6272xf32, #tpu.memory_space<vmem>>, vector<96x128xf32>,
    %get3A_881 = arith.constant 4032 : index
    %get3A_882 = arith.constant 0 : index
    %get3A_883 = vector.load %arg12[%get3A_881, %get3A_882] : memref<7200x128xf32, #tpu.memory_space<vmem>>, vector<96x128xf32>
    %swap3A_884 = arith.constant 192 : index
    %swap3A_885 = arith.constant 3072 : index
    %swap3A_886 = vector.load %arg13[%swap3A_884, %swap3A_885] : memref<288x6272xf32, #tpu.memory_space<vmem>>, vector<96x128xf32>
    tpu.vector_store %arg13[%swap3A_884, %swap3A_885], %get3A_883 {strides = array<i32>} : memref<288x6272xf32, #tpu.memory_space<vmem>>, vector<96x128xf32>,
    %get3A_887 = arith.constant 3136 : index
    %get3A_888 = arith.constant 0 : index
    %get3A_889 = vector.load %arg12[%get3A_887, %get3A_888] : memref<7200x128xf32, #tpu.memory_space<vmem>>, vector<96x128xf32>
    %swap3A_890 = arith.constant 0 : index
    %swap3A_891 = arith.constant 3200 : index
    %swap3A_892 = vector.load %arg13[%swap3A_890, %swap3A_891] : memref<288x6272xf32, #tpu.memory_space<vmem>>, vector<96x128xf32>
    tpu.vector_store %arg13[%swap3A_890, %swap3A_891], %get3A_889 {strides = array<i32>} : memref<288x6272xf32, #tpu.memory_space<vmem>>, vector<96x128xf32>,
    %get3A_893 = arith.constant 3616 : index
    %get3A_894 = arith.constant 0 : index
    %get3A_895 = vector.load %arg12[%get3A_893, %get3A_894] : memref<7200x128xf32, #tpu.memory_space<vmem>>, vector<96x128xf32>
    %swap3A_896 = arith.constant 96 : index
    %swap3A_897 = arith.constant 3200 : index
    %swap3A_898 = vector.load %arg13[%swap3A_896, %swap3A_897] : memref<288x6272xf32, #tpu.memory_space<vmem>>, vector<96x128xf32>
    tpu.vector_store %arg13[%swap3A_896, %swap3A_897], %get3A_895 {strides = array<i32>} : memref<288x6272xf32, #tpu.memory_space<vmem>>, vector<96x128xf32>,
    %get3A_899 = arith.constant 4096 : index
    %get3A_900 = arith.constant 0 : index
    %get3A_901 = vector.load %arg12[%get3A_899, %get3A_900] : memref<7200x128xf32, #tpu.memory_space<vmem>>, vector<96x128xf32>
    %swap3A_902 = arith.constant 192 : index
    %swap3A_903 = arith.constant 3200 : index
    %swap3A_904 = vector.load %arg13[%swap3A_902, %swap3A_903] : memref<288x6272xf32, #tpu.memory_space<vmem>>, vector<96x128xf32>
    tpu.vector_store %arg13[%swap3A_902, %swap3A_903], %get3A_901 {strides = array<i32>} : memref<288x6272xf32, #tpu.memory_space<vmem>>, vector<96x128xf32>,
    %get3A_905 = arith.constant 3200 : index
    %get3A_906 = arith.constant 0 : index
    %get3A_907 = vector.load %arg12[%get3A_905, %get3A_906] : memref<7200x128xf32, #tpu.memory_space<vmem>>, vector<96x128xf32>
    %swap3A_908 = arith.constant 0 : index
    %swap3A_909 = arith.constant 3328 : index
    %swap3A_910 = vector.load %arg13[%swap3A_908, %swap3A_909] : memref<288x6272xf32, #tpu.memory_space<vmem>>, vector<96x128xf32>
    tpu.vector_store %arg13[%swap3A_908, %swap3A_909], %get3A_907 {strides = array<i32>} : memref<288x6272xf32, #tpu.memory_space<vmem>>, vector<96x128xf32>,
    %get3A_911 = arith.constant 3680 : index
    %get3A_912 = arith.constant 0 : index
    %get3A_913 = vector.load %arg12[%get3A_911, %get3A_912] : memref<7200x128xf32, #tpu.memory_space<vmem>>, vector<96x128xf32>
    %swap3A_914 = arith.constant 96 : index
    %swap3A_915 = arith.constant 3328 : index
    %swap3A_916 = vector.load %arg13[%swap3A_914, %swap3A_915] : memref<288x6272xf32, #tpu.memory_space<vmem>>, vector<96x128xf32>
    tpu.vector_store %arg13[%swap3A_914, %swap3A_915], %get3A_913 {strides = array<i32>} : memref<288x6272xf32, #tpu.memory_space<vmem>>, vector<96x128xf32>,
    %get3A_917 = arith.constant 4160 : index
    %get3A_918 = arith.constant 0 : index
    %get3A_919 = vector.load %arg12[%get3A_917, %get3A_918] : memref<7200x128xf32, #tpu.memory_space<vmem>>, vector<96x128xf32>
    %swap3A_920 = arith.constant 192 : index
    %swap3A_921 = arith.constant 3328 : index
    %swap3A_922 = vector.load %arg13[%swap3A_920, %swap3A_921] : memref<288x6272xf32, #tpu.memory_space<vmem>>, vector<96x128xf32>
    tpu.vector_store %arg13[%swap3A_920, %swap3A_921], %get3A_919 {strides = array<i32>} : memref<288x6272xf32, #tpu.memory_space<vmem>>, vector<96x128xf32>,
    %get3A_923 = arith.constant 3264 : index
    %get3A_924 = arith.constant 0 : index
    %get3A_925 = vector.load %arg12[%get3A_923, %get3A_924] : memref<7200x128xf32, #tpu.memory_space<vmem>>, vector<96x128xf32>
    %swap3A_926 = arith.constant 0 : index
    %swap3A_927 = arith.constant 3456 : index
    %swap3A_928 = vector.load %arg13[%swap3A_926, %swap3A_927] : memref<288x6272xf32, #tpu.memory_space<vmem>>, vector<96x128xf32>
    tpu.vector_store %arg13[%swap3A_926, %swap3A_927], %get3A_925 {strides = array<i32>} : memref<288x6272xf32, #tpu.memory_space<vmem>>, vector<96x128xf32>,
    %get3A_929 = arith.constant 3744 : index
    %get3A_930 = arith.constant 0 : index
    %get3A_931 = vector.load %arg12[%get3A_929, %get3A_930] : memref<7200x128xf32, #tpu.memory_space<vmem>>, vector<96x128xf32>
    %swap3A_932 = arith.constant 96 : index
    %swap3A_933 = arith.constant 3456 : index
    %swap3A_934 = vector.load %arg13[%swap3A_932, %swap3A_933] : memref<288x6272xf32, #tpu.memory_space<vmem>>, vector<96x128xf32>
    tpu.vector_store %arg13[%swap3A_932, %swap3A_933], %get3A_931 {strides = array<i32>} : memref<288x6272xf32, #tpu.memory_space<vmem>>, vector<96x128xf32>,
    %get3A_935 = arith.constant 4224 : index
    %get3A_936 = arith.constant 0 : index
    %get3A_937 = vector.load %arg12[%get3A_935, %get3A_936] : memref<7200x128xf32, #tpu.memory_space<vmem>>, vector<96x128xf32>
    %swap3A_938 = arith.constant 192 : index
    %swap3A_939 = arith.constant 3456 : index
    %swap3A_940 = vector.load %arg13[%swap3A_938, %swap3A_939] : memref<288x6272xf32, #tpu.memory_space<vmem>>, vector<96x128xf32>
    tpu.vector_store %arg13[%swap3A_938, %swap3A_939], %get3A_937 {strides = array<i32>} : memref<288x6272xf32, #tpu.memory_space<vmem>>, vector<96x128xf32>,
    %get3A_941 = arith.constant 3840 : index
    %get3A_942 = arith.constant 0 : index
    %get3A_943 = vector.load %arg12[%get3A_941, %get3A_942] : memref<7200x128xf32, #tpu.memory_space<vmem>>, vector<96x128xf32>
    %swap3A_944 = arith.constant 0 : index
    %swap3A_945 = arith.constant 3584 : index
    %swap3A_946 = vector.load %arg13[%swap3A_944, %swap3A_945] : memref<288x6272xf32, #tpu.memory_space<vmem>>, vector<96x128xf32>
    tpu.vector_store %arg13[%swap3A_944, %swap3A_945], %get3A_943 {strides = array<i32>} : memref<288x6272xf32, #tpu.memory_space<vmem>>, vector<96x128xf32>,
    %get3A_947 = arith.constant 4320 : index
    %get3A_948 = arith.constant 0 : index
    %get3A_949 = vector.load %arg12[%get3A_947, %get3A_948] : memref<7200x128xf32, #tpu.memory_space<vmem>>, vector<96x128xf32>
    %swap3A_950 = arith.constant 96 : index
    %swap3A_951 = arith.constant 3584 : index
    %swap3A_952 = vector.load %arg13[%swap3A_950, %swap3A_951] : memref<288x6272xf32, #tpu.memory_space<vmem>>, vector<96x128xf32>
    tpu.vector_store %arg13[%swap3A_950, %swap3A_951], %get3A_949 {strides = array<i32>} : memref<288x6272xf32, #tpu.memory_space<vmem>>, vector<96x128xf32>,
    %get3A_953 = arith.constant 4800 : index
    %get3A_954 = arith.constant 0 : index
    %get3A_955 = vector.load %arg12[%get3A_953, %get3A_954] : memref<7200x128xf32, #tpu.memory_space<vmem>>, vector<96x128xf32>
    %swap3A_956 = arith.constant 192 : index
    %swap3A_957 = arith.constant 3584 : index
    %swap3A_958 = vector.load %arg13[%swap3A_956, %swap3A_957] : memref<288x6272xf32, #tpu.memory_space<vmem>>, vector<96x128xf32>
    tpu.vector_store %arg13[%swap3A_956, %swap3A_957], %get3A_955 {strides = array<i32>} : memref<288x6272xf32, #tpu.memory_space<vmem>>, vector<96x128xf32>,
    %get3A_959 = arith.constant 3904 : index
    %get3A_960 = arith.constant 0 : index
    %get3A_961 = vector.load %arg12[%get3A_959, %get3A_960] : memref<7200x128xf32, #tpu.memory_space<vmem>>, vector<96x128xf32>
    %swap3A_962 = arith.constant 0 : index
    %swap3A_963 = arith.constant 3712 : index
    %swap3A_964 = vector.load %arg13[%swap3A_962, %swap3A_963] : memref<288x6272xf32, #tpu.memory_space<vmem>>, vector<96x128xf32>
    tpu.vector_store %arg13[%swap3A_962, %swap3A_963], %get3A_961 {strides = array<i32>} : memref<288x6272xf32, #tpu.memory_space<vmem>>, vector<96x128xf32>,
    %get3A_965 = arith.constant 4384 : index
    %get3A_966 = arith.constant 0 : index
    %get3A_967 = vector.load %arg12[%get3A_965, %get3A_966] : memref<7200x128xf32, #tpu.memory_space<vmem>>, vector<96x128xf32>
    %swap3A_968 = arith.constant 96 : index
    %swap3A_969 = arith.constant 3712 : index
    %swap3A_970 = vector.load %arg13[%swap3A_968, %swap3A_969] : memref<288x6272xf32, #tpu.memory_space<vmem>>, vector<96x128xf32>
    tpu.vector_store %arg13[%swap3A_968, %swap3A_969], %get3A_967 {strides = array<i32>} : memref<288x6272xf32, #tpu.memory_space<vmem>>, vector<96x128xf32>,
    %get3A_971 = arith.constant 4864 : index
    %get3A_972 = arith.constant 0 : index
    %get3A_973 = vector.load %arg12[%get3A_971, %get3A_972] : memref<7200x128xf32, #tpu.memory_space<vmem>>, vector<96x128xf32>
    %swap3A_974 = arith.constant 192 : index
    %swap3A_975 = arith.constant 3712 : index
    %swap3A_976 = vector.load %arg13[%swap3A_974, %swap3A_975] : memref<288x6272xf32, #tpu.memory_space<vmem>>, vector<96x128xf32>
    tpu.vector_store %arg13[%swap3A_974, %swap3A_975], %get3A_973 {strides = array<i32>} : memref<288x6272xf32, #tpu.memory_space<vmem>>, vector<96x128xf32>,
    %get3A_977 = arith.constant 3968 : index
    %get3A_978 = arith.constant 0 : index
    %get3A_979 = vector.load %arg12[%get3A_977, %get3A_978] : memref<7200x128xf32, #tpu.memory_space<vmem>>, vector<96x128xf32>
    %swap3A_980 = arith.constant 0 : index
    %swap3A_981 = arith.constant 3840 : index
    %swap3A_982 = vector.load %arg13[%swap3A_980, %swap3A_981] : memref<288x6272xf32, #tpu.memory_space<vmem>>, vector<96x128xf32>
    tpu.vector_store %arg13[%swap3A_980, %swap3A_981], %get3A_979 {strides = array<i32>} : memref<288x6272xf32, #tpu.memory_space<vmem>>, vector<96x128xf32>,
    %get3A_983 = arith.constant 4448 : index
    %get3A_984 = arith.constant 0 : index
    %get3A_985 = vector.load %arg12[%get3A_983, %get3A_984] : memref<7200x128xf32, #tpu.memory_space<vmem>>, vector<96x128xf32>
    %swap3A_986 = arith.constant 96 : index
    %swap3A_987 = arith.constant 3840 : index
    %swap3A_988 = vector.load %arg13[%swap3A_986, %swap3A_987] : memref<288x6272xf32, #tpu.memory_space<vmem>>, vector<96x128xf32>
    tpu.vector_store %arg13[%swap3A_986, %swap3A_987], %get3A_985 {strides = array<i32>} : memref<288x6272xf32, #tpu.memory_space<vmem>>, vector<96x128xf32>,
    %get3A_989 = arith.constant 4928 : index
    %get3A_990 = arith.constant 0 : index
    %get3A_991 = vector.load %arg12[%get3A_989, %get3A_990] : memref<7200x128xf32, #tpu.memory_space<vmem>>, vector<96x128xf32>
    %swap3A_992 = arith.constant 192 : index
    %swap3A_993 = arith.constant 3840 : index
    %swap3A_994 = vector.load %arg13[%swap3A_992, %swap3A_993] : memref<288x6272xf32, #tpu.memory_space<vmem>>, vector<96x128xf32>
    tpu.vector_store %arg13[%swap3A_992, %swap3A_993], %get3A_991 {strides = array<i32>} : memref<288x6272xf32, #tpu.memory_space<vmem>>, vector<96x128xf32>,
    %get3A_995 = arith.constant 4032 : index
    %get3A_996 = arith.constant 0 : index
    %get3A_997 = vector.load %arg12[%get3A_995, %get3A_996] : memref<7200x128xf32, #tpu.memory_space<vmem>>, vector<96x128xf32>
    %swap3A_998 = arith.constant 0 : index
    %swap3A_999 = arith.constant 3968 : index
    %swap3A_1000 = vector.load %arg13[%swap3A_998, %swap3A_999] : memref<288x6272xf32, #tpu.memory_space<vmem>>, vector<96x128xf32>
    tpu.vector_store %arg13[%swap3A_998, %swap3A_999], %get3A_997 {strides = array<i32>} : memref<288x6272xf32, #tpu.memory_space<vmem>>, vector<96x128xf32>,
    %get3A_1001 = arith.constant 4512 : index
    %get3A_1002 = arith.constant 0 : index
    %get3A_1003 = vector.load %arg12[%get3A_1001, %get3A_1002] : memref<7200x128xf32, #tpu.memory_space<vmem>>, vector<96x128xf32>
    %swap3A_1004 = arith.constant 96 : index
    %swap3A_1005 = arith.constant 3968 : index
    %swap3A_1006 = vector.load %arg13[%swap3A_1004, %swap3A_1005] : memref<288x6272xf32, #tpu.memory_space<vmem>>, vector<96x128xf32>
    tpu.vector_store %arg13[%swap3A_1004, %swap3A_1005], %get3A_1003 {strides = array<i32>} : memref<288x6272xf32, #tpu.memory_space<vmem>>, vector<96x128xf32>,
    %get3A_1007 = arith.constant 4992 : index
    %get3A_1008 = arith.constant 0 : index
    %get3A_1009 = vector.load %arg12[%get3A_1007, %get3A_1008] : memref<7200x128xf32, #tpu.memory_space<vmem>>, vector<96x128xf32>
    %swap3A_1010 = arith.constant 192 : index
    %swap3A_1011 = arith.constant 3968 : index
    %swap3A_1012 = vector.load %arg13[%swap3A_1010, %swap3A_1011] : memref<288x6272xf32, #tpu.memory_space<vmem>>, vector<96x128xf32>
    tpu.vector_store %arg13[%swap3A_1010, %swap3A_1011], %get3A_1009 {strides = array<i32>} : memref<288x6272xf32, #tpu.memory_space<vmem>>, vector<96x128xf32>,
    %get3A_1013 = arith.constant 4096 : index
    %get3A_1014 = arith.constant 0 : index
    %get3A_1015 = vector.load %arg12[%get3A_1013, %get3A_1014] : memref<7200x128xf32, #tpu.memory_space<vmem>>, vector<96x128xf32>
    %swap3A_1016 = arith.constant 0 : index
    %swap3A_1017 = arith.constant 4096 : index
    %swap3A_1018 = vector.load %arg13[%swap3A_1016, %swap3A_1017] : memref<288x6272xf32, #tpu.memory_space<vmem>>, vector<96x128xf32>
    tpu.vector_store %arg13[%swap3A_1016, %swap3A_1017], %get3A_1015 {strides = array<i32>} : memref<288x6272xf32, #tpu.memory_space<vmem>>, vector<96x128xf32>,
    %get3A_1019 = arith.constant 4576 : index
    %get3A_1020 = arith.constant 0 : index
    %get3A_1021 = vector.load %arg12[%get3A_1019, %get3A_1020] : memref<7200x128xf32, #tpu.memory_space<vmem>>, vector<96x128xf32>
    %swap3A_1022 = arith.constant 96 : index
    %swap3A_1023 = arith.constant 4096 : index
    %swap3A_1024 = vector.load %arg13[%swap3A_1022, %swap3A_1023] : memref<288x6272xf32, #tpu.memory_space<vmem>>, vector<96x128xf32>
    tpu.vector_store %arg13[%swap3A_1022, %swap3A_1023], %get3A_1021 {strides = array<i32>} : memref<288x6272xf32, #tpu.memory_space<vmem>>, vector<96x128xf32>,
    %get3A_1025 = arith.constant 5056 : index
    %get3A_1026 = arith.constant 0 : index
    %get3A_1027 = vector.load %arg12[%get3A_1025, %get3A_1026] : memref<7200x128xf32, #tpu.memory_space<vmem>>, vector<96x128xf32>
    %swap3A_1028 = arith.constant 192 : index
    %swap3A_1029 = arith.constant 4096 : index
    %swap3A_1030 = vector.load %arg13[%swap3A_1028, %swap3A_1029] : memref<288x6272xf32, #tpu.memory_space<vmem>>, vector<96x128xf32>
    tpu.vector_store %arg13[%swap3A_1028, %swap3A_1029], %get3A_1027 {strides = array<i32>} : memref<288x6272xf32, #tpu.memory_space<vmem>>, vector<96x128xf32>,
    %get3A_1031 = arith.constant 4160 : index
    %get3A_1032 = arith.constant 0 : index
    %get3A_1033 = vector.load %arg12[%get3A_1031, %get3A_1032] : memref<7200x128xf32, #tpu.memory_space<vmem>>, vector<96x128xf32>
    %swap3A_1034 = arith.constant 0 : index
    %swap3A_1035 = arith.constant 4224 : index
    %swap3A_1036 = vector.load %arg13[%swap3A_1034, %swap3A_1035] : memref<288x6272xf32, #tpu.memory_space<vmem>>, vector<96x128xf32>
    tpu.vector_store %arg13[%swap3A_1034, %swap3A_1035], %get3A_1033 {strides = array<i32>} : memref<288x6272xf32, #tpu.memory_space<vmem>>, vector<96x128xf32>,
    %get3A_1037 = arith.constant 4640 : index
    %get3A_1038 = arith.constant 0 : index
    %get3A_1039 = vector.load %arg12[%get3A_1037, %get3A_1038] : memref<7200x128xf32, #tpu.memory_space<vmem>>, vector<96x128xf32>
    %swap3A_1040 = arith.constant 96 : index
    %swap3A_1041 = arith.constant 4224 : index
    %swap3A_1042 = vector.load %arg13[%swap3A_1040, %swap3A_1041] : memref<288x6272xf32, #tpu.memory_space<vmem>>, vector<96x128xf32>
    tpu.vector_store %arg13[%swap3A_1040, %swap3A_1041], %get3A_1039 {strides = array<i32>} : memref<288x6272xf32, #tpu.memory_space<vmem>>, vector<96x128xf32>,
    %get3A_1043 = arith.constant 5120 : index
    %get3A_1044 = arith.constant 0 : index
    %get3A_1045 = vector.load %arg12[%get3A_1043, %get3A_1044] : memref<7200x128xf32, #tpu.memory_space<vmem>>, vector<96x128xf32>
    %swap3A_1046 = arith.constant 192 : index
    %swap3A_1047 = arith.constant 4224 : index
    %swap3A_1048 = vector.load %arg13[%swap3A_1046, %swap3A_1047] : memref<288x6272xf32, #tpu.memory_space<vmem>>, vector<96x128xf32>
    tpu.vector_store %arg13[%swap3A_1046, %swap3A_1047], %get3A_1045 {strides = array<i32>} : memref<288x6272xf32, #tpu.memory_space<vmem>>, vector<96x128xf32>,
    %get3A_1049 = arith.constant 4224 : index
    %get3A_1050 = arith.constant 0 : index
    %get3A_1051 = vector.load %arg12[%get3A_1049, %get3A_1050] : memref<7200x128xf32, #tpu.memory_space<vmem>>, vector<96x128xf32>
    %swap3A_1052 = arith.constant 0 : index
    %swap3A_1053 = arith.constant 4352 : index
    %swap3A_1054 = vector.load %arg13[%swap3A_1052, %swap3A_1053] : memref<288x6272xf32, #tpu.memory_space<vmem>>, vector<96x128xf32>
    tpu.vector_store %arg13[%swap3A_1052, %swap3A_1053], %get3A_1051 {strides = array<i32>} : memref<288x6272xf32, #tpu.memory_space<vmem>>, vector<96x128xf32>,
    %get3A_1055 = arith.constant 4704 : index
    %get3A_1056 = arith.constant 0 : index
    %get3A_1057 = vector.load %arg12[%get3A_1055, %get3A_1056] : memref<7200x128xf32, #tpu.memory_space<vmem>>, vector<96x128xf32>
    %swap3A_1058 = arith.constant 96 : index
    %swap3A_1059 = arith.constant 4352 : index
    %swap3A_1060 = vector.load %arg13[%swap3A_1058, %swap3A_1059] : memref<288x6272xf32, #tpu.memory_space<vmem>>, vector<96x128xf32>
    tpu.vector_store %arg13[%swap3A_1058, %swap3A_1059], %get3A_1057 {strides = array<i32>} : memref<288x6272xf32, #tpu.memory_space<vmem>>, vector<96x128xf32>,
    %get3A_1061 = arith.constant 5184 : index
    %get3A_1062 = arith.constant 0 : index
    %get3A_1063 = vector.load %arg12[%get3A_1061, %get3A_1062] : memref<7200x128xf32, #tpu.memory_space<vmem>>, vector<96x128xf32>
    %swap3A_1064 = arith.constant 192 : index
    %swap3A_1065 = arith.constant 4352 : index
    %swap3A_1066 = vector.load %arg13[%swap3A_1064, %swap3A_1065] : memref<288x6272xf32, #tpu.memory_space<vmem>>, vector<96x128xf32>
    tpu.vector_store %arg13[%swap3A_1064, %swap3A_1065], %get3A_1063 {strides = array<i32>} : memref<288x6272xf32, #tpu.memory_space<vmem>>, vector<96x128xf32>,
    %get3A_1067 = arith.constant 4800 : index
    %get3A_1068 = arith.constant 0 : index
    %get3A_1069 = vector.load %arg12[%get3A_1067, %get3A_1068] : memref<7200x128xf32, #tpu.memory_space<vmem>>, vector<96x128xf32>
    %swap3A_1070 = arith.constant 0 : index
    %swap3A_1071 = arith.constant 4480 : index
    %swap3A_1072 = vector.load %arg13[%swap3A_1070, %swap3A_1071] : memref<288x6272xf32, #tpu.memory_space<vmem>>, vector<96x128xf32>
    tpu.vector_store %arg13[%swap3A_1070, %swap3A_1071], %get3A_1069 {strides = array<i32>} : memref<288x6272xf32, #tpu.memory_space<vmem>>, vector<96x128xf32>,
    %get3A_1073 = arith.constant 5280 : index
    %get3A_1074 = arith.constant 0 : index
    %get3A_1075 = vector.load %arg12[%get3A_1073, %get3A_1074] : memref<7200x128xf32, #tpu.memory_space<vmem>>, vector<96x128xf32>
    %swap3A_1076 = arith.constant 96 : index
    %swap3A_1077 = arith.constant 4480 : index
    %swap3A_1078 = vector.load %arg13[%swap3A_1076, %swap3A_1077] : memref<288x6272xf32, #tpu.memory_space<vmem>>, vector<96x128xf32>
    tpu.vector_store %arg13[%swap3A_1076, %swap3A_1077], %get3A_1075 {strides = array<i32>} : memref<288x6272xf32, #tpu.memory_space<vmem>>, vector<96x128xf32>,
    %get3A_1079 = arith.constant 5760 : index
    %get3A_1080 = arith.constant 0 : index
    %get3A_1081 = vector.load %arg12[%get3A_1079, %get3A_1080] : memref<7200x128xf32, #tpu.memory_space<vmem>>, vector<96x128xf32>
    %swap3A_1082 = arith.constant 192 : index
    %swap3A_1083 = arith.constant 4480 : index
    %swap3A_1084 = vector.load %arg13[%swap3A_1082, %swap3A_1083] : memref<288x6272xf32, #tpu.memory_space<vmem>>, vector<96x128xf32>
    tpu.vector_store %arg13[%swap3A_1082, %swap3A_1083], %get3A_1081 {strides = array<i32>} : memref<288x6272xf32, #tpu.memory_space<vmem>>, vector<96x128xf32>,
    %get3A_1085 = arith.constant 4864 : index
    %get3A_1086 = arith.constant 0 : index
    %get3A_1087 = vector.load %arg12[%get3A_1085, %get3A_1086] : memref<7200x128xf32, #tpu.memory_space<vmem>>, vector<96x128xf32>
    %swap3A_1088 = arith.constant 0 : index
    %swap3A_1089 = arith.constant 4608 : index
    %swap3A_1090 = vector.load %arg13[%swap3A_1088, %swap3A_1089] : memref<288x6272xf32, #tpu.memory_space<vmem>>, vector<96x128xf32>
    tpu.vector_store %arg13[%swap3A_1088, %swap3A_1089], %get3A_1087 {strides = array<i32>} : memref<288x6272xf32, #tpu.memory_space<vmem>>, vector<96x128xf32>,
    %get3A_1091 = arith.constant 5344 : index
    %get3A_1092 = arith.constant 0 : index
    %get3A_1093 = vector.load %arg12[%get3A_1091, %get3A_1092] : memref<7200x128xf32, #tpu.memory_space<vmem>>, vector<96x128xf32>
    %swap3A_1094 = arith.constant 96 : index
    %swap3A_1095 = arith.constant 4608 : index
    %swap3A_1096 = vector.load %arg13[%swap3A_1094, %swap3A_1095] : memref<288x6272xf32, #tpu.memory_space<vmem>>, vector<96x128xf32>
    tpu.vector_store %arg13[%swap3A_1094, %swap3A_1095], %get3A_1093 {strides = array<i32>} : memref<288x6272xf32, #tpu.memory_space<vmem>>, vector<96x128xf32>,
    %get3A_1097 = arith.constant 5824 : index
    %get3A_1098 = arith.constant 0 : index
    %get3A_1099 = vector.load %arg12[%get3A_1097, %get3A_1098] : memref<7200x128xf32, #tpu.memory_space<vmem>>, vector<96x128xf32>
    %swap3A_1100 = arith.constant 192 : index
    %swap3A_1101 = arith.constant 4608 : index
    %swap3A_1102 = vector.load %arg13[%swap3A_1100, %swap3A_1101] : memref<288x6272xf32, #tpu.memory_space<vmem>>, vector<96x128xf32>
    tpu.vector_store %arg13[%swap3A_1100, %swap3A_1101], %get3A_1099 {strides = array<i32>} : memref<288x6272xf32, #tpu.memory_space<vmem>>, vector<96x128xf32>,
    %get3A_1103 = arith.constant 4928 : index
    %get3A_1104 = arith.constant 0 : index
    %get3A_1105 = vector.load %arg12[%get3A_1103, %get3A_1104] : memref<7200x128xf32, #tpu.memory_space<vmem>>, vector<96x128xf32>
    %swap3A_1106 = arith.constant 0 : index
    %swap3A_1107 = arith.constant 4736 : index
    %swap3A_1108 = vector.load %arg13[%swap3A_1106, %swap3A_1107] : memref<288x6272xf32, #tpu.memory_space<vmem>>, vector<96x128xf32>
    tpu.vector_store %arg13[%swap3A_1106, %swap3A_1107], %get3A_1105 {strides = array<i32>} : memref<288x6272xf32, #tpu.memory_space<vmem>>, vector<96x128xf32>,
    %get3A_1109 = arith.constant 5408 : index
    %get3A_1110 = arith.constant 0 : index
    %get3A_1111 = vector.load %arg12[%get3A_1109, %get3A_1110] : memref<7200x128xf32, #tpu.memory_space<vmem>>, vector<96x128xf32>
    %swap3A_1112 = arith.constant 96 : index
    %swap3A_1113 = arith.constant 4736 : index
    %swap3A_1114 = vector.load %arg13[%swap3A_1112, %swap3A_1113] : memref<288x6272xf32, #tpu.memory_space<vmem>>, vector<96x128xf32>
    tpu.vector_store %arg13[%swap3A_1112, %swap3A_1113], %get3A_1111 {strides = array<i32>} : memref<288x6272xf32, #tpu.memory_space<vmem>>, vector<96x128xf32>,
    %get3A_1115 = arith.constant 5888 : index
    %get3A_1116 = arith.constant 0 : index
    %get3A_1117 = vector.load %arg12[%get3A_1115, %get3A_1116] : memref<7200x128xf32, #tpu.memory_space<vmem>>, vector<96x128xf32>
    %swap3A_1118 = arith.constant 192 : index
    %swap3A_1119 = arith.constant 4736 : index
    %swap3A_1120 = vector.load %arg13[%swap3A_1118, %swap3A_1119] : memref<288x6272xf32, #tpu.memory_space<vmem>>, vector<96x128xf32>
    tpu.vector_store %arg13[%swap3A_1118, %swap3A_1119], %get3A_1117 {strides = array<i32>} : memref<288x6272xf32, #tpu.memory_space<vmem>>, vector<96x128xf32>,
    %get3A_1121 = arith.constant 4992 : index
    %get3A_1122 = arith.constant 0 : index
    %get3A_1123 = vector.load %arg12[%get3A_1121, %get3A_1122] : memref<7200x128xf32, #tpu.memory_space<vmem>>, vector<96x128xf32>
    %swap3A_1124 = arith.constant 0 : index
    %swap3A_1125 = arith.constant 4864 : index
    %swap3A_1126 = vector.load %arg13[%swap3A_1124, %swap3A_1125] : memref<288x6272xf32, #tpu.memory_space<vmem>>, vector<96x128xf32>
    tpu.vector_store %arg13[%swap3A_1124, %swap3A_1125], %get3A_1123 {strides = array<i32>} : memref<288x6272xf32, #tpu.memory_space<vmem>>, vector<96x128xf32>,
    %get3A_1127 = arith.constant 5472 : index
    %get3A_1128 = arith.constant 0 : index
    %get3A_1129 = vector.load %arg12[%get3A_1127, %get3A_1128] : memref<7200x128xf32, #tpu.memory_space<vmem>>, vector<96x128xf32>
    %swap3A_1130 = arith.constant 96 : index
    %swap3A_1131 = arith.constant 4864 : index
    %swap3A_1132 = vector.load %arg13[%swap3A_1130, %swap3A_1131] : memref<288x6272xf32, #tpu.memory_space<vmem>>, vector<96x128xf32>
    tpu.vector_store %arg13[%swap3A_1130, %swap3A_1131], %get3A_1129 {strides = array<i32>} : memref<288x6272xf32, #tpu.memory_space<vmem>>, vector<96x128xf32>,
    %get3A_1133 = arith.constant 5952 : index
    %get3A_1134 = arith.constant 0 : index
    %get3A_1135 = vector.load %arg12[%get3A_1133, %get3A_1134] : memref<7200x128xf32, #tpu.memory_space<vmem>>, vector<96x128xf32>
    %swap3A_1136 = arith.constant 192 : index
    %swap3A_1137 = arith.constant 4864 : index
    %swap3A_1138 = vector.load %arg13[%swap3A_1136, %swap3A_1137] : memref<288x6272xf32, #tpu.memory_space<vmem>>, vector<96x128xf32>
    tpu.vector_store %arg13[%swap3A_1136, %swap3A_1137], %get3A_1135 {strides = array<i32>} : memref<288x6272xf32, #tpu.memory_space<vmem>>, vector<96x128xf32>,
    %get3A_1139 = arith.constant 5056 : index
    %get3A_1140 = arith.constant 0 : index
    %get3A_1141 = vector.load %arg12[%get3A_1139, %get3A_1140] : memref<7200x128xf32, #tpu.memory_space<vmem>>, vector<96x128xf32>
    %swap3A_1142 = arith.constant 0 : index
    %swap3A_1143 = arith.constant 4992 : index
    %swap3A_1144 = vector.load %arg13[%swap3A_1142, %swap3A_1143] : memref<288x6272xf32, #tpu.memory_space<vmem>>, vector<96x128xf32>
    tpu.vector_store %arg13[%swap3A_1142, %swap3A_1143], %get3A_1141 {strides = array<i32>} : memref<288x6272xf32, #tpu.memory_space<vmem>>, vector<96x128xf32>,
    %get3A_1145 = arith.constant 5536 : index
    %get3A_1146 = arith.constant 0 : index
    %get3A_1147 = vector.load %arg12[%get3A_1145, %get3A_1146] : memref<7200x128xf32, #tpu.memory_space<vmem>>, vector<96x128xf32>
    %swap3A_1148 = arith.constant 96 : index
    %swap3A_1149 = arith.constant 4992 : index
    %swap3A_1150 = vector.load %arg13[%swap3A_1148, %swap3A_1149] : memref<288x6272xf32, #tpu.memory_space<vmem>>, vector<96x128xf32>
    tpu.vector_store %arg13[%swap3A_1148, %swap3A_1149], %get3A_1147 {strides = array<i32>} : memref<288x6272xf32, #tpu.memory_space<vmem>>, vector<96x128xf32>,
    %get3A_1151 = arith.constant 6016 : index
    %get3A_1152 = arith.constant 0 : index
    %get3A_1153 = vector.load %arg12[%get3A_1151, %get3A_1152] : memref<7200x128xf32, #tpu.memory_space<vmem>>, vector<96x128xf32>
    %swap3A_1154 = arith.constant 192 : index
    %swap3A_1155 = arith.constant 4992 : index
    %swap3A_1156 = vector.load %arg13[%swap3A_1154, %swap3A_1155] : memref<288x6272xf32, #tpu.memory_space<vmem>>, vector<96x128xf32>
    tpu.vector_store %arg13[%swap3A_1154, %swap3A_1155], %get3A_1153 {strides = array<i32>} : memref<288x6272xf32, #tpu.memory_space<vmem>>, vector<96x128xf32>,
    %get3A_1157 = arith.constant 5120 : index
    %get3A_1158 = arith.constant 0 : index
    %get3A_1159 = vector.load %arg12[%get3A_1157, %get3A_1158] : memref<7200x128xf32, #tpu.memory_space<vmem>>, vector<96x128xf32>
    %swap3A_1160 = arith.constant 0 : index
    %swap3A_1161 = arith.constant 5120 : index
    %swap3A_1162 = vector.load %arg13[%swap3A_1160, %swap3A_1161] : memref<288x6272xf32, #tpu.memory_space<vmem>>, vector<96x128xf32>
    tpu.vector_store %arg13[%swap3A_1160, %swap3A_1161], %get3A_1159 {strides = array<i32>} : memref<288x6272xf32, #tpu.memory_space<vmem>>, vector<96x128xf32>,
    %get3A_1163 = arith.constant 5600 : index
    %get3A_1164 = arith.constant 0 : index
    %get3A_1165 = vector.load %arg12[%get3A_1163, %get3A_1164] : memref<7200x128xf32, #tpu.memory_space<vmem>>, vector<96x128xf32>
    %swap3A_1166 = arith.constant 96 : index
    %swap3A_1167 = arith.constant 5120 : index
    %swap3A_1168 = vector.load %arg13[%swap3A_1166, %swap3A_1167] : memref<288x6272xf32, #tpu.memory_space<vmem>>, vector<96x128xf32>
    tpu.vector_store %arg13[%swap3A_1166, %swap3A_1167], %get3A_1165 {strides = array<i32>} : memref<288x6272xf32, #tpu.memory_space<vmem>>, vector<96x128xf32>,
    %get3A_1169 = arith.constant 6080 : index
    %get3A_1170 = arith.constant 0 : index
    %get3A_1171 = vector.load %arg12[%get3A_1169, %get3A_1170] : memref<7200x128xf32, #tpu.memory_space<vmem>>, vector<96x128xf32>
    %swap3A_1172 = arith.constant 192 : index
    %swap3A_1173 = arith.constant 5120 : index
    %swap3A_1174 = vector.load %arg13[%swap3A_1172, %swap3A_1173] : memref<288x6272xf32, #tpu.memory_space<vmem>>, vector<96x128xf32>
    tpu.vector_store %arg13[%swap3A_1172, %swap3A_1173], %get3A_1171 {strides = array<i32>} : memref<288x6272xf32, #tpu.memory_space<vmem>>, vector<96x128xf32>,
    %get3A_1175 = arith.constant 5184 : index
    %get3A_1176 = arith.constant 0 : index
    %get3A_1177 = vector.load %arg12[%get3A_1175, %get3A_1176] : memref<7200x128xf32, #tpu.memory_space<vmem>>, vector<96x128xf32>
    %swap3A_1178 = arith.constant 0 : index
    %swap3A_1179 = arith.constant 5248 : index
    %swap3A_1180 = vector.load %arg13[%swap3A_1178, %swap3A_1179] : memref<288x6272xf32, #tpu.memory_space<vmem>>, vector<96x128xf32>
    tpu.vector_store %arg13[%swap3A_1178, %swap3A_1179], %get3A_1177 {strides = array<i32>} : memref<288x6272xf32, #tpu.memory_space<vmem>>, vector<96x128xf32>,
    %get3A_1181 = arith.constant 5664 : index
    %get3A_1182 = arith.constant 0 : index
    %get3A_1183 = vector.load %arg12[%get3A_1181, %get3A_1182] : memref<7200x128xf32, #tpu.memory_space<vmem>>, vector<96x128xf32>
    %swap3A_1184 = arith.constant 96 : index
    %swap3A_1185 = arith.constant 5248 : index
    %swap3A_1186 = vector.load %arg13[%swap3A_1184, %swap3A_1185] : memref<288x6272xf32, #tpu.memory_space<vmem>>, vector<96x128xf32>
    tpu.vector_store %arg13[%swap3A_1184, %swap3A_1185], %get3A_1183 {strides = array<i32>} : memref<288x6272xf32, #tpu.memory_space<vmem>>, vector<96x128xf32>,
    %get3A_1187 = arith.constant 6144 : index
    %get3A_1188 = arith.constant 0 : index
    %get3A_1189 = vector.load %arg12[%get3A_1187, %get3A_1188] : memref<7200x128xf32, #tpu.memory_space<vmem>>, vector<96x128xf32>
    %swap3A_1190 = arith.constant 192 : index
    %swap3A_1191 = arith.constant 5248 : index
    %swap3A_1192 = vector.load %arg13[%swap3A_1190, %swap3A_1191] : memref<288x6272xf32, #tpu.memory_space<vmem>>, vector<96x128xf32>
    tpu.vector_store %arg13[%swap3A_1190, %swap3A_1191], %get3A_1189 {strides = array<i32>} : memref<288x6272xf32, #tpu.memory_space<vmem>>, vector<96x128xf32>,
    %get3A_1193 = arith.constant 5760 : index
    %get3A_1194 = arith.constant 0 : index
    %get3A_1195 = vector.load %arg12[%get3A_1193, %get3A_1194] : memref<7200x128xf32, #tpu.memory_space<vmem>>, vector<96x128xf32>
    %swap3A_1196 = arith.constant 0 : index
    %swap3A_1197 = arith.constant 5376 : index
    %swap3A_1198 = vector.load %arg13[%swap3A_1196, %swap3A_1197] : memref<288x6272xf32, #tpu.memory_space<vmem>>, vector<96x128xf32>
    tpu.vector_store %arg13[%swap3A_1196, %swap3A_1197], %get3A_1195 {strides = array<i32>} : memref<288x6272xf32, #tpu.memory_space<vmem>>, vector<96x128xf32>,
    %get3A_1199 = arith.constant 6240 : index
    %get3A_1200 = arith.constant 0 : index
    %get3A_1201 = vector.load %arg12[%get3A_1199, %get3A_1200] : memref<7200x128xf32, #tpu.memory_space<vmem>>, vector<96x128xf32>
    %swap3A_1202 = arith.constant 96 : index
    %swap3A_1203 = arith.constant 5376 : index
    %swap3A_1204 = vector.load %arg13[%swap3A_1202, %swap3A_1203] : memref<288x6272xf32, #tpu.memory_space<vmem>>, vector<96x128xf32>
    tpu.vector_store %arg13[%swap3A_1202, %swap3A_1203], %get3A_1201 {strides = array<i32>} : memref<288x6272xf32, #tpu.memory_space<vmem>>, vector<96x128xf32>,
    %get3A_1205 = arith.constant 6720 : index
    %get3A_1206 = arith.constant 0 : index
    %get3A_1207 = vector.load %arg12[%get3A_1205, %get3A_1206] : memref<7200x128xf32, #tpu.memory_space<vmem>>, vector<96x128xf32>
    %swap3A_1208 = arith.constant 192 : index
    %swap3A_1209 = arith.constant 5376 : index
    %swap3A_1210 = vector.load %arg13[%swap3A_1208, %swap3A_1209] : memref<288x6272xf32, #tpu.memory_space<vmem>>, vector<96x128xf32>
    tpu.vector_store %arg13[%swap3A_1208, %swap3A_1209], %get3A_1207 {strides = array<i32>} : memref<288x6272xf32, #tpu.memory_space<vmem>>, vector<96x128xf32>,
    %get3A_1211 = arith.constant 5824 : index
    %get3A_1212 = arith.constant 0 : index
    %get3A_1213 = vector.load %arg12[%get3A_1211, %get3A_1212] : memref<7200x128xf32, #tpu.memory_space<vmem>>, vector<96x128xf32>
    %swap3A_1214 = arith.constant 0 : index
    %swap3A_1215 = arith.constant 5504 : index
    %swap3A_1216 = vector.load %arg13[%swap3A_1214, %swap3A_1215] : memref<288x6272xf32, #tpu.memory_space<vmem>>, vector<96x128xf32>
    tpu.vector_store %arg13[%swap3A_1214, %swap3A_1215], %get3A_1213 {strides = array<i32>} : memref<288x6272xf32, #tpu.memory_space<vmem>>, vector<96x128xf32>,
    %get3A_1217 = arith.constant 6304 : index
    %get3A_1218 = arith.constant 0 : index
    %get3A_1219 = vector.load %arg12[%get3A_1217, %get3A_1218] : memref<7200x128xf32, #tpu.memory_space<vmem>>, vector<96x128xf32>
    %swap3A_1220 = arith.constant 96 : index
    %swap3A_1221 = arith.constant 5504 : index
    %swap3A_1222 = vector.load %arg13[%swap3A_1220, %swap3A_1221] : memref<288x6272xf32, #tpu.memory_space<vmem>>, vector<96x128xf32>
    tpu.vector_store %arg13[%swap3A_1220, %swap3A_1221], %get3A_1219 {strides = array<i32>} : memref<288x6272xf32, #tpu.memory_space<vmem>>, vector<96x128xf32>,
    %get3A_1223 = arith.constant 6784 : index
    %get3A_1224 = arith.constant 0 : index
    %get3A_1225 = vector.load %arg12[%get3A_1223, %get3A_1224] : memref<7200x128xf32, #tpu.memory_space<vmem>>, vector<96x128xf32>
    %swap3A_1226 = arith.constant 192 : index
    %swap3A_1227 = arith.constant 5504 : index
    %swap3A_1228 = vector.load %arg13[%swap3A_1226, %swap3A_1227] : memref<288x6272xf32, #tpu.memory_space<vmem>>, vector<96x128xf32>
    tpu.vector_store %arg13[%swap3A_1226, %swap3A_1227], %get3A_1225 {strides = array<i32>} : memref<288x6272xf32, #tpu.memory_space<vmem>>, vector<96x128xf32>,
    %get3A_1229 = arith.constant 5888 : index
    %get3A_1230 = arith.constant 0 : index
    %get3A_1231 = vector.load %arg12[%get3A_1229, %get3A_1230] : memref<7200x128xf32, #tpu.memory_space<vmem>>, vector<96x128xf32>
    %swap3A_1232 = arith.constant 0 : index
    %swap3A_1233 = arith.constant 5632 : index
    %swap3A_1234 = vector.load %arg13[%swap3A_1232, %swap3A_1233] : memref<288x6272xf32, #tpu.memory_space<vmem>>, vector<96x128xf32>
    tpu.vector_store %arg13[%swap3A_1232, %swap3A_1233], %get3A_1231 {strides = array<i32>} : memref<288x6272xf32, #tpu.memory_space<vmem>>, vector<96x128xf32>,
    %get3A_1235 = arith.constant 6368 : index
    %get3A_1236 = arith.constant 0 : index
    %get3A_1237 = vector.load %arg12[%get3A_1235, %get3A_1236] : memref<7200x128xf32, #tpu.memory_space<vmem>>, vector<96x128xf32>
    %swap3A_1238 = arith.constant 96 : index
    %swap3A_1239 = arith.constant 5632 : index
    %swap3A_1240 = vector.load %arg13[%swap3A_1238, %swap3A_1239] : memref<288x6272xf32, #tpu.memory_space<vmem>>, vector<96x128xf32>
    tpu.vector_store %arg13[%swap3A_1238, %swap3A_1239], %get3A_1237 {strides = array<i32>} : memref<288x6272xf32, #tpu.memory_space<vmem>>, vector<96x128xf32>,
    %get3A_1241 = arith.constant 6848 : index
    %get3A_1242 = arith.constant 0 : index
    %get3A_1243 = vector.load %arg12[%get3A_1241, %get3A_1242] : memref<7200x128xf32, #tpu.memory_space<vmem>>, vector<96x128xf32>
    %swap3A_1244 = arith.constant 192 : index
    %swap3A_1245 = arith.constant 5632 : index
    %swap3A_1246 = vector.load %arg13[%swap3A_1244, %swap3A_1245] : memref<288x6272xf32, #tpu.memory_space<vmem>>, vector<96x128xf32>
    tpu.vector_store %arg13[%swap3A_1244, %swap3A_1245], %get3A_1243 {strides = array<i32>} : memref<288x6272xf32, #tpu.memory_space<vmem>>, vector<96x128xf32>,
    %get3A_1247 = arith.constant 5952 : index
    %get3A_1248 = arith.constant 0 : index
    %get3A_1249 = vector.load %arg12[%get3A_1247, %get3A_1248] : memref<7200x128xf32, #tpu.memory_space<vmem>>, vector<96x128xf32>
    %swap3A_1250 = arith.constant 0 : index
    %swap3A_1251 = arith.constant 5760 : index
    %swap3A_1252 = vector.load %arg13[%swap3A_1250, %swap3A_1251] : memref<288x6272xf32, #tpu.memory_space<vmem>>, vector<96x128xf32>
    tpu.vector_store %arg13[%swap3A_1250, %swap3A_1251], %get3A_1249 {strides = array<i32>} : memref<288x6272xf32, #tpu.memory_space<vmem>>, vector<96x128xf32>,
    %get3A_1253 = arith.constant 6432 : index
    %get3A_1254 = arith.constant 0 : index
    %get3A_1255 = vector.load %arg12[%get3A_1253, %get3A_1254] : memref<7200x128xf32, #tpu.memory_space<vmem>>, vector<96x128xf32>
    %swap3A_1256 = arith.constant 96 : index
    %swap3A_1257 = arith.constant 5760 : index
    %swap3A_1258 = vector.load %arg13[%swap3A_1256, %swap3A_1257] : memref<288x6272xf32, #tpu.memory_space<vmem>>, vector<96x128xf32>
    tpu.vector_store %arg13[%swap3A_1256, %swap3A_1257], %get3A_1255 {strides = array<i32>} : memref<288x6272xf32, #tpu.memory_space<vmem>>, vector<96x128xf32>,
    %get3A_1259 = arith.constant 6912 : index
    %get3A_1260 = arith.constant 0 : index
    %get3A_1261 = vector.load %arg12[%get3A_1259, %get3A_1260] : memref<7200x128xf32, #tpu.memory_space<vmem>>, vector<96x128xf32>
    %swap3A_1262 = arith.constant 192 : index
    %swap3A_1263 = arith.constant 5760 : index
    %swap3A_1264 = vector.load %arg13[%swap3A_1262, %swap3A_1263] : memref<288x6272xf32, #tpu.memory_space<vmem>>, vector<96x128xf32>
    tpu.vector_store %arg13[%swap3A_1262, %swap3A_1263], %get3A_1261 {strides = array<i32>} : memref<288x6272xf32, #tpu.memory_space<vmem>>, vector<96x128xf32>,
    %get3A_1265 = arith.constant 6016 : index
    %get3A_1266 = arith.constant 0 : index
    %get3A_1267 = vector.load %arg12[%get3A_1265, %get3A_1266] : memref<7200x128xf32, #tpu.memory_space<vmem>>, vector<96x128xf32>
    %swap3A_1268 = arith.constant 0 : index
    %swap3A_1269 = arith.constant 5888 : index
    %swap3A_1270 = vector.load %arg13[%swap3A_1268, %swap3A_1269] : memref<288x6272xf32, #tpu.memory_space<vmem>>, vector<96x128xf32>
    tpu.vector_store %arg13[%swap3A_1268, %swap3A_1269], %get3A_1267 {strides = array<i32>} : memref<288x6272xf32, #tpu.memory_space<vmem>>, vector<96x128xf32>,
    %get3A_1271 = arith.constant 6496 : index
    %get3A_1272 = arith.constant 0 : index
    %get3A_1273 = vector.load %arg12[%get3A_1271, %get3A_1272] : memref<7200x128xf32, #tpu.memory_space<vmem>>, vector<96x128xf32>
    %swap3A_1274 = arith.constant 96 : index
    %swap3A_1275 = arith.constant 5888 : index
    %swap3A_1276 = vector.load %arg13[%swap3A_1274, %swap3A_1275] : memref<288x6272xf32, #tpu.memory_space<vmem>>, vector<96x128xf32>
    tpu.vector_store %arg13[%swap3A_1274, %swap3A_1275], %get3A_1273 {strides = array<i32>} : memref<288x6272xf32, #tpu.memory_space<vmem>>, vector<96x128xf32>,
    %get3A_1277 = arith.constant 6976 : index
    %get3A_1278 = arith.constant 0 : index
    %get3A_1279 = vector.load %arg12[%get3A_1277, %get3A_1278] : memref<7200x128xf32, #tpu.memory_space<vmem>>, vector<96x128xf32>
    %swap3A_1280 = arith.constant 192 : index
    %swap3A_1281 = arith.constant 5888 : index
    %swap3A_1282 = vector.load %arg13[%swap3A_1280, %swap3A_1281] : memref<288x6272xf32, #tpu.memory_space<vmem>>, vector<96x128xf32>
    tpu.vector_store %arg13[%swap3A_1280, %swap3A_1281], %get3A_1279 {strides = array<i32>} : memref<288x6272xf32, #tpu.memory_space<vmem>>, vector<96x128xf32>,
    %get3A_1283 = arith.constant 6080 : index
    %get3A_1284 = arith.constant 0 : index
    %get3A_1285 = vector.load %arg12[%get3A_1283, %get3A_1284] : memref<7200x128xf32, #tpu.memory_space<vmem>>, vector<96x128xf32>
    %swap3A_1286 = arith.constant 0 : index
    %swap3A_1287 = arith.constant 6016 : index
    %swap3A_1288 = vector.load %arg13[%swap3A_1286, %swap3A_1287] : memref<288x6272xf32, #tpu.memory_space<vmem>>, vector<96x128xf32>
    tpu.vector_store %arg13[%swap3A_1286, %swap3A_1287], %get3A_1285 {strides = array<i32>} : memref<288x6272xf32, #tpu.memory_space<vmem>>, vector<96x128xf32>,
    %get3A_1289 = arith.constant 6560 : index
    %get3A_1290 = arith.constant 0 : index
    %get3A_1291 = vector.load %arg12[%get3A_1289, %get3A_1290] : memref<7200x128xf32, #tpu.memory_space<vmem>>, vector<96x128xf32>
    %swap3A_1292 = arith.constant 96 : index
    %swap3A_1293 = arith.constant 6016 : index
    %swap3A_1294 = vector.load %arg13[%swap3A_1292, %swap3A_1293] : memref<288x6272xf32, #tpu.memory_space<vmem>>, vector<96x128xf32>
    tpu.vector_store %arg13[%swap3A_1292, %swap3A_1293], %get3A_1291 {strides = array<i32>} : memref<288x6272xf32, #tpu.memory_space<vmem>>, vector<96x128xf32>,
    %get3A_1295 = arith.constant 7040 : index
    %get3A_1296 = arith.constant 0 : index
    %get3A_1297 = vector.load %arg12[%get3A_1295, %get3A_1296] : memref<7200x128xf32, #tpu.memory_space<vmem>>, vector<96x128xf32>
    %swap3A_1298 = arith.constant 192 : index
    %swap3A_1299 = arith.constant 6016 : index
    %swap3A_1300 = vector.load %arg13[%swap3A_1298, %swap3A_1299] : memref<288x6272xf32, #tpu.memory_space<vmem>>, vector<96x128xf32>
    tpu.vector_store %arg13[%swap3A_1298, %swap3A_1299], %get3A_1297 {strides = array<i32>} : memref<288x6272xf32, #tpu.memory_space<vmem>>, vector<96x128xf32>,
    %get3A_1301 = arith.constant 6144 : index
    %get3A_1302 = arith.constant 0 : index
    %get3A_1303 = vector.load %arg12[%get3A_1301, %get3A_1302] : memref<7200x128xf32, #tpu.memory_space<vmem>>, vector<96x128xf32>
    %swap3A_1304 = arith.constant 0 : index
    %swap3A_1305 = arith.constant 6144 : index
    %swap3A_1306 = vector.load %arg13[%swap3A_1304, %swap3A_1305] : memref<288x6272xf32, #tpu.memory_space<vmem>>, vector<96x128xf32>
    tpu.vector_store %arg13[%swap3A_1304, %swap3A_1305], %get3A_1303 {strides = array<i32>} : memref<288x6272xf32, #tpu.memory_space<vmem>>, vector<96x128xf32>,
    %get3A_1307 = arith.constant 6624 : index
    %get3A_1308 = arith.constant 0 : index
    %get3A_1309 = vector.load %arg12[%get3A_1307, %get3A_1308] : memref<7200x128xf32, #tpu.memory_space<vmem>>, vector<96x128xf32>
    %swap3A_1310 = arith.constant 96 : index
    %swap3A_1311 = arith.constant 6144 : index
    %swap3A_1312 = vector.load %arg13[%swap3A_1310, %swap3A_1311] : memref<288x6272xf32, #tpu.memory_space<vmem>>, vector<96x128xf32>
    tpu.vector_store %arg13[%swap3A_1310, %swap3A_1311], %get3A_1309 {strides = array<i32>} : memref<288x6272xf32, #tpu.memory_space<vmem>>, vector<96x128xf32>,
    %get3A_1313 = arith.constant 7104 : index
    %get3A_1314 = arith.constant 0 : index
    %get3A_1315 = vector.load %arg12[%get3A_1313, %get3A_1314] : memref<7200x128xf32, #tpu.memory_space<vmem>>, vector<96x128xf32>
    %swap3A_1316 = arith.constant 192 : index
    %swap3A_1317 = arith.constant 6144 : index
    %swap3A_1318 = vector.load %arg13[%swap3A_1316, %swap3A_1317] : memref<288x6272xf32, #tpu.memory_space<vmem>>, vector<96x128xf32>
    tpu.vector_store %arg13[%swap3A_1316, %swap3A_1317], %get3A_1315 {strides = array<i32>} : memref<288x6272xf32, #tpu.memory_space<vmem>>, vector<96x128xf32>,
    %get3A_1319 = arith.constant 0 : index
    %get3A_1320 = arith.constant 0 : index
    %get3A_1321 = vector.load %arg4[%get3A_1319, %get3A_1320] : memref<64x288xf32, #tpu.memory_space<vmem>>, vector<64x288xf32>
    %get3A_1322 = arith.constant 0 : index
    %get3A_1323 = arith.constant 0 : index
    %get3A_1324 = vector.load %arg13[%get3A_1322, %get3A_1323] : memref<288x6272xf32, #tpu.memory_space<vmem>>, vector<288x6272xf32>
    %dot_general3A_1325 = arith.constant dense<0.000000e+00> : vector<64x6272xf32>
    %dot_general3A_1326 = tpu.matmul %get3A_1321, %get3A_1324, %dot_general3A_1325 {dimension_numbers = #tpu.dot_dimension_numbers<[1], [0], [0], [1], [0, 0, 1, 1], [], []>, transpose_lhs_hint = false} : vector<64x288xf32>, vector<288x6272xf32>, vector<64x6272xf32> -> vector<64x6272xf32>
    %get3A_1327 = arith.constant 0 : index
    %get3A_1328 = arith.constant 0 : index
    %get3A_1329 = vector.load %arg5[%get3A_1327, %get3A_1328] : memref<64x1xf32, #tpu.memory_space<vmem>>, vector<64x1xf32>
    %add3A_1330 = vector.broadcast %get3A_1329 : vector<64x1xf32> to vector<64x6272xf32>
    %add3A_1331 = arith.addf %dot_general3A_1326, %add3A_1330 : vector<64x6272xf32>
    %max3A_1332 = arith.constant 0.000000e+00 : f32
    %max3A_1333 = vector.broadcast %max3A_1332 : f32 to vector<64x6272xf32>
    %max3A_1334 = arith.maximumf %add3A_1331, %max3A_1333 : vector<64x6272xf32>
    %slice3A = vector.extract_strided_slice %max3A_1334 {offsets = [0, 0], sizes = [64, 128], strides = [1, 1]} : vector<64x6272xf32> to vector<64x128xf32>
    %swap3A_1335 = arith.constant 0 : index
    %swap3A_1336 = arith.constant 0 : index
    %swap3A_1337 = vector.load %arg14[%swap3A_1335, %swap3A_1336] : memref<3136x128xf32, #tpu.memory_space<vmem>>, vector<64x128xf32>
    tpu.vector_store %arg14[%swap3A_1335, %swap3A_1336], %slice3A {strides = array<i32>} : memref<3136x128xf32, #tpu.memory_space<vmem>>, vector<64x128xf32>,
    %slice3A_1338 = vector.extract_strided_slice %max3A_1334 {offsets = [0, 128], sizes = [64, 128], strides = [1, 1]} : vector<64x6272xf32> to vector<64x128xf32>
    %swap3A_1339 = arith.constant 64 : index
    %swap3A_1340 = arith.constant 0 : index
    %swap3A_1341 = vector.load %arg14[%swap3A_1339, %swap3A_1340] : memref<3136x128xf32, #tpu.memory_space<vmem>>, vector<64x128xf32>
    tpu.vector_store %arg14[%swap3A_1339, %swap3A_1340], %slice3A_1338 {strides = array<i32>} : memref<3136x128xf32, #tpu.memory_space<vmem>>, vector<64x128xf32>,
    %slice3A_1342 = vector.extract_strided_slice %max3A_1334 {offsets = [0, 256], sizes = [64, 128], strides = [1, 1]} : vector<64x6272xf32> to vector<64x128xf32>
    %swap3A_1343 = arith.constant 128 : index
    %swap3A_1344 = arith.constant 0 : index
    %swap3A_1345 = vector.load %arg14[%swap3A_1343, %swap3A_1344] : memref<3136x128xf32, #tpu.memory_space<vmem>>, vector<64x128xf32>
    tpu.vector_store %arg14[%swap3A_1343, %swap3A_1344], %slice3A_1342 {strides = array<i32>} : memref<3136x128xf32, #tpu.memory_space<vmem>>, vector<64x128xf32>,
    %slice3A_1346 = vector.extract_strided_slice %max3A_1334 {offsets = [0, 384], sizes = [64, 128], strides = [1, 1]} : vector<64x6272xf32> to vector<64x128xf32>
    %swap3A_1347 = arith.constant 192 : index
    %swap3A_1348 = arith.constant 0 : index
    %swap3A_1349 = vector.load %arg14[%swap3A_1347, %swap3A_1348] : memref<3136x128xf32, #tpu.memory_space<vmem>>, vector<64x128xf32>
    tpu.vector_store %arg14[%swap3A_1347, %swap3A_1348], %slice3A_1346 {strides = array<i32>} : memref<3136x128xf32, #tpu.memory_space<vmem>>, vector<64x128xf32>,
    %slice3A_1350 = vector.extract_strided_slice %max3A_1334 {offsets = [0, 512], sizes = [64, 128], strides = [1, 1]} : vector<64x6272xf32> to vector<64x128xf32>
    %swap3A_1351 = arith.constant 256 : index
    %swap3A_1352 = arith.constant 0 : index
    %swap3A_1353 = vector.load %arg14[%swap3A_1351, %swap3A_1352] : memref<3136x128xf32, #tpu.memory_space<vmem>>, vector<64x128xf32>
    tpu.vector_store %arg14[%swap3A_1351, %swap3A_1352], %slice3A_1350 {strides = array<i32>} : memref<3136x128xf32, #tpu.memory_space<vmem>>, vector<64x128xf32>,
    %slice3A_1354 = vector.extract_strided_slice %max3A_1334 {offsets = [0, 640], sizes = [64, 128], strides = [1, 1]} : vector<64x6272xf32> to vector<64x128xf32>
    %swap3A_1355 = arith.constant 320 : index
    %swap3A_1356 = arith.constant 0 : index
    %swap3A_1357 = vector.load %arg14[%swap3A_1355, %swap3A_1356] : memref<3136x128xf32, #tpu.memory_space<vmem>>, vector<64x128xf32>
    tpu.vector_store %arg14[%swap3A_1355, %swap3A_1356], %slice3A_1354 {strides = array<i32>} : memref<3136x128xf32, #tpu.memory_space<vmem>>, vector<64x128xf32>,
    %slice3A_1358 = vector.extract_strided_slice %max3A_1334 {offsets = [0, 768], sizes = [64, 128], strides = [1, 1]} : vector<64x6272xf32> to vector<64x128xf32>
    %swap3A_1359 = arith.constant 384 : index
    %swap3A_1360 = arith.constant 0 : index
    %swap3A_1361 = vector.load %arg14[%swap3A_1359, %swap3A_1360] : memref<3136x128xf32, #tpu.memory_space<vmem>>, vector<64x128xf32>
    tpu.vector_store %arg14[%swap3A_1359, %swap3A_1360], %slice3A_1358 {strides = array<i32>} : memref<3136x128xf32, #tpu.memory_space<vmem>>, vector<64x128xf32>,
    %slice3A_1362 = vector.extract_strided_slice %max3A_1334 {offsets = [0, 896], sizes = [64, 128], strides = [1, 1]} : vector<64x6272xf32> to vector<64x128xf32>
    %swap3A_1363 = arith.constant 448 : index
    %swap3A_1364 = arith.constant 0 : index
    %swap3A_1365 = vector.load %arg14[%swap3A_1363, %swap3A_1364] : memref<3136x128xf32, #tpu.memory_space<vmem>>, vector<64x128xf32>
    tpu.vector_store %arg14[%swap3A_1363, %swap3A_1364], %slice3A_1362 {strides = array<i32>} : memref<3136x128xf32, #tpu.memory_space<vmem>>, vector<64x128xf32>,
    %slice3A_1366 = vector.extract_strided_slice %max3A_1334 {offsets = [0, 1024], sizes = [64, 128], strides = [1, 1]} : vector<64x6272xf32> to vector<64x128xf32>
    %swap3A_1367 = arith.constant 512 : index
    %swap3A_1368 = arith.constant 0 : index
    %swap3A_1369 = vector.load %arg14[%swap3A_1367, %swap3A_1368] : memref<3136x128xf32, #tpu.memory_space<vmem>>, vector<64x128xf32>
    tpu.vector_store %arg14[%swap3A_1367, %swap3A_1368], %slice3A_1366 {strides = array<i32>} : memref<3136x128xf32, #tpu.memory_space<vmem>>, vector<64x128xf32>,
    %slice3A_1370 = vector.extract_strided_slice %max3A_1334 {offsets = [0, 1152], sizes = [64, 128], strides = [1, 1]} : vector<64x6272xf32> to vector<64x128xf32>
    %swap3A_1371 = arith.constant 576 : index
    %swap3A_1372 = arith.constant 0 : index
    %swap3A_1373 = vector.load %arg14[%swap3A_1371, %swap3A_1372] : memref<3136x128xf32, #tpu.memory_space<vmem>>, vector<64x128xf32>
    tpu.vector_store %arg14[%swap3A_1371, %swap3A_1372], %slice3A_1370 {strides = array<i32>} : memref<3136x128xf32, #tpu.memory_space<vmem>>, vector<64x128xf32>,
    %slice3A_1374 = vector.extract_strided_slice %max3A_1334 {offsets = [0, 1280], sizes = [64, 128], strides = [1, 1]} : vector<64x6272xf32> to vector<64x128xf32>
    %swap3A_1375 = arith.constant 640 : index
    %swap3A_1376 = arith.constant 0 : index
    %swap3A_1377 = vector.load %arg14[%swap3A_1375, %swap3A_1376] : memref<3136x128xf32, #tpu.memory_space<vmem>>, vector<64x128xf32>
    tpu.vector_store %arg14[%swap3A_1375, %swap3A_1376], %slice3A_1374 {strides = array<i32>} : memref<3136x128xf32, #tpu.memory_space<vmem>>, vector<64x128xf32>,
    %slice3A_1378 = vector.extract_strided_slice %max3A_1334 {offsets = [0, 1408], sizes = [64, 128], strides = [1, 1]} : vector<64x6272xf32> to vector<64x128xf32>
    %swap3A_1379 = arith.constant 704 : index
    %swap3A_1380 = arith.constant 0 : index
    %swap3A_1381 = vector.load %arg14[%swap3A_1379, %swap3A_1380] : memref<3136x128xf32, #tpu.memory_space<vmem>>, vector<64x128xf32>
    tpu.vector_store %arg14[%swap3A_1379, %swap3A_1380], %slice3A_1378 {strides = array<i32>} : memref<3136x128xf32, #tpu.memory_space<vmem>>, vector<64x128xf32>,
    %slice3A_1382 = vector.extract_strided_slice %max3A_1334 {offsets = [0, 1536], sizes = [64, 128], strides = [1, 1]} : vector<64x6272xf32> to vector<64x128xf32>
    %swap3A_1383 = arith.constant 768 : index
    %swap3A_1384 = arith.constant 0 : index
    %swap3A_1385 = vector.load %arg14[%swap3A_1383, %swap3A_1384] : memref<3136x128xf32, #tpu.memory_space<vmem>>, vector<64x128xf32>
    tpu.vector_store %arg14[%swap3A_1383, %swap3A_1384], %slice3A_1382 {strides = array<i32>} : memref<3136x128xf32, #tpu.memory_space<vmem>>, vector<64x128xf32>,
    %slice3A_1386 = vector.extract_strided_slice %max3A_1334 {offsets = [0, 1664], sizes = [64, 128], strides = [1, 1]} : vector<64x6272xf32> to vector<64x128xf32>
    %swap3A_1387 = arith.constant 832 : index
    %swap3A_1388 = arith.constant 0 : index
    %swap3A_1389 = vector.load %arg14[%swap3A_1387, %swap3A_1388] : memref<3136x128xf32, #tpu.memory_space<vmem>>, vector<64x128xf32>
    tpu.vector_store %arg14[%swap3A_1387, %swap3A_1388], %slice3A_1386 {strides = array<i32>} : memref<3136x128xf32, #tpu.memory_space<vmem>>, vector<64x128xf32>,
    %slice3A_1390 = vector.extract_strided_slice %max3A_1334 {offsets = [0, 1792], sizes = [64, 128], strides = [1, 1]} : vector<64x6272xf32> to vector<64x128xf32>
    %swap3A_1391 = arith.constant 896 : index
    %swap3A_1392 = arith.constant 0 : index
    %swap3A_1393 = vector.load %arg14[%swap3A_1391, %swap3A_1392] : memref<3136x128xf32, #tpu.memory_space<vmem>>, vector<64x128xf32>
    tpu.vector_store %arg14[%swap3A_1391, %swap3A_1392], %slice3A_1390 {strides = array<i32>} : memref<3136x128xf32, #tpu.memory_space<vmem>>, vector<64x128xf32>,
    %slice3A_1394 = vector.extract_strided_slice %max3A_1334 {offsets = [0, 1920], sizes = [64, 128], strides = [1, 1]} : vector<64x6272xf32> to vector<64x128xf32>
    %swap3A_1395 = arith.constant 960 : index
    %swap3A_1396 = arith.constant 0 : index
    %swap3A_1397 = vector.load %arg14[%swap3A_1395, %swap3A_1396] : memref<3136x128xf32, #tpu.memory_space<vmem>>, vector<64x128xf32>
    tpu.vector_store %arg14[%swap3A_1395, %swap3A_1396], %slice3A_1394 {strides = array<i32>} : memref<3136x128xf32, #tpu.memory_space<vmem>>, vector<64x128xf32>,
    %slice3A_1398 = vector.extract_strided_slice %max3A_1334 {offsets = [0, 2048], sizes = [64, 128], strides = [1, 1]} : vector<64x6272xf32> to vector<64x128xf32>
    %swap3A_1399 = arith.constant 1024 : index
    %swap3A_1400 = arith.constant 0 : index
    %swap3A_1401 = vector.load %arg14[%swap3A_1399, %swap3A_1400] : memref<3136x128xf32, #tpu.memory_space<vmem>>, vector<64x128xf32>
    tpu.vector_store %arg14[%swap3A_1399, %swap3A_1400], %slice3A_1398 {strides = array<i32>} : memref<3136x128xf32, #tpu.memory_space<vmem>>, vector<64x128xf32>,
    %slice3A_1402 = vector.extract_strided_slice %max3A_1334 {offsets = [0, 2176], sizes = [64, 128], strides = [1, 1]} : vector<64x6272xf32> to vector<64x128xf32>
    %swap3A_1403 = arith.constant 1088 : index
    %swap3A_1404 = arith.constant 0 : index
    %swap3A_1405 = vector.load %arg14[%swap3A_1403, %swap3A_1404] : memref<3136x128xf32, #tpu.memory_space<vmem>>, vector<64x128xf32>
    tpu.vector_store %arg14[%swap3A_1403, %swap3A_1404], %slice3A_1402 {strides = array<i32>} : memref<3136x128xf32, #tpu.memory_space<vmem>>, vector<64x128xf32>,
    %slice3A_1406 = vector.extract_strided_slice %max3A_1334 {offsets = [0, 2304], sizes = [64, 128], strides = [1, 1]} : vector<64x6272xf32> to vector<64x128xf32>
    %swap3A_1407 = arith.constant 1152 : index
    %swap3A_1408 = arith.constant 0 : index
    %swap3A_1409 = vector.load %arg14[%swap3A_1407, %swap3A_1408] : memref<3136x128xf32, #tpu.memory_space<vmem>>, vector<64x128xf32>
    tpu.vector_store %arg14[%swap3A_1407, %swap3A_1408], %slice3A_1406 {strides = array<i32>} : memref<3136x128xf32, #tpu.memory_space<vmem>>, vector<64x128xf32>,
    %slice3A_1410 = vector.extract_strided_slice %max3A_1334 {offsets = [0, 2432], sizes = [64, 128], strides = [1, 1]} : vector<64x6272xf32> to vector<64x128xf32>
    %swap3A_1411 = arith.constant 1216 : index
    %swap3A_1412 = arith.constant 0 : index
    %swap3A_1413 = vector.load %arg14[%swap3A_1411, %swap3A_1412] : memref<3136x128xf32, #tpu.memory_space<vmem>>, vector<64x128xf32>
    tpu.vector_store %arg14[%swap3A_1411, %swap3A_1412], %slice3A_1410 {strides = array<i32>} : memref<3136x128xf32, #tpu.memory_space<vmem>>, vector<64x128xf32>,
    %slice3A_1414 = vector.extract_strided_slice %max3A_1334 {offsets = [0, 2560], sizes = [64, 128], strides = [1, 1]} : vector<64x6272xf32> to vector<64x128xf32>
    %swap3A_1415 = arith.constant 1280 : index
    %swap3A_1416 = arith.constant 0 : index
    %swap3A_1417 = vector.load %arg14[%swap3A_1415, %swap3A_1416] : memref<3136x128xf32, #tpu.memory_space<vmem>>, vector<64x128xf32>
    tpu.vector_store %arg14[%swap3A_1415, %swap3A_1416], %slice3A_1414 {strides = array<i32>} : memref<3136x128xf32, #tpu.memory_space<vmem>>, vector<64x128xf32>,
    %slice3A_1418 = vector.extract_strided_slice %max3A_1334 {offsets = [0, 2688], sizes = [64, 128], strides = [1, 1]} : vector<64x6272xf32> to vector<64x128xf32>
    %swap3A_1419 = arith.constant 1344 : index
    %swap3A_1420 = arith.constant 0 : index
    %swap3A_1421 = vector.load %arg14[%swap3A_1419, %swap3A_1420] : memref<3136x128xf32, #tpu.memory_space<vmem>>, vector<64x128xf32>
    tpu.vector_store %arg14[%swap3A_1419, %swap3A_1420], %slice3A_1418 {strides = array<i32>} : memref<3136x128xf32, #tpu.memory_space<vmem>>, vector<64x128xf32>,
    %slice3A_1422 = vector.extract_strided_slice %max3A_1334 {offsets = [0, 2816], sizes = [64, 128], strides = [1, 1]} : vector<64x6272xf32> to vector<64x128xf32>
    %swap3A_1423 = arith.constant 1408 : index
    %swap3A_1424 = arith.constant 0 : index
    %swap3A_1425 = vector.load %arg14[%swap3A_1423, %swap3A_1424] : memref<3136x128xf32, #tpu.memory_space<vmem>>, vector<64x128xf32>
    tpu.vector_store %arg14[%swap3A_1423, %swap3A_1424], %slice3A_1422 {strides = array<i32>} : memref<3136x128xf32, #tpu.memory_space<vmem>>, vector<64x128xf32>,
    %slice3A_1426 = vector.extract_strided_slice %max3A_1334 {offsets = [0, 2944], sizes = [64, 128], strides = [1, 1]} : vector<64x6272xf32> to vector<64x128xf32>
    %swap3A_1427 = arith.constant 1472 : index
    %swap3A_1428 = arith.constant 0 : index
    %swap3A_1429 = vector.load %arg14[%swap3A_1427, %swap3A_1428] : memref<3136x128xf32, #tpu.memory_space<vmem>>, vector<64x128xf32>
    tpu.vector_store %arg14[%swap3A_1427, %swap3A_1428], %slice3A_1426 {strides = array<i32>} : memref<3136x128xf32, #tpu.memory_space<vmem>>, vector<64x128xf32>,
    %slice3A_1430 = vector.extract_strided_slice %max3A_1334 {offsets = [0, 3072], sizes = [64, 128], strides = [1, 1]} : vector<64x6272xf32> to vector<64x128xf32>
    %swap3A_1431 = arith.constant 1536 : index
    %swap3A_1432 = arith.constant 0 : index
    %swap3A_1433 = vector.load %arg14[%swap3A_1431, %swap3A_1432] : memref<3136x128xf32, #tpu.memory_space<vmem>>, vector<64x128xf32>
    tpu.vector_store %arg14[%swap3A_1431, %swap3A_1432], %slice3A_1430 {strides = array<i32>} : memref<3136x128xf32, #tpu.memory_space<vmem>>, vector<64x128xf32>,
    %slice3A_1434 = vector.extract_strided_slice %max3A_1334 {offsets = [0, 3200], sizes = [64, 128], strides = [1, 1]} : vector<64x6272xf32> to vector<64x128xf32>
    %swap3A_1435 = arith.constant 1600 : index
    %swap3A_1436 = arith.constant 0 : index
    %swap3A_1437 = vector.load %arg14[%swap3A_1435, %swap3A_1436] : memref<3136x128xf32, #tpu.memory_space<vmem>>, vector<64x128xf32>
    tpu.vector_store %arg14[%swap3A_1435, %swap3A_1436], %slice3A_1434 {strides = array<i32>} : memref<3136x128xf32, #tpu.memory_space<vmem>>, vector<64x128xf32>,
    %slice3A_1438 = vector.extract_strided_slice %max3A_1334 {offsets = [0, 3328], sizes = [64, 128], strides = [1, 1]} : vector<64x6272xf32> to vector<64x128xf32>
    %swap3A_1439 = arith.constant 1664 : index
    %swap3A_1440 = arith.constant 0 : index
    %swap3A_1441 = vector.load %arg14[%swap3A_1439, %swap3A_1440] : memref<3136x128xf32, #tpu.memory_space<vmem>>, vector<64x128xf32>
    tpu.vector_store %arg14[%swap3A_1439, %swap3A_1440], %slice3A_1438 {strides = array<i32>} : memref<3136x128xf32, #tpu.memory_space<vmem>>, vector<64x128xf32>,
    %slice3A_1442 = vector.extract_strided_slice %max3A_1334 {offsets = [0, 3456], sizes = [64, 128], strides = [1, 1]} : vector<64x6272xf32> to vector<64x128xf32>
    %swap3A_1443 = arith.constant 1728 : index
    %swap3A_1444 = arith.constant 0 : index
    %swap3A_1445 = vector.load %arg14[%swap3A_1443, %swap3A_1444] : memref<3136x128xf32, #tpu.memory_space<vmem>>, vector<64x128xf32>
    tpu.vector_store %arg14[%swap3A_1443, %swap3A_1444], %slice3A_1442 {strides = array<i32>} : memref<3136x128xf32, #tpu.memory_space<vmem>>, vector<64x128xf32>,
    %slice3A_1446 = vector.extract_strided_slice %max3A_1334 {offsets = [0, 3584], sizes = [64, 128], strides = [1, 1]} : vector<64x6272xf32> to vector<64x128xf32>
    %swap3A_1447 = arith.constant 1792 : index
    %swap3A_1448 = arith.constant 0 : index
    %swap3A_1449 = vector.load %arg14[%swap3A_1447, %swap3A_1448] : memref<3136x128xf32, #tpu.memory_space<vmem>>, vector<64x128xf32>
    tpu.vector_store %arg14[%swap3A_1447, %swap3A_1448], %slice3A_1446 {strides = array<i32>} : memref<3136x128xf32, #tpu.memory_space<vmem>>, vector<64x128xf32>,
    %slice3A_1450 = vector.extract_strided_slice %max3A_1334 {offsets = [0, 3712], sizes = [64, 128], strides = [1, 1]} : vector<64x6272xf32> to vector<64x128xf32>
    %swap3A_1451 = arith.constant 1856 : index
    %swap3A_1452 = arith.constant 0 : index
    %swap3A_1453 = vector.load %arg14[%swap3A_1451, %swap3A_1452] : memref<3136x128xf32, #tpu.memory_space<vmem>>, vector<64x128xf32>
    tpu.vector_store %arg14[%swap3A_1451, %swap3A_1452], %slice3A_1450 {strides = array<i32>} : memref<3136x128xf32, #tpu.memory_space<vmem>>, vector<64x128xf32>,
    %slice3A_1454 = vector.extract_strided_slice %max3A_1334 {offsets = [0, 3840], sizes = [64, 128], strides = [1, 1]} : vector<64x6272xf32> to vector<64x128xf32>
    %swap3A_1455 = arith.constant 1920 : index
    %swap3A_1456 = arith.constant 0 : index
    %swap3A_1457 = vector.load %arg14[%swap3A_1455, %swap3A_1456] : memref<3136x128xf32, #tpu.memory_space<vmem>>, vector<64x128xf32>
    tpu.vector_store %arg14[%swap3A_1455, %swap3A_1456], %slice3A_1454 {strides = array<i32>} : memref<3136x128xf32, #tpu.memory_space<vmem>>, vector<64x128xf32>,
    %slice3A_1458 = vector.extract_strided_slice %max3A_1334 {offsets = [0, 3968], sizes = [64, 128], strides = [1, 1]} : vector<64x6272xf32> to vector<64x128xf32>
    %swap3A_1459 = arith.constant 1984 : index
    %swap3A_1460 = arith.constant 0 : index
    %swap3A_1461 = vector.load %arg14[%swap3A_1459, %swap3A_1460] : memref<3136x128xf32, #tpu.memory_space<vmem>>, vector<64x128xf32>
    tpu.vector_store %arg14[%swap3A_1459, %swap3A_1460], %slice3A_1458 {strides = array<i32>} : memref<3136x128xf32, #tpu.memory_space<vmem>>, vector<64x128xf32>,
    %slice3A_1462 = vector.extract_strided_slice %max3A_1334 {offsets = [0, 4096], sizes = [64, 128], strides = [1, 1]} : vector<64x6272xf32> to vector<64x128xf32>
    %swap3A_1463 = arith.constant 2048 : index
    %swap3A_1464 = arith.constant 0 : index
    %swap3A_1465 = vector.load %arg14[%swap3A_1463, %swap3A_1464] : memref<3136x128xf32, #tpu.memory_space<vmem>>, vector<64x128xf32>
    tpu.vector_store %arg14[%swap3A_1463, %swap3A_1464], %slice3A_1462 {strides = array<i32>} : memref<3136x128xf32, #tpu.memory_space<vmem>>, vector<64x128xf32>,
    %slice3A_1466 = vector.extract_strided_slice %max3A_1334 {offsets = [0, 4224], sizes = [64, 128], strides = [1, 1]} : vector<64x6272xf32> to vector<64x128xf32>
    %swap3A_1467 = arith.constant 2112 : index
    %swap3A_1468 = arith.constant 0 : index
    %swap3A_1469 = vector.load %arg14[%swap3A_1467, %swap3A_1468] : memref<3136x128xf32, #tpu.memory_space<vmem>>, vector<64x128xf32>
    tpu.vector_store %arg14[%swap3A_1467, %swap3A_1468], %slice3A_1466 {strides = array<i32>} : memref<3136x128xf32, #tpu.memory_space<vmem>>, vector<64x128xf32>,
    %slice3A_1470 = vector.extract_strided_slice %max3A_1334 {offsets = [0, 4352], sizes = [64, 128], strides = [1, 1]} : vector<64x6272xf32> to vector<64x128xf32>
    %swap3A_1471 = arith.constant 2176 : index
    %swap3A_1472 = arith.constant 0 : index
    %swap3A_1473 = vector.load %arg14[%swap3A_1471, %swap3A_1472] : memref<3136x128xf32, #tpu.memory_space<vmem>>, vector<64x128xf32>
    tpu.vector_store %arg14[%swap3A_1471, %swap3A_1472], %slice3A_1470 {strides = array<i32>} : memref<3136x128xf32, #tpu.memory_space<vmem>>, vector<64x128xf32>,
    %slice3A_1474 = vector.extract_strided_slice %max3A_1334 {offsets = [0, 4480], sizes = [64, 128], strides = [1, 1]} : vector<64x6272xf32> to vector<64x128xf32>
    %swap3A_1475 = arith.constant 2240 : index
    %swap3A_1476 = arith.constant 0 : index
    %swap3A_1477 = vector.load %arg14[%swap3A_1475, %swap3A_1476] : memref<3136x128xf32, #tpu.memory_space<vmem>>, vector<64x128xf32>
    tpu.vector_store %arg14[%swap3A_1475, %swap3A_1476], %slice3A_1474 {strides = array<i32>} : memref<3136x128xf32, #tpu.memory_space<vmem>>, vector<64x128xf32>,
    %slice3A_1478 = vector.extract_strided_slice %max3A_1334 {offsets = [0, 4608], sizes = [64, 128], strides = [1, 1]} : vector<64x6272xf32> to vector<64x128xf32>
    %swap3A_1479 = arith.constant 2304 : index
    %swap3A_1480 = arith.constant 0 : index
    %swap3A_1481 = vector.load %arg14[%swap3A_1479, %swap3A_1480] : memref<3136x128xf32, #tpu.memory_space<vmem>>, vector<64x128xf32>
    tpu.vector_store %arg14[%swap3A_1479, %swap3A_1480], %slice3A_1478 {strides = array<i32>} : memref<3136x128xf32, #tpu.memory_space<vmem>>, vector<64x128xf32>,
    %slice3A_1482 = vector.extract_strided_slice %max3A_1334 {offsets = [0, 4736], sizes = [64, 128], strides = [1, 1]} : vector<64x6272xf32> to vector<64x128xf32>
    %swap3A_1483 = arith.constant 2368 : index
    %swap3A_1484 = arith.constant 0 : index
    %swap3A_1485 = vector.load %arg14[%swap3A_1483, %swap3A_1484] : memref<3136x128xf32, #tpu.memory_space<vmem>>, vector<64x128xf32>
    tpu.vector_store %arg14[%swap3A_1483, %swap3A_1484], %slice3A_1482 {strides = array<i32>} : memref<3136x128xf32, #tpu.memory_space<vmem>>, vector<64x128xf32>,
    %slice3A_1486 = vector.extract_strided_slice %max3A_1334 {offsets = [0, 4864], sizes = [64, 128], strides = [1, 1]} : vector<64x6272xf32> to vector<64x128xf32>
    %swap3A_1487 = arith.constant 2432 : index
    %swap3A_1488 = arith.constant 0 : index
    %swap3A_1489 = vector.load %arg14[%swap3A_1487, %swap3A_1488] : memref<3136x128xf32, #tpu.memory_space<vmem>>, vector<64x128xf32>
    tpu.vector_store %arg14[%swap3A_1487, %swap3A_1488], %slice3A_1486 {strides = array<i32>} : memref<3136x128xf32, #tpu.memory_space<vmem>>, vector<64x128xf32>,
    %slice3A_1490 = vector.extract_strided_slice %max3A_1334 {offsets = [0, 4992], sizes = [64, 128], strides = [1, 1]} : vector<64x6272xf32> to vector<64x128xf32>
    %swap3A_1491 = arith.constant 2496 : index
    %swap3A_1492 = arith.constant 0 : index
    %swap3A_1493 = vector.load %arg14[%swap3A_1491, %swap3A_1492] : memref<3136x128xf32, #tpu.memory_space<vmem>>, vector<64x128xf32>
    tpu.vector_store %arg14[%swap3A_1491, %swap3A_1492], %slice3A_1490 {strides = array<i32>} : memref<3136x128xf32, #tpu.memory_space<vmem>>, vector<64x128xf32>,
    %slice3A_1494 = vector.extract_strided_slice %max3A_1334 {offsets = [0, 5120], sizes = [64, 128], strides = [1, 1]} : vector<64x6272xf32> to vector<64x128xf32>
    %swap3A_1495 = arith.constant 2560 : index
    %swap3A_1496 = arith.constant 0 : index
    %swap3A_1497 = vector.load %arg14[%swap3A_1495, %swap3A_1496] : memref<3136x128xf32, #tpu.memory_space<vmem>>, vector<64x128xf32>
    tpu.vector_store %arg14[%swap3A_1495, %swap3A_1496], %slice3A_1494 {strides = array<i32>} : memref<3136x128xf32, #tpu.memory_space<vmem>>, vector<64x128xf32>,
    %slice3A_1498 = vector.extract_strided_slice %max3A_1334 {offsets = [0, 5248], sizes = [64, 128], strides = [1, 1]} : vector<64x6272xf32> to vector<64x128xf32>
    %swap3A_1499 = arith.constant 2624 : index
    %swap3A_1500 = arith.constant 0 : index
    %swap3A_1501 = vector.load %arg14[%swap3A_1499, %swap3A_1500] : memref<3136x128xf32, #tpu.memory_space<vmem>>, vector<64x128xf32>
    tpu.vector_store %arg14[%swap3A_1499, %swap3A_1500], %slice3A_1498 {strides = array<i32>} : memref<3136x128xf32, #tpu.memory_space<vmem>>, vector<64x128xf32>,
    %slice3A_1502 = vector.extract_strided_slice %max3A_1334 {offsets = [0, 5376], sizes = [64, 128], strides = [1, 1]} : vector<64x6272xf32> to vector<64x128xf32>
    %swap3A_1503 = arith.constant 2688 : index
    %swap3A_1504 = arith.constant 0 : index
    %swap3A_1505 = vector.load %arg14[%swap3A_1503, %swap3A_1504] : memref<3136x128xf32, #tpu.memory_space<vmem>>, vector<64x128xf32>
    tpu.vector_store %arg14[%swap3A_1503, %swap3A_1504], %slice3A_1502 {strides = array<i32>} : memref<3136x128xf32, #tpu.memory_space<vmem>>, vector<64x128xf32>,
    %slice3A_1506 = vector.extract_strided_slice %max3A_1334 {offsets = [0, 5504], sizes = [64, 128], strides = [1, 1]} : vector<64x6272xf32> to vector<64x128xf32>
    %swap3A_1507 = arith.constant 2752 : index
    %swap3A_1508 = arith.constant 0 : index
    %swap3A_1509 = vector.load %arg14[%swap3A_1507, %swap3A_1508] : memref<3136x128xf32, #tpu.memory_space<vmem>>, vector<64x128xf32>
    tpu.vector_store %arg14[%swap3A_1507, %swap3A_1508], %slice3A_1506 {strides = array<i32>} : memref<3136x128xf32, #tpu.memory_space<vmem>>, vector<64x128xf32>,
    %slice3A_1510 = vector.extract_strided_slice %max3A_1334 {offsets = [0, 5632], sizes = [64, 128], strides = [1, 1]} : vector<64x6272xf32> to vector<64x128xf32>
    %swap3A_1511 = arith.constant 2816 : index
    %swap3A_1512 = arith.constant 0 : index
    %swap3A_1513 = vector.load %arg14[%swap3A_1511, %swap3A_1512] : memref<3136x128xf32, #tpu.memory_space<vmem>>, vector<64x128xf32>
    tpu.vector_store %arg14[%swap3A_1511, %swap3A_1512], %slice3A_1510 {strides = array<i32>} : memref<3136x128xf32, #tpu.memory_space<vmem>>, vector<64x128xf32>,
    %slice3A_1514 = vector.extract_strided_slice %max3A_1334 {offsets = [0, 5760], sizes = [64, 128], strides = [1, 1]} : vector<64x6272xf32> to vector<64x128xf32>
    %swap3A_1515 = arith.constant 2880 : index
    %swap3A_1516 = arith.constant 0 : index
    %swap3A_1517 = vector.load %arg14[%swap3A_1515, %swap3A_1516] : memref<3136x128xf32, #tpu.memory_space<vmem>>, vector<64x128xf32>
    tpu.vector_store %arg14[%swap3A_1515, %swap3A_1516], %slice3A_1514 {strides = array<i32>} : memref<3136x128xf32, #tpu.memory_space<vmem>>, vector<64x128xf32>,
    %slice3A_1518 = vector.extract_strided_slice %max3A_1334 {offsets = [0, 5888], sizes = [64, 128], strides = [1, 1]} : vector<64x6272xf32> to vector<64x128xf32>
    %swap3A_1519 = arith.constant 2944 : index
    %swap3A_1520 = arith.constant 0 : index
    %swap3A_1521 = vector.load %arg14[%swap3A_1519, %swap3A_1520] : memref<3136x128xf32, #tpu.memory_space<vmem>>, vector<64x128xf32>
    tpu.vector_store %arg14[%swap3A_1519, %swap3A_1520], %slice3A_1518 {strides = array<i32>} : memref<3136x128xf32, #tpu.memory_space<vmem>>, vector<64x128xf32>,
    %slice3A_1522 = vector.extract_strided_slice %max3A_1334 {offsets = [0, 6016], sizes = [64, 128], strides = [1, 1]} : vector<64x6272xf32> to vector<64x128xf32>
    %swap3A_1523 = arith.constant 3008 : index
    %swap3A_1524 = arith.constant 0 : index
    %swap3A_1525 = vector.load %arg14[%swap3A_1523, %swap3A_1524] : memref<3136x128xf32, #tpu.memory_space<vmem>>, vector<64x128xf32>
    tpu.vector_store %arg14[%swap3A_1523, %swap3A_1524], %slice3A_1522 {strides = array<i32>} : memref<3136x128xf32, #tpu.memory_space<vmem>>, vector<64x128xf32>,
    %slice3A_1526 = vector.extract_strided_slice %max3A_1334 {offsets = [0, 6144], sizes = [64, 128], strides = [1, 1]} : vector<64x6272xf32> to vector<64x128xf32>
    %swap3A_1527 = arith.constant 3072 : index
    %swap3A_1528 = arith.constant 0 : index
    %swap3A_1529 = vector.load %arg14[%swap3A_1527, %swap3A_1528] : memref<3136x128xf32, #tpu.memory_space<vmem>>, vector<64x128xf32>
    tpu.vector_store %arg14[%swap3A_1527, %swap3A_1528], %slice3A_1526 {strides = array<i32>} : memref<3136x128xf32, #tpu.memory_space<vmem>>, vector<64x128xf32>,
    %get3A_1530 = arith.constant 0 : index
    %get3A_1531 = arith.constant 0 : index
    %get3A_1532 = vector.load %arg6[%get3A_1530, %get3A_1531] : memref<64x3136xf32, #tpu.memory_space<vmem>>, vector<64x3136xf32>
    %get3A_1533 = arith.constant 0 : index
    %get3A_1534 = arith.constant 0 : index
    %get3A_1535 = vector.load %arg14[%get3A_1533, %get3A_1534] : memref<3136x128xf32, #tpu.memory_space<vmem>>, vector<3136x128xf32>
    %dot_general3A_1536 = arith.constant dense<0.000000e+00> : vector<64x128xf32>
    %dot_general3A_1537 = tpu.matmul %get3A_1532, %get3A_1535, %dot_general3A_1536 {dimension_numbers = #tpu.dot_dimension_numbers<[1], [0], [0], [1], [0, 0, 1, 1], [], []>, transpose_lhs_hint = false} : vector<64x3136xf32>, vector<3136x128xf32>, vector<64x128xf32> -> vector<64x128xf32>
    %get3A_1538 = arith.constant 0 : index
    %get3A_1539 = arith.constant 0 : index
    %get3A_1540 = vector.load %arg7[%get3A_1538, %get3A_1539] : memref<64x1xf32, #tpu.memory_space<vmem>>, vector<64x1xf32>
    %add3A_1541 = vector.broadcast %get3A_1540 : vector<64x1xf32> to vector<64x128xf32>
    %add3A_1542 = arith.addf %dot_general3A_1537, %add3A_1541 : vector<64x128xf32>
    %swap3A_1543 = arith.constant 0 : index
    %swap3A_1544 = arith.constant 0 : index
    %swap3A_1545 = vector.load %arg9[%swap3A_1543, %swap3A_1544] : memref<64x128xf32, #tpu.memory_space<vmem>>, vector<64x128xf32>
    tpu.vector_store %arg9[%swap3A_1543, %swap3A_1544], %add3A_1542 {strides = array<i32>} : memref<64x128xf32, #tpu.memory_space<vmem>>, vector<64x128xf32>,
    %get3A_1546 = arith.constant 0 : index
    %get3A_1547 = arith.constant 0 : index
    %get3A_1548 = vector.load %arg8[%get3A_1546, %get3A_1547] : memref<64x64xf32, #tpu.memory_space<vmem>>, vector<64x64xf32>
    %mul3A = arith.mulf %get3A_1548, %get3A_1548 : vector<64x64xf32>
    %reduce_sum3A = arith.constant dense<0.000000e+00> : vector<64xf32>
    %reduce_sum3A_1549 = vector.multi_reduction <add>, %mul3A, %reduce_sum3A [1] : vector<64x64xf32> to vector<64xf32>
    %broadcast_in_dim3A = vector.shape_cast %reduce_sum3A_1549 : vector<64xf32> to vector<64x1xf32>
    %dot_general3A_1550 = arith.constant dense<0.000000e+00> : vector<64x128xf32>
    %dot_general3A_1551 = tpu.matmul %get3A_1548, %add3A_1542, %dot_general3A_1550 {dimension_numbers = #tpu.dot_dimension_numbers<[1], [0], [0], [1], [0, 0, 1, 1], [], []>, transpose_lhs_hint = false} : vector<64x64xf32>, vector<64x128xf32>, vector<64x128xf32> -> vector<64x128xf32>
    %mul3A_1552 = arith.constant 2.000000e+00 : f32
    %mul3A_1553 = vector.broadcast %mul3A_1552 : f32 to vector<64x128xf32>
    %mul3A_1554 = arith.mulf %mul3A_1553, %dot_general3A_1551 : vector<64x128xf32>
    %sub3A = vector.broadcast %broadcast_in_dim3A : vector<64x1xf32> to vector<64x128xf32>
    %sub3A_1555 = arith.subf %sub3A, %mul3A_1554 : vector<64x128xf32>
    %reduce_min3A = arith.constant dense<0x7F800000> : vector<128xf32>
    %reduce_min3A_1556 = vector.multi_reduction <minimumf>, %sub3A_1555, %reduce_min3A [0] : vector<64x128xf32> to vector<128xf32>
    %broadcast_in_dim3A_1557 = vector.shape_cast %reduce_min3A_1556 : vector<128xf32> to vector<1x128xf32>
    %iota3A = tpu.iota {dimensions = array<i32: 0>} : vector<64x128xi32>
    %le3A = vector.broadcast %broadcast_in_dim3A_1557 : vector<1x128xf32> to vector<64x128xf32>
    %le3A_1558 = arith.cmpf ole, %sub3A_1555, %le3A : vector<64x128xf32>
    %jit3A = arith.constant 64 : i32
    %broadcast_in_dim3A_1559 = vector.broadcast %jit3A : i32 to vector<64x128xi32>
    %select_n3A = arith.select %le3A_1558, %iota3A, %broadcast_in_dim3A_1559 : vector<64x128xi1>, vector<64x128xi32>
    %reduce_min3A_1560 = arith.constant dense<2147483647> : vector<128xi32>
    %reduce_min3A_1561 = vector.multi_reduction <minsi>, %select_n3A, %reduce_min3A_1560 [0] : vector<64x128xi32> to vector<128xi32>
    %broadcast_in_dim3A_1562 = vector.shape_cast %reduce_min3A_1561 : vector<128xi32> to vector<1x128xi32>
    %reshape3A = vector.shape_cast %broadcast_in_dim3A_1562 : vector<1x128xi32> to vector<1x1x128xi32>
    %swap3A_1563 = arith.constant 0 : index
    %swap3A_1564 = arith.constant 0 : index
    %swap3A_1565 = arith.constant 0 : index
    %swap3A_1566 = vector.load %arg10[%swap3A_1563, %swap3A_1564, %swap3A_1565] : memref<1x1x128xi32, #tpu.memory_space<vmem>>, vector<1x1x128xi32>
    tpu.vector_store %arg10[%swap3A_1563, %swap3A_1564, %swap3A_1565], %reshape3A {strides = array<i32>} : memref<1x1x128xi32, #tpu.memory_space<vmem>>, vector<1x1x128xi32>,
    return
  }
  func.func @transform_0(%arg0: i32) -> (i32, i32, i32, i32) {
    %c0_i32 = arith.constant 0 : i32
    %c0_i32_0 = arith.constant 0 : i32
    %c0_i32_1 = arith.constant 0 : i32
    %c0_i32_2 = arith.constant 0 : i32
    return %c0_i32, %c0_i32_0, %c0_i32_1, %arg0 : i32, i32, i32, i32
  }
  func.func @transform_1(%arg0: i32) -> (i32, i32) {
    %c0_i32 = arith.constant 0 : i32
    %c0_i32_0 = arith.constant 0 : i32
    %c0_i32_1 = arith.constant 0 : i32
    return %c0_i32, %c0_i32_0 : i32, i32
  }
  func.func @transform_2(%arg0: i32) -> (i32, i32) {
    %c0_i32 = arith.constant 0 : i32
    %c0_i32_0 = arith.constant 0 : i32
    %c0_i32_1 = arith.constant 0 : i32
    return %c0_i32, %c0_i32_0 : i32, i32
  }
  func.func @transform_3(%arg0: i32) -> (i32, i32) {
    %c0_i32 = arith.constant 0 : i32
    %c0_i32_0 = arith.constant 0 : i32
    %c0_i32_1 = arith.constant 0 : i32
    return %c0_i32, %c0_i32_0 : i32, i32
  }
  func.func @transform_4(%arg0: i32) -> (i32, i32) {
    %c0_i32 = arith.constant 0 : i32
    %c0_i32_0 = arith.constant 0 : i32
    %c0_i32_1 = arith.constant 0 : i32
    return %c0_i32, %c0_i32_0 : i32, i32
  }
  func.func @transform_5(%arg0: i32) -> (i32, i32) {
    %c0_i32 = arith.constant 0 : i32
    %c0_i32_0 = arith.constant 0 : i32
    %c0_i32_1 = arith.constant 0 : i32
    return %c0_i32, %c0_i32_0 : i32, i32
  }
  func.func @transform_6(%arg0: i32) -> (i32, i32) {
    %c0_i32 = arith.constant 0 : i32
    %c0_i32_0 = arith.constant 0 : i32
    %c0_i32_1 = arith.constant 0 : i32
    return %c0_i32, %c0_i32_0 : i32, i32
  }
  func.func @transform_7(%arg0: i32) -> (i32, i32) {
    %c0_i32 = arith.constant 0 : i32
    %c0_i32_0 = arith.constant 0 : i32
    %c0_i32_1 = arith.constant 0 : i32
    return %c0_i32, %c0_i32_0 : i32, i32
  }
  func.func @transform_8(%arg0: i32) -> (i32, i32) {
    %c0_i32 = arith.constant 0 : i32
    %c0_i32_0 = arith.constant 0 : i32
    return %c0_i32, %arg0 : i32, i32
  }
  func.func @transform_9(%arg0: i32) -> (i32, i32, i32) {
    %c0_i32 = arith.constant 0 : i32
    %c0_i32_0 = arith.constant 0 : i32
    %c0_i32_1 = arith.constant 0 : i32
    return %arg0, %c0_i32, %c0_i32_0 : i32, i32, i32
  }
}

module attributes {stable_mosaic.version = 14 : i64} {
  func.func @_loss_body(%arg0: i32, %arg1: memref<512x128xf32, #tpu.memory_space<vmem>>, %arg2: memref<64x512xf32, #tpu.memory_space<vmem>>, %arg3: memref<8x128xf32, #tpu.memory_space<vmem>>) attributes {dimension_semantics = [#tpu.dimension_semantics<arbitrary>], iteration_bounds = array<i64: 8>, scalar_prefetch = 0 : i64, scratch_operands = 0 : i64, tpu.core_type = #tpu.core_type<tc>, window_params = [{transform_indices = @transform_0, window_bounds = array<i64: 512, 128>}, {transform_indices = @transform_1, window_bounds = array<i64: 64, 512>}, {pipeline_mode = #tpu.pipeline_mode<synchronous>, transform_indices = @transform_2, window_bounds = array<i64: 8, 128>}]} {
    %eq3A = arith.constant 0 : i32
    %eq3A_0 = arith.cmpi eq, %arg0, %eq3A : i32
    %convert_element_type3A = arith.extui %eq3A_0 : i1 to i32
    %cond3A = arith.constant 0 : i32
    %cond3A_1 = arith.cmpi ne, %convert_element_type3A, %cond3A : i32
    scf.if %cond3A_1 {
      %broadcast_in_dim3A = arith.constant 0.000000e+00 : f32
      %broadcast_in_dim3A_17 = vector.broadcast %broadcast_in_dim3A : f32 to vector<8x128xf32>
      %swap3A_18 = arith.constant 0 : index
      %swap3A_19 = arith.constant 0 : index
      %swap3A_20 = vector.load %arg3[%swap3A_18, %swap3A_19] : memref<8x128xf32, #tpu.memory_space<vmem>>, vector<8x128xf32>
      tpu.vector_store %arg3[%swap3A_18, %swap3A_19], %broadcast_in_dim3A_17 {strides = array<i32>} : memref<8x128xf32, #tpu.memory_space<vmem>>, vector<8x128xf32>,
    } else {
    }
    %get3A = arith.constant 0 : index
    %get3A_2 = arith.constant 0 : index
    %get3A_3 = vector.load %arg1[%get3A, %get3A_2] : memref<512x128xf32, #tpu.memory_space<vmem>>, vector<512x64xf32>
    %transpose3A = tpu.transpose %get3A_3, [1, 0] : vector<512x64xf32> -> vector<64x512xf32>
    %get3A_4 = arith.constant 0 : index
    %get3A_5 = arith.constant 0 : index
    %get3A_6 = vector.load %arg2[%get3A_4, %get3A_5] : memref<64x512xf32, #tpu.memory_space<vmem>>, vector<64x512xf32>
    %sub3A = arith.subf %transpose3A, %get3A_6 : vector<64x512xf32>
    %get3A_7 = arith.constant 0 : index
    %get3A_8 = arith.constant 0 : index
    %get3A_9 = vector.load %arg3[%get3A_7, %get3A_8] : memref<8x128xf32, #tpu.memory_space<vmem>>, vector<8x128xf32>
    %mul3A = arith.mulf %sub3A, %sub3A : vector<64x512xf32>
    %reduce_sum3A = vector.shape_cast %mul3A : vector<64x512xf32> to vector<1x64x512xf32>
    %reduce_sum3A_10 = arith.constant dense<0.000000e+00> : vector<1xf32>
    %reduce_sum3A_11 = vector.multi_reduction <add>, %reduce_sum3A, %reduce_sum3A_10 [1, 2] : vector<1x64x512xf32> to vector<1xf32>
    %reduce_sum3A_12 = vector.shape_cast %reduce_sum3A_11 : vector<1xf32> to vector<1x1x1xf32>
    %reduce_sum3A_13 = vector.extract %reduce_sum3A_12[0, 0, 0] : f32 from vector<1x1x1xf32>
    %add3A = vector.broadcast %reduce_sum3A_13 : f32 to vector<8x128xf32>
    %add3A_14 = arith.addf %get3A_9, %add3A : vector<8x128xf32>
    %swap3A = arith.constant 0 : index
    %swap3A_15 = arith.constant 0 : index
    %swap3A_16 = vector.load %arg3[%swap3A, %swap3A_15] : memref<8x128xf32, #tpu.memory_space<vmem>>, vector<8x128xf32>
    tpu.vector_store %arg3[%swap3A, %swap3A_15], %add3A_14 {strides = array<i32>} : memref<8x128xf32, #tpu.memory_space<vmem>>, vector<8x128xf32>,
    return
  }
  func.func @transform_0(%arg0: i32) -> (i32, i32) {
    %c0_i32 = arith.constant 0 : i32
    %c0_i32_0 = arith.constant 0 : i32
    return %arg0, %c0_i32 : i32, i32
  }
  func.func @transform_1(%arg0: i32) -> (i32, i32) {
    %c0_i32 = arith.constant 0 : i32
    %c0_i32_0 = arith.constant 0 : i32
    return %c0_i32, %arg0 : i32, i32
  }
  func.func @transform_2(%arg0: i32) -> (i32, i32) {
    %c0_i32 = arith.constant 0 : i32
    %c0_i32_0 = arith.constant 0 : i32
    %c0_i32_1 = arith.constant 0 : i32
    return %c0_i32, %c0_i32_0 : i32, i32
  }
}

module attributes {stable_mosaic.version = 14 : i64} {
  func.func @_dec_body(%arg0: i32, %arg1: memref<1x1x128xi32, #tpu.memory_space<vmem>>, %arg2: memref<1568x64xf32, #tpu.memory_space<vmem>>, %arg3: memref<1568x1xf32, #tpu.memory_space<vmem>>, %arg4: memref<256x128xf32, #tpu.memory_space<vmem>>, %arg5: memref<256x1xf32, #tpu.memory_space<vmem>>, %arg6: memref<384x192xf32, #tpu.memory_space<vmem>>, %arg7: memref<512x1xf32, #tpu.memory_space<vmem>>, %arg8: memref<16x1152xf32, #tpu.memory_space<vmem>>, %arg9: memref<1x1xf32, #tpu.memory_space<vmem>>, %arg10: memref<784x784xf32, #tpu.memory_space<vmem>>, %arg11: memref<784x128xf32, #tpu.memory_space<vmem>>, %arg12: memref<128x6272xf32, #tpu.memory_space<vmem>>, %arg13: memref<384x6272xf32, #tpu.memory_space<vmem>>, %arg14: memref<128x6272xf32, #tpu.memory_space<vmem>>, %arg15: memref<1152x6272xf32, #tpu.memory_space<vmem>>) attributes {dimension_semantics = [#tpu.dimension_semantics<arbitrary>], iteration_bounds = array<i64: 32>, scalar_prefetch = 0 : i64, scratch_operands = 4 : i64, tpu.core_type = #tpu.core_type<tc>, window_params = [{transform_indices = @transform_0, window_bounds = array<i64: 1, 1, 128>}, {pipeline_mode = #tpu.pipeline_mode<synchronous>, transform_indices = @transform_1, window_bounds = array<i64: 1568, 64>}, {pipeline_mode = #tpu.pipeline_mode<synchronous>, transform_indices = @transform_2, window_bounds = array<i64: 1568, 1>}, {pipeline_mode = #tpu.pipeline_mode<synchronous>, transform_indices = @transform_3, window_bounds = array<i64: 256, 128>}, {pipeline_mode = #tpu.pipeline_mode<synchronous>, transform_indices = @transform_4, window_bounds = array<i64: 256, 1>}, {pipeline_mode = #tpu.pipeline_mode<synchronous>, transform_indices = @transform_5, window_bounds = array<i64: 384, 192>}, {pipeline_mode = #tpu.pipeline_mode<synchronous>, transform_indices = @transform_6, window_bounds = array<i64: 512, 1>}, {pipeline_mode = #tpu.pipeline_mode<synchronous>, transform_indices = @transform_7, window_bounds = array<i64: 16, 1152>}, {pipeline_mode = #tpu.pipeline_mode<synchronous>, transform_indices = @transform_8, window_bounds = array<i64: 1, 1>}, {pipeline_mode = #tpu.pipeline_mode<synchronous>, transform_indices = @transform_9, window_bounds = array<i64: 784, 784>}, {transform_indices = @transform_10, window_bounds = array<i64: 784, 128>}]} {
    %eq3A = arith.constant 0 : i32
    %eq3A_0 = arith.cmpi eq, %arg0, %eq3A : i32
    %convert_element_type3A = arith.extui %eq3A_0 : i1 to i32
    %cond3A = arith.constant 0 : i32
    %cond3A_1 = arith.cmpi ne, %convert_element_type3A, %cond3A : i32
    scf.if %cond3A_1 {
      %broadcast_in_dim3A = arith.constant 0.000000e+00 : f32
      %broadcast_in_dim3A_1382 = vector.broadcast %broadcast_in_dim3A : f32 to vector<128x6272xf32>
      %swap3A_1383 = arith.constant 0 : index
      %swap3A_1384 = arith.constant 0 : index
      %swap3A_1385 = vector.load %arg12[%swap3A_1383, %swap3A_1384] : memref<128x6272xf32, #tpu.memory_space<vmem>>, vector<128x6272xf32>
      tpu.vector_store %arg12[%swap3A_1383, %swap3A_1384], %broadcast_in_dim3A_1382 {strides = array<i32>} : memref<128x6272xf32, #tpu.memory_space<vmem>>, vector<128x6272xf32>,
      %broadcast_in_dim3A_1386 = arith.constant 0.000000e+00 : f32
      %broadcast_in_dim3A_1387 = vector.broadcast %broadcast_in_dim3A_1386 : f32 to vector<384x6272xf32>
      %swap3A_1388 = arith.constant 0 : index
      %swap3A_1389 = arith.constant 0 : index
      %swap3A_1390 = vector.load %arg13[%swap3A_1388, %swap3A_1389] : memref<384x6272xf32, #tpu.memory_space<vmem>>, vector<384x6272xf32>
      tpu.vector_store %arg13[%swap3A_1388, %swap3A_1389], %broadcast_in_dim3A_1387 {strides = array<i32>} : memref<384x6272xf32, #tpu.memory_space<vmem>>, vector<384x6272xf32>,
      %broadcast_in_dim3A_1391 = arith.constant 0.000000e+00 : f32
      %broadcast_in_dim3A_1392 = vector.broadcast %broadcast_in_dim3A_1391 : f32 to vector<128x6272xf32>
      %swap3A_1393 = arith.constant 0 : index
      %swap3A_1394 = arith.constant 0 : index
      %swap3A_1395 = vector.load %arg14[%swap3A_1393, %swap3A_1394] : memref<128x6272xf32, #tpu.memory_space<vmem>>, vector<128x6272xf32>
      tpu.vector_store %arg14[%swap3A_1393, %swap3A_1394], %broadcast_in_dim3A_1392 {strides = array<i32>} : memref<128x6272xf32, #tpu.memory_space<vmem>>, vector<128x6272xf32>,
      %broadcast_in_dim3A_1396 = arith.constant 0.000000e+00 : f32
      %broadcast_in_dim3A_1397 = vector.broadcast %broadcast_in_dim3A_1396 : f32 to vector<1152x6272xf32>
      %swap3A_1398 = arith.constant 0 : index
      %swap3A_1399 = arith.constant 0 : index
      %swap3A_1400 = vector.load %arg15[%swap3A_1398, %swap3A_1399] : memref<1152x6272xf32, #tpu.memory_space<vmem>>, vector<1152x6272xf32>
      tpu.vector_store %arg15[%swap3A_1398, %swap3A_1399], %broadcast_in_dim3A_1397 {strides = array<i32>} : memref<1152x6272xf32, #tpu.memory_space<vmem>>, vector<1152x6272xf32>,
    } else {
    }
    %iota3A = tpu.iota {dimensions = array<i32: 0>} : vector<64x128xi32>
    %get3A = arith.constant 0 : index
    %get3A_2 = arith.constant 0 : index
    %get3A_3 = arith.constant 0 : index
    %get3A_4 = vector.load %arg1[%get3A, %get3A_2, %get3A_3] : memref<1x1x128xi32, #tpu.memory_space<vmem>>, vector<1x1x128xi32>
    %get3A_5 = vector.shape_cast %get3A_4 : vector<1x1x128xi32> to vector<1x128xi32>
    %eq3A_6 = vector.broadcast %get3A_5 : vector<1x128xi32> to vector<64x128xi32>
    %eq3A_7 = arith.cmpi eq, %iota3A, %eq3A_6 : vector<64x128xi32>
    %convert_element_type3A_8 = arith.extui %eq3A_7 : vector<64x128xi1> to vector<64x128xi32>
    %convert_element_type3A_9 = arith.sitofp %convert_element_type3A_8 : vector<64x128xi32> to vector<64x128xf32>
    %get3A_10 = arith.constant 0 : index
    %get3A_11 = arith.constant 0 : index
    %get3A_12 = vector.load %arg2[%get3A_10, %get3A_11] : memref<1568x64xf32, #tpu.memory_space<vmem>>, vector<1568x64xf32>
    %dot_general3A = arith.constant dense<0.000000e+00> : vector<1568x128xf32>
    %dot_general3A_13 = tpu.matmul %get3A_12, %convert_element_type3A_9, %dot_general3A {dimension_numbers = #tpu.dot_dimension_numbers<[1], [0], [0], [1], [0, 0, 1, 1], [], []>, transpose_lhs_hint = false} : vector<1568x64xf32>, vector<64x128xf32>, vector<1568x128xf32> -> vector<1568x128xf32>
    %get3A_14 = arith.constant 0 : index
    %get3A_15 = arith.constant 0 : index
    %get3A_16 = vector.load %arg3[%get3A_14, %get3A_15] : memref<1568x1xf32, #tpu.memory_space<vmem>>, vector<1568x1xf32>
    %add3A = vector.broadcast %get3A_16 : vector<1568x1xf32> to vector<1568x128xf32>
    %add3A_17 = arith.addf %dot_general3A_13, %add3A : vector<1568x128xf32>
    %max3A = arith.constant 0.000000e+00 : f32
    %max3A_18 = vector.broadcast %max3A : f32 to vector<1568x128xf32>
    %max3A_19 = arith.maximumf %add3A_17, %max3A_18 : vector<1568x128xf32>
    %slice3A = vector.extract_strided_slice %max3A_19 {offsets = [0, 0], sizes = [32, 128], strides = [1, 1]} : vector<1568x128xf32> to vector<32x128xf32>
    %swap3A = arith.constant 0 : index
    %swap3A_20 = arith.constant 0 : index
    %swap3A_21 = vector.load %arg12[%swap3A, %swap3A_20] : memref<128x6272xf32, #tpu.memory_space<vmem>>, vector<32x128xf32>
    tpu.vector_store %arg12[%swap3A, %swap3A_20], %slice3A {strides = array<i32>} : memref<128x6272xf32, #tpu.memory_space<vmem>>, vector<32x128xf32>,
    %slice3A_22 = vector.extract_strided_slice %max3A_19 {offsets = [32, 0], sizes = [32, 128], strides = [1, 1]} : vector<1568x128xf32> to vector<32x128xf32>
    %swap3A_23 = arith.constant 0 : index
    %swap3A_24 = arith.constant 128 : index
    %swap3A_25 = vector.load %arg12[%swap3A_23, %swap3A_24] : memref<128x6272xf32, #tpu.memory_space<vmem>>, vector<32x128xf32>
    tpu.vector_store %arg12[%swap3A_23, %swap3A_24], %slice3A_22 {strides = array<i32>} : memref<128x6272xf32, #tpu.memory_space<vmem>>, vector<32x128xf32>,
    %slice3A_26 = vector.extract_strided_slice %max3A_19 {offsets = [64, 0], sizes = [32, 128], strides = [1, 1]} : vector<1568x128xf32> to vector<32x128xf32>
    %swap3A_27 = arith.constant 0 : index
    %swap3A_28 = arith.constant 256 : index
    %swap3A_29 = vector.load %arg12[%swap3A_27, %swap3A_28] : memref<128x6272xf32, #tpu.memory_space<vmem>>, vector<32x128xf32>
    tpu.vector_store %arg12[%swap3A_27, %swap3A_28], %slice3A_26 {strides = array<i32>} : memref<128x6272xf32, #tpu.memory_space<vmem>>, vector<32x128xf32>,
    %slice3A_30 = vector.extract_strided_slice %max3A_19 {offsets = [96, 0], sizes = [32, 128], strides = [1, 1]} : vector<1568x128xf32> to vector<32x128xf32>
    %swap3A_31 = arith.constant 0 : index
    %swap3A_32 = arith.constant 384 : index
    %swap3A_33 = vector.load %arg12[%swap3A_31, %swap3A_32] : memref<128x6272xf32, #tpu.memory_space<vmem>>, vector<32x128xf32>
    tpu.vector_store %arg12[%swap3A_31, %swap3A_32], %slice3A_30 {strides = array<i32>} : memref<128x6272xf32, #tpu.memory_space<vmem>>, vector<32x128xf32>,
    %slice3A_34 = vector.extract_strided_slice %max3A_19 {offsets = [128, 0], sizes = [32, 128], strides = [1, 1]} : vector<1568x128xf32> to vector<32x128xf32>
    %swap3A_35 = arith.constant 0 : index
    %swap3A_36 = arith.constant 512 : index
    %swap3A_37 = vector.load %arg12[%swap3A_35, %swap3A_36] : memref<128x6272xf32, #tpu.memory_space<vmem>>, vector<32x128xf32>
    tpu.vector_store %arg12[%swap3A_35, %swap3A_36], %slice3A_34 {strides = array<i32>} : memref<128x6272xf32, #tpu.memory_space<vmem>>, vector<32x128xf32>,
    %slice3A_38 = vector.extract_strided_slice %max3A_19 {offsets = [160, 0], sizes = [32, 128], strides = [1, 1]} : vector<1568x128xf32> to vector<32x128xf32>
    %swap3A_39 = arith.constant 0 : index
    %swap3A_40 = arith.constant 640 : index
    %swap3A_41 = vector.load %arg12[%swap3A_39, %swap3A_40] : memref<128x6272xf32, #tpu.memory_space<vmem>>, vector<32x128xf32>
    tpu.vector_store %arg12[%swap3A_39, %swap3A_40], %slice3A_38 {strides = array<i32>} : memref<128x6272xf32, #tpu.memory_space<vmem>>, vector<32x128xf32>,
    %slice3A_42 = vector.extract_strided_slice %max3A_19 {offsets = [192, 0], sizes = [32, 128], strides = [1, 1]} : vector<1568x128xf32> to vector<32x128xf32>
    %swap3A_43 = arith.constant 0 : index
    %swap3A_44 = arith.constant 768 : index
    %swap3A_45 = vector.load %arg12[%swap3A_43, %swap3A_44] : memref<128x6272xf32, #tpu.memory_space<vmem>>, vector<32x128xf32>
    tpu.vector_store %arg12[%swap3A_43, %swap3A_44], %slice3A_42 {strides = array<i32>} : memref<128x6272xf32, #tpu.memory_space<vmem>>, vector<32x128xf32>,
    %slice3A_46 = vector.extract_strided_slice %max3A_19 {offsets = [224, 0], sizes = [32, 128], strides = [1, 1]} : vector<1568x128xf32> to vector<32x128xf32>
    %swap3A_47 = arith.constant 0 : index
    %swap3A_48 = arith.constant 896 : index
    %swap3A_49 = vector.load %arg12[%swap3A_47, %swap3A_48] : memref<128x6272xf32, #tpu.memory_space<vmem>>, vector<32x128xf32>
    tpu.vector_store %arg12[%swap3A_47, %swap3A_48], %slice3A_46 {strides = array<i32>} : memref<128x6272xf32, #tpu.memory_space<vmem>>, vector<32x128xf32>,
    %slice3A_50 = vector.extract_strided_slice %max3A_19 {offsets = [256, 0], sizes = [32, 128], strides = [1, 1]} : vector<1568x128xf32> to vector<32x128xf32>
    %swap3A_51 = arith.constant 0 : index
    %swap3A_52 = arith.constant 1024 : index
    %swap3A_53 = vector.load %arg12[%swap3A_51, %swap3A_52] : memref<128x6272xf32, #tpu.memory_space<vmem>>, vector<32x128xf32>
    tpu.vector_store %arg12[%swap3A_51, %swap3A_52], %slice3A_50 {strides = array<i32>} : memref<128x6272xf32, #tpu.memory_space<vmem>>, vector<32x128xf32>,
    %slice3A_54 = vector.extract_strided_slice %max3A_19 {offsets = [288, 0], sizes = [32, 128], strides = [1, 1]} : vector<1568x128xf32> to vector<32x128xf32>
    %swap3A_55 = arith.constant 0 : index
    %swap3A_56 = arith.constant 1152 : index
    %swap3A_57 = vector.load %arg12[%swap3A_55, %swap3A_56] : memref<128x6272xf32, #tpu.memory_space<vmem>>, vector<32x128xf32>
    tpu.vector_store %arg12[%swap3A_55, %swap3A_56], %slice3A_54 {strides = array<i32>} : memref<128x6272xf32, #tpu.memory_space<vmem>>, vector<32x128xf32>,
    %slice3A_58 = vector.extract_strided_slice %max3A_19 {offsets = [320, 0], sizes = [32, 128], strides = [1, 1]} : vector<1568x128xf32> to vector<32x128xf32>
    %swap3A_59 = arith.constant 0 : index
    %swap3A_60 = arith.constant 1280 : index
    %swap3A_61 = vector.load %arg12[%swap3A_59, %swap3A_60] : memref<128x6272xf32, #tpu.memory_space<vmem>>, vector<32x128xf32>
    tpu.vector_store %arg12[%swap3A_59, %swap3A_60], %slice3A_58 {strides = array<i32>} : memref<128x6272xf32, #tpu.memory_space<vmem>>, vector<32x128xf32>,
    %slice3A_62 = vector.extract_strided_slice %max3A_19 {offsets = [352, 0], sizes = [32, 128], strides = [1, 1]} : vector<1568x128xf32> to vector<32x128xf32>
    %swap3A_63 = arith.constant 0 : index
    %swap3A_64 = arith.constant 1408 : index
    %swap3A_65 = vector.load %arg12[%swap3A_63, %swap3A_64] : memref<128x6272xf32, #tpu.memory_space<vmem>>, vector<32x128xf32>
    tpu.vector_store %arg12[%swap3A_63, %swap3A_64], %slice3A_62 {strides = array<i32>} : memref<128x6272xf32, #tpu.memory_space<vmem>>, vector<32x128xf32>,
    %slice3A_66 = vector.extract_strided_slice %max3A_19 {offsets = [384, 0], sizes = [32, 128], strides = [1, 1]} : vector<1568x128xf32> to vector<32x128xf32>
    %swap3A_67 = arith.constant 0 : index
    %swap3A_68 = arith.constant 1536 : index
    %swap3A_69 = vector.load %arg12[%swap3A_67, %swap3A_68] : memref<128x6272xf32, #tpu.memory_space<vmem>>, vector<32x128xf32>
    tpu.vector_store %arg12[%swap3A_67, %swap3A_68], %slice3A_66 {strides = array<i32>} : memref<128x6272xf32, #tpu.memory_space<vmem>>, vector<32x128xf32>,
    %slice3A_70 = vector.extract_strided_slice %max3A_19 {offsets = [416, 0], sizes = [32, 128], strides = [1, 1]} : vector<1568x128xf32> to vector<32x128xf32>
    %swap3A_71 = arith.constant 0 : index
    %swap3A_72 = arith.constant 1664 : index
    %swap3A_73 = vector.load %arg12[%swap3A_71, %swap3A_72] : memref<128x6272xf32, #tpu.memory_space<vmem>>, vector<32x128xf32>
    tpu.vector_store %arg12[%swap3A_71, %swap3A_72], %slice3A_70 {strides = array<i32>} : memref<128x6272xf32, #tpu.memory_space<vmem>>, vector<32x128xf32>,
    %slice3A_74 = vector.extract_strided_slice %max3A_19 {offsets = [448, 0], sizes = [32, 128], strides = [1, 1]} : vector<1568x128xf32> to vector<32x128xf32>
    %swap3A_75 = arith.constant 0 : index
    %swap3A_76 = arith.constant 1792 : index
    %swap3A_77 = vector.load %arg12[%swap3A_75, %swap3A_76] : memref<128x6272xf32, #tpu.memory_space<vmem>>, vector<32x128xf32>
    tpu.vector_store %arg12[%swap3A_75, %swap3A_76], %slice3A_74 {strides = array<i32>} : memref<128x6272xf32, #tpu.memory_space<vmem>>, vector<32x128xf32>,
    %slice3A_78 = vector.extract_strided_slice %max3A_19 {offsets = [480, 0], sizes = [32, 128], strides = [1, 1]} : vector<1568x128xf32> to vector<32x128xf32>
    %swap3A_79 = arith.constant 0 : index
    %swap3A_80 = arith.constant 1920 : index
    %swap3A_81 = vector.load %arg12[%swap3A_79, %swap3A_80] : memref<128x6272xf32, #tpu.memory_space<vmem>>, vector<32x128xf32>
    tpu.vector_store %arg12[%swap3A_79, %swap3A_80], %slice3A_78 {strides = array<i32>} : memref<128x6272xf32, #tpu.memory_space<vmem>>, vector<32x128xf32>,
    %slice3A_82 = vector.extract_strided_slice %max3A_19 {offsets = [512, 0], sizes = [32, 128], strides = [1, 1]} : vector<1568x128xf32> to vector<32x128xf32>
    %swap3A_83 = arith.constant 0 : index
    %swap3A_84 = arith.constant 2048 : index
    %swap3A_85 = vector.load %arg12[%swap3A_83, %swap3A_84] : memref<128x6272xf32, #tpu.memory_space<vmem>>, vector<32x128xf32>
    tpu.vector_store %arg12[%swap3A_83, %swap3A_84], %slice3A_82 {strides = array<i32>} : memref<128x6272xf32, #tpu.memory_space<vmem>>, vector<32x128xf32>,
    %slice3A_86 = vector.extract_strided_slice %max3A_19 {offsets = [544, 0], sizes = [32, 128], strides = [1, 1]} : vector<1568x128xf32> to vector<32x128xf32>
    %swap3A_87 = arith.constant 0 : index
    %swap3A_88 = arith.constant 2176 : index
    %swap3A_89 = vector.load %arg12[%swap3A_87, %swap3A_88] : memref<128x6272xf32, #tpu.memory_space<vmem>>, vector<32x128xf32>
    tpu.vector_store %arg12[%swap3A_87, %swap3A_88], %slice3A_86 {strides = array<i32>} : memref<128x6272xf32, #tpu.memory_space<vmem>>, vector<32x128xf32>,
    %slice3A_90 = vector.extract_strided_slice %max3A_19 {offsets = [576, 0], sizes = [32, 128], strides = [1, 1]} : vector<1568x128xf32> to vector<32x128xf32>
    %swap3A_91 = arith.constant 0 : index
    %swap3A_92 = arith.constant 2304 : index
    %swap3A_93 = vector.load %arg12[%swap3A_91, %swap3A_92] : memref<128x6272xf32, #tpu.memory_space<vmem>>, vector<32x128xf32>
    tpu.vector_store %arg12[%swap3A_91, %swap3A_92], %slice3A_90 {strides = array<i32>} : memref<128x6272xf32, #tpu.memory_space<vmem>>, vector<32x128xf32>,
    %slice3A_94 = vector.extract_strided_slice %max3A_19 {offsets = [608, 0], sizes = [32, 128], strides = [1, 1]} : vector<1568x128xf32> to vector<32x128xf32>
    %swap3A_95 = arith.constant 0 : index
    %swap3A_96 = arith.constant 2432 : index
    %swap3A_97 = vector.load %arg12[%swap3A_95, %swap3A_96] : memref<128x6272xf32, #tpu.memory_space<vmem>>, vector<32x128xf32>
    tpu.vector_store %arg12[%swap3A_95, %swap3A_96], %slice3A_94 {strides = array<i32>} : memref<128x6272xf32, #tpu.memory_space<vmem>>, vector<32x128xf32>,
    %slice3A_98 = vector.extract_strided_slice %max3A_19 {offsets = [640, 0], sizes = [32, 128], strides = [1, 1]} : vector<1568x128xf32> to vector<32x128xf32>
    %swap3A_99 = arith.constant 0 : index
    %swap3A_100 = arith.constant 2560 : index
    %swap3A_101 = vector.load %arg12[%swap3A_99, %swap3A_100] : memref<128x6272xf32, #tpu.memory_space<vmem>>, vector<32x128xf32>
    tpu.vector_store %arg12[%swap3A_99, %swap3A_100], %slice3A_98 {strides = array<i32>} : memref<128x6272xf32, #tpu.memory_space<vmem>>, vector<32x128xf32>,
    %slice3A_102 = vector.extract_strided_slice %max3A_19 {offsets = [672, 0], sizes = [32, 128], strides = [1, 1]} : vector<1568x128xf32> to vector<32x128xf32>
    %swap3A_103 = arith.constant 0 : index
    %swap3A_104 = arith.constant 2688 : index
    %swap3A_105 = vector.load %arg12[%swap3A_103, %swap3A_104] : memref<128x6272xf32, #tpu.memory_space<vmem>>, vector<32x128xf32>
    tpu.vector_store %arg12[%swap3A_103, %swap3A_104], %slice3A_102 {strides = array<i32>} : memref<128x6272xf32, #tpu.memory_space<vmem>>, vector<32x128xf32>,
    %slice3A_106 = vector.extract_strided_slice %max3A_19 {offsets = [704, 0], sizes = [32, 128], strides = [1, 1]} : vector<1568x128xf32> to vector<32x128xf32>
    %swap3A_107 = arith.constant 0 : index
    %swap3A_108 = arith.constant 2816 : index
    %swap3A_109 = vector.load %arg12[%swap3A_107, %swap3A_108] : memref<128x6272xf32, #tpu.memory_space<vmem>>, vector<32x128xf32>
    tpu.vector_store %arg12[%swap3A_107, %swap3A_108], %slice3A_106 {strides = array<i32>} : memref<128x6272xf32, #tpu.memory_space<vmem>>, vector<32x128xf32>,
    %slice3A_110 = vector.extract_strided_slice %max3A_19 {offsets = [736, 0], sizes = [32, 128], strides = [1, 1]} : vector<1568x128xf32> to vector<32x128xf32>
    %swap3A_111 = arith.constant 0 : index
    %swap3A_112 = arith.constant 2944 : index
    %swap3A_113 = vector.load %arg12[%swap3A_111, %swap3A_112] : memref<128x6272xf32, #tpu.memory_space<vmem>>, vector<32x128xf32>
    tpu.vector_store %arg12[%swap3A_111, %swap3A_112], %slice3A_110 {strides = array<i32>} : memref<128x6272xf32, #tpu.memory_space<vmem>>, vector<32x128xf32>,
    %slice3A_114 = vector.extract_strided_slice %max3A_19 {offsets = [768, 0], sizes = [32, 128], strides = [1, 1]} : vector<1568x128xf32> to vector<32x128xf32>
    %swap3A_115 = arith.constant 0 : index
    %swap3A_116 = arith.constant 3072 : index
    %swap3A_117 = vector.load %arg12[%swap3A_115, %swap3A_116] : memref<128x6272xf32, #tpu.memory_space<vmem>>, vector<32x128xf32>
    tpu.vector_store %arg12[%swap3A_115, %swap3A_116], %slice3A_114 {strides = array<i32>} : memref<128x6272xf32, #tpu.memory_space<vmem>>, vector<32x128xf32>,
    %slice3A_118 = vector.extract_strided_slice %max3A_19 {offsets = [800, 0], sizes = [32, 128], strides = [1, 1]} : vector<1568x128xf32> to vector<32x128xf32>
    %swap3A_119 = arith.constant 0 : index
    %swap3A_120 = arith.constant 3200 : index
    %swap3A_121 = vector.load %arg12[%swap3A_119, %swap3A_120] : memref<128x6272xf32, #tpu.memory_space<vmem>>, vector<32x128xf32>
    tpu.vector_store %arg12[%swap3A_119, %swap3A_120], %slice3A_118 {strides = array<i32>} : memref<128x6272xf32, #tpu.memory_space<vmem>>, vector<32x128xf32>,
    %slice3A_122 = vector.extract_strided_slice %max3A_19 {offsets = [832, 0], sizes = [32, 128], strides = [1, 1]} : vector<1568x128xf32> to vector<32x128xf32>
    %swap3A_123 = arith.constant 0 : index
    %swap3A_124 = arith.constant 3328 : index
    %swap3A_125 = vector.load %arg12[%swap3A_123, %swap3A_124] : memref<128x6272xf32, #tpu.memory_space<vmem>>, vector<32x128xf32>
    tpu.vector_store %arg12[%swap3A_123, %swap3A_124], %slice3A_122 {strides = array<i32>} : memref<128x6272xf32, #tpu.memory_space<vmem>>, vector<32x128xf32>,
    %slice3A_126 = vector.extract_strided_slice %max3A_19 {offsets = [864, 0], sizes = [32, 128], strides = [1, 1]} : vector<1568x128xf32> to vector<32x128xf32>
    %swap3A_127 = arith.constant 0 : index
    %swap3A_128 = arith.constant 3456 : index
    %swap3A_129 = vector.load %arg12[%swap3A_127, %swap3A_128] : memref<128x6272xf32, #tpu.memory_space<vmem>>, vector<32x128xf32>
    tpu.vector_store %arg12[%swap3A_127, %swap3A_128], %slice3A_126 {strides = array<i32>} : memref<128x6272xf32, #tpu.memory_space<vmem>>, vector<32x128xf32>,
    %slice3A_130 = vector.extract_strided_slice %max3A_19 {offsets = [896, 0], sizes = [32, 128], strides = [1, 1]} : vector<1568x128xf32> to vector<32x128xf32>
    %swap3A_131 = arith.constant 0 : index
    %swap3A_132 = arith.constant 3584 : index
    %swap3A_133 = vector.load %arg12[%swap3A_131, %swap3A_132] : memref<128x6272xf32, #tpu.memory_space<vmem>>, vector<32x128xf32>
    tpu.vector_store %arg12[%swap3A_131, %swap3A_132], %slice3A_130 {strides = array<i32>} : memref<128x6272xf32, #tpu.memory_space<vmem>>, vector<32x128xf32>,
    %slice3A_134 = vector.extract_strided_slice %max3A_19 {offsets = [928, 0], sizes = [32, 128], strides = [1, 1]} : vector<1568x128xf32> to vector<32x128xf32>
    %swap3A_135 = arith.constant 0 : index
    %swap3A_136 = arith.constant 3712 : index
    %swap3A_137 = vector.load %arg12[%swap3A_135, %swap3A_136] : memref<128x6272xf32, #tpu.memory_space<vmem>>, vector<32x128xf32>
    tpu.vector_store %arg12[%swap3A_135, %swap3A_136], %slice3A_134 {strides = array<i32>} : memref<128x6272xf32, #tpu.memory_space<vmem>>, vector<32x128xf32>,
    %slice3A_138 = vector.extract_strided_slice %max3A_19 {offsets = [960, 0], sizes = [32, 128], strides = [1, 1]} : vector<1568x128xf32> to vector<32x128xf32>
    %swap3A_139 = arith.constant 0 : index
    %swap3A_140 = arith.constant 3840 : index
    %swap3A_141 = vector.load %arg12[%swap3A_139, %swap3A_140] : memref<128x6272xf32, #tpu.memory_space<vmem>>, vector<32x128xf32>
    tpu.vector_store %arg12[%swap3A_139, %swap3A_140], %slice3A_138 {strides = array<i32>} : memref<128x6272xf32, #tpu.memory_space<vmem>>, vector<32x128xf32>,
    %slice3A_142 = vector.extract_strided_slice %max3A_19 {offsets = [992, 0], sizes = [32, 128], strides = [1, 1]} : vector<1568x128xf32> to vector<32x128xf32>
    %swap3A_143 = arith.constant 0 : index
    %swap3A_144 = arith.constant 3968 : index
    %swap3A_145 = vector.load %arg12[%swap3A_143, %swap3A_144] : memref<128x6272xf32, #tpu.memory_space<vmem>>, vector<32x128xf32>
    tpu.vector_store %arg12[%swap3A_143, %swap3A_144], %slice3A_142 {strides = array<i32>} : memref<128x6272xf32, #tpu.memory_space<vmem>>, vector<32x128xf32>,
    %slice3A_146 = vector.extract_strided_slice %max3A_19 {offsets = [1024, 0], sizes = [32, 128], strides = [1, 1]} : vector<1568x128xf32> to vector<32x128xf32>
    %swap3A_147 = arith.constant 0 : index
    %swap3A_148 = arith.constant 4096 : index
    %swap3A_149 = vector.load %arg12[%swap3A_147, %swap3A_148] : memref<128x6272xf32, #tpu.memory_space<vmem>>, vector<32x128xf32>
    tpu.vector_store %arg12[%swap3A_147, %swap3A_148], %slice3A_146 {strides = array<i32>} : memref<128x6272xf32, #tpu.memory_space<vmem>>, vector<32x128xf32>,
    %slice3A_150 = vector.extract_strided_slice %max3A_19 {offsets = [1056, 0], sizes = [32, 128], strides = [1, 1]} : vector<1568x128xf32> to vector<32x128xf32>
    %swap3A_151 = arith.constant 0 : index
    %swap3A_152 = arith.constant 4224 : index
    %swap3A_153 = vector.load %arg12[%swap3A_151, %swap3A_152] : memref<128x6272xf32, #tpu.memory_space<vmem>>, vector<32x128xf32>
    tpu.vector_store %arg12[%swap3A_151, %swap3A_152], %slice3A_150 {strides = array<i32>} : memref<128x6272xf32, #tpu.memory_space<vmem>>, vector<32x128xf32>,
    %slice3A_154 = vector.extract_strided_slice %max3A_19 {offsets = [1088, 0], sizes = [32, 128], strides = [1, 1]} : vector<1568x128xf32> to vector<32x128xf32>
    %swap3A_155 = arith.constant 0 : index
    %swap3A_156 = arith.constant 4352 : index
    %swap3A_157 = vector.load %arg12[%swap3A_155, %swap3A_156] : memref<128x6272xf32, #tpu.memory_space<vmem>>, vector<32x128xf32>
    tpu.vector_store %arg12[%swap3A_155, %swap3A_156], %slice3A_154 {strides = array<i32>} : memref<128x6272xf32, #tpu.memory_space<vmem>>, vector<32x128xf32>,
    %slice3A_158 = vector.extract_strided_slice %max3A_19 {offsets = [1120, 0], sizes = [32, 128], strides = [1, 1]} : vector<1568x128xf32> to vector<32x128xf32>
    %swap3A_159 = arith.constant 0 : index
    %swap3A_160 = arith.constant 4480 : index
    %swap3A_161 = vector.load %arg12[%swap3A_159, %swap3A_160] : memref<128x6272xf32, #tpu.memory_space<vmem>>, vector<32x128xf32>
    tpu.vector_store %arg12[%swap3A_159, %swap3A_160], %slice3A_158 {strides = array<i32>} : memref<128x6272xf32, #tpu.memory_space<vmem>>, vector<32x128xf32>,
    %slice3A_162 = vector.extract_strided_slice %max3A_19 {offsets = [1152, 0], sizes = [32, 128], strides = [1, 1]} : vector<1568x128xf32> to vector<32x128xf32>
    %swap3A_163 = arith.constant 0 : index
    %swap3A_164 = arith.constant 4608 : index
    %swap3A_165 = vector.load %arg12[%swap3A_163, %swap3A_164] : memref<128x6272xf32, #tpu.memory_space<vmem>>, vector<32x128xf32>
    tpu.vector_store %arg12[%swap3A_163, %swap3A_164], %slice3A_162 {strides = array<i32>} : memref<128x6272xf32, #tpu.memory_space<vmem>>, vector<32x128xf32>,
    %slice3A_166 = vector.extract_strided_slice %max3A_19 {offsets = [1184, 0], sizes = [32, 128], strides = [1, 1]} : vector<1568x128xf32> to vector<32x128xf32>
    %swap3A_167 = arith.constant 0 : index
    %swap3A_168 = arith.constant 4736 : index
    %swap3A_169 = vector.load %arg12[%swap3A_167, %swap3A_168] : memref<128x6272xf32, #tpu.memory_space<vmem>>, vector<32x128xf32>
    tpu.vector_store %arg12[%swap3A_167, %swap3A_168], %slice3A_166 {strides = array<i32>} : memref<128x6272xf32, #tpu.memory_space<vmem>>, vector<32x128xf32>,
    %slice3A_170 = vector.extract_strided_slice %max3A_19 {offsets = [1216, 0], sizes = [32, 128], strides = [1, 1]} : vector<1568x128xf32> to vector<32x128xf32>
    %swap3A_171 = arith.constant 0 : index
    %swap3A_172 = arith.constant 4864 : index
    %swap3A_173 = vector.load %arg12[%swap3A_171, %swap3A_172] : memref<128x6272xf32, #tpu.memory_space<vmem>>, vector<32x128xf32>
    tpu.vector_store %arg12[%swap3A_171, %swap3A_172], %slice3A_170 {strides = array<i32>} : memref<128x6272xf32, #tpu.memory_space<vmem>>, vector<32x128xf32>,
    %slice3A_174 = vector.extract_strided_slice %max3A_19 {offsets = [1248, 0], sizes = [32, 128], strides = [1, 1]} : vector<1568x128xf32> to vector<32x128xf32>
    %swap3A_175 = arith.constant 0 : index
    %swap3A_176 = arith.constant 4992 : index
    %swap3A_177 = vector.load %arg12[%swap3A_175, %swap3A_176] : memref<128x6272xf32, #tpu.memory_space<vmem>>, vector<32x128xf32>
    tpu.vector_store %arg12[%swap3A_175, %swap3A_176], %slice3A_174 {strides = array<i32>} : memref<128x6272xf32, #tpu.memory_space<vmem>>, vector<32x128xf32>,
    %slice3A_178 = vector.extract_strided_slice %max3A_19 {offsets = [1280, 0], sizes = [32, 128], strides = [1, 1]} : vector<1568x128xf32> to vector<32x128xf32>
    %swap3A_179 = arith.constant 0 : index
    %swap3A_180 = arith.constant 5120 : index
    %swap3A_181 = vector.load %arg12[%swap3A_179, %swap3A_180] : memref<128x6272xf32, #tpu.memory_space<vmem>>, vector<32x128xf32>
    tpu.vector_store %arg12[%swap3A_179, %swap3A_180], %slice3A_178 {strides = array<i32>} : memref<128x6272xf32, #tpu.memory_space<vmem>>, vector<32x128xf32>,
    %slice3A_182 = vector.extract_strided_slice %max3A_19 {offsets = [1312, 0], sizes = [32, 128], strides = [1, 1]} : vector<1568x128xf32> to vector<32x128xf32>
    %swap3A_183 = arith.constant 0 : index
    %swap3A_184 = arith.constant 5248 : index
    %swap3A_185 = vector.load %arg12[%swap3A_183, %swap3A_184] : memref<128x6272xf32, #tpu.memory_space<vmem>>, vector<32x128xf32>
    tpu.vector_store %arg12[%swap3A_183, %swap3A_184], %slice3A_182 {strides = array<i32>} : memref<128x6272xf32, #tpu.memory_space<vmem>>, vector<32x128xf32>,
    %slice3A_186 = vector.extract_strided_slice %max3A_19 {offsets = [1344, 0], sizes = [32, 128], strides = [1, 1]} : vector<1568x128xf32> to vector<32x128xf32>
    %swap3A_187 = arith.constant 0 : index
    %swap3A_188 = arith.constant 5376 : index
    %swap3A_189 = vector.load %arg12[%swap3A_187, %swap3A_188] : memref<128x6272xf32, #tpu.memory_space<vmem>>, vector<32x128xf32>
    tpu.vector_store %arg12[%swap3A_187, %swap3A_188], %slice3A_186 {strides = array<i32>} : memref<128x6272xf32, #tpu.memory_space<vmem>>, vector<32x128xf32>,
    %slice3A_190 = vector.extract_strided_slice %max3A_19 {offsets = [1376, 0], sizes = [32, 128], strides = [1, 1]} : vector<1568x128xf32> to vector<32x128xf32>
    %swap3A_191 = arith.constant 0 : index
    %swap3A_192 = arith.constant 5504 : index
    %swap3A_193 = vector.load %arg12[%swap3A_191, %swap3A_192] : memref<128x6272xf32, #tpu.memory_space<vmem>>, vector<32x128xf32>
    tpu.vector_store %arg12[%swap3A_191, %swap3A_192], %slice3A_190 {strides = array<i32>} : memref<128x6272xf32, #tpu.memory_space<vmem>>, vector<32x128xf32>,
    %slice3A_194 = vector.extract_strided_slice %max3A_19 {offsets = [1408, 0], sizes = [32, 128], strides = [1, 1]} : vector<1568x128xf32> to vector<32x128xf32>
    %swap3A_195 = arith.constant 0 : index
    %swap3A_196 = arith.constant 5632 : index
    %swap3A_197 = vector.load %arg12[%swap3A_195, %swap3A_196] : memref<128x6272xf32, #tpu.memory_space<vmem>>, vector<32x128xf32>
    tpu.vector_store %arg12[%swap3A_195, %swap3A_196], %slice3A_194 {strides = array<i32>} : memref<128x6272xf32, #tpu.memory_space<vmem>>, vector<32x128xf32>,
    %slice3A_198 = vector.extract_strided_slice %max3A_19 {offsets = [1440, 0], sizes = [32, 128], strides = [1, 1]} : vector<1568x128xf32> to vector<32x128xf32>
    %swap3A_199 = arith.constant 0 : index
    %swap3A_200 = arith.constant 5760 : index
    %swap3A_201 = vector.load %arg12[%swap3A_199, %swap3A_200] : memref<128x6272xf32, #tpu.memory_space<vmem>>, vector<32x128xf32>
    tpu.vector_store %arg12[%swap3A_199, %swap3A_200], %slice3A_198 {strides = array<i32>} : memref<128x6272xf32, #tpu.memory_space<vmem>>, vector<32x128xf32>,
    %slice3A_202 = vector.extract_strided_slice %max3A_19 {offsets = [1472, 0], sizes = [32, 128], strides = [1, 1]} : vector<1568x128xf32> to vector<32x128xf32>
    %swap3A_203 = arith.constant 0 : index
    %swap3A_204 = arith.constant 5888 : index
    %swap3A_205 = vector.load %arg12[%swap3A_203, %swap3A_204] : memref<128x6272xf32, #tpu.memory_space<vmem>>, vector<32x128xf32>
    tpu.vector_store %arg12[%swap3A_203, %swap3A_204], %slice3A_202 {strides = array<i32>} : memref<128x6272xf32, #tpu.memory_space<vmem>>, vector<32x128xf32>,
    %slice3A_206 = vector.extract_strided_slice %max3A_19 {offsets = [1504, 0], sizes = [32, 128], strides = [1, 1]} : vector<1568x128xf32> to vector<32x128xf32>
    %swap3A_207 = arith.constant 0 : index
    %swap3A_208 = arith.constant 6016 : index
    %swap3A_209 = vector.load %arg12[%swap3A_207, %swap3A_208] : memref<128x6272xf32, #tpu.memory_space<vmem>>, vector<32x128xf32>
    tpu.vector_store %arg12[%swap3A_207, %swap3A_208], %slice3A_206 {strides = array<i32>} : memref<128x6272xf32, #tpu.memory_space<vmem>>, vector<32x128xf32>,
    %slice3A_210 = vector.extract_strided_slice %max3A_19 {offsets = [1536, 0], sizes = [32, 128], strides = [1, 1]} : vector<1568x128xf32> to vector<32x128xf32>
    %swap3A_211 = arith.constant 0 : index
    %swap3A_212 = arith.constant 6144 : index
    %swap3A_213 = vector.load %arg12[%swap3A_211, %swap3A_212] : memref<128x6272xf32, #tpu.memory_space<vmem>>, vector<32x128xf32>
    tpu.vector_store %arg12[%swap3A_211, %swap3A_212], %slice3A_210 {strides = array<i32>} : memref<128x6272xf32, #tpu.memory_space<vmem>>, vector<32x128xf32>,
    %get3A_214 = arith.constant 0 : index
    %get3A_215 = arith.constant 0 : index
    %get3A_216 = vector.load %arg12[%get3A_214, %get3A_215] : memref<128x6272xf32, #tpu.memory_space<vmem>>, vector<32x896xf32>
    %swap3A_217 = arith.constant 32 : index
    %swap3A_218 = arith.constant 896 : index
    %swap3A_219 = vector.load %arg12[%swap3A_217, %swap3A_218] : memref<128x6272xf32, #tpu.memory_space<vmem>>, vector<32x896xf32>
    tpu.vector_store %arg12[%swap3A_217, %swap3A_218], %get3A_216 {strides = array<i32>} : memref<128x6272xf32, #tpu.memory_space<vmem>>, vector<32x896xf32>,
    %get3A_220 = arith.constant 0 : index
    %get3A_221 = arith.constant 896 : index
    %get3A_222 = vector.load %arg12[%get3A_220, %get3A_221] : memref<128x6272xf32, #tpu.memory_space<vmem>>, vector<32x896xf32>
    %swap3A_223 = arith.constant 32 : index
    %swap3A_224 = arith.constant 1792 : index
    %swap3A_225 = vector.load %arg12[%swap3A_223, %swap3A_224] : memref<128x6272xf32, #tpu.memory_space<vmem>>, vector<32x896xf32>
    tpu.vector_store %arg12[%swap3A_223, %swap3A_224], %get3A_222 {strides = array<i32>} : memref<128x6272xf32, #tpu.memory_space<vmem>>, vector<32x896xf32>,
    %get3A_226 = arith.constant 0 : index
    %get3A_227 = arith.constant 1792 : index
    %get3A_228 = vector.load %arg12[%get3A_226, %get3A_227] : memref<128x6272xf32, #tpu.memory_space<vmem>>, vector<32x896xf32>
    %swap3A_229 = arith.constant 32 : index
    %swap3A_230 = arith.constant 2688 : index
    %swap3A_231 = vector.load %arg12[%swap3A_229, %swap3A_230] : memref<128x6272xf32, #tpu.memory_space<vmem>>, vector<32x896xf32>
    tpu.vector_store %arg12[%swap3A_229, %swap3A_230], %get3A_228 {strides = array<i32>} : memref<128x6272xf32, #tpu.memory_space<vmem>>, vector<32x896xf32>,
    %get3A_232 = arith.constant 0 : index
    %get3A_233 = arith.constant 2688 : index
    %get3A_234 = vector.load %arg12[%get3A_232, %get3A_233] : memref<128x6272xf32, #tpu.memory_space<vmem>>, vector<32x896xf32>
    %swap3A_235 = arith.constant 32 : index
    %swap3A_236 = arith.constant 3584 : index
    %swap3A_237 = vector.load %arg12[%swap3A_235, %swap3A_236] : memref<128x6272xf32, #tpu.memory_space<vmem>>, vector<32x896xf32>
    tpu.vector_store %arg12[%swap3A_235, %swap3A_236], %get3A_234 {strides = array<i32>} : memref<128x6272xf32, #tpu.memory_space<vmem>>, vector<32x896xf32>,
    %get3A_238 = arith.constant 0 : index
    %get3A_239 = arith.constant 3584 : index
    %get3A_240 = vector.load %arg12[%get3A_238, %get3A_239] : memref<128x6272xf32, #tpu.memory_space<vmem>>, vector<32x896xf32>
    %swap3A_241 = arith.constant 32 : index
    %swap3A_242 = arith.constant 4480 : index
    %swap3A_243 = vector.load %arg12[%swap3A_241, %swap3A_242] : memref<128x6272xf32, #tpu.memory_space<vmem>>, vector<32x896xf32>
    tpu.vector_store %arg12[%swap3A_241, %swap3A_242], %get3A_240 {strides = array<i32>} : memref<128x6272xf32, #tpu.memory_space<vmem>>, vector<32x896xf32>,
    %get3A_244 = arith.constant 0 : index
    %get3A_245 = arith.constant 4480 : index
    %get3A_246 = vector.load %arg12[%get3A_244, %get3A_245] : memref<128x6272xf32, #tpu.memory_space<vmem>>, vector<32x896xf32>
    %swap3A_247 = arith.constant 32 : index
    %swap3A_248 = arith.constant 5376 : index
    %swap3A_249 = vector.load %arg12[%swap3A_247, %swap3A_248] : memref<128x6272xf32, #tpu.memory_space<vmem>>, vector<32x896xf32>
    tpu.vector_store %arg12[%swap3A_247, %swap3A_248], %get3A_246 {strides = array<i32>} : memref<128x6272xf32, #tpu.memory_space<vmem>>, vector<32x896xf32>,
    %get3A_250 = arith.constant 0 : index
    %get3A_251 = arith.constant 0 : index
    %get3A_252 = vector.load %arg12[%get3A_250, %get3A_251] : memref<128x6272xf32, #tpu.memory_space<vmem>>, vector<32x768xf32>
    %swap3A_253 = arith.constant 64 : index
    %swap3A_254 = arith.constant 128 : index
    %swap3A_255 = vector.load %arg12[%swap3A_253, %swap3A_254] : memref<128x6272xf32, #tpu.memory_space<vmem>>, vector<32x768xf32>
    tpu.vector_store %arg12[%swap3A_253, %swap3A_254], %get3A_252 {strides = array<i32>} : memref<128x6272xf32, #tpu.memory_space<vmem>>, vector<32x768xf32>,
    %get3A_256 = arith.constant 0 : index
    %get3A_257 = arith.constant 896 : index
    %get3A_258 = vector.load %arg12[%get3A_256, %get3A_257] : memref<128x6272xf32, #tpu.memory_space<vmem>>, vector<32x768xf32>
    %swap3A_259 = arith.constant 64 : index
    %swap3A_260 = arith.constant 1024 : index
    %swap3A_261 = vector.load %arg12[%swap3A_259, %swap3A_260] : memref<128x6272xf32, #tpu.memory_space<vmem>>, vector<32x768xf32>
    tpu.vector_store %arg12[%swap3A_259, %swap3A_260], %get3A_258 {strides = array<i32>} : memref<128x6272xf32, #tpu.memory_space<vmem>>, vector<32x768xf32>,
    %get3A_262 = arith.constant 0 : index
    %get3A_263 = arith.constant 1792 : index
    %get3A_264 = vector.load %arg12[%get3A_262, %get3A_263] : memref<128x6272xf32, #tpu.memory_space<vmem>>, vector<32x768xf32>
    %swap3A_265 = arith.constant 64 : index
    %swap3A_266 = arith.constant 1920 : index
    %swap3A_267 = vector.load %arg12[%swap3A_265, %swap3A_266] : memref<128x6272xf32, #tpu.memory_space<vmem>>, vector<32x768xf32>
    tpu.vector_store %arg12[%swap3A_265, %swap3A_266], %get3A_264 {strides = array<i32>} : memref<128x6272xf32, #tpu.memory_space<vmem>>, vector<32x768xf32>,
    %get3A_268 = arith.constant 0 : index
    %get3A_269 = arith.constant 2688 : index
    %get3A_270 = vector.load %arg12[%get3A_268, %get3A_269] : memref<128x6272xf32, #tpu.memory_space<vmem>>, vector<32x768xf32>
    %swap3A_271 = arith.constant 64 : index
    %swap3A_272 = arith.constant 2816 : index
    %swap3A_273 = vector.load %arg12[%swap3A_271, %swap3A_272] : memref<128x6272xf32, #tpu.memory_space<vmem>>, vector<32x768xf32>
    tpu.vector_store %arg12[%swap3A_271, %swap3A_272], %get3A_270 {strides = array<i32>} : memref<128x6272xf32, #tpu.memory_space<vmem>>, vector<32x768xf32>,
    %get3A_274 = arith.constant 0 : index
    %get3A_275 = arith.constant 3584 : index
    %get3A_276 = vector.load %arg12[%get3A_274, %get3A_275] : memref<128x6272xf32, #tpu.memory_space<vmem>>, vector<32x768xf32>
    %swap3A_277 = arith.constant 64 : index
    %swap3A_278 = arith.constant 3712 : index
    %swap3A_279 = vector.load %arg12[%swap3A_277, %swap3A_278] : memref<128x6272xf32, #tpu.memory_space<vmem>>, vector<32x768xf32>
    tpu.vector_store %arg12[%swap3A_277, %swap3A_278], %get3A_276 {strides = array<i32>} : memref<128x6272xf32, #tpu.memory_space<vmem>>, vector<32x768xf32>,
    %get3A_280 = arith.constant 0 : index
    %get3A_281 = arith.constant 4480 : index
    %get3A_282 = vector.load %arg12[%get3A_280, %get3A_281] : memref<128x6272xf32, #tpu.memory_space<vmem>>, vector<32x768xf32>
    %swap3A_283 = arith.constant 64 : index
    %swap3A_284 = arith.constant 4608 : index
    %swap3A_285 = vector.load %arg12[%swap3A_283, %swap3A_284] : memref<128x6272xf32, #tpu.memory_space<vmem>>, vector<32x768xf32>
    tpu.vector_store %arg12[%swap3A_283, %swap3A_284], %get3A_282 {strides = array<i32>} : memref<128x6272xf32, #tpu.memory_space<vmem>>, vector<32x768xf32>,
    %get3A_286 = arith.constant 0 : index
    %get3A_287 = arith.constant 5376 : index
    %get3A_288 = vector.load %arg12[%get3A_286, %get3A_287] : memref<128x6272xf32, #tpu.memory_space<vmem>>, vector<32x768xf32>
    %swap3A_289 = arith.constant 64 : index
    %swap3A_290 = arith.constant 5504 : index
    %swap3A_291 = vector.load %arg12[%swap3A_289, %swap3A_290] : memref<128x6272xf32, #tpu.memory_space<vmem>>, vector<32x768xf32>
    tpu.vector_store %arg12[%swap3A_289, %swap3A_290], %get3A_288 {strides = array<i32>} : memref<128x6272xf32, #tpu.memory_space<vmem>>, vector<32x768xf32>,
    %get3A_292 = arith.constant 0 : index
    %get3A_293 = arith.constant 0 : index
    %get3A_294 = vector.load %arg12[%get3A_292, %get3A_293] : memref<128x6272xf32, #tpu.memory_space<vmem>>, vector<32x768xf32>
    %swap3A_295 = arith.constant 96 : index
    %swap3A_296 = arith.constant 1024 : index
    %swap3A_297 = vector.load %arg12[%swap3A_295, %swap3A_296] : memref<128x6272xf32, #tpu.memory_space<vmem>>, vector<32x768xf32>
    tpu.vector_store %arg12[%swap3A_295, %swap3A_296], %get3A_294 {strides = array<i32>} : memref<128x6272xf32, #tpu.memory_space<vmem>>, vector<32x768xf32>,
    %get3A_298 = arith.constant 0 : index
    %get3A_299 = arith.constant 896 : index
    %get3A_300 = vector.load %arg12[%get3A_298, %get3A_299] : memref<128x6272xf32, #tpu.memory_space<vmem>>, vector<32x768xf32>
    %swap3A_301 = arith.constant 96 : index
    %swap3A_302 = arith.constant 1920 : index
    %swap3A_303 = vector.load %arg12[%swap3A_301, %swap3A_302] : memref<128x6272xf32, #tpu.memory_space<vmem>>, vector<32x768xf32>
    tpu.vector_store %arg12[%swap3A_301, %swap3A_302], %get3A_300 {strides = array<i32>} : memref<128x6272xf32, #tpu.memory_space<vmem>>, vector<32x768xf32>,
    %get3A_304 = arith.constant 0 : index
    %get3A_305 = arith.constant 1792 : index
    %get3A_306 = vector.load %arg12[%get3A_304, %get3A_305] : memref<128x6272xf32, #tpu.memory_space<vmem>>, vector<32x768xf32>
    %swap3A_307 = arith.constant 96 : index
    %swap3A_308 = arith.constant 2816 : index
    %swap3A_309 = vector.load %arg12[%swap3A_307, %swap3A_308] : memref<128x6272xf32, #tpu.memory_space<vmem>>, vector<32x768xf32>
    tpu.vector_store %arg12[%swap3A_307, %swap3A_308], %get3A_306 {strides = array<i32>} : memref<128x6272xf32, #tpu.memory_space<vmem>>, vector<32x768xf32>,
    %get3A_310 = arith.constant 0 : index
    %get3A_311 = arith.constant 2688 : index
    %get3A_312 = vector.load %arg12[%get3A_310, %get3A_311] : memref<128x6272xf32, #tpu.memory_space<vmem>>, vector<32x768xf32>
    %swap3A_313 = arith.constant 96 : index
    %swap3A_314 = arith.constant 3712 : index
    %swap3A_315 = vector.load %arg12[%swap3A_313, %swap3A_314] : memref<128x6272xf32, #tpu.memory_space<vmem>>, vector<32x768xf32>
    tpu.vector_store %arg12[%swap3A_313, %swap3A_314], %get3A_312 {strides = array<i32>} : memref<128x6272xf32, #tpu.memory_space<vmem>>, vector<32x768xf32>,
    %get3A_316 = arith.constant 0 : index
    %get3A_317 = arith.constant 3584 : index
    %get3A_318 = vector.load %arg12[%get3A_316, %get3A_317] : memref<128x6272xf32, #tpu.memory_space<vmem>>, vector<32x768xf32>
    %swap3A_319 = arith.constant 96 : index
    %swap3A_320 = arith.constant 4608 : index
    %swap3A_321 = vector.load %arg12[%swap3A_319, %swap3A_320] : memref<128x6272xf32, #tpu.memory_space<vmem>>, vector<32x768xf32>
    tpu.vector_store %arg12[%swap3A_319, %swap3A_320], %get3A_318 {strides = array<i32>} : memref<128x6272xf32, #tpu.memory_space<vmem>>, vector<32x768xf32>,
    %get3A_322 = arith.constant 0 : index
    %get3A_323 = arith.constant 4480 : index
    %get3A_324 = vector.load %arg12[%get3A_322, %get3A_323] : memref<128x6272xf32, #tpu.memory_space<vmem>>, vector<32x768xf32>
    %swap3A_325 = arith.constant 96 : index
    %swap3A_326 = arith.constant 5504 : index
    %swap3A_327 = vector.load %arg12[%swap3A_325, %swap3A_326] : memref<128x6272xf32, #tpu.memory_space<vmem>>, vector<32x768xf32>
    tpu.vector_store %arg12[%swap3A_325, %swap3A_326], %get3A_324 {strides = array<i32>} : memref<128x6272xf32, #tpu.memory_space<vmem>>, vector<32x768xf32>,
    %get3A_328 = arith.constant 0 : index
    %get3A_329 = arith.constant 0 : index
    %get3A_330 = vector.load %arg4[%get3A_328, %get3A_329] : memref<256x128xf32, #tpu.memory_space<vmem>>, vector<256x128xf32>
    %get3A_331 = arith.constant 0 : index
    %get3A_332 = arith.constant 0 : index
    %get3A_333 = vector.load %arg12[%get3A_331, %get3A_332] : memref<128x6272xf32, #tpu.memory_space<vmem>>, vector<128x6272xf32>
    %dot_general3A_334 = arith.constant dense<0.000000e+00> : vector<256x6272xf32>
    %dot_general3A_335 = tpu.matmul %get3A_330, %get3A_333, %dot_general3A_334 {dimension_numbers = #tpu.dot_dimension_numbers<[1], [0], [0], [1], [0, 0, 1, 1], [], []>, transpose_lhs_hint = false} : vector<256x128xf32>, vector<128x6272xf32>, vector<256x6272xf32> -> vector<256x6272xf32>
    %get3A_336 = arith.constant 0 : index
    %get3A_337 = arith.constant 0 : index
    %get3A_338 = vector.load %arg5[%get3A_336, %get3A_337] : memref<256x1xf32, #tpu.memory_space<vmem>>, vector<256x1xf32>
    %add3A_339 = vector.broadcast %get3A_338 : vector<256x1xf32> to vector<256x6272xf32>
    %add3A_340 = arith.addf %dot_general3A_335, %add3A_339 : vector<256x6272xf32>
    %max3A_341 = arith.constant 0.000000e+00 : f32
    %max3A_342 = vector.broadcast %max3A_341 : f32 to vector<256x6272xf32>
    %max3A_343 = arith.maximumf %add3A_340, %max3A_342 : vector<256x6272xf32>
    %slice3A_344 = vector.extract_strided_slice %max3A_343 {offsets = [0, 0], sizes = [64, 6272], strides = [1, 1]} : vector<256x6272xf32> to vector<64x6272xf32>
    %swap3A_345 = arith.constant 0 : index
    %swap3A_346 = arith.constant 0 : index
    %swap3A_347 = vector.load %arg13[%swap3A_345, %swap3A_346] : memref<384x6272xf32, #tpu.memory_space<vmem>>, vector<64x6272xf32>
    tpu.vector_store %arg13[%swap3A_345, %swap3A_346], %slice3A_344 {strides = array<i32>} : memref<384x6272xf32, #tpu.memory_space<vmem>>, vector<64x6272xf32>,
    %slice3A_348 = vector.extract_strided_slice %max3A_343 {offsets = [64, 0], sizes = [64, 6272], strides = [1, 1]} : vector<256x6272xf32> to vector<64x6272xf32>
    %swap3A_349 = arith.constant 64 : index
    %swap3A_350 = arith.constant 0 : index
    %swap3A_351 = vector.load %arg13[%swap3A_349, %swap3A_350] : memref<384x6272xf32, #tpu.memory_space<vmem>>, vector<64x6272xf32>
    tpu.vector_store %arg13[%swap3A_349, %swap3A_350], %slice3A_348 {strides = array<i32>} : memref<384x6272xf32, #tpu.memory_space<vmem>>, vector<64x6272xf32>,
    %slice3A_352 = vector.extract_strided_slice %max3A_343 {offsets = [64, 0], sizes = [64, 768], strides = [1, 1]} : vector<256x6272xf32> to vector<64x768xf32>
    %swap3A_353 = arith.constant 128 : index
    %swap3A_354 = arith.constant 128 : index
    %swap3A_355 = vector.load %arg13[%swap3A_353, %swap3A_354] : memref<384x6272xf32, #tpu.memory_space<vmem>>, vector<64x768xf32>
    tpu.vector_store %arg13[%swap3A_353, %swap3A_354], %slice3A_352 {strides = array<i32>} : memref<384x6272xf32, #tpu.memory_space<vmem>>, vector<64x768xf32>,
    %slice3A_356 = vector.extract_strided_slice %max3A_343 {offsets = [64, 896], sizes = [64, 768], strides = [1, 1]} : vector<256x6272xf32> to vector<64x768xf32>
    %swap3A_357 = arith.constant 128 : index
    %swap3A_358 = arith.constant 1024 : index
    %swap3A_359 = vector.load %arg13[%swap3A_357, %swap3A_358] : memref<384x6272xf32, #tpu.memory_space<vmem>>, vector<64x768xf32>
    tpu.vector_store %arg13[%swap3A_357, %swap3A_358], %slice3A_356 {strides = array<i32>} : memref<384x6272xf32, #tpu.memory_space<vmem>>, vector<64x768xf32>,
    %slice3A_360 = vector.extract_strided_slice %max3A_343 {offsets = [64, 1792], sizes = [64, 768], strides = [1, 1]} : vector<256x6272xf32> to vector<64x768xf32>
    %swap3A_361 = arith.constant 128 : index
    %swap3A_362 = arith.constant 1920 : index
    %swap3A_363 = vector.load %arg13[%swap3A_361, %swap3A_362] : memref<384x6272xf32, #tpu.memory_space<vmem>>, vector<64x768xf32>
    tpu.vector_store %arg13[%swap3A_361, %swap3A_362], %slice3A_360 {strides = array<i32>} : memref<384x6272xf32, #tpu.memory_space<vmem>>, vector<64x768xf32>,
    %slice3A_364 = vector.extract_strided_slice %max3A_343 {offsets = [64, 2688], sizes = [64, 768], strides = [1, 1]} : vector<256x6272xf32> to vector<64x768xf32>
    %swap3A_365 = arith.constant 128 : index
    %swap3A_366 = arith.constant 2816 : index
    %swap3A_367 = vector.load %arg13[%swap3A_365, %swap3A_366] : memref<384x6272xf32, #tpu.memory_space<vmem>>, vector<64x768xf32>
    tpu.vector_store %arg13[%swap3A_365, %swap3A_366], %slice3A_364 {strides = array<i32>} : memref<384x6272xf32, #tpu.memory_space<vmem>>, vector<64x768xf32>,
    %slice3A_368 = vector.extract_strided_slice %max3A_343 {offsets = [64, 3584], sizes = [64, 768], strides = [1, 1]} : vector<256x6272xf32> to vector<64x768xf32>
    %swap3A_369 = arith.constant 128 : index
    %swap3A_370 = arith.constant 3712 : index
    %swap3A_371 = vector.load %arg13[%swap3A_369, %swap3A_370] : memref<384x6272xf32, #tpu.memory_space<vmem>>, vector<64x768xf32>
    tpu.vector_store %arg13[%swap3A_369, %swap3A_370], %slice3A_368 {strides = array<i32>} : memref<384x6272xf32, #tpu.memory_space<vmem>>, vector<64x768xf32>,
    %slice3A_372 = vector.extract_strided_slice %max3A_343 {offsets = [64, 4480], sizes = [64, 768], strides = [1, 1]} : vector<256x6272xf32> to vector<64x768xf32>
    %swap3A_373 = arith.constant 128 : index
    %swap3A_374 = arith.constant 4608 : index
    %swap3A_375 = vector.load %arg13[%swap3A_373, %swap3A_374] : memref<384x6272xf32, #tpu.memory_space<vmem>>, vector<64x768xf32>
    tpu.vector_store %arg13[%swap3A_373, %swap3A_374], %slice3A_372 {strides = array<i32>} : memref<384x6272xf32, #tpu.memory_space<vmem>>, vector<64x768xf32>,
    %slice3A_376 = vector.extract_strided_slice %max3A_343 {offsets = [64, 5376], sizes = [64, 768], strides = [1, 1]} : vector<256x6272xf32> to vector<64x768xf32>
    %swap3A_377 = arith.constant 128 : index
    %swap3A_378 = arith.constant 5504 : index
    %swap3A_379 = vector.load %arg13[%swap3A_377, %swap3A_378] : memref<384x6272xf32, #tpu.memory_space<vmem>>, vector<64x768xf32>
    tpu.vector_store %arg13[%swap3A_377, %swap3A_378], %slice3A_376 {strides = array<i32>} : memref<384x6272xf32, #tpu.memory_space<vmem>>, vector<64x768xf32>,
    %slice3A_380 = vector.extract_strided_slice %max3A_343 {offsets = [128, 0], sizes = [64, 6272], strides = [1, 1]} : vector<256x6272xf32> to vector<64x6272xf32>
    %swap3A_381 = arith.constant 192 : index
    %swap3A_382 = arith.constant 0 : index
    %swap3A_383 = vector.load %arg13[%swap3A_381, %swap3A_382] : memref<384x6272xf32, #tpu.memory_space<vmem>>, vector<64x6272xf32>
    tpu.vector_store %arg13[%swap3A_381, %swap3A_382], %slice3A_380 {strides = array<i32>} : memref<384x6272xf32, #tpu.memory_space<vmem>>, vector<64x6272xf32>,
    %slice3A_384 = vector.extract_strided_slice %max3A_343 {offsets = [192, 0], sizes = [64, 6272], strides = [1, 1]} : vector<256x6272xf32> to vector<64x6272xf32>
    %swap3A_385 = arith.constant 256 : index
    %swap3A_386 = arith.constant 0 : index
    %swap3A_387 = vector.load %arg13[%swap3A_385, %swap3A_386] : memref<384x6272xf32, #tpu.memory_space<vmem>>, vector<64x6272xf32>
    tpu.vector_store %arg13[%swap3A_385, %swap3A_386], %slice3A_384 {strides = array<i32>} : memref<384x6272xf32, #tpu.memory_space<vmem>>, vector<64x6272xf32>,
    %slice3A_388 = vector.extract_strided_slice %max3A_343 {offsets = [192, 0], sizes = [64, 768], strides = [1, 1]} : vector<256x6272xf32> to vector<64x768xf32>
    %swap3A_389 = arith.constant 320 : index
    %swap3A_390 = arith.constant 128 : index
    %swap3A_391 = vector.load %arg13[%swap3A_389, %swap3A_390] : memref<384x6272xf32, #tpu.memory_space<vmem>>, vector<64x768xf32>
    tpu.vector_store %arg13[%swap3A_389, %swap3A_390], %slice3A_388 {strides = array<i32>} : memref<384x6272xf32, #tpu.memory_space<vmem>>, vector<64x768xf32>,
    %slice3A_392 = vector.extract_strided_slice %max3A_343 {offsets = [192, 896], sizes = [64, 768], strides = [1, 1]} : vector<256x6272xf32> to vector<64x768xf32>
    %swap3A_393 = arith.constant 320 : index
    %swap3A_394 = arith.constant 1024 : index
    %swap3A_395 = vector.load %arg13[%swap3A_393, %swap3A_394] : memref<384x6272xf32, #tpu.memory_space<vmem>>, vector<64x768xf32>
    tpu.vector_store %arg13[%swap3A_393, %swap3A_394], %slice3A_392 {strides = array<i32>} : memref<384x6272xf32, #tpu.memory_space<vmem>>, vector<64x768xf32>,
    %slice3A_396 = vector.extract_strided_slice %max3A_343 {offsets = [192, 1792], sizes = [64, 768], strides = [1, 1]} : vector<256x6272xf32> to vector<64x768xf32>
    %swap3A_397 = arith.constant 320 : index
    %swap3A_398 = arith.constant 1920 : index
    %swap3A_399 = vector.load %arg13[%swap3A_397, %swap3A_398] : memref<384x6272xf32, #tpu.memory_space<vmem>>, vector<64x768xf32>
    tpu.vector_store %arg13[%swap3A_397, %swap3A_398], %slice3A_396 {strides = array<i32>} : memref<384x6272xf32, #tpu.memory_space<vmem>>, vector<64x768xf32>,
    %slice3A_400 = vector.extract_strided_slice %max3A_343 {offsets = [192, 2688], sizes = [64, 768], strides = [1, 1]} : vector<256x6272xf32> to vector<64x768xf32>
    %swap3A_401 = arith.constant 320 : index
    %swap3A_402 = arith.constant 2816 : index
    %swap3A_403 = vector.load %arg13[%swap3A_401, %swap3A_402] : memref<384x6272xf32, #tpu.memory_space<vmem>>, vector<64x768xf32>
    tpu.vector_store %arg13[%swap3A_401, %swap3A_402], %slice3A_400 {strides = array<i32>} : memref<384x6272xf32, #tpu.memory_space<vmem>>, vector<64x768xf32>,
    %slice3A_404 = vector.extract_strided_slice %max3A_343 {offsets = [192, 3584], sizes = [64, 768], strides = [1, 1]} : vector<256x6272xf32> to vector<64x768xf32>
    %swap3A_405 = arith.constant 320 : index
    %swap3A_406 = arith.constant 3712 : index
    %swap3A_407 = vector.load %arg13[%swap3A_405, %swap3A_406] : memref<384x6272xf32, #tpu.memory_space<vmem>>, vector<64x768xf32>
    tpu.vector_store %arg13[%swap3A_405, %swap3A_406], %slice3A_404 {strides = array<i32>} : memref<384x6272xf32, #tpu.memory_space<vmem>>, vector<64x768xf32>,
    %slice3A_408 = vector.extract_strided_slice %max3A_343 {offsets = [192, 4480], sizes = [64, 768], strides = [1, 1]} : vector<256x6272xf32> to vector<64x768xf32>
    %swap3A_409 = arith.constant 320 : index
    %swap3A_410 = arith.constant 4608 : index
    %swap3A_411 = vector.load %arg13[%swap3A_409, %swap3A_410] : memref<384x6272xf32, #tpu.memory_space<vmem>>, vector<64x768xf32>
    tpu.vector_store %arg13[%swap3A_409, %swap3A_410], %slice3A_408 {strides = array<i32>} : memref<384x6272xf32, #tpu.memory_space<vmem>>, vector<64x768xf32>,
    %slice3A_412 = vector.extract_strided_slice %max3A_343 {offsets = [192, 5376], sizes = [64, 768], strides = [1, 1]} : vector<256x6272xf32> to vector<64x768xf32>
    %swap3A_413 = arith.constant 320 : index
    %swap3A_414 = arith.constant 5504 : index
    %swap3A_415 = vector.load %arg13[%swap3A_413, %swap3A_414] : memref<384x6272xf32, #tpu.memory_space<vmem>>, vector<64x768xf32>
    tpu.vector_store %arg13[%swap3A_413, %swap3A_414], %slice3A_412 {strides = array<i32>} : memref<384x6272xf32, #tpu.memory_space<vmem>>, vector<64x768xf32>,
    %get3A_416 = arith.constant 0 : index
    %get3A_417 = arith.constant 0 : index
    %get3A_418 = vector.load %arg6[%get3A_416, %get3A_417] : memref<384x192xf32, #tpu.memory_space<vmem>>, vector<384x192xf32>
    %get3A_419 = arith.constant 0 : index
    %get3A_420 = arith.constant 0 : index
    %get3A_421 = vector.load %arg13[%get3A_419, %get3A_420] : memref<384x6272xf32, #tpu.memory_space<vmem>>, vector<192x6272xf32>
    %dot_general3A_422 = arith.constant dense<0.000000e+00> : vector<384x6272xf32>
    %dot_general3A_423 = tpu.matmul %get3A_418, %get3A_421, %dot_general3A_422 {dimension_numbers = #tpu.dot_dimension_numbers<[1], [0], [0], [1], [0, 0, 1, 1], [], []>, transpose_lhs_hint = false} : vector<384x192xf32>, vector<192x6272xf32>, vector<384x6272xf32> -> vector<384x6272xf32>
    %get3A_424 = arith.constant 0 : index
    %get3A_425 = arith.constant 0 : index
    %get3A_426 = vector.load %arg6[%get3A_424, %get3A_425] : memref<384x192xf32, #tpu.memory_space<vmem>>, vector<384x192xf32>
    %get3A_427 = arith.constant 192 : index
    %get3A_428 = arith.constant 0 : index
    %get3A_429 = vector.load %arg13[%get3A_427, %get3A_428] : memref<384x6272xf32, #tpu.memory_space<vmem>>, vector<192x6272xf32>
    %dot_general3A_430 = arith.constant dense<0.000000e+00> : vector<384x6272xf32>
    %dot_general3A_431 = tpu.matmul %get3A_426, %get3A_429, %dot_general3A_430 {dimension_numbers = #tpu.dot_dimension_numbers<[1], [0], [0], [1], [0, 0, 1, 1], [], []>, transpose_lhs_hint = false} : vector<384x192xf32>, vector<192x6272xf32>, vector<384x6272xf32> -> vector<384x6272xf32>
    %slice3A_432 = vector.extract_strided_slice %dot_general3A_431 {offsets = [0, 0], sizes = [128, 896], strides = [1, 1]} : vector<384x6272xf32> to vector<128x896xf32>
    %swap3A_433 = arith.constant 0 : index
    %swap3A_434 = arith.constant 896 : index
    %swap3A_435 = vector.load %arg14[%swap3A_433, %swap3A_434] : memref<128x6272xf32, #tpu.memory_space<vmem>>, vector<128x896xf32>
    tpu.vector_store %arg14[%swap3A_433, %swap3A_434], %slice3A_432 {strides = array<i32>} : memref<128x6272xf32, #tpu.memory_space<vmem>>, vector<128x896xf32>,
    %slice3A_436 = vector.extract_strided_slice %dot_general3A_431 {offsets = [0, 896], sizes = [128, 896], strides = [1, 1]} : vector<384x6272xf32> to vector<128x896xf32>
    %swap3A_437 = arith.constant 0 : index
    %swap3A_438 = arith.constant 1792 : index
    %swap3A_439 = vector.load %arg14[%swap3A_437, %swap3A_438] : memref<128x6272xf32, #tpu.memory_space<vmem>>, vector<128x896xf32>
    tpu.vector_store %arg14[%swap3A_437, %swap3A_438], %slice3A_436 {strides = array<i32>} : memref<128x6272xf32, #tpu.memory_space<vmem>>, vector<128x896xf32>,
    %slice3A_440 = vector.extract_strided_slice %dot_general3A_431 {offsets = [0, 1792], sizes = [128, 896], strides = [1, 1]} : vector<384x6272xf32> to vector<128x896xf32>
    %swap3A_441 = arith.constant 0 : index
    %swap3A_442 = arith.constant 2688 : index
    %swap3A_443 = vector.load %arg14[%swap3A_441, %swap3A_442] : memref<128x6272xf32, #tpu.memory_space<vmem>>, vector<128x896xf32>
    tpu.vector_store %arg14[%swap3A_441, %swap3A_442], %slice3A_440 {strides = array<i32>} : memref<128x6272xf32, #tpu.memory_space<vmem>>, vector<128x896xf32>,
    %slice3A_444 = vector.extract_strided_slice %dot_general3A_431 {offsets = [0, 2688], sizes = [128, 896], strides = [1, 1]} : vector<384x6272xf32> to vector<128x896xf32>
    %swap3A_445 = arith.constant 0 : index
    %swap3A_446 = arith.constant 3584 : index
    %swap3A_447 = vector.load %arg14[%swap3A_445, %swap3A_446] : memref<128x6272xf32, #tpu.memory_space<vmem>>, vector<128x896xf32>
    tpu.vector_store %arg14[%swap3A_445, %swap3A_446], %slice3A_444 {strides = array<i32>} : memref<128x6272xf32, #tpu.memory_space<vmem>>, vector<128x896xf32>,
    %slice3A_448 = vector.extract_strided_slice %dot_general3A_431 {offsets = [0, 3584], sizes = [128, 896], strides = [1, 1]} : vector<384x6272xf32> to vector<128x896xf32>
    %swap3A_449 = arith.constant 0 : index
    %swap3A_450 = arith.constant 4480 : index
    %swap3A_451 = vector.load %arg14[%swap3A_449, %swap3A_450] : memref<128x6272xf32, #tpu.memory_space<vmem>>, vector<128x896xf32>
    tpu.vector_store %arg14[%swap3A_449, %swap3A_450], %slice3A_448 {strides = array<i32>} : memref<128x6272xf32, #tpu.memory_space<vmem>>, vector<128x896xf32>,
    %slice3A_452 = vector.extract_strided_slice %dot_general3A_431 {offsets = [0, 4480], sizes = [128, 896], strides = [1, 1]} : vector<384x6272xf32> to vector<128x896xf32>
    %swap3A_453 = arith.constant 0 : index
    %swap3A_454 = arith.constant 5376 : index
    %swap3A_455 = vector.load %arg14[%swap3A_453, %swap3A_454] : memref<128x6272xf32, #tpu.memory_space<vmem>>, vector<128x896xf32>
    tpu.vector_store %arg14[%swap3A_453, %swap3A_454], %slice3A_452 {strides = array<i32>} : memref<128x6272xf32, #tpu.memory_space<vmem>>, vector<128x896xf32>,
    %slice3A_456 = vector.extract_strided_slice %dot_general3A_423 {offsets = [256, 0], sizes = [128, 6272], strides = [1, 1]} : vector<384x6272xf32> to vector<128x6272xf32>
    %get3A_457 = arith.constant 0 : index
    %get3A_458 = arith.constant 0 : index
    %get3A_459 = vector.load %arg14[%get3A_457, %get3A_458] : memref<128x6272xf32, #tpu.memory_space<vmem>>, vector<128x6272xf32>
    %add3A_460 = arith.addf %slice3A_456, %get3A_459 : vector<128x6272xf32>
    %slice3A_461 = vector.extract_strided_slice %dot_general3A_423 {offsets = [128, 0], sizes = [128, 6272], strides = [1, 1]} : vector<384x6272xf32> to vector<128x6272xf32>
    %slice3A_462 = vector.extract_strided_slice %dot_general3A_423 {offsets = [0, 0], sizes = [128, 6272], strides = [1, 1]} : vector<384x6272xf32> to vector<128x6272xf32>
    %slice3A_463 = vector.extract_strided_slice %dot_general3A_431 {offsets = [256, 0], sizes = [128, 6272], strides = [1, 1]} : vector<384x6272xf32> to vector<128x6272xf32>
    %add3A_464 = arith.addf %slice3A_462, %slice3A_463 : vector<128x6272xf32>
    %slice3A_465 = vector.extract_strided_slice %dot_general3A_431 {offsets = [128, 0], sizes = [128, 6272], strides = [1, 1]} : vector<384x6272xf32> to vector<128x6272xf32>
    %concatenate3A = tpu.concatenate %add3A_460, %slice3A_461, %add3A_464, %slice3A_465 in 0 : vector<128x6272xf32>, vector<128x6272xf32>, vector<128x6272xf32>, vector<128x6272xf32> -> vector<512x6272xf32>
    %get3A_466 = arith.constant 0 : index
    %get3A_467 = arith.constant 0 : index
    %get3A_468 = vector.load %arg7[%get3A_466, %get3A_467] : memref<512x1xf32, #tpu.memory_space<vmem>>, vector<512x1xf32>
    %add3A_469 = vector.broadcast %get3A_468 : vector<512x1xf32> to vector<512x6272xf32>
    %add3A_470 = arith.addf %concatenate3A, %add3A_469 : vector<512x6272xf32>
    %max3A_471 = arith.constant 0.000000e+00 : f32
    %max3A_472 = vector.broadcast %max3A_471 : f32 to vector<512x6272xf32>
    %max3A_473 = arith.maximumf %add3A_470, %max3A_472 : vector<512x6272xf32>
    %slice3A_474 = vector.extract_strided_slice %max3A_473 {offsets = [0, 0], sizes = [32, 6272], strides = [1, 1]} : vector<512x6272xf32> to vector<32x6272xf32>
    %swap3A_475 = arith.constant 0 : index
    %swap3A_476 = arith.constant 0 : index
    %swap3A_477 = vector.load %arg15[%swap3A_475, %swap3A_476] : memref<1152x6272xf32, #tpu.memory_space<vmem>>, vector<32x6272xf32>
    tpu.vector_store %arg15[%swap3A_475, %swap3A_476], %slice3A_474 {strides = array<i32>} : memref<1152x6272xf32, #tpu.memory_space<vmem>>, vector<32x6272xf32>,
    %slice3A_478 = vector.extract_strided_slice %max3A_473 {offsets = [32, 0], sizes = [32, 6272], strides = [1, 1]} : vector<512x6272xf32> to vector<32x6272xf32>
    %swap3A_479 = arith.constant 32 : index
    %swap3A_480 = arith.constant 0 : index
    %swap3A_481 = vector.load %arg15[%swap3A_479, %swap3A_480] : memref<1152x6272xf32, #tpu.memory_space<vmem>>, vector<32x6272xf32>
    tpu.vector_store %arg15[%swap3A_479, %swap3A_480], %slice3A_478 {strides = array<i32>} : memref<1152x6272xf32, #tpu.memory_space<vmem>>, vector<32x6272xf32>,
    %slice3A_482 = vector.extract_strided_slice %max3A_473 {offsets = [64, 0], sizes = [32, 6272], strides = [1, 1]} : vector<512x6272xf32> to vector<32x6272xf32>
    %swap3A_483 = arith.constant 64 : index
    %swap3A_484 = arith.constant 0 : index
    %swap3A_485 = vector.load %arg15[%swap3A_483, %swap3A_484] : memref<1152x6272xf32, #tpu.memory_space<vmem>>, vector<32x6272xf32>
    tpu.vector_store %arg15[%swap3A_483, %swap3A_484], %slice3A_482 {strides = array<i32>} : memref<1152x6272xf32, #tpu.memory_space<vmem>>, vector<32x6272xf32>,
    %slice3A_486 = vector.extract_strided_slice %max3A_473 {offsets = [96, 0], sizes = [32, 6272], strides = [1, 1]} : vector<512x6272xf32> to vector<32x6272xf32>
    %swap3A_487 = arith.constant 96 : index
    %swap3A_488 = arith.constant 0 : index
    %swap3A_489 = vector.load %arg15[%swap3A_487, %swap3A_488] : memref<1152x6272xf32, #tpu.memory_space<vmem>>, vector<32x6272xf32>
    tpu.vector_store %arg15[%swap3A_487, %swap3A_488], %slice3A_486 {strides = array<i32>} : memref<1152x6272xf32, #tpu.memory_space<vmem>>, vector<32x6272xf32>,
    %slice3A_490 = vector.extract_strided_slice %max3A_473 {offsets = [128, 0], sizes = [32, 6272], strides = [1, 1]} : vector<512x6272xf32> to vector<32x6272xf32>
    %swap3A_491 = arith.constant 192 : index
    %swap3A_492 = arith.constant 0 : index
    %swap3A_493 = vector.load %arg15[%swap3A_491, %swap3A_492] : memref<1152x6272xf32, #tpu.memory_space<vmem>>, vector<32x6272xf32>
    tpu.vector_store %arg15[%swap3A_491, %swap3A_492], %slice3A_490 {strides = array<i32>} : memref<1152x6272xf32, #tpu.memory_space<vmem>>, vector<32x6272xf32>,
    %slice3A_494 = vector.extract_strided_slice %max3A_473 {offsets = [160, 0], sizes = [32, 6272], strides = [1, 1]} : vector<512x6272xf32> to vector<32x6272xf32>
    %swap3A_495 = arith.constant 224 : index
    %swap3A_496 = arith.constant 0 : index
    %swap3A_497 = vector.load %arg15[%swap3A_495, %swap3A_496] : memref<1152x6272xf32, #tpu.memory_space<vmem>>, vector<32x6272xf32>
    tpu.vector_store %arg15[%swap3A_495, %swap3A_496], %slice3A_494 {strides = array<i32>} : memref<1152x6272xf32, #tpu.memory_space<vmem>>, vector<32x6272xf32>,
    %slice3A_498 = vector.extract_strided_slice %max3A_473 {offsets = [192, 0], sizes = [32, 6272], strides = [1, 1]} : vector<512x6272xf32> to vector<32x6272xf32>
    %swap3A_499 = arith.constant 256 : index
    %swap3A_500 = arith.constant 0 : index
    %swap3A_501 = vector.load %arg15[%swap3A_499, %swap3A_500] : memref<1152x6272xf32, #tpu.memory_space<vmem>>, vector<32x6272xf32>
    tpu.vector_store %arg15[%swap3A_499, %swap3A_500], %slice3A_498 {strides = array<i32>} : memref<1152x6272xf32, #tpu.memory_space<vmem>>, vector<32x6272xf32>,
    %slice3A_502 = vector.extract_strided_slice %max3A_473 {offsets = [224, 0], sizes = [32, 6272], strides = [1, 1]} : vector<512x6272xf32> to vector<32x6272xf32>
    %swap3A_503 = arith.constant 288 : index
    %swap3A_504 = arith.constant 0 : index
    %swap3A_505 = vector.load %arg15[%swap3A_503, %swap3A_504] : memref<1152x6272xf32, #tpu.memory_space<vmem>>, vector<32x6272xf32>
    tpu.vector_store %arg15[%swap3A_503, %swap3A_504], %slice3A_502 {strides = array<i32>} : memref<1152x6272xf32, #tpu.memory_space<vmem>>, vector<32x6272xf32>,
    %slice3A_506 = vector.extract_strided_slice %max3A_473 {offsets = [256, 0], sizes = [32, 6272], strides = [1, 1]} : vector<512x6272xf32> to vector<32x6272xf32>
    %swap3A_507 = arith.constant 384 : index
    %swap3A_508 = arith.constant 0 : index
    %swap3A_509 = vector.load %arg15[%swap3A_507, %swap3A_508] : memref<1152x6272xf32, #tpu.memory_space<vmem>>, vector<32x6272xf32>
    tpu.vector_store %arg15[%swap3A_507, %swap3A_508], %slice3A_506 {strides = array<i32>} : memref<1152x6272xf32, #tpu.memory_space<vmem>>, vector<32x6272xf32>,
    %slice3A_510 = vector.extract_strided_slice %max3A_473 {offsets = [288, 0], sizes = [32, 6272], strides = [1, 1]} : vector<512x6272xf32> to vector<32x6272xf32>
    %swap3A_511 = arith.constant 416 : index
    %swap3A_512 = arith.constant 0 : index
    %swap3A_513 = vector.load %arg15[%swap3A_511, %swap3A_512] : memref<1152x6272xf32, #tpu.memory_space<vmem>>, vector<32x6272xf32>
    tpu.vector_store %arg15[%swap3A_511, %swap3A_512], %slice3A_510 {strides = array<i32>} : memref<1152x6272xf32, #tpu.memory_space<vmem>>, vector<32x6272xf32>,
    %slice3A_514 = vector.extract_strided_slice %max3A_473 {offsets = [320, 0], sizes = [32, 6272], strides = [1, 1]} : vector<512x6272xf32> to vector<32x6272xf32>
    %swap3A_515 = arith.constant 448 : index
    %swap3A_516 = arith.constant 0 : index
    %swap3A_517 = vector.load %arg15[%swap3A_515, %swap3A_516] : memref<1152x6272xf32, #tpu.memory_space<vmem>>, vector<32x6272xf32>
    tpu.vector_store %arg15[%swap3A_515, %swap3A_516], %slice3A_514 {strides = array<i32>} : memref<1152x6272xf32, #tpu.memory_space<vmem>>, vector<32x6272xf32>,
    %slice3A_518 = vector.extract_strided_slice %max3A_473 {offsets = [352, 0], sizes = [32, 6272], strides = [1, 1]} : vector<512x6272xf32> to vector<32x6272xf32>
    %swap3A_519 = arith.constant 480 : index
    %swap3A_520 = arith.constant 0 : index
    %swap3A_521 = vector.load %arg15[%swap3A_519, %swap3A_520] : memref<1152x6272xf32, #tpu.memory_space<vmem>>, vector<32x6272xf32>
    tpu.vector_store %arg15[%swap3A_519, %swap3A_520], %slice3A_518 {strides = array<i32>} : memref<1152x6272xf32, #tpu.memory_space<vmem>>, vector<32x6272xf32>,
    %slice3A_522 = vector.extract_strided_slice %max3A_473 {offsets = [384, 0], sizes = [32, 6272], strides = [1, 1]} : vector<512x6272xf32> to vector<32x6272xf32>
    %swap3A_523 = arith.constant 576 : index
    %swap3A_524 = arith.constant 0 : index
    %swap3A_525 = vector.load %arg15[%swap3A_523, %swap3A_524] : memref<1152x6272xf32, #tpu.memory_space<vmem>>, vector<32x6272xf32>
    tpu.vector_store %arg15[%swap3A_523, %swap3A_524], %slice3A_522 {strides = array<i32>} : memref<1152x6272xf32, #tpu.memory_space<vmem>>, vector<32x6272xf32>,
    %slice3A_526 = vector.extract_strided_slice %max3A_473 {offsets = [416, 0], sizes = [32, 6272], strides = [1, 1]} : vector<512x6272xf32> to vector<32x6272xf32>
    %swap3A_527 = arith.constant 608 : index
    %swap3A_528 = arith.constant 0 : index
    %swap3A_529 = vector.load %arg15[%swap3A_527, %swap3A_528] : memref<1152x6272xf32, #tpu.memory_space<vmem>>, vector<32x6272xf32>
    tpu.vector_store %arg15[%swap3A_527, %swap3A_528], %slice3A_526 {strides = array<i32>} : memref<1152x6272xf32, #tpu.memory_space<vmem>>, vector<32x6272xf32>,
    %slice3A_530 = vector.extract_strided_slice %max3A_473 {offsets = [448, 0], sizes = [32, 6272], strides = [1, 1]} : vector<512x6272xf32> to vector<32x6272xf32>
    %swap3A_531 = arith.constant 640 : index
    %swap3A_532 = arith.constant 0 : index
    %swap3A_533 = vector.load %arg15[%swap3A_531, %swap3A_532] : memref<1152x6272xf32, #tpu.memory_space<vmem>>, vector<32x6272xf32>
    tpu.vector_store %arg15[%swap3A_531, %swap3A_532], %slice3A_530 {strides = array<i32>} : memref<1152x6272xf32, #tpu.memory_space<vmem>>, vector<32x6272xf32>,
    %slice3A_534 = vector.extract_strided_slice %max3A_473 {offsets = [480, 0], sizes = [32, 6272], strides = [1, 1]} : vector<512x6272xf32> to vector<32x6272xf32>
    %swap3A_535 = arith.constant 672 : index
    %swap3A_536 = arith.constant 0 : index
    %swap3A_537 = vector.load %arg15[%swap3A_535, %swap3A_536] : memref<1152x6272xf32, #tpu.memory_space<vmem>>, vector<32x6272xf32>
    tpu.vector_store %arg15[%swap3A_535, %swap3A_536], %slice3A_534 {strides = array<i32>} : memref<1152x6272xf32, #tpu.memory_space<vmem>>, vector<32x6272xf32>,
    %get3A_538 = arith.constant 0 : index
    %get3A_539 = arith.constant 128 : index
    %get3A_540 = vector.load %arg15[%get3A_538, %get3A_539] : memref<1152x6272xf32, #tpu.memory_space<vmem>>, vector<32x768xf32>
    %swap3A_541 = arith.constant 128 : index
    %swap3A_542 = arith.constant 0 : index
    %swap3A_543 = vector.load %arg15[%swap3A_541, %swap3A_542] : memref<1152x6272xf32, #tpu.memory_space<vmem>>, vector<32x768xf32>
    tpu.vector_store %arg15[%swap3A_541, %swap3A_542], %get3A_540 {strides = array<i32>} : memref<1152x6272xf32, #tpu.memory_space<vmem>>, vector<32x768xf32>,
    %get3A_544 = arith.constant 0 : index
    %get3A_545 = arith.constant 1024 : index
    %get3A_546 = vector.load %arg15[%get3A_544, %get3A_545] : memref<1152x6272xf32, #tpu.memory_space<vmem>>, vector<32x768xf32>
    %swap3A_547 = arith.constant 128 : index
    %swap3A_548 = arith.constant 896 : index
    %swap3A_549 = vector.load %arg15[%swap3A_547, %swap3A_548] : memref<1152x6272xf32, #tpu.memory_space<vmem>>, vector<32x768xf32>
    tpu.vector_store %arg15[%swap3A_547, %swap3A_548], %get3A_546 {strides = array<i32>} : memref<1152x6272xf32, #tpu.memory_space<vmem>>, vector<32x768xf32>,
    %get3A_550 = arith.constant 0 : index
    %get3A_551 = arith.constant 1920 : index
    %get3A_552 = vector.load %arg15[%get3A_550, %get3A_551] : memref<1152x6272xf32, #tpu.memory_space<vmem>>, vector<32x768xf32>
    %swap3A_553 = arith.constant 128 : index
    %swap3A_554 = arith.constant 1792 : index
    %swap3A_555 = vector.load %arg15[%swap3A_553, %swap3A_554] : memref<1152x6272xf32, #tpu.memory_space<vmem>>, vector<32x768xf32>
    tpu.vector_store %arg15[%swap3A_553, %swap3A_554], %get3A_552 {strides = array<i32>} : memref<1152x6272xf32, #tpu.memory_space<vmem>>, vector<32x768xf32>,
    %get3A_556 = arith.constant 0 : index
    %get3A_557 = arith.constant 2816 : index
    %get3A_558 = vector.load %arg15[%get3A_556, %get3A_557] : memref<1152x6272xf32, #tpu.memory_space<vmem>>, vector<32x768xf32>
    %swap3A_559 = arith.constant 128 : index
    %swap3A_560 = arith.constant 2688 : index
    %swap3A_561 = vector.load %arg15[%swap3A_559, %swap3A_560] : memref<1152x6272xf32, #tpu.memory_space<vmem>>, vector<32x768xf32>
    tpu.vector_store %arg15[%swap3A_559, %swap3A_560], %get3A_558 {strides = array<i32>} : memref<1152x6272xf32, #tpu.memory_space<vmem>>, vector<32x768xf32>,
    %get3A_562 = arith.constant 0 : index
    %get3A_563 = arith.constant 3712 : index
    %get3A_564 = vector.load %arg15[%get3A_562, %get3A_563] : memref<1152x6272xf32, #tpu.memory_space<vmem>>, vector<32x768xf32>
    %swap3A_565 = arith.constant 128 : index
    %swap3A_566 = arith.constant 3584 : index
    %swap3A_567 = vector.load %arg15[%swap3A_565, %swap3A_566] : memref<1152x6272xf32, #tpu.memory_space<vmem>>, vector<32x768xf32>
    tpu.vector_store %arg15[%swap3A_565, %swap3A_566], %get3A_564 {strides = array<i32>} : memref<1152x6272xf32, #tpu.memory_space<vmem>>, vector<32x768xf32>,
    %get3A_568 = arith.constant 0 : index
    %get3A_569 = arith.constant 4608 : index
    %get3A_570 = vector.load %arg15[%get3A_568, %get3A_569] : memref<1152x6272xf32, #tpu.memory_space<vmem>>, vector<32x768xf32>
    %swap3A_571 = arith.constant 128 : index
    %swap3A_572 = arith.constant 4480 : index
    %swap3A_573 = vector.load %arg15[%swap3A_571, %swap3A_572] : memref<1152x6272xf32, #tpu.memory_space<vmem>>, vector<32x768xf32>
    tpu.vector_store %arg15[%swap3A_571, %swap3A_572], %get3A_570 {strides = array<i32>} : memref<1152x6272xf32, #tpu.memory_space<vmem>>, vector<32x768xf32>,
    %get3A_574 = arith.constant 0 : index
    %get3A_575 = arith.constant 5504 : index
    %get3A_576 = vector.load %arg15[%get3A_574, %get3A_575] : memref<1152x6272xf32, #tpu.memory_space<vmem>>, vector<32x768xf32>
    %swap3A_577 = arith.constant 128 : index
    %swap3A_578 = arith.constant 5376 : index
    %swap3A_579 = vector.load %arg15[%swap3A_577, %swap3A_578] : memref<1152x6272xf32, #tpu.memory_space<vmem>>, vector<32x768xf32>
    tpu.vector_store %arg15[%swap3A_577, %swap3A_578], %get3A_576 {strides = array<i32>} : memref<1152x6272xf32, #tpu.memory_space<vmem>>, vector<32x768xf32>,
    %get3A_580 = arith.constant 96 : index
    %get3A_581 = arith.constant 0 : index
    %get3A_582 = vector.load %arg15[%get3A_580, %get3A_581] : memref<1152x6272xf32, #tpu.memory_space<vmem>>, vector<32x768xf32>
    %swap3A_583 = arith.constant 160 : index
    %swap3A_584 = arith.constant 128 : index
    %swap3A_585 = vector.load %arg15[%swap3A_583, %swap3A_584] : memref<1152x6272xf32, #tpu.memory_space<vmem>>, vector<32x768xf32>
    tpu.vector_store %arg15[%swap3A_583, %swap3A_584], %get3A_582 {strides = array<i32>} : memref<1152x6272xf32, #tpu.memory_space<vmem>>, vector<32x768xf32>,
    %get3A_586 = arith.constant 96 : index
    %get3A_587 = arith.constant 896 : index
    %get3A_588 = vector.load %arg15[%get3A_586, %get3A_587] : memref<1152x6272xf32, #tpu.memory_space<vmem>>, vector<32x768xf32>
    %swap3A_589 = arith.constant 160 : index
    %swap3A_590 = arith.constant 1024 : index
    %swap3A_591 = vector.load %arg15[%swap3A_589, %swap3A_590] : memref<1152x6272xf32, #tpu.memory_space<vmem>>, vector<32x768xf32>
    tpu.vector_store %arg15[%swap3A_589, %swap3A_590], %get3A_588 {strides = array<i32>} : memref<1152x6272xf32, #tpu.memory_space<vmem>>, vector<32x768xf32>,
    %get3A_592 = arith.constant 96 : index
    %get3A_593 = arith.constant 1792 : index
    %get3A_594 = vector.load %arg15[%get3A_592, %get3A_593] : memref<1152x6272xf32, #tpu.memory_space<vmem>>, vector<32x768xf32>
    %swap3A_595 = arith.constant 160 : index
    %swap3A_596 = arith.constant 1920 : index
    %swap3A_597 = vector.load %arg15[%swap3A_595, %swap3A_596] : memref<1152x6272xf32, #tpu.memory_space<vmem>>, vector<32x768xf32>
    tpu.vector_store %arg15[%swap3A_595, %swap3A_596], %get3A_594 {strides = array<i32>} : memref<1152x6272xf32, #tpu.memory_space<vmem>>, vector<32x768xf32>,
    %get3A_598 = arith.constant 96 : index
    %get3A_599 = arith.constant 2688 : index
    %get3A_600 = vector.load %arg15[%get3A_598, %get3A_599] : memref<1152x6272xf32, #tpu.memory_space<vmem>>, vector<32x768xf32>
    %swap3A_601 = arith.constant 160 : index
    %swap3A_602 = arith.constant 2816 : index
    %swap3A_603 = vector.load %arg15[%swap3A_601, %swap3A_602] : memref<1152x6272xf32, #tpu.memory_space<vmem>>, vector<32x768xf32>
    tpu.vector_store %arg15[%swap3A_601, %swap3A_602], %get3A_600 {strides = array<i32>} : memref<1152x6272xf32, #tpu.memory_space<vmem>>, vector<32x768xf32>,
    %get3A_604 = arith.constant 96 : index
    %get3A_605 = arith.constant 3584 : index
    %get3A_606 = vector.load %arg15[%get3A_604, %get3A_605] : memref<1152x6272xf32, #tpu.memory_space<vmem>>, vector<32x768xf32>
    %swap3A_607 = arith.constant 160 : index
    %swap3A_608 = arith.constant 3712 : index
    %swap3A_609 = vector.load %arg15[%swap3A_607, %swap3A_608] : memref<1152x6272xf32, #tpu.memory_space<vmem>>, vector<32x768xf32>
    tpu.vector_store %arg15[%swap3A_607, %swap3A_608], %get3A_606 {strides = array<i32>} : memref<1152x6272xf32, #tpu.memory_space<vmem>>, vector<32x768xf32>,
    %get3A_610 = arith.constant 96 : index
    %get3A_611 = arith.constant 4480 : index
    %get3A_612 = vector.load %arg15[%get3A_610, %get3A_611] : memref<1152x6272xf32, #tpu.memory_space<vmem>>, vector<32x768xf32>
    %swap3A_613 = arith.constant 160 : index
    %swap3A_614 = arith.constant 4608 : index
    %swap3A_615 = vector.load %arg15[%swap3A_613, %swap3A_614] : memref<1152x6272xf32, #tpu.memory_space<vmem>>, vector<32x768xf32>
    tpu.vector_store %arg15[%swap3A_613, %swap3A_614], %get3A_612 {strides = array<i32>} : memref<1152x6272xf32, #tpu.memory_space<vmem>>, vector<32x768xf32>,
    %get3A_616 = arith.constant 96 : index
    %get3A_617 = arith.constant 5376 : index
    %get3A_618 = vector.load %arg15[%get3A_616, %get3A_617] : memref<1152x6272xf32, #tpu.memory_space<vmem>>, vector<32x768xf32>
    %swap3A_619 = arith.constant 160 : index
    %swap3A_620 = arith.constant 5504 : index
    %swap3A_621 = vector.load %arg15[%swap3A_619, %swap3A_620] : memref<1152x6272xf32, #tpu.memory_space<vmem>>, vector<32x768xf32>
    tpu.vector_store %arg15[%swap3A_619, %swap3A_620], %get3A_618 {strides = array<i32>} : memref<1152x6272xf32, #tpu.memory_space<vmem>>, vector<32x768xf32>,
    %get3A_622 = arith.constant 192 : index
    %get3A_623 = arith.constant 128 : index
    %get3A_624 = vector.load %arg15[%get3A_622, %get3A_623] : memref<1152x6272xf32, #tpu.memory_space<vmem>>, vector<32x768xf32>
    %swap3A_625 = arith.constant 320 : index
    %swap3A_626 = arith.constant 0 : index
    %swap3A_627 = vector.load %arg15[%swap3A_625, %swap3A_626] : memref<1152x6272xf32, #tpu.memory_space<vmem>>, vector<32x768xf32>
    tpu.vector_store %arg15[%swap3A_625, %swap3A_626], %get3A_624 {strides = array<i32>} : memref<1152x6272xf32, #tpu.memory_space<vmem>>, vector<32x768xf32>,
    %get3A_628 = arith.constant 192 : index
    %get3A_629 = arith.constant 1024 : index
    %get3A_630 = vector.load %arg15[%get3A_628, %get3A_629] : memref<1152x6272xf32, #tpu.memory_space<vmem>>, vector<32x768xf32>
    %swap3A_631 = arith.constant 320 : index
    %swap3A_632 = arith.constant 896 : index
    %swap3A_633 = vector.load %arg15[%swap3A_631, %swap3A_632] : memref<1152x6272xf32, #tpu.memory_space<vmem>>, vector<32x768xf32>
    tpu.vector_store %arg15[%swap3A_631, %swap3A_632], %get3A_630 {strides = array<i32>} : memref<1152x6272xf32, #tpu.memory_space<vmem>>, vector<32x768xf32>,
    %get3A_634 = arith.constant 192 : index
    %get3A_635 = arith.constant 1920 : index
    %get3A_636 = vector.load %arg15[%get3A_634, %get3A_635] : memref<1152x6272xf32, #tpu.memory_space<vmem>>, vector<32x768xf32>
    %swap3A_637 = arith.constant 320 : index
    %swap3A_638 = arith.constant 1792 : index
    %swap3A_639 = vector.load %arg15[%swap3A_637, %swap3A_638] : memref<1152x6272xf32, #tpu.memory_space<vmem>>, vector<32x768xf32>
    tpu.vector_store %arg15[%swap3A_637, %swap3A_638], %get3A_636 {strides = array<i32>} : memref<1152x6272xf32, #tpu.memory_space<vmem>>, vector<32x768xf32>,
    %get3A_640 = arith.constant 192 : index
    %get3A_641 = arith.constant 2816 : index
    %get3A_642 = vector.load %arg15[%get3A_640, %get3A_641] : memref<1152x6272xf32, #tpu.memory_space<vmem>>, vector<32x768xf32>
    %swap3A_643 = arith.constant 320 : index
    %swap3A_644 = arith.constant 2688 : index
    %swap3A_645 = vector.load %arg15[%swap3A_643, %swap3A_644] : memref<1152x6272xf32, #tpu.memory_space<vmem>>, vector<32x768xf32>
    tpu.vector_store %arg15[%swap3A_643, %swap3A_644], %get3A_642 {strides = array<i32>} : memref<1152x6272xf32, #tpu.memory_space<vmem>>, vector<32x768xf32>,
    %get3A_646 = arith.constant 192 : index
    %get3A_647 = arith.constant 3712 : index
    %get3A_648 = vector.load %arg15[%get3A_646, %get3A_647] : memref<1152x6272xf32, #tpu.memory_space<vmem>>, vector<32x768xf32>
    %swap3A_649 = arith.constant 320 : index
    %swap3A_650 = arith.constant 3584 : index
    %swap3A_651 = vector.load %arg15[%swap3A_649, %swap3A_650] : memref<1152x6272xf32, #tpu.memory_space<vmem>>, vector<32x768xf32>
    tpu.vector_store %arg15[%swap3A_649, %swap3A_650], %get3A_648 {strides = array<i32>} : memref<1152x6272xf32, #tpu.memory_space<vmem>>, vector<32x768xf32>,
    %get3A_652 = arith.constant 192 : index
    %get3A_653 = arith.constant 4608 : index
    %get3A_654 = vector.load %arg15[%get3A_652, %get3A_653] : memref<1152x6272xf32, #tpu.memory_space<vmem>>, vector<32x768xf32>
    %swap3A_655 = arith.constant 320 : index
    %swap3A_656 = arith.constant 4480 : index
    %swap3A_657 = vector.load %arg15[%swap3A_655, %swap3A_656] : memref<1152x6272xf32, #tpu.memory_space<vmem>>, vector<32x768xf32>
    tpu.vector_store %arg15[%swap3A_655, %swap3A_656], %get3A_654 {strides = array<i32>} : memref<1152x6272xf32, #tpu.memory_space<vmem>>, vector<32x768xf32>,
    %get3A_658 = arith.constant 192 : index
    %get3A_659 = arith.constant 5504 : index
    %get3A_660 = vector.load %arg15[%get3A_658, %get3A_659] : memref<1152x6272xf32, #tpu.memory_space<vmem>>, vector<32x768xf32>
    %swap3A_661 = arith.constant 320 : index
    %swap3A_662 = arith.constant 5376 : index
    %swap3A_663 = vector.load %arg15[%swap3A_661, %swap3A_662] : memref<1152x6272xf32, #tpu.memory_space<vmem>>, vector<32x768xf32>
    tpu.vector_store %arg15[%swap3A_661, %swap3A_662], %get3A_660 {strides = array<i32>} : memref<1152x6272xf32, #tpu.memory_space<vmem>>, vector<32x768xf32>,
    %get3A_664 = arith.constant 288 : index
    %get3A_665 = arith.constant 0 : index
    %get3A_666 = vector.load %arg15[%get3A_664, %get3A_665] : memref<1152x6272xf32, #tpu.memory_space<vmem>>, vector<32x768xf32>
    %swap3A_667 = arith.constant 352 : index
    %swap3A_668 = arith.constant 128 : index
    %swap3A_669 = vector.load %arg15[%swap3A_667, %swap3A_668] : memref<1152x6272xf32, #tpu.memory_space<vmem>>, vector<32x768xf32>
    tpu.vector_store %arg15[%swap3A_667, %swap3A_668], %get3A_666 {strides = array<i32>} : memref<1152x6272xf32, #tpu.memory_space<vmem>>, vector<32x768xf32>,
    %get3A_670 = arith.constant 288 : index
    %get3A_671 = arith.constant 896 : index
    %get3A_672 = vector.load %arg15[%get3A_670, %get3A_671] : memref<1152x6272xf32, #tpu.memory_space<vmem>>, vector<32x768xf32>
    %swap3A_673 = arith.constant 352 : index
    %swap3A_674 = arith.constant 1024 : index
    %swap3A_675 = vector.load %arg15[%swap3A_673, %swap3A_674] : memref<1152x6272xf32, #tpu.memory_space<vmem>>, vector<32x768xf32>
    tpu.vector_store %arg15[%swap3A_673, %swap3A_674], %get3A_672 {strides = array<i32>} : memref<1152x6272xf32, #tpu.memory_space<vmem>>, vector<32x768xf32>,
    %get3A_676 = arith.constant 288 : index
    %get3A_677 = arith.constant 1792 : index
    %get3A_678 = vector.load %arg15[%get3A_676, %get3A_677] : memref<1152x6272xf32, #tpu.memory_space<vmem>>, vector<32x768xf32>
    %swap3A_679 = arith.constant 352 : index
    %swap3A_680 = arith.constant 1920 : index
    %swap3A_681 = vector.load %arg15[%swap3A_679, %swap3A_680] : memref<1152x6272xf32, #tpu.memory_space<vmem>>, vector<32x768xf32>
    tpu.vector_store %arg15[%swap3A_679, %swap3A_680], %get3A_678 {strides = array<i32>} : memref<1152x6272xf32, #tpu.memory_space<vmem>>, vector<32x768xf32>,
    %get3A_682 = arith.constant 288 : index
    %get3A_683 = arith.constant 2688 : index
    %get3A_684 = vector.load %arg15[%get3A_682, %get3A_683] : memref<1152x6272xf32, #tpu.memory_space<vmem>>, vector<32x768xf32>
    %swap3A_685 = arith.constant 352 : index
    %swap3A_686 = arith.constant 2816 : index
    %swap3A_687 = vector.load %arg15[%swap3A_685, %swap3A_686] : memref<1152x6272xf32, #tpu.memory_space<vmem>>, vector<32x768xf32>
    tpu.vector_store %arg15[%swap3A_685, %swap3A_686], %get3A_684 {strides = array<i32>} : memref<1152x6272xf32, #tpu.memory_space<vmem>>, vector<32x768xf32>,
    %get3A_688 = arith.constant 288 : index
    %get3A_689 = arith.constant 3584 : index
    %get3A_690 = vector.load %arg15[%get3A_688, %get3A_689] : memref<1152x6272xf32, #tpu.memory_space<vmem>>, vector<32x768xf32>
    %swap3A_691 = arith.constant 352 : index
    %swap3A_692 = arith.constant 3712 : index
    %swap3A_693 = vector.load %arg15[%swap3A_691, %swap3A_692] : memref<1152x6272xf32, #tpu.memory_space<vmem>>, vector<32x768xf32>
    tpu.vector_store %arg15[%swap3A_691, %swap3A_692], %get3A_690 {strides = array<i32>} : memref<1152x6272xf32, #tpu.memory_space<vmem>>, vector<32x768xf32>,
    %get3A_694 = arith.constant 288 : index
    %get3A_695 = arith.constant 4480 : index
    %get3A_696 = vector.load %arg15[%get3A_694, %get3A_695] : memref<1152x6272xf32, #tpu.memory_space<vmem>>, vector<32x768xf32>
    %swap3A_697 = arith.constant 352 : index
    %swap3A_698 = arith.constant 4608 : index
    %swap3A_699 = vector.load %arg15[%swap3A_697, %swap3A_698] : memref<1152x6272xf32, #tpu.memory_space<vmem>>, vector<32x768xf32>
    tpu.vector_store %arg15[%swap3A_697, %swap3A_698], %get3A_696 {strides = array<i32>} : memref<1152x6272xf32, #tpu.memory_space<vmem>>, vector<32x768xf32>,
    %get3A_700 = arith.constant 288 : index
    %get3A_701 = arith.constant 5376 : index
    %get3A_702 = vector.load %arg15[%get3A_700, %get3A_701] : memref<1152x6272xf32, #tpu.memory_space<vmem>>, vector<32x768xf32>
    %swap3A_703 = arith.constant 352 : index
    %swap3A_704 = arith.constant 5504 : index
    %swap3A_705 = vector.load %arg15[%swap3A_703, %swap3A_704] : memref<1152x6272xf32, #tpu.memory_space<vmem>>, vector<32x768xf32>
    tpu.vector_store %arg15[%swap3A_703, %swap3A_704], %get3A_702 {strides = array<i32>} : memref<1152x6272xf32, #tpu.memory_space<vmem>>, vector<32x768xf32>,
    %get3A_706 = arith.constant 384 : index
    %get3A_707 = arith.constant 128 : index
    %get3A_708 = vector.load %arg15[%get3A_706, %get3A_707] : memref<1152x6272xf32, #tpu.memory_space<vmem>>, vector<32x768xf32>
    %swap3A_709 = arith.constant 512 : index
    %swap3A_710 = arith.constant 0 : index
    %swap3A_711 = vector.load %arg15[%swap3A_709, %swap3A_710] : memref<1152x6272xf32, #tpu.memory_space<vmem>>, vector<32x768xf32>
    tpu.vector_store %arg15[%swap3A_709, %swap3A_710], %get3A_708 {strides = array<i32>} : memref<1152x6272xf32, #tpu.memory_space<vmem>>, vector<32x768xf32>,
    %get3A_712 = arith.constant 384 : index
    %get3A_713 = arith.constant 1024 : index
    %get3A_714 = vector.load %arg15[%get3A_712, %get3A_713] : memref<1152x6272xf32, #tpu.memory_space<vmem>>, vector<32x768xf32>
    %swap3A_715 = arith.constant 512 : index
    %swap3A_716 = arith.constant 896 : index
    %swap3A_717 = vector.load %arg15[%swap3A_715, %swap3A_716] : memref<1152x6272xf32, #tpu.memory_space<vmem>>, vector<32x768xf32>
    tpu.vector_store %arg15[%swap3A_715, %swap3A_716], %get3A_714 {strides = array<i32>} : memref<1152x6272xf32, #tpu.memory_space<vmem>>, vector<32x768xf32>,
    %get3A_718 = arith.constant 384 : index
    %get3A_719 = arith.constant 1920 : index
    %get3A_720 = vector.load %arg15[%get3A_718, %get3A_719] : memref<1152x6272xf32, #tpu.memory_space<vmem>>, vector<32x768xf32>
    %swap3A_721 = arith.constant 512 : index
    %swap3A_722 = arith.constant 1792 : index
    %swap3A_723 = vector.load %arg15[%swap3A_721, %swap3A_722] : memref<1152x6272xf32, #tpu.memory_space<vmem>>, vector<32x768xf32>
    tpu.vector_store %arg15[%swap3A_721, %swap3A_722], %get3A_720 {strides = array<i32>} : memref<1152x6272xf32, #tpu.memory_space<vmem>>, vector<32x768xf32>,
    %get3A_724 = arith.constant 384 : index
    %get3A_725 = arith.constant 2816 : index
    %get3A_726 = vector.load %arg15[%get3A_724, %get3A_725] : memref<1152x6272xf32, #tpu.memory_space<vmem>>, vector<32x768xf32>
    %swap3A_727 = arith.constant 512 : index
    %swap3A_728 = arith.constant 2688 : index
    %swap3A_729 = vector.load %arg15[%swap3A_727, %swap3A_728] : memref<1152x6272xf32, #tpu.memory_space<vmem>>, vector<32x768xf32>
    tpu.vector_store %arg15[%swap3A_727, %swap3A_728], %get3A_726 {strides = array<i32>} : memref<1152x6272xf32, #tpu.memory_space<vmem>>, vector<32x768xf32>,
    %get3A_730 = arith.constant 384 : index
    %get3A_731 = arith.constant 3712 : index
    %get3A_732 = vector.load %arg15[%get3A_730, %get3A_731] : memref<1152x6272xf32, #tpu.memory_space<vmem>>, vector<32x768xf32>
    %swap3A_733 = arith.constant 512 : index
    %swap3A_734 = arith.constant 3584 : index
    %swap3A_735 = vector.load %arg15[%swap3A_733, %swap3A_734] : memref<1152x6272xf32, #tpu.memory_space<vmem>>, vector<32x768xf32>
    tpu.vector_store %arg15[%swap3A_733, %swap3A_734], %get3A_732 {strides = array<i32>} : memref<1152x6272xf32, #tpu.memory_space<vmem>>, vector<32x768xf32>,
    %get3A_736 = arith.constant 384 : index
    %get3A_737 = arith.constant 4608 : index
    %get3A_738 = vector.load %arg15[%get3A_736, %get3A_737] : memref<1152x6272xf32, #tpu.memory_space<vmem>>, vector<32x768xf32>
    %swap3A_739 = arith.constant 512 : index
    %swap3A_740 = arith.constant 4480 : index
    %swap3A_741 = vector.load %arg15[%swap3A_739, %swap3A_740] : memref<1152x6272xf32, #tpu.memory_space<vmem>>, vector<32x768xf32>
    tpu.vector_store %arg15[%swap3A_739, %swap3A_740], %get3A_738 {strides = array<i32>} : memref<1152x6272xf32, #tpu.memory_space<vmem>>, vector<32x768xf32>,
    %get3A_742 = arith.constant 384 : index
    %get3A_743 = arith.constant 5504 : index
    %get3A_744 = vector.load %arg15[%get3A_742, %get3A_743] : memref<1152x6272xf32, #tpu.memory_space<vmem>>, vector<32x768xf32>
    %swap3A_745 = arith.constant 512 : index
    %swap3A_746 = arith.constant 5376 : index
    %swap3A_747 = vector.load %arg15[%swap3A_745, %swap3A_746] : memref<1152x6272xf32, #tpu.memory_space<vmem>>, vector<32x768xf32>
    tpu.vector_store %arg15[%swap3A_745, %swap3A_746], %get3A_744 {strides = array<i32>} : memref<1152x6272xf32, #tpu.memory_space<vmem>>, vector<32x768xf32>,
    %get3A_748 = arith.constant 480 : index
    %get3A_749 = arith.constant 0 : index
    %get3A_750 = vector.load %arg15[%get3A_748, %get3A_749] : memref<1152x6272xf32, #tpu.memory_space<vmem>>, vector<32x768xf32>
    %swap3A_751 = arith.constant 544 : index
    %swap3A_752 = arith.constant 128 : index
    %swap3A_753 = vector.load %arg15[%swap3A_751, %swap3A_752] : memref<1152x6272xf32, #tpu.memory_space<vmem>>, vector<32x768xf32>
    tpu.vector_store %arg15[%swap3A_751, %swap3A_752], %get3A_750 {strides = array<i32>} : memref<1152x6272xf32, #tpu.memory_space<vmem>>, vector<32x768xf32>,
    %get3A_754 = arith.constant 480 : index
    %get3A_755 = arith.constant 896 : index
    %get3A_756 = vector.load %arg15[%get3A_754, %get3A_755] : memref<1152x6272xf32, #tpu.memory_space<vmem>>, vector<32x768xf32>
    %swap3A_757 = arith.constant 544 : index
    %swap3A_758 = arith.constant 1024 : index
    %swap3A_759 = vector.load %arg15[%swap3A_757, %swap3A_758] : memref<1152x6272xf32, #tpu.memory_space<vmem>>, vector<32x768xf32>
    tpu.vector_store %arg15[%swap3A_757, %swap3A_758], %get3A_756 {strides = array<i32>} : memref<1152x6272xf32, #tpu.memory_space<vmem>>, vector<32x768xf32>,
    %get3A_760 = arith.constant 480 : index
    %get3A_761 = arith.constant 1792 : index
    %get3A_762 = vector.load %arg15[%get3A_760, %get3A_761] : memref<1152x6272xf32, #tpu.memory_space<vmem>>, vector<32x768xf32>
    %swap3A_763 = arith.constant 544 : index
    %swap3A_764 = arith.constant 1920 : index
    %swap3A_765 = vector.load %arg15[%swap3A_763, %swap3A_764] : memref<1152x6272xf32, #tpu.memory_space<vmem>>, vector<32x768xf32>
    tpu.vector_store %arg15[%swap3A_763, %swap3A_764], %get3A_762 {strides = array<i32>} : memref<1152x6272xf32, #tpu.memory_space<vmem>>, vector<32x768xf32>,
    %get3A_766 = arith.constant 480 : index
    %get3A_767 = arith.constant 2688 : index
    %get3A_768 = vector.load %arg15[%get3A_766, %get3A_767] : memref<1152x6272xf32, #tpu.memory_space<vmem>>, vector<32x768xf32>
    %swap3A_769 = arith.constant 544 : index
    %swap3A_770 = arith.constant 2816 : index
    %swap3A_771 = vector.load %arg15[%swap3A_769, %swap3A_770] : memref<1152x6272xf32, #tpu.memory_space<vmem>>, vector<32x768xf32>
    tpu.vector_store %arg15[%swap3A_769, %swap3A_770], %get3A_768 {strides = array<i32>} : memref<1152x6272xf32, #tpu.memory_space<vmem>>, vector<32x768xf32>,
    %get3A_772 = arith.constant 480 : index
    %get3A_773 = arith.constant 3584 : index
    %get3A_774 = vector.load %arg15[%get3A_772, %get3A_773] : memref<1152x6272xf32, #tpu.memory_space<vmem>>, vector<32x768xf32>
    %swap3A_775 = arith.constant 544 : index
    %swap3A_776 = arith.constant 3712 : index
    %swap3A_777 = vector.load %arg15[%swap3A_775, %swap3A_776] : memref<1152x6272xf32, #tpu.memory_space<vmem>>, vector<32x768xf32>
    tpu.vector_store %arg15[%swap3A_775, %swap3A_776], %get3A_774 {strides = array<i32>} : memref<1152x6272xf32, #tpu.memory_space<vmem>>, vector<32x768xf32>,
    %get3A_778 = arith.constant 480 : index
    %get3A_779 = arith.constant 4480 : index
    %get3A_780 = vector.load %arg15[%get3A_778, %get3A_779] : memref<1152x6272xf32, #tpu.memory_space<vmem>>, vector<32x768xf32>
    %swap3A_781 = arith.constant 544 : index
    %swap3A_782 = arith.constant 4608 : index
    %swap3A_783 = vector.load %arg15[%swap3A_781, %swap3A_782] : memref<1152x6272xf32, #tpu.memory_space<vmem>>, vector<32x768xf32>
    tpu.vector_store %arg15[%swap3A_781, %swap3A_782], %get3A_780 {strides = array<i32>} : memref<1152x6272xf32, #tpu.memory_space<vmem>>, vector<32x768xf32>,
    %get3A_784 = arith.constant 480 : index
    %get3A_785 = arith.constant 5376 : index
    %get3A_786 = vector.load %arg15[%get3A_784, %get3A_785] : memref<1152x6272xf32, #tpu.memory_space<vmem>>, vector<32x768xf32>
    %swap3A_787 = arith.constant 544 : index
    %swap3A_788 = arith.constant 5504 : index
    %swap3A_789 = vector.load %arg15[%swap3A_787, %swap3A_788] : memref<1152x6272xf32, #tpu.memory_space<vmem>>, vector<32x768xf32>
    tpu.vector_store %arg15[%swap3A_787, %swap3A_788], %get3A_786 {strides = array<i32>} : memref<1152x6272xf32, #tpu.memory_space<vmem>>, vector<32x768xf32>,
    %get3A_790 = arith.constant 576 : index
    %get3A_791 = arith.constant 128 : index
    %get3A_792 = vector.load %arg15[%get3A_790, %get3A_791] : memref<1152x6272xf32, #tpu.memory_space<vmem>>, vector<32x768xf32>
    %swap3A_793 = arith.constant 704 : index
    %swap3A_794 = arith.constant 0 : index
    %swap3A_795 = vector.load %arg15[%swap3A_793, %swap3A_794] : memref<1152x6272xf32, #tpu.memory_space<vmem>>, vector<32x768xf32>
    tpu.vector_store %arg15[%swap3A_793, %swap3A_794], %get3A_792 {strides = array<i32>} : memref<1152x6272xf32, #tpu.memory_space<vmem>>, vector<32x768xf32>,
    %get3A_796 = arith.constant 576 : index
    %get3A_797 = arith.constant 1024 : index
    %get3A_798 = vector.load %arg15[%get3A_796, %get3A_797] : memref<1152x6272xf32, #tpu.memory_space<vmem>>, vector<32x768xf32>
    %swap3A_799 = arith.constant 704 : index
    %swap3A_800 = arith.constant 896 : index
    %swap3A_801 = vector.load %arg15[%swap3A_799, %swap3A_800] : memref<1152x6272xf32, #tpu.memory_space<vmem>>, vector<32x768xf32>
    tpu.vector_store %arg15[%swap3A_799, %swap3A_800], %get3A_798 {strides = array<i32>} : memref<1152x6272xf32, #tpu.memory_space<vmem>>, vector<32x768xf32>,
    %get3A_802 = arith.constant 576 : index
    %get3A_803 = arith.constant 1920 : index
    %get3A_804 = vector.load %arg15[%get3A_802, %get3A_803] : memref<1152x6272xf32, #tpu.memory_space<vmem>>, vector<32x768xf32>
    %swap3A_805 = arith.constant 704 : index
    %swap3A_806 = arith.constant 1792 : index
    %swap3A_807 = vector.load %arg15[%swap3A_805, %swap3A_806] : memref<1152x6272xf32, #tpu.memory_space<vmem>>, vector<32x768xf32>
    tpu.vector_store %arg15[%swap3A_805, %swap3A_806], %get3A_804 {strides = array<i32>} : memref<1152x6272xf32, #tpu.memory_space<vmem>>, vector<32x768xf32>,
    %get3A_808 = arith.constant 576 : index
    %get3A_809 = arith.constant 2816 : index
    %get3A_810 = vector.load %arg15[%get3A_808, %get3A_809] : memref<1152x6272xf32, #tpu.memory_space<vmem>>, vector<32x768xf32>
    %swap3A_811 = arith.constant 704 : index
    %swap3A_812 = arith.constant 2688 : index
    %swap3A_813 = vector.load %arg15[%swap3A_811, %swap3A_812] : memref<1152x6272xf32, #tpu.memory_space<vmem>>, vector<32x768xf32>
    tpu.vector_store %arg15[%swap3A_811, %swap3A_812], %get3A_810 {strides = array<i32>} : memref<1152x6272xf32, #tpu.memory_space<vmem>>, vector<32x768xf32>,
    %get3A_814 = arith.constant 576 : index
    %get3A_815 = arith.constant 3712 : index
    %get3A_816 = vector.load %arg15[%get3A_814, %get3A_815] : memref<1152x6272xf32, #tpu.memory_space<vmem>>, vector<32x768xf32>
    %swap3A_817 = arith.constant 704 : index
    %swap3A_818 = arith.constant 3584 : index
    %swap3A_819 = vector.load %arg15[%swap3A_817, %swap3A_818] : memref<1152x6272xf32, #tpu.memory_space<vmem>>, vector<32x768xf32>
    tpu.vector_store %arg15[%swap3A_817, %swap3A_818], %get3A_816 {strides = array<i32>} : memref<1152x6272xf32, #tpu.memory_space<vmem>>, vector<32x768xf32>,
    %get3A_820 = arith.constant 576 : index
    %get3A_821 = arith.constant 4608 : index
    %get3A_822 = vector.load %arg15[%get3A_820, %get3A_821] : memref<1152x6272xf32, #tpu.memory_space<vmem>>, vector<32x768xf32>
    %swap3A_823 = arith.constant 704 : index
    %swap3A_824 = arith.constant 4480 : index
    %swap3A_825 = vector.load %arg15[%swap3A_823, %swap3A_824] : memref<1152x6272xf32, #tpu.memory_space<vmem>>, vector<32x768xf32>
    tpu.vector_store %arg15[%swap3A_823, %swap3A_824], %get3A_822 {strides = array<i32>} : memref<1152x6272xf32, #tpu.memory_space<vmem>>, vector<32x768xf32>,
    %get3A_826 = arith.constant 576 : index
    %get3A_827 = arith.constant 5504 : index
    %get3A_828 = vector.load %arg15[%get3A_826, %get3A_827] : memref<1152x6272xf32, #tpu.memory_space<vmem>>, vector<32x768xf32>
    %swap3A_829 = arith.constant 704 : index
    %swap3A_830 = arith.constant 5376 : index
    %swap3A_831 = vector.load %arg15[%swap3A_829, %swap3A_830] : memref<1152x6272xf32, #tpu.memory_space<vmem>>, vector<32x768xf32>
    tpu.vector_store %arg15[%swap3A_829, %swap3A_830], %get3A_828 {strides = array<i32>} : memref<1152x6272xf32, #tpu.memory_space<vmem>>, vector<32x768xf32>,
    %get3A_832 = arith.constant 672 : index
    %get3A_833 = arith.constant 0 : index
    %get3A_834 = vector.load %arg15[%get3A_832, %get3A_833] : memref<1152x6272xf32, #tpu.memory_space<vmem>>, vector<32x768xf32>
    %swap3A_835 = arith.constant 736 : index
    %swap3A_836 = arith.constant 128 : index
    %swap3A_837 = vector.load %arg15[%swap3A_835, %swap3A_836] : memref<1152x6272xf32, #tpu.memory_space<vmem>>, vector<32x768xf32>
    tpu.vector_store %arg15[%swap3A_835, %swap3A_836], %get3A_834 {strides = array<i32>} : memref<1152x6272xf32, #tpu.memory_space<vmem>>, vector<32x768xf32>,
    %get3A_838 = arith.constant 672 : index
    %get3A_839 = arith.constant 896 : index
    %get3A_840 = vector.load %arg15[%get3A_838, %get3A_839] : memref<1152x6272xf32, #tpu.memory_space<vmem>>, vector<32x768xf32>
    %swap3A_841 = arith.constant 736 : index
    %swap3A_842 = arith.constant 1024 : index
    %swap3A_843 = vector.load %arg15[%swap3A_841, %swap3A_842] : memref<1152x6272xf32, #tpu.memory_space<vmem>>, vector<32x768xf32>
    tpu.vector_store %arg15[%swap3A_841, %swap3A_842], %get3A_840 {strides = array<i32>} : memref<1152x6272xf32, #tpu.memory_space<vmem>>, vector<32x768xf32>,
    %get3A_844 = arith.constant 672 : index
    %get3A_845 = arith.constant 1792 : index
    %get3A_846 = vector.load %arg15[%get3A_844, %get3A_845] : memref<1152x6272xf32, #tpu.memory_space<vmem>>, vector<32x768xf32>
    %swap3A_847 = arith.constant 736 : index
    %swap3A_848 = arith.constant 1920 : index
    %swap3A_849 = vector.load %arg15[%swap3A_847, %swap3A_848] : memref<1152x6272xf32, #tpu.memory_space<vmem>>, vector<32x768xf32>
    tpu.vector_store %arg15[%swap3A_847, %swap3A_848], %get3A_846 {strides = array<i32>} : memref<1152x6272xf32, #tpu.memory_space<vmem>>, vector<32x768xf32>,
    %get3A_850 = arith.constant 672 : index
    %get3A_851 = arith.constant 2688 : index
    %get3A_852 = vector.load %arg15[%get3A_850, %get3A_851] : memref<1152x6272xf32, #tpu.memory_space<vmem>>, vector<32x768xf32>
    %swap3A_853 = arith.constant 736 : index
    %swap3A_854 = arith.constant 2816 : index
    %swap3A_855 = vector.load %arg15[%swap3A_853, %swap3A_854] : memref<1152x6272xf32, #tpu.memory_space<vmem>>, vector<32x768xf32>
    tpu.vector_store %arg15[%swap3A_853, %swap3A_854], %get3A_852 {strides = array<i32>} : memref<1152x6272xf32, #tpu.memory_space<vmem>>, vector<32x768xf32>,
    %get3A_856 = arith.constant 672 : index
    %get3A_857 = arith.constant 3584 : index
    %get3A_858 = vector.load %arg15[%get3A_856, %get3A_857] : memref<1152x6272xf32, #tpu.memory_space<vmem>>, vector<32x768xf32>
    %swap3A_859 = arith.constant 736 : index
    %swap3A_860 = arith.constant 3712 : index
    %swap3A_861 = vector.load %arg15[%swap3A_859, %swap3A_860] : memref<1152x6272xf32, #tpu.memory_space<vmem>>, vector<32x768xf32>
    tpu.vector_store %arg15[%swap3A_859, %swap3A_860], %get3A_858 {strides = array<i32>} : memref<1152x6272xf32, #tpu.memory_space<vmem>>, vector<32x768xf32>,
    %get3A_862 = arith.constant 672 : index
    %get3A_863 = arith.constant 4480 : index
    %get3A_864 = vector.load %arg15[%get3A_862, %get3A_863] : memref<1152x6272xf32, #tpu.memory_space<vmem>>, vector<32x768xf32>
    %swap3A_865 = arith.constant 736 : index
    %swap3A_866 = arith.constant 4608 : index
    %swap3A_867 = vector.load %arg15[%swap3A_865, %swap3A_866] : memref<1152x6272xf32, #tpu.memory_space<vmem>>, vector<32x768xf32>
    tpu.vector_store %arg15[%swap3A_865, %swap3A_866], %get3A_864 {strides = array<i32>} : memref<1152x6272xf32, #tpu.memory_space<vmem>>, vector<32x768xf32>,
    %get3A_868 = arith.constant 672 : index
    %get3A_869 = arith.constant 5376 : index
    %get3A_870 = vector.load %arg15[%get3A_868, %get3A_869] : memref<1152x6272xf32, #tpu.memory_space<vmem>>, vector<32x768xf32>
    %swap3A_871 = arith.constant 736 : index
    %swap3A_872 = arith.constant 5504 : index
    %swap3A_873 = vector.load %arg15[%swap3A_871, %swap3A_872] : memref<1152x6272xf32, #tpu.memory_space<vmem>>, vector<32x768xf32>
    tpu.vector_store %arg15[%swap3A_871, %swap3A_872], %get3A_870 {strides = array<i32>} : memref<1152x6272xf32, #tpu.memory_space<vmem>>, vector<32x768xf32>,
    %get3A_874 = arith.constant 0 : index
    %get3A_875 = arith.constant 896 : index
    %get3A_876 = vector.load %arg15[%get3A_874, %get3A_875] : memref<1152x6272xf32, #tpu.memory_space<vmem>>, vector<32x896xf32>
    %swap3A_877 = arith.constant 768 : index
    %swap3A_878 = arith.constant 0 : index
    %swap3A_879 = vector.load %arg15[%swap3A_877, %swap3A_878] : memref<1152x6272xf32, #tpu.memory_space<vmem>>, vector<32x896xf32>
    tpu.vector_store %arg15[%swap3A_877, %swap3A_878], %get3A_876 {strides = array<i32>} : memref<1152x6272xf32, #tpu.memory_space<vmem>>, vector<32x896xf32>,
    %get3A_880 = arith.constant 0 : index
    %get3A_881 = arith.constant 1792 : index
    %get3A_882 = vector.load %arg15[%get3A_880, %get3A_881] : memref<1152x6272xf32, #tpu.memory_space<vmem>>, vector<32x896xf32>
    %swap3A_883 = arith.constant 768 : index
    %swap3A_884 = arith.constant 896 : index
    %swap3A_885 = vector.load %arg15[%swap3A_883, %swap3A_884] : memref<1152x6272xf32, #tpu.memory_space<vmem>>, vector<32x896xf32>
    tpu.vector_store %arg15[%swap3A_883, %swap3A_884], %get3A_882 {strides = array<i32>} : memref<1152x6272xf32, #tpu.memory_space<vmem>>, vector<32x896xf32>,
    %get3A_886 = arith.constant 0 : index
    %get3A_887 = arith.constant 2688 : index
    %get3A_888 = vector.load %arg15[%get3A_886, %get3A_887] : memref<1152x6272xf32, #tpu.memory_space<vmem>>, vector<32x896xf32>
    %swap3A_889 = arith.constant 768 : index
    %swap3A_890 = arith.constant 1792 : index
    %swap3A_891 = vector.load %arg15[%swap3A_889, %swap3A_890] : memref<1152x6272xf32, #tpu.memory_space<vmem>>, vector<32x896xf32>
    tpu.vector_store %arg15[%swap3A_889, %swap3A_890], %get3A_888 {strides = array<i32>} : memref<1152x6272xf32, #tpu.memory_space<vmem>>, vector<32x896xf32>,
    %get3A_892 = arith.constant 0 : index
    %get3A_893 = arith.constant 3584 : index
    %get3A_894 = vector.load %arg15[%get3A_892, %get3A_893] : memref<1152x6272xf32, #tpu.memory_space<vmem>>, vector<32x896xf32>
    %swap3A_895 = arith.constant 768 : index
    %swap3A_896 = arith.constant 2688 : index
    %swap3A_897 = vector.load %arg15[%swap3A_895, %swap3A_896] : memref<1152x6272xf32, #tpu.memory_space<vmem>>, vector<32x896xf32>
    tpu.vector_store %arg15[%swap3A_895, %swap3A_896], %get3A_894 {strides = array<i32>} : memref<1152x6272xf32, #tpu.memory_space<vmem>>, vector<32x896xf32>,
    %get3A_898 = arith.constant 0 : index
    %get3A_899 = arith.constant 4480 : index
    %get3A_900 = vector.load %arg15[%get3A_898, %get3A_899] : memref<1152x6272xf32, #tpu.memory_space<vmem>>, vector<32x896xf32>
    %swap3A_901 = arith.constant 768 : index
    %swap3A_902 = arith.constant 3584 : index
    %swap3A_903 = vector.load %arg15[%swap3A_901, %swap3A_902] : memref<1152x6272xf32, #tpu.memory_space<vmem>>, vector<32x896xf32>
    tpu.vector_store %arg15[%swap3A_901, %swap3A_902], %get3A_900 {strides = array<i32>} : memref<1152x6272xf32, #tpu.memory_space<vmem>>, vector<32x896xf32>,
    %get3A_904 = arith.constant 0 : index
    %get3A_905 = arith.constant 5376 : index
    %get3A_906 = vector.load %arg15[%get3A_904, %get3A_905] : memref<1152x6272xf32, #tpu.memory_space<vmem>>, vector<32x896xf32>
    %swap3A_907 = arith.constant 768 : index
    %swap3A_908 = arith.constant 4480 : index
    %swap3A_909 = vector.load %arg15[%swap3A_907, %swap3A_908] : memref<1152x6272xf32, #tpu.memory_space<vmem>>, vector<32x896xf32>
    tpu.vector_store %arg15[%swap3A_907, %swap3A_908], %get3A_906 {strides = array<i32>} : memref<1152x6272xf32, #tpu.memory_space<vmem>>, vector<32x896xf32>,
    %get3A_910 = arith.constant 32 : index
    %get3A_911 = arith.constant 896 : index
    %get3A_912 = vector.load %arg15[%get3A_910, %get3A_911] : memref<1152x6272xf32, #tpu.memory_space<vmem>>, vector<32x896xf32>
    %swap3A_913 = arith.constant 800 : index
    %swap3A_914 = arith.constant 0 : index
    %swap3A_915 = vector.load %arg15[%swap3A_913, %swap3A_914] : memref<1152x6272xf32, #tpu.memory_space<vmem>>, vector<32x896xf32>
    tpu.vector_store %arg15[%swap3A_913, %swap3A_914], %get3A_912 {strides = array<i32>} : memref<1152x6272xf32, #tpu.memory_space<vmem>>, vector<32x896xf32>,
    %get3A_916 = arith.constant 32 : index
    %get3A_917 = arith.constant 1792 : index
    %get3A_918 = vector.load %arg15[%get3A_916, %get3A_917] : memref<1152x6272xf32, #tpu.memory_space<vmem>>, vector<32x896xf32>
    %swap3A_919 = arith.constant 800 : index
    %swap3A_920 = arith.constant 896 : index
    %swap3A_921 = vector.load %arg15[%swap3A_919, %swap3A_920] : memref<1152x6272xf32, #tpu.memory_space<vmem>>, vector<32x896xf32>
    tpu.vector_store %arg15[%swap3A_919, %swap3A_920], %get3A_918 {strides = array<i32>} : memref<1152x6272xf32, #tpu.memory_space<vmem>>, vector<32x896xf32>,
    %get3A_922 = arith.constant 32 : index
    %get3A_923 = arith.constant 2688 : index
    %get3A_924 = vector.load %arg15[%get3A_922, %get3A_923] : memref<1152x6272xf32, #tpu.memory_space<vmem>>, vector<32x896xf32>
    %swap3A_925 = arith.constant 800 : index
    %swap3A_926 = arith.constant 1792 : index
    %swap3A_927 = vector.load %arg15[%swap3A_925, %swap3A_926] : memref<1152x6272xf32, #tpu.memory_space<vmem>>, vector<32x896xf32>
    tpu.vector_store %arg15[%swap3A_925, %swap3A_926], %get3A_924 {strides = array<i32>} : memref<1152x6272xf32, #tpu.memory_space<vmem>>, vector<32x896xf32>,
    %get3A_928 = arith.constant 32 : index
    %get3A_929 = arith.constant 3584 : index
    %get3A_930 = vector.load %arg15[%get3A_928, %get3A_929] : memref<1152x6272xf32, #tpu.memory_space<vmem>>, vector<32x896xf32>
    %swap3A_931 = arith.constant 800 : index
    %swap3A_932 = arith.constant 2688 : index
    %swap3A_933 = vector.load %arg15[%swap3A_931, %swap3A_932] : memref<1152x6272xf32, #tpu.memory_space<vmem>>, vector<32x896xf32>
    tpu.vector_store %arg15[%swap3A_931, %swap3A_932], %get3A_930 {strides = array<i32>} : memref<1152x6272xf32, #tpu.memory_space<vmem>>, vector<32x896xf32>,
    %get3A_934 = arith.constant 32 : index
    %get3A_935 = arith.constant 4480 : index
    %get3A_936 = vector.load %arg15[%get3A_934, %get3A_935] : memref<1152x6272xf32, #tpu.memory_space<vmem>>, vector<32x896xf32>
    %swap3A_937 = arith.constant 800 : index
    %swap3A_938 = arith.constant 3584 : index
    %swap3A_939 = vector.load %arg15[%swap3A_937, %swap3A_938] : memref<1152x6272xf32, #tpu.memory_space<vmem>>, vector<32x896xf32>
    tpu.vector_store %arg15[%swap3A_937, %swap3A_938], %get3A_936 {strides = array<i32>} : memref<1152x6272xf32, #tpu.memory_space<vmem>>, vector<32x896xf32>,
    %get3A_940 = arith.constant 32 : index
    %get3A_941 = arith.constant 5376 : index
    %get3A_942 = vector.load %arg15[%get3A_940, %get3A_941] : memref<1152x6272xf32, #tpu.memory_space<vmem>>, vector<32x896xf32>
    %swap3A_943 = arith.constant 800 : index
    %swap3A_944 = arith.constant 4480 : index
    %swap3A_945 = vector.load %arg15[%swap3A_943, %swap3A_944] : memref<1152x6272xf32, #tpu.memory_space<vmem>>, vector<32x896xf32>
    tpu.vector_store %arg15[%swap3A_943, %swap3A_944], %get3A_942 {strides = array<i32>} : memref<1152x6272xf32, #tpu.memory_space<vmem>>, vector<32x896xf32>,
    %get3A_946 = arith.constant 64 : index
    %get3A_947 = arith.constant 896 : index
    %get3A_948 = vector.load %arg15[%get3A_946, %get3A_947] : memref<1152x6272xf32, #tpu.memory_space<vmem>>, vector<32x896xf32>
    %swap3A_949 = arith.constant 832 : index
    %swap3A_950 = arith.constant 0 : index
    %swap3A_951 = vector.load %arg15[%swap3A_949, %swap3A_950] : memref<1152x6272xf32, #tpu.memory_space<vmem>>, vector<32x896xf32>
    tpu.vector_store %arg15[%swap3A_949, %swap3A_950], %get3A_948 {strides = array<i32>} : memref<1152x6272xf32, #tpu.memory_space<vmem>>, vector<32x896xf32>,
    %get3A_952 = arith.constant 64 : index
    %get3A_953 = arith.constant 1792 : index
    %get3A_954 = vector.load %arg15[%get3A_952, %get3A_953] : memref<1152x6272xf32, #tpu.memory_space<vmem>>, vector<32x896xf32>
    %swap3A_955 = arith.constant 832 : index
    %swap3A_956 = arith.constant 896 : index
    %swap3A_957 = vector.load %arg15[%swap3A_955, %swap3A_956] : memref<1152x6272xf32, #tpu.memory_space<vmem>>, vector<32x896xf32>
    tpu.vector_store %arg15[%swap3A_955, %swap3A_956], %get3A_954 {strides = array<i32>} : memref<1152x6272xf32, #tpu.memory_space<vmem>>, vector<32x896xf32>,
    %get3A_958 = arith.constant 64 : index
    %get3A_959 = arith.constant 2688 : index
    %get3A_960 = vector.load %arg15[%get3A_958, %get3A_959] : memref<1152x6272xf32, #tpu.memory_space<vmem>>, vector<32x896xf32>
    %swap3A_961 = arith.constant 832 : index
    %swap3A_962 = arith.constant 1792 : index
    %swap3A_963 = vector.load %arg15[%swap3A_961, %swap3A_962] : memref<1152x6272xf32, #tpu.memory_space<vmem>>, vector<32x896xf32>
    tpu.vector_store %arg15[%swap3A_961, %swap3A_962], %get3A_960 {strides = array<i32>} : memref<1152x6272xf32, #tpu.memory_space<vmem>>, vector<32x896xf32>,
    %get3A_964 = arith.constant 64 : index
    %get3A_965 = arith.constant 3584 : index
    %get3A_966 = vector.load %arg15[%get3A_964, %get3A_965] : memref<1152x6272xf32, #tpu.memory_space<vmem>>, vector<32x896xf32>
    %swap3A_967 = arith.constant 832 : index
    %swap3A_968 = arith.constant 2688 : index
    %swap3A_969 = vector.load %arg15[%swap3A_967, %swap3A_968] : memref<1152x6272xf32, #tpu.memory_space<vmem>>, vector<32x896xf32>
    tpu.vector_store %arg15[%swap3A_967, %swap3A_968], %get3A_966 {strides = array<i32>} : memref<1152x6272xf32, #tpu.memory_space<vmem>>, vector<32x896xf32>,
    %get3A_970 = arith.constant 64 : index
    %get3A_971 = arith.constant 4480 : index
    %get3A_972 = vector.load %arg15[%get3A_970, %get3A_971] : memref<1152x6272xf32, #tpu.memory_space<vmem>>, vector<32x896xf32>
    %swap3A_973 = arith.constant 832 : index
    %swap3A_974 = arith.constant 3584 : index
    %swap3A_975 = vector.load %arg15[%swap3A_973, %swap3A_974] : memref<1152x6272xf32, #tpu.memory_space<vmem>>, vector<32x896xf32>
    tpu.vector_store %arg15[%swap3A_973, %swap3A_974], %get3A_972 {strides = array<i32>} : memref<1152x6272xf32, #tpu.memory_space<vmem>>, vector<32x896xf32>,
    %get3A_976 = arith.constant 64 : index
    %get3A_977 = arith.constant 5376 : index
    %get3A_978 = vector.load %arg15[%get3A_976, %get3A_977] : memref<1152x6272xf32, #tpu.memory_space<vmem>>, vector<32x896xf32>
    %swap3A_979 = arith.constant 832 : index
    %swap3A_980 = arith.constant 4480 : index
    %swap3A_981 = vector.load %arg15[%swap3A_979, %swap3A_980] : memref<1152x6272xf32, #tpu.memory_space<vmem>>, vector<32x896xf32>
    tpu.vector_store %arg15[%swap3A_979, %swap3A_980], %get3A_978 {strides = array<i32>} : memref<1152x6272xf32, #tpu.memory_space<vmem>>, vector<32x896xf32>,
    %get3A_982 = arith.constant 96 : index
    %get3A_983 = arith.constant 896 : index
    %get3A_984 = vector.load %arg15[%get3A_982, %get3A_983] : memref<1152x6272xf32, #tpu.memory_space<vmem>>, vector<32x896xf32>
    %swap3A_985 = arith.constant 864 : index
    %swap3A_986 = arith.constant 0 : index
    %swap3A_987 = vector.load %arg15[%swap3A_985, %swap3A_986] : memref<1152x6272xf32, #tpu.memory_space<vmem>>, vector<32x896xf32>
    tpu.vector_store %arg15[%swap3A_985, %swap3A_986], %get3A_984 {strides = array<i32>} : memref<1152x6272xf32, #tpu.memory_space<vmem>>, vector<32x896xf32>,
    %get3A_988 = arith.constant 96 : index
    %get3A_989 = arith.constant 1792 : index
    %get3A_990 = vector.load %arg15[%get3A_988, %get3A_989] : memref<1152x6272xf32, #tpu.memory_space<vmem>>, vector<32x896xf32>
    %swap3A_991 = arith.constant 864 : index
    %swap3A_992 = arith.constant 896 : index
    %swap3A_993 = vector.load %arg15[%swap3A_991, %swap3A_992] : memref<1152x6272xf32, #tpu.memory_space<vmem>>, vector<32x896xf32>
    tpu.vector_store %arg15[%swap3A_991, %swap3A_992], %get3A_990 {strides = array<i32>} : memref<1152x6272xf32, #tpu.memory_space<vmem>>, vector<32x896xf32>,
    %get3A_994 = arith.constant 96 : index
    %get3A_995 = arith.constant 2688 : index
    %get3A_996 = vector.load %arg15[%get3A_994, %get3A_995] : memref<1152x6272xf32, #tpu.memory_space<vmem>>, vector<32x896xf32>
    %swap3A_997 = arith.constant 864 : index
    %swap3A_998 = arith.constant 1792 : index
    %swap3A_999 = vector.load %arg15[%swap3A_997, %swap3A_998] : memref<1152x6272xf32, #tpu.memory_space<vmem>>, vector<32x896xf32>
    tpu.vector_store %arg15[%swap3A_997, %swap3A_998], %get3A_996 {strides = array<i32>} : memref<1152x6272xf32, #tpu.memory_space<vmem>>, vector<32x896xf32>,
    %get3A_1000 = arith.constant 96 : index
    %get3A_1001 = arith.constant 3584 : index
    %get3A_1002 = vector.load %arg15[%get3A_1000, %get3A_1001] : memref<1152x6272xf32, #tpu.memory_space<vmem>>, vector<32x896xf32>
    %swap3A_1003 = arith.constant 864 : index
    %swap3A_1004 = arith.constant 2688 : index
    %swap3A_1005 = vector.load %arg15[%swap3A_1003, %swap3A_1004] : memref<1152x6272xf32, #tpu.memory_space<vmem>>, vector<32x896xf32>
    tpu.vector_store %arg15[%swap3A_1003, %swap3A_1004], %get3A_1002 {strides = array<i32>} : memref<1152x6272xf32, #tpu.memory_space<vmem>>, vector<32x896xf32>,
    %get3A_1006 = arith.constant 96 : index
    %get3A_1007 = arith.constant 4480 : index
    %get3A_1008 = vector.load %arg15[%get3A_1006, %get3A_1007] : memref<1152x6272xf32, #tpu.memory_space<vmem>>, vector<32x896xf32>
    %swap3A_1009 = arith.constant 864 : index
    %swap3A_1010 = arith.constant 3584 : index
    %swap3A_1011 = vector.load %arg15[%swap3A_1009, %swap3A_1010] : memref<1152x6272xf32, #tpu.memory_space<vmem>>, vector<32x896xf32>
    tpu.vector_store %arg15[%swap3A_1009, %swap3A_1010], %get3A_1008 {strides = array<i32>} : memref<1152x6272xf32, #tpu.memory_space<vmem>>, vector<32x896xf32>,
    %get3A_1012 = arith.constant 96 : index
    %get3A_1013 = arith.constant 5376 : index
    %get3A_1014 = vector.load %arg15[%get3A_1012, %get3A_1013] : memref<1152x6272xf32, #tpu.memory_space<vmem>>, vector<32x896xf32>
    %swap3A_1015 = arith.constant 864 : index
    %swap3A_1016 = arith.constant 4480 : index
    %swap3A_1017 = vector.load %arg15[%swap3A_1015, %swap3A_1016] : memref<1152x6272xf32, #tpu.memory_space<vmem>>, vector<32x896xf32>
    tpu.vector_store %arg15[%swap3A_1015, %swap3A_1016], %get3A_1014 {strides = array<i32>} : memref<1152x6272xf32, #tpu.memory_space<vmem>>, vector<32x896xf32>,
    %get3A_1018 = arith.constant 0 : index
    %get3A_1019 = arith.constant 1024 : index
    %get3A_1020 = vector.load %arg15[%get3A_1018, %get3A_1019] : memref<1152x6272xf32, #tpu.memory_space<vmem>>, vector<32x768xf32>
    %swap3A_1021 = arith.constant 896 : index
    %swap3A_1022 = arith.constant 0 : index
    %swap3A_1023 = vector.load %arg15[%swap3A_1021, %swap3A_1022] : memref<1152x6272xf32, #tpu.memory_space<vmem>>, vector<32x768xf32>
    tpu.vector_store %arg15[%swap3A_1021, %swap3A_1022], %get3A_1020 {strides = array<i32>} : memref<1152x6272xf32, #tpu.memory_space<vmem>>, vector<32x768xf32>,
    %get3A_1024 = arith.constant 0 : index
    %get3A_1025 = arith.constant 1920 : index
    %get3A_1026 = vector.load %arg15[%get3A_1024, %get3A_1025] : memref<1152x6272xf32, #tpu.memory_space<vmem>>, vector<32x768xf32>
    %swap3A_1027 = arith.constant 896 : index
    %swap3A_1028 = arith.constant 896 : index
    %swap3A_1029 = vector.load %arg15[%swap3A_1027, %swap3A_1028] : memref<1152x6272xf32, #tpu.memory_space<vmem>>, vector<32x768xf32>
    tpu.vector_store %arg15[%swap3A_1027, %swap3A_1028], %get3A_1026 {strides = array<i32>} : memref<1152x6272xf32, #tpu.memory_space<vmem>>, vector<32x768xf32>,
    %get3A_1030 = arith.constant 0 : index
    %get3A_1031 = arith.constant 2816 : index
    %get3A_1032 = vector.load %arg15[%get3A_1030, %get3A_1031] : memref<1152x6272xf32, #tpu.memory_space<vmem>>, vector<32x768xf32>
    %swap3A_1033 = arith.constant 896 : index
    %swap3A_1034 = arith.constant 1792 : index
    %swap3A_1035 = vector.load %arg15[%swap3A_1033, %swap3A_1034] : memref<1152x6272xf32, #tpu.memory_space<vmem>>, vector<32x768xf32>
    tpu.vector_store %arg15[%swap3A_1033, %swap3A_1034], %get3A_1032 {strides = array<i32>} : memref<1152x6272xf32, #tpu.memory_space<vmem>>, vector<32x768xf32>,
    %get3A_1036 = arith.constant 0 : index
    %get3A_1037 = arith.constant 3712 : index
    %get3A_1038 = vector.load %arg15[%get3A_1036, %get3A_1037] : memref<1152x6272xf32, #tpu.memory_space<vmem>>, vector<32x768xf32>
    %swap3A_1039 = arith.constant 896 : index
    %swap3A_1040 = arith.constant 2688 : index
    %swap3A_1041 = vector.load %arg15[%swap3A_1039, %swap3A_1040] : memref<1152x6272xf32, #tpu.memory_space<vmem>>, vector<32x768xf32>
    tpu.vector_store %arg15[%swap3A_1039, %swap3A_1040], %get3A_1038 {strides = array<i32>} : memref<1152x6272xf32, #tpu.memory_space<vmem>>, vector<32x768xf32>,
    %get3A_1042 = arith.constant 0 : index
    %get3A_1043 = arith.constant 4608 : index
    %get3A_1044 = vector.load %arg15[%get3A_1042, %get3A_1043] : memref<1152x6272xf32, #tpu.memory_space<vmem>>, vector<32x768xf32>
    %swap3A_1045 = arith.constant 896 : index
    %swap3A_1046 = arith.constant 3584 : index
    %swap3A_1047 = vector.load %arg15[%swap3A_1045, %swap3A_1046] : memref<1152x6272xf32, #tpu.memory_space<vmem>>, vector<32x768xf32>
    tpu.vector_store %arg15[%swap3A_1045, %swap3A_1046], %get3A_1044 {strides = array<i32>} : memref<1152x6272xf32, #tpu.memory_space<vmem>>, vector<32x768xf32>,
    %get3A_1048 = arith.constant 0 : index
    %get3A_1049 = arith.constant 5504 : index
    %get3A_1050 = vector.load %arg15[%get3A_1048, %get3A_1049] : memref<1152x6272xf32, #tpu.memory_space<vmem>>, vector<32x768xf32>
    %swap3A_1051 = arith.constant 896 : index
    %swap3A_1052 = arith.constant 4480 : index
    %swap3A_1053 = vector.load %arg15[%swap3A_1051, %swap3A_1052] : memref<1152x6272xf32, #tpu.memory_space<vmem>>, vector<32x768xf32>
    tpu.vector_store %arg15[%swap3A_1051, %swap3A_1052], %get3A_1050 {strides = array<i32>} : memref<1152x6272xf32, #tpu.memory_space<vmem>>, vector<32x768xf32>,
    %get3A_1054 = arith.constant 96 : index
    %get3A_1055 = arith.constant 896 : index
    %get3A_1056 = vector.load %arg15[%get3A_1054, %get3A_1055] : memref<1152x6272xf32, #tpu.memory_space<vmem>>, vector<32x768xf32>
    %swap3A_1057 = arith.constant 928 : index
    %swap3A_1058 = arith.constant 128 : index
    %swap3A_1059 = vector.load %arg15[%swap3A_1057, %swap3A_1058] : memref<1152x6272xf32, #tpu.memory_space<vmem>>, vector<32x768xf32>
    tpu.vector_store %arg15[%swap3A_1057, %swap3A_1058], %get3A_1056 {strides = array<i32>} : memref<1152x6272xf32, #tpu.memory_space<vmem>>, vector<32x768xf32>,
    %get3A_1060 = arith.constant 96 : index
    %get3A_1061 = arith.constant 1792 : index
    %get3A_1062 = vector.load %arg15[%get3A_1060, %get3A_1061] : memref<1152x6272xf32, #tpu.memory_space<vmem>>, vector<32x768xf32>
    %swap3A_1063 = arith.constant 928 : index
    %swap3A_1064 = arith.constant 1024 : index
    %swap3A_1065 = vector.load %arg15[%swap3A_1063, %swap3A_1064] : memref<1152x6272xf32, #tpu.memory_space<vmem>>, vector<32x768xf32>
    tpu.vector_store %arg15[%swap3A_1063, %swap3A_1064], %get3A_1062 {strides = array<i32>} : memref<1152x6272xf32, #tpu.memory_space<vmem>>, vector<32x768xf32>,
    %get3A_1066 = arith.constant 96 : index
    %get3A_1067 = arith.constant 2688 : index
    %get3A_1068 = vector.load %arg15[%get3A_1066, %get3A_1067] : memref<1152x6272xf32, #tpu.memory_space<vmem>>, vector<32x768xf32>
    %swap3A_1069 = arith.constant 928 : index
    %swap3A_1070 = arith.constant 1920 : index
    %swap3A_1071 = vector.load %arg15[%swap3A_1069, %swap3A_1070] : memref<1152x6272xf32, #tpu.memory_space<vmem>>, vector<32x768xf32>
    tpu.vector_store %arg15[%swap3A_1069, %swap3A_1070], %get3A_1068 {strides = array<i32>} : memref<1152x6272xf32, #tpu.memory_space<vmem>>, vector<32x768xf32>,
    %get3A_1072 = arith.constant 96 : index
    %get3A_1073 = arith.constant 3584 : index
    %get3A_1074 = vector.load %arg15[%get3A_1072, %get3A_1073] : memref<1152x6272xf32, #tpu.memory_space<vmem>>, vector<32x768xf32>
    %swap3A_1075 = arith.constant 928 : index
    %swap3A_1076 = arith.constant 2816 : index
    %swap3A_1077 = vector.load %arg15[%swap3A_1075, %swap3A_1076] : memref<1152x6272xf32, #tpu.memory_space<vmem>>, vector<32x768xf32>
    tpu.vector_store %arg15[%swap3A_1075, %swap3A_1076], %get3A_1074 {strides = array<i32>} : memref<1152x6272xf32, #tpu.memory_space<vmem>>, vector<32x768xf32>,
    %get3A_1078 = arith.constant 96 : index
    %get3A_1079 = arith.constant 4480 : index
    %get3A_1080 = vector.load %arg15[%get3A_1078, %get3A_1079] : memref<1152x6272xf32, #tpu.memory_space<vmem>>, vector<32x768xf32>
    %swap3A_1081 = arith.constant 928 : index
    %swap3A_1082 = arith.constant 3712 : index
    %swap3A_1083 = vector.load %arg15[%swap3A_1081, %swap3A_1082] : memref<1152x6272xf32, #tpu.memory_space<vmem>>, vector<32x768xf32>
    tpu.vector_store %arg15[%swap3A_1081, %swap3A_1082], %get3A_1080 {strides = array<i32>} : memref<1152x6272xf32, #tpu.memory_space<vmem>>, vector<32x768xf32>,
    %get3A_1084 = arith.constant 96 : index
    %get3A_1085 = arith.constant 5376 : index
    %get3A_1086 = vector.load %arg15[%get3A_1084, %get3A_1085] : memref<1152x6272xf32, #tpu.memory_space<vmem>>, vector<32x768xf32>
    %swap3A_1087 = arith.constant 928 : index
    %swap3A_1088 = arith.constant 4608 : index
    %swap3A_1089 = vector.load %arg15[%swap3A_1087, %swap3A_1088] : memref<1152x6272xf32, #tpu.memory_space<vmem>>, vector<32x768xf32>
    tpu.vector_store %arg15[%swap3A_1087, %swap3A_1088], %get3A_1086 {strides = array<i32>} : memref<1152x6272xf32, #tpu.memory_space<vmem>>, vector<32x768xf32>,
    %get3A_1090 = arith.constant 576 : index
    %get3A_1091 = arith.constant 0 : index
    %get3A_1092 = vector.load %arg15[%get3A_1090, %get3A_1091] : memref<1152x6272xf32, #tpu.memory_space<vmem>>, vector<32x896xf32>
    %swap3A_1093 = arith.constant 960 : index
    %swap3A_1094 = arith.constant 896 : index
    %swap3A_1095 = vector.load %arg15[%swap3A_1093, %swap3A_1094] : memref<1152x6272xf32, #tpu.memory_space<vmem>>, vector<32x896xf32>
    tpu.vector_store %arg15[%swap3A_1093, %swap3A_1094], %get3A_1092 {strides = array<i32>} : memref<1152x6272xf32, #tpu.memory_space<vmem>>, vector<32x896xf32>,
    %get3A_1096 = arith.constant 576 : index
    %get3A_1097 = arith.constant 896 : index
    %get3A_1098 = vector.load %arg15[%get3A_1096, %get3A_1097] : memref<1152x6272xf32, #tpu.memory_space<vmem>>, vector<32x896xf32>
    %swap3A_1099 = arith.constant 960 : index
    %swap3A_1100 = arith.constant 1792 : index
    %swap3A_1101 = vector.load %arg15[%swap3A_1099, %swap3A_1100] : memref<1152x6272xf32, #tpu.memory_space<vmem>>, vector<32x896xf32>
    tpu.vector_store %arg15[%swap3A_1099, %swap3A_1100], %get3A_1098 {strides = array<i32>} : memref<1152x6272xf32, #tpu.memory_space<vmem>>, vector<32x896xf32>,
    %get3A_1102 = arith.constant 576 : index
    %get3A_1103 = arith.constant 1792 : index
    %get3A_1104 = vector.load %arg15[%get3A_1102, %get3A_1103] : memref<1152x6272xf32, #tpu.memory_space<vmem>>, vector<32x896xf32>
    %swap3A_1105 = arith.constant 960 : index
    %swap3A_1106 = arith.constant 2688 : index
    %swap3A_1107 = vector.load %arg15[%swap3A_1105, %swap3A_1106] : memref<1152x6272xf32, #tpu.memory_space<vmem>>, vector<32x896xf32>
    tpu.vector_store %arg15[%swap3A_1105, %swap3A_1106], %get3A_1104 {strides = array<i32>} : memref<1152x6272xf32, #tpu.memory_space<vmem>>, vector<32x896xf32>,
    %get3A_1108 = arith.constant 576 : index
    %get3A_1109 = arith.constant 2688 : index
    %get3A_1110 = vector.load %arg15[%get3A_1108, %get3A_1109] : memref<1152x6272xf32, #tpu.memory_space<vmem>>, vector<32x896xf32>
    %swap3A_1111 = arith.constant 960 : index
    %swap3A_1112 = arith.constant 3584 : index
    %swap3A_1113 = vector.load %arg15[%swap3A_1111, %swap3A_1112] : memref<1152x6272xf32, #tpu.memory_space<vmem>>, vector<32x896xf32>
    tpu.vector_store %arg15[%swap3A_1111, %swap3A_1112], %get3A_1110 {strides = array<i32>} : memref<1152x6272xf32, #tpu.memory_space<vmem>>, vector<32x896xf32>,
    %get3A_1114 = arith.constant 576 : index
    %get3A_1115 = arith.constant 3584 : index
    %get3A_1116 = vector.load %arg15[%get3A_1114, %get3A_1115] : memref<1152x6272xf32, #tpu.memory_space<vmem>>, vector<32x896xf32>
    %swap3A_1117 = arith.constant 960 : index
    %swap3A_1118 = arith.constant 4480 : index
    %swap3A_1119 = vector.load %arg15[%swap3A_1117, %swap3A_1118] : memref<1152x6272xf32, #tpu.memory_space<vmem>>, vector<32x896xf32>
    tpu.vector_store %arg15[%swap3A_1117, %swap3A_1118], %get3A_1116 {strides = array<i32>} : memref<1152x6272xf32, #tpu.memory_space<vmem>>, vector<32x896xf32>,
    %get3A_1120 = arith.constant 576 : index
    %get3A_1121 = arith.constant 4480 : index
    %get3A_1122 = vector.load %arg15[%get3A_1120, %get3A_1121] : memref<1152x6272xf32, #tpu.memory_space<vmem>>, vector<32x896xf32>
    %swap3A_1123 = arith.constant 960 : index
    %swap3A_1124 = arith.constant 5376 : index
    %swap3A_1125 = vector.load %arg15[%swap3A_1123, %swap3A_1124] : memref<1152x6272xf32, #tpu.memory_space<vmem>>, vector<32x896xf32>
    tpu.vector_store %arg15[%swap3A_1123, %swap3A_1124], %get3A_1122 {strides = array<i32>} : memref<1152x6272xf32, #tpu.memory_space<vmem>>, vector<32x896xf32>,
    %get3A_1126 = arith.constant 608 : index
    %get3A_1127 = arith.constant 0 : index
    %get3A_1128 = vector.load %arg15[%get3A_1126, %get3A_1127] : memref<1152x6272xf32, #tpu.memory_space<vmem>>, vector<32x896xf32>
    %swap3A_1129 = arith.constant 992 : index
    %swap3A_1130 = arith.constant 896 : index
    %swap3A_1131 = vector.load %arg15[%swap3A_1129, %swap3A_1130] : memref<1152x6272xf32, #tpu.memory_space<vmem>>, vector<32x896xf32>
    tpu.vector_store %arg15[%swap3A_1129, %swap3A_1130], %get3A_1128 {strides = array<i32>} : memref<1152x6272xf32, #tpu.memory_space<vmem>>, vector<32x896xf32>,
    %get3A_1132 = arith.constant 608 : index
    %get3A_1133 = arith.constant 896 : index
    %get3A_1134 = vector.load %arg15[%get3A_1132, %get3A_1133] : memref<1152x6272xf32, #tpu.memory_space<vmem>>, vector<32x896xf32>
    %swap3A_1135 = arith.constant 992 : index
    %swap3A_1136 = arith.constant 1792 : index
    %swap3A_1137 = vector.load %arg15[%swap3A_1135, %swap3A_1136] : memref<1152x6272xf32, #tpu.memory_space<vmem>>, vector<32x896xf32>
    tpu.vector_store %arg15[%swap3A_1135, %swap3A_1136], %get3A_1134 {strides = array<i32>} : memref<1152x6272xf32, #tpu.memory_space<vmem>>, vector<32x896xf32>,
    %get3A_1138 = arith.constant 608 : index
    %get3A_1139 = arith.constant 1792 : index
    %get3A_1140 = vector.load %arg15[%get3A_1138, %get3A_1139] : memref<1152x6272xf32, #tpu.memory_space<vmem>>, vector<32x896xf32>
    %swap3A_1141 = arith.constant 992 : index
    %swap3A_1142 = arith.constant 2688 : index
    %swap3A_1143 = vector.load %arg15[%swap3A_1141, %swap3A_1142] : memref<1152x6272xf32, #tpu.memory_space<vmem>>, vector<32x896xf32>
    tpu.vector_store %arg15[%swap3A_1141, %swap3A_1142], %get3A_1140 {strides = array<i32>} : memref<1152x6272xf32, #tpu.memory_space<vmem>>, vector<32x896xf32>,
    %get3A_1144 = arith.constant 608 : index
    %get3A_1145 = arith.constant 2688 : index
    %get3A_1146 = vector.load %arg15[%get3A_1144, %get3A_1145] : memref<1152x6272xf32, #tpu.memory_space<vmem>>, vector<32x896xf32>
    %swap3A_1147 = arith.constant 992 : index
    %swap3A_1148 = arith.constant 3584 : index
    %swap3A_1149 = vector.load %arg15[%swap3A_1147, %swap3A_1148] : memref<1152x6272xf32, #tpu.memory_space<vmem>>, vector<32x896xf32>
    tpu.vector_store %arg15[%swap3A_1147, %swap3A_1148], %get3A_1146 {strides = array<i32>} : memref<1152x6272xf32, #tpu.memory_space<vmem>>, vector<32x896xf32>,
    %get3A_1150 = arith.constant 608 : index
    %get3A_1151 = arith.constant 3584 : index
    %get3A_1152 = vector.load %arg15[%get3A_1150, %get3A_1151] : memref<1152x6272xf32, #tpu.memory_space<vmem>>, vector<32x896xf32>
    %swap3A_1153 = arith.constant 992 : index
    %swap3A_1154 = arith.constant 4480 : index
    %swap3A_1155 = vector.load %arg15[%swap3A_1153, %swap3A_1154] : memref<1152x6272xf32, #tpu.memory_space<vmem>>, vector<32x896xf32>
    tpu.vector_store %arg15[%swap3A_1153, %swap3A_1154], %get3A_1152 {strides = array<i32>} : memref<1152x6272xf32, #tpu.memory_space<vmem>>, vector<32x896xf32>,
    %get3A_1156 = arith.constant 608 : index
    %get3A_1157 = arith.constant 4480 : index
    %get3A_1158 = vector.load %arg15[%get3A_1156, %get3A_1157] : memref<1152x6272xf32, #tpu.memory_space<vmem>>, vector<32x896xf32>
    %swap3A_1159 = arith.constant 992 : index
    %swap3A_1160 = arith.constant 5376 : index
    %swap3A_1161 = vector.load %arg15[%swap3A_1159, %swap3A_1160] : memref<1152x6272xf32, #tpu.memory_space<vmem>>, vector<32x896xf32>
    tpu.vector_store %arg15[%swap3A_1159, %swap3A_1160], %get3A_1158 {strides = array<i32>} : memref<1152x6272xf32, #tpu.memory_space<vmem>>, vector<32x896xf32>,
    %get3A_1162 = arith.constant 640 : index
    %get3A_1163 = arith.constant 0 : index
    %get3A_1164 = vector.load %arg15[%get3A_1162, %get3A_1163] : memref<1152x6272xf32, #tpu.memory_space<vmem>>, vector<32x896xf32>
    %swap3A_1165 = arith.constant 1024 : index
    %swap3A_1166 = arith.constant 896 : index
    %swap3A_1167 = vector.load %arg15[%swap3A_1165, %swap3A_1166] : memref<1152x6272xf32, #tpu.memory_space<vmem>>, vector<32x896xf32>
    tpu.vector_store %arg15[%swap3A_1165, %swap3A_1166], %get3A_1164 {strides = array<i32>} : memref<1152x6272xf32, #tpu.memory_space<vmem>>, vector<32x896xf32>,
    %get3A_1168 = arith.constant 640 : index
    %get3A_1169 = arith.constant 896 : index
    %get3A_1170 = vector.load %arg15[%get3A_1168, %get3A_1169] : memref<1152x6272xf32, #tpu.memory_space<vmem>>, vector<32x896xf32>
    %swap3A_1171 = arith.constant 1024 : index
    %swap3A_1172 = arith.constant 1792 : index
    %swap3A_1173 = vector.load %arg15[%swap3A_1171, %swap3A_1172] : memref<1152x6272xf32, #tpu.memory_space<vmem>>, vector<32x896xf32>
    tpu.vector_store %arg15[%swap3A_1171, %swap3A_1172], %get3A_1170 {strides = array<i32>} : memref<1152x6272xf32, #tpu.memory_space<vmem>>, vector<32x896xf32>,
    %get3A_1174 = arith.constant 640 : index
    %get3A_1175 = arith.constant 1792 : index
    %get3A_1176 = vector.load %arg15[%get3A_1174, %get3A_1175] : memref<1152x6272xf32, #tpu.memory_space<vmem>>, vector<32x896xf32>
    %swap3A_1177 = arith.constant 1024 : index
    %swap3A_1178 = arith.constant 2688 : index
    %swap3A_1179 = vector.load %arg15[%swap3A_1177, %swap3A_1178] : memref<1152x6272xf32, #tpu.memory_space<vmem>>, vector<32x896xf32>
    tpu.vector_store %arg15[%swap3A_1177, %swap3A_1178], %get3A_1176 {strides = array<i32>} : memref<1152x6272xf32, #tpu.memory_space<vmem>>, vector<32x896xf32>,
    %get3A_1180 = arith.constant 640 : index
    %get3A_1181 = arith.constant 2688 : index
    %get3A_1182 = vector.load %arg15[%get3A_1180, %get3A_1181] : memref<1152x6272xf32, #tpu.memory_space<vmem>>, vector<32x896xf32>
    %swap3A_1183 = arith.constant 1024 : index
    %swap3A_1184 = arith.constant 3584 : index
    %swap3A_1185 = vector.load %arg15[%swap3A_1183, %swap3A_1184] : memref<1152x6272xf32, #tpu.memory_space<vmem>>, vector<32x896xf32>
    tpu.vector_store %arg15[%swap3A_1183, %swap3A_1184], %get3A_1182 {strides = array<i32>} : memref<1152x6272xf32, #tpu.memory_space<vmem>>, vector<32x896xf32>,
    %get3A_1186 = arith.constant 640 : index
    %get3A_1187 = arith.constant 3584 : index
    %get3A_1188 = vector.load %arg15[%get3A_1186, %get3A_1187] : memref<1152x6272xf32, #tpu.memory_space<vmem>>, vector<32x896xf32>
    %swap3A_1189 = arith.constant 1024 : index
    %swap3A_1190 = arith.constant 4480 : index
    %swap3A_1191 = vector.load %arg15[%swap3A_1189, %swap3A_1190] : memref<1152x6272xf32, #tpu.memory_space<vmem>>, vector<32x896xf32>
    tpu.vector_store %arg15[%swap3A_1189, %swap3A_1190], %get3A_1188 {strides = array<i32>} : memref<1152x6272xf32, #tpu.memory_space<vmem>>, vector<32x896xf32>,
    %get3A_1192 = arith.constant 640 : index
    %get3A_1193 = arith.constant 4480 : index
    %get3A_1194 = vector.load %arg15[%get3A_1192, %get3A_1193] : memref<1152x6272xf32, #tpu.memory_space<vmem>>, vector<32x896xf32>
    %swap3A_1195 = arith.constant 1024 : index
    %swap3A_1196 = arith.constant 5376 : index
    %swap3A_1197 = vector.load %arg15[%swap3A_1195, %swap3A_1196] : memref<1152x6272xf32, #tpu.memory_space<vmem>>, vector<32x896xf32>
    tpu.vector_store %arg15[%swap3A_1195, %swap3A_1196], %get3A_1194 {strides = array<i32>} : memref<1152x6272xf32, #tpu.memory_space<vmem>>, vector<32x896xf32>,
    %get3A_1198 = arith.constant 672 : index
    %get3A_1199 = arith.constant 0 : index
    %get3A_1200 = vector.load %arg15[%get3A_1198, %get3A_1199] : memref<1152x6272xf32, #tpu.memory_space<vmem>>, vector<32x896xf32>
    %swap3A_1201 = arith.constant 1056 : index
    %swap3A_1202 = arith.constant 896 : index
    %swap3A_1203 = vector.load %arg15[%swap3A_1201, %swap3A_1202] : memref<1152x6272xf32, #tpu.memory_space<vmem>>, vector<32x896xf32>
    tpu.vector_store %arg15[%swap3A_1201, %swap3A_1202], %get3A_1200 {strides = array<i32>} : memref<1152x6272xf32, #tpu.memory_space<vmem>>, vector<32x896xf32>,
    %get3A_1204 = arith.constant 672 : index
    %get3A_1205 = arith.constant 896 : index
    %get3A_1206 = vector.load %arg15[%get3A_1204, %get3A_1205] : memref<1152x6272xf32, #tpu.memory_space<vmem>>, vector<32x896xf32>
    %swap3A_1207 = arith.constant 1056 : index
    %swap3A_1208 = arith.constant 1792 : index
    %swap3A_1209 = vector.load %arg15[%swap3A_1207, %swap3A_1208] : memref<1152x6272xf32, #tpu.memory_space<vmem>>, vector<32x896xf32>
    tpu.vector_store %arg15[%swap3A_1207, %swap3A_1208], %get3A_1206 {strides = array<i32>} : memref<1152x6272xf32, #tpu.memory_space<vmem>>, vector<32x896xf32>,
    %get3A_1210 = arith.constant 672 : index
    %get3A_1211 = arith.constant 1792 : index
    %get3A_1212 = vector.load %arg15[%get3A_1210, %get3A_1211] : memref<1152x6272xf32, #tpu.memory_space<vmem>>, vector<32x896xf32>
    %swap3A_1213 = arith.constant 1056 : index
    %swap3A_1214 = arith.constant 2688 : index
    %swap3A_1215 = vector.load %arg15[%swap3A_1213, %swap3A_1214] : memref<1152x6272xf32, #tpu.memory_space<vmem>>, vector<32x896xf32>
    tpu.vector_store %arg15[%swap3A_1213, %swap3A_1214], %get3A_1212 {strides = array<i32>} : memref<1152x6272xf32, #tpu.memory_space<vmem>>, vector<32x896xf32>,
    %get3A_1216 = arith.constant 672 : index
    %get3A_1217 = arith.constant 2688 : index
    %get3A_1218 = vector.load %arg15[%get3A_1216, %get3A_1217] : memref<1152x6272xf32, #tpu.memory_space<vmem>>, vector<32x896xf32>
    %swap3A_1219 = arith.constant 1056 : index
    %swap3A_1220 = arith.constant 3584 : index
    %swap3A_1221 = vector.load %arg15[%swap3A_1219, %swap3A_1220] : memref<1152x6272xf32, #tpu.memory_space<vmem>>, vector<32x896xf32>
    tpu.vector_store %arg15[%swap3A_1219, %swap3A_1220], %get3A_1218 {strides = array<i32>} : memref<1152x6272xf32, #tpu.memory_space<vmem>>, vector<32x896xf32>,
    %get3A_1222 = arith.constant 672 : index
    %get3A_1223 = arith.constant 3584 : index
    %get3A_1224 = vector.load %arg15[%get3A_1222, %get3A_1223] : memref<1152x6272xf32, #tpu.memory_space<vmem>>, vector<32x896xf32>
    %swap3A_1225 = arith.constant 1056 : index
    %swap3A_1226 = arith.constant 4480 : index
    %swap3A_1227 = vector.load %arg15[%swap3A_1225, %swap3A_1226] : memref<1152x6272xf32, #tpu.memory_space<vmem>>, vector<32x896xf32>
    tpu.vector_store %arg15[%swap3A_1225, %swap3A_1226], %get3A_1224 {strides = array<i32>} : memref<1152x6272xf32, #tpu.memory_space<vmem>>, vector<32x896xf32>,
    %get3A_1228 = arith.constant 672 : index
    %get3A_1229 = arith.constant 4480 : index
    %get3A_1230 = vector.load %arg15[%get3A_1228, %get3A_1229] : memref<1152x6272xf32, #tpu.memory_space<vmem>>, vector<32x896xf32>
    %swap3A_1231 = arith.constant 1056 : index
    %swap3A_1232 = arith.constant 5376 : index
    %swap3A_1233 = vector.load %arg15[%swap3A_1231, %swap3A_1232] : memref<1152x6272xf32, #tpu.memory_space<vmem>>, vector<32x896xf32>
    tpu.vector_store %arg15[%swap3A_1231, %swap3A_1232], %get3A_1230 {strides = array<i32>} : memref<1152x6272xf32, #tpu.memory_space<vmem>>, vector<32x896xf32>,
    %get3A_1234 = arith.constant 576 : index
    %get3A_1235 = arith.constant 128 : index
    %get3A_1236 = vector.load %arg15[%get3A_1234, %get3A_1235] : memref<1152x6272xf32, #tpu.memory_space<vmem>>, vector<32x768xf32>
    %swap3A_1237 = arith.constant 1088 : index
    %swap3A_1238 = arith.constant 896 : index
    %swap3A_1239 = vector.load %arg15[%swap3A_1237, %swap3A_1238] : memref<1152x6272xf32, #tpu.memory_space<vmem>>, vector<32x768xf32>
    tpu.vector_store %arg15[%swap3A_1237, %swap3A_1238], %get3A_1236 {strides = array<i32>} : memref<1152x6272xf32, #tpu.memory_space<vmem>>, vector<32x768xf32>,
    %get3A_1240 = arith.constant 576 : index
    %get3A_1241 = arith.constant 1024 : index
    %get3A_1242 = vector.load %arg15[%get3A_1240, %get3A_1241] : memref<1152x6272xf32, #tpu.memory_space<vmem>>, vector<32x768xf32>
    %swap3A_1243 = arith.constant 1088 : index
    %swap3A_1244 = arith.constant 1792 : index
    %swap3A_1245 = vector.load %arg15[%swap3A_1243, %swap3A_1244] : memref<1152x6272xf32, #tpu.memory_space<vmem>>, vector<32x768xf32>
    tpu.vector_store %arg15[%swap3A_1243, %swap3A_1244], %get3A_1242 {strides = array<i32>} : memref<1152x6272xf32, #tpu.memory_space<vmem>>, vector<32x768xf32>,
    %get3A_1246 = arith.constant 576 : index
    %get3A_1247 = arith.constant 1920 : index
    %get3A_1248 = vector.load %arg15[%get3A_1246, %get3A_1247] : memref<1152x6272xf32, #tpu.memory_space<vmem>>, vector<32x768xf32>
    %swap3A_1249 = arith.constant 1088 : index
    %swap3A_1250 = arith.constant 2688 : index
    %swap3A_1251 = vector.load %arg15[%swap3A_1249, %swap3A_1250] : memref<1152x6272xf32, #tpu.memory_space<vmem>>, vector<32x768xf32>
    tpu.vector_store %arg15[%swap3A_1249, %swap3A_1250], %get3A_1248 {strides = array<i32>} : memref<1152x6272xf32, #tpu.memory_space<vmem>>, vector<32x768xf32>,
    %get3A_1252 = arith.constant 576 : index
    %get3A_1253 = arith.constant 2816 : index
    %get3A_1254 = vector.load %arg15[%get3A_1252, %get3A_1253] : memref<1152x6272xf32, #tpu.memory_space<vmem>>, vector<32x768xf32>
    %swap3A_1255 = arith.constant 1088 : index
    %swap3A_1256 = arith.constant 3584 : index
    %swap3A_1257 = vector.load %arg15[%swap3A_1255, %swap3A_1256] : memref<1152x6272xf32, #tpu.memory_space<vmem>>, vector<32x768xf32>
    tpu.vector_store %arg15[%swap3A_1255, %swap3A_1256], %get3A_1254 {strides = array<i32>} : memref<1152x6272xf32, #tpu.memory_space<vmem>>, vector<32x768xf32>,
    %get3A_1258 = arith.constant 576 : index
    %get3A_1259 = arith.constant 3712 : index
    %get3A_1260 = vector.load %arg15[%get3A_1258, %get3A_1259] : memref<1152x6272xf32, #tpu.memory_space<vmem>>, vector<32x768xf32>
    %swap3A_1261 = arith.constant 1088 : index
    %swap3A_1262 = arith.constant 4480 : index
    %swap3A_1263 = vector.load %arg15[%swap3A_1261, %swap3A_1262] : memref<1152x6272xf32, #tpu.memory_space<vmem>>, vector<32x768xf32>
    tpu.vector_store %arg15[%swap3A_1261, %swap3A_1262], %get3A_1260 {strides = array<i32>} : memref<1152x6272xf32, #tpu.memory_space<vmem>>, vector<32x768xf32>,
    %get3A_1264 = arith.constant 576 : index
    %get3A_1265 = arith.constant 4608 : index
    %get3A_1266 = vector.load %arg15[%get3A_1264, %get3A_1265] : memref<1152x6272xf32, #tpu.memory_space<vmem>>, vector<32x768xf32>
    %swap3A_1267 = arith.constant 1088 : index
    %swap3A_1268 = arith.constant 5376 : index
    %swap3A_1269 = vector.load %arg15[%swap3A_1267, %swap3A_1268] : memref<1152x6272xf32, #tpu.memory_space<vmem>>, vector<32x768xf32>
    tpu.vector_store %arg15[%swap3A_1267, %swap3A_1268], %get3A_1266 {strides = array<i32>} : memref<1152x6272xf32, #tpu.memory_space<vmem>>, vector<32x768xf32>,
    %get3A_1270 = arith.constant 672 : index
    %get3A_1271 = arith.constant 0 : index
    %get3A_1272 = vector.load %arg15[%get3A_1270, %get3A_1271] : memref<1152x6272xf32, #tpu.memory_space<vmem>>, vector<32x768xf32>
    %swap3A_1273 = arith.constant 1120 : index
    %swap3A_1274 = arith.constant 1024 : index
    %swap3A_1275 = vector.load %arg15[%swap3A_1273, %swap3A_1274] : memref<1152x6272xf32, #tpu.memory_space<vmem>>, vector<32x768xf32>
    tpu.vector_store %arg15[%swap3A_1273, %swap3A_1274], %get3A_1272 {strides = array<i32>} : memref<1152x6272xf32, #tpu.memory_space<vmem>>, vector<32x768xf32>,
    %get3A_1276 = arith.constant 672 : index
    %get3A_1277 = arith.constant 896 : index
    %get3A_1278 = vector.load %arg15[%get3A_1276, %get3A_1277] : memref<1152x6272xf32, #tpu.memory_space<vmem>>, vector<32x768xf32>
    %swap3A_1279 = arith.constant 1120 : index
    %swap3A_1280 = arith.constant 1920 : index
    %swap3A_1281 = vector.load %arg15[%swap3A_1279, %swap3A_1280] : memref<1152x6272xf32, #tpu.memory_space<vmem>>, vector<32x768xf32>
    tpu.vector_store %arg15[%swap3A_1279, %swap3A_1280], %get3A_1278 {strides = array<i32>} : memref<1152x6272xf32, #tpu.memory_space<vmem>>, vector<32x768xf32>,
    %get3A_1282 = arith.constant 672 : index
    %get3A_1283 = arith.constant 1792 : index
    %get3A_1284 = vector.load %arg15[%get3A_1282, %get3A_1283] : memref<1152x6272xf32, #tpu.memory_space<vmem>>, vector<32x768xf32>
    %swap3A_1285 = arith.constant 1120 : index
    %swap3A_1286 = arith.constant 2816 : index
    %swap3A_1287 = vector.load %arg15[%swap3A_1285, %swap3A_1286] : memref<1152x6272xf32, #tpu.memory_space<vmem>>, vector<32x768xf32>
    tpu.vector_store %arg15[%swap3A_1285, %swap3A_1286], %get3A_1284 {strides = array<i32>} : memref<1152x6272xf32, #tpu.memory_space<vmem>>, vector<32x768xf32>,
    %get3A_1288 = arith.constant 672 : index
    %get3A_1289 = arith.constant 2688 : index
    %get3A_1290 = vector.load %arg15[%get3A_1288, %get3A_1289] : memref<1152x6272xf32, #tpu.memory_space<vmem>>, vector<32x768xf32>
    %swap3A_1291 = arith.constant 1120 : index
    %swap3A_1292 = arith.constant 3712 : index
    %swap3A_1293 = vector.load %arg15[%swap3A_1291, %swap3A_1292] : memref<1152x6272xf32, #tpu.memory_space<vmem>>, vector<32x768xf32>
    tpu.vector_store %arg15[%swap3A_1291, %swap3A_1292], %get3A_1290 {strides = array<i32>} : memref<1152x6272xf32, #tpu.memory_space<vmem>>, vector<32x768xf32>,
    %get3A_1294 = arith.constant 672 : index
    %get3A_1295 = arith.constant 3584 : index
    %get3A_1296 = vector.load %arg15[%get3A_1294, %get3A_1295] : memref<1152x6272xf32, #tpu.memory_space<vmem>>, vector<32x768xf32>
    %swap3A_1297 = arith.constant 1120 : index
    %swap3A_1298 = arith.constant 4608 : index
    %swap3A_1299 = vector.load %arg15[%swap3A_1297, %swap3A_1298] : memref<1152x6272xf32, #tpu.memory_space<vmem>>, vector<32x768xf32>
    tpu.vector_store %arg15[%swap3A_1297, %swap3A_1298], %get3A_1296 {strides = array<i32>} : memref<1152x6272xf32, #tpu.memory_space<vmem>>, vector<32x768xf32>,
    %get3A_1300 = arith.constant 672 : index
    %get3A_1301 = arith.constant 4480 : index
    %get3A_1302 = vector.load %arg15[%get3A_1300, %get3A_1301] : memref<1152x6272xf32, #tpu.memory_space<vmem>>, vector<32x768xf32>
    %swap3A_1303 = arith.constant 1120 : index
    %swap3A_1304 = arith.constant 5504 : index
    %swap3A_1305 = vector.load %arg15[%swap3A_1303, %swap3A_1304] : memref<1152x6272xf32, #tpu.memory_space<vmem>>, vector<32x768xf32>
    tpu.vector_store %arg15[%swap3A_1303, %swap3A_1304], %get3A_1302 {strides = array<i32>} : memref<1152x6272xf32, #tpu.memory_space<vmem>>, vector<32x768xf32>,
    %get3A_1306 = arith.constant 0 : index
    %get3A_1307 = arith.constant 0 : index
    %get3A_1308 = vector.load %arg8[%get3A_1306, %get3A_1307] : memref<16x1152xf32, #tpu.memory_space<vmem>>, vector<16x1152xf32>
    %get3A_1309 = arith.constant 0 : index
    %get3A_1310 = arith.constant 0 : index
    %get3A_1311 = vector.load %arg15[%get3A_1309, %get3A_1310] : memref<1152x6272xf32, #tpu.memory_space<vmem>>, vector<1152x6272xf32>
    %dot_general3A_1312 = arith.constant dense<0.000000e+00> : vector<16x6272xf32>
    %dot_general3A_1313 = tpu.matmul %get3A_1308, %get3A_1311, %dot_general3A_1312 {dimension_numbers = #tpu.dot_dimension_numbers<[1], [0], [0], [1], [0, 0, 1, 1], [], []>, transpose_lhs_hint = false} : vector<16x1152xf32>, vector<1152x6272xf32>, vector<16x6272xf32> -> vector<16x6272xf32>
    %get3A_1314 = arith.constant 0 : index
    %get3A_1315 = arith.constant 0 : index
    %get3A_1316 = vector.load %arg9[%get3A_1314, %get3A_1315] : memref<1x1xf32, #tpu.memory_space<vmem>>, vector<1x1xf32>
    %add3A_1317 = vector.broadcast %get3A_1316 : vector<1x1xf32> to vector<16x6272xf32>
    %add3A_1318 = arith.addf %dot_general3A_1313, %add3A_1317 : vector<16x6272xf32>
    %logistic3A = arith.negf %add3A_1318 : vector<16x6272xf32>
    %logistic3A_1319 = math.exp %logistic3A : vector<16x6272xf32>
    %logistic3A_1320 = arith.constant 1.000000e+00 : f32
    %logistic3A_1321 = vector.broadcast %logistic3A_1320 : f32 to vector<16x6272xf32>
    %logistic3A_1322 = arith.addf %logistic3A_1321, %logistic3A_1319 : vector<16x6272xf32>
    %logistic3A_1323 = arith.divf %logistic3A_1321, %logistic3A_1322 : vector<16x6272xf32>
    %slice3A_1324 = vector.extract_strided_slice %logistic3A_1323 {offsets = [0, 0], sizes = [16, 128], strides = [1, 1]} : vector<16x6272xf32> to vector<16x128xf32>
    %slice3A_1325 = vector.extract_strided_slice %logistic3A_1323 {offsets = [0, 128], sizes = [16, 128], strides = [1, 1]} : vector<16x6272xf32> to vector<16x128xf32>
    %slice3A_1326 = vector.extract_strided_slice %logistic3A_1323 {offsets = [0, 256], sizes = [16, 128], strides = [1, 1]} : vector<16x6272xf32> to vector<16x128xf32>
    %slice3A_1327 = vector.extract_strided_slice %logistic3A_1323 {offsets = [0, 384], sizes = [16, 128], strides = [1, 1]} : vector<16x6272xf32> to vector<16x128xf32>
    %slice3A_1328 = vector.extract_strided_slice %logistic3A_1323 {offsets = [0, 512], sizes = [16, 128], strides = [1, 1]} : vector<16x6272xf32> to vector<16x128xf32>
    %slice3A_1329 = vector.extract_strided_slice %logistic3A_1323 {offsets = [0, 640], sizes = [16, 128], strides = [1, 1]} : vector<16x6272xf32> to vector<16x128xf32>
    %slice3A_1330 = vector.extract_strided_slice %logistic3A_1323 {offsets = [0, 768], sizes = [16, 128], strides = [1, 1]} : vector<16x6272xf32> to vector<16x128xf32>
    %slice3A_1331 = vector.extract_strided_slice %logistic3A_1323 {offsets = [0, 896], sizes = [16, 128], strides = [1, 1]} : vector<16x6272xf32> to vector<16x128xf32>
    %slice3A_1332 = vector.extract_strided_slice %logistic3A_1323 {offsets = [0, 1024], sizes = [16, 128], strides = [1, 1]} : vector<16x6272xf32> to vector<16x128xf32>
    %slice3A_1333 = vector.extract_strided_slice %logistic3A_1323 {offsets = [0, 1152], sizes = [16, 128], strides = [1, 1]} : vector<16x6272xf32> to vector<16x128xf32>
    %slice3A_1334 = vector.extract_strided_slice %logistic3A_1323 {offsets = [0, 1280], sizes = [16, 128], strides = [1, 1]} : vector<16x6272xf32> to vector<16x128xf32>
    %slice3A_1335 = vector.extract_strided_slice %logistic3A_1323 {offsets = [0, 1408], sizes = [16, 128], strides = [1, 1]} : vector<16x6272xf32> to vector<16x128xf32>
    %slice3A_1336 = vector.extract_strided_slice %logistic3A_1323 {offsets = [0, 1536], sizes = [16, 128], strides = [1, 1]} : vector<16x6272xf32> to vector<16x128xf32>
    %slice3A_1337 = vector.extract_strided_slice %logistic3A_1323 {offsets = [0, 1664], sizes = [16, 128], strides = [1, 1]} : vector<16x6272xf32> to vector<16x128xf32>
    %slice3A_1338 = vector.extract_strided_slice %logistic3A_1323 {offsets = [0, 1792], sizes = [16, 128], strides = [1, 1]} : vector<16x6272xf32> to vector<16x128xf32>
    %slice3A_1339 = vector.extract_strided_slice %logistic3A_1323 {offsets = [0, 1920], sizes = [16, 128], strides = [1, 1]} : vector<16x6272xf32> to vector<16x128xf32>
    %slice3A_1340 = vector.extract_strided_slice %logistic3A_1323 {offsets = [0, 2048], sizes = [16, 128], strides = [1, 1]} : vector<16x6272xf32> to vector<16x128xf32>
    %slice3A_1341 = vector.extract_strided_slice %logistic3A_1323 {offsets = [0, 2176], sizes = [16, 128], strides = [1, 1]} : vector<16x6272xf32> to vector<16x128xf32>
    %slice3A_1342 = vector.extract_strided_slice %logistic3A_1323 {offsets = [0, 2304], sizes = [16, 128], strides = [1, 1]} : vector<16x6272xf32> to vector<16x128xf32>
    %slice3A_1343 = vector.extract_strided_slice %logistic3A_1323 {offsets = [0, 2432], sizes = [16, 128], strides = [1, 1]} : vector<16x6272xf32> to vector<16x128xf32>
    %slice3A_1344 = vector.extract_strided_slice %logistic3A_1323 {offsets = [0, 2560], sizes = [16, 128], strides = [1, 1]} : vector<16x6272xf32> to vector<16x128xf32>
    %slice3A_1345 = vector.extract_strided_slice %logistic3A_1323 {offsets = [0, 2688], sizes = [16, 128], strides = [1, 1]} : vector<16x6272xf32> to vector<16x128xf32>
    %slice3A_1346 = vector.extract_strided_slice %logistic3A_1323 {offsets = [0, 2816], sizes = [16, 128], strides = [1, 1]} : vector<16x6272xf32> to vector<16x128xf32>
    %slice3A_1347 = vector.extract_strided_slice %logistic3A_1323 {offsets = [0, 2944], sizes = [16, 128], strides = [1, 1]} : vector<16x6272xf32> to vector<16x128xf32>
    %slice3A_1348 = vector.extract_strided_slice %logistic3A_1323 {offsets = [0, 3072], sizes = [16, 128], strides = [1, 1]} : vector<16x6272xf32> to vector<16x128xf32>
    %slice3A_1349 = vector.extract_strided_slice %logistic3A_1323 {offsets = [0, 3200], sizes = [16, 128], strides = [1, 1]} : vector<16x6272xf32> to vector<16x128xf32>
    %slice3A_1350 = vector.extract_strided_slice %logistic3A_1323 {offsets = [0, 3328], sizes = [16, 128], strides = [1, 1]} : vector<16x6272xf32> to vector<16x128xf32>
    %slice3A_1351 = vector.extract_strided_slice %logistic3A_1323 {offsets = [0, 3456], sizes = [16, 128], strides = [1, 1]} : vector<16x6272xf32> to vector<16x128xf32>
    %slice3A_1352 = vector.extract_strided_slice %logistic3A_1323 {offsets = [0, 3584], sizes = [16, 128], strides = [1, 1]} : vector<16x6272xf32> to vector<16x128xf32>
    %slice3A_1353 = vector.extract_strided_slice %logistic3A_1323 {offsets = [0, 3712], sizes = [16, 128], strides = [1, 1]} : vector<16x6272xf32> to vector<16x128xf32>
    %slice3A_1354 = vector.extract_strided_slice %logistic3A_1323 {offsets = [0, 3840], sizes = [16, 128], strides = [1, 1]} : vector<16x6272xf32> to vector<16x128xf32>
    %slice3A_1355 = vector.extract_strided_slice %logistic3A_1323 {offsets = [0, 3968], sizes = [16, 128], strides = [1, 1]} : vector<16x6272xf32> to vector<16x128xf32>
    %slice3A_1356 = vector.extract_strided_slice %logistic3A_1323 {offsets = [0, 4096], sizes = [16, 128], strides = [1, 1]} : vector<16x6272xf32> to vector<16x128xf32>
    %slice3A_1357 = vector.extract_strided_slice %logistic3A_1323 {offsets = [0, 4224], sizes = [16, 128], strides = [1, 1]} : vector<16x6272xf32> to vector<16x128xf32>
    %slice3A_1358 = vector.extract_strided_slice %logistic3A_1323 {offsets = [0, 4352], sizes = [16, 128], strides = [1, 1]} : vector<16x6272xf32> to vector<16x128xf32>
    %slice3A_1359 = vector.extract_strided_slice %logistic3A_1323 {offsets = [0, 4480], sizes = [16, 128], strides = [1, 1]} : vector<16x6272xf32> to vector<16x128xf32>
    %slice3A_1360 = vector.extract_strided_slice %logistic3A_1323 {offsets = [0, 4608], sizes = [16, 128], strides = [1, 1]} : vector<16x6272xf32> to vector<16x128xf32>
    %slice3A_1361 = vector.extract_strided_slice %logistic3A_1323 {offsets = [0, 4736], sizes = [16, 128], strides = [1, 1]} : vector<16x6272xf32> to vector<16x128xf32>
    %slice3A_1362 = vector.extract_strided_slice %logistic3A_1323 {offsets = [0, 4864], sizes = [16, 128], strides = [1, 1]} : vector<16x6272xf32> to vector<16x128xf32>
    %slice3A_1363 = vector.extract_strided_slice %logistic3A_1323 {offsets = [0, 4992], sizes = [16, 128], strides = [1, 1]} : vector<16x6272xf32> to vector<16x128xf32>
    %slice3A_1364 = vector.extract_strided_slice %logistic3A_1323 {offsets = [0, 5120], sizes = [16, 128], strides = [1, 1]} : vector<16x6272xf32> to vector<16x128xf32>
    %slice3A_1365 = vector.extract_strided_slice %logistic3A_1323 {offsets = [0, 5248], sizes = [16, 128], strides = [1, 1]} : vector<16x6272xf32> to vector<16x128xf32>
    %slice3A_1366 = vector.extract_strided_slice %logistic3A_1323 {offsets = [0, 5376], sizes = [16, 128], strides = [1, 1]} : vector<16x6272xf32> to vector<16x128xf32>
    %slice3A_1367 = vector.extract_strided_slice %logistic3A_1323 {offsets = [0, 5504], sizes = [16, 128], strides = [1, 1]} : vector<16x6272xf32> to vector<16x128xf32>
    %slice3A_1368 = vector.extract_strided_slice %logistic3A_1323 {offsets = [0, 5632], sizes = [16, 128], strides = [1, 1]} : vector<16x6272xf32> to vector<16x128xf32>
    %slice3A_1369 = vector.extract_strided_slice %logistic3A_1323 {offsets = [0, 5760], sizes = [16, 128], strides = [1, 1]} : vector<16x6272xf32> to vector<16x128xf32>
    %slice3A_1370 = vector.extract_strided_slice %logistic3A_1323 {offsets = [0, 5888], sizes = [16, 128], strides = [1, 1]} : vector<16x6272xf32> to vector<16x128xf32>
    %slice3A_1371 = vector.extract_strided_slice %logistic3A_1323 {offsets = [0, 6016], sizes = [16, 128], strides = [1, 1]} : vector<16x6272xf32> to vector<16x128xf32>
    %slice3A_1372 = vector.extract_strided_slice %logistic3A_1323 {offsets = [0, 6144], sizes = [16, 128], strides = [1, 1]} : vector<16x6272xf32> to vector<16x128xf32>
    %concatenate3A_1373 = tpu.concatenate %slice3A_1324, %slice3A_1325, %slice3A_1326, %slice3A_1327, %slice3A_1328, %slice3A_1329, %slice3A_1330, %slice3A_1331, %slice3A_1332, %slice3A_1333, %slice3A_1334, %slice3A_1335, %slice3A_1336, %slice3A_1337, %slice3A_1338, %slice3A_1339, %slice3A_1340, %slice3A_1341, %slice3A_1342, %slice3A_1343, %slice3A_1344, %slice3A_1345, %slice3A_1346, %slice3A_1347, %slice3A_1348, %slice3A_1349, %slice3A_1350, %slice3A_1351, %slice3A_1352, %slice3A_1353, %slice3A_1354, %slice3A_1355, %slice3A_1356, %slice3A_1357, %slice3A_1358, %slice3A_1359, %slice3A_1360, %slice3A_1361, %slice3A_1362, %slice3A_1363, %slice3A_1364, %slice3A_1365, %slice3A_1366, %slice3A_1367, %slice3A_1368, %slice3A_1369, %slice3A_1370, %slice3A_1371, %slice3A_1372 in 0 : vector<16x128xf32>, vector<16x128xf32>, vector<16x128xf32>, vector<16x128xf32>, vector<16x128xf32>, vector<16x128xf32>, vector<16x128xf32>, vector<16x128xf32>, vector<16x128xf32>, vector<16x128xf32>, vector<16x128xf32>, vector<16x128xf32>, vector<16x128xf32>, vector<16x128xf32>, vector<16x128xf32>, vector<16x128xf32>, vector<16x128xf32>, vector<16x128xf32>, vector<16x128xf32>, vector<16x128xf32>, vector<16x128xf32>, vector<16x128xf32>, vector<16x128xf32>, vector<16x128xf32>, vector<16x128xf32>, vector<16x128xf32>, vector<16x128xf32>, vector<16x128xf32>, vector<16x128xf32>, vector<16x128xf32>, vector<16x128xf32>, vector<16x128xf32>, vector<16x128xf32>, vector<16x128xf32>, vector<16x128xf32>, vector<16x128xf32>, vector<16x128xf32>, vector<16x128xf32>, vector<16x128xf32>, vector<16x128xf32>, vector<16x128xf32>, vector<16x128xf32>, vector<16x128xf32>, vector<16x128xf32>, vector<16x128xf32>, vector<16x128xf32>, vector<16x128xf32>, vector<16x128xf32>, vector<16x128xf32> -> vector<784x128xf32>
    %get3A_1374 = arith.constant 0 : index
    %get3A_1375 = arith.constant 0 : index
    %get3A_1376 = vector.load %arg10[%get3A_1374, %get3A_1375] : memref<784x784xf32, #tpu.memory_space<vmem>>, vector<784x784xf32>
    %dot_general3A_1377 = arith.constant dense<0.000000e+00> : vector<784x128xf32>
    %dot_general3A_1378 = tpu.matmul %get3A_1376, %concatenate3A_1373, %dot_general3A_1377 {dimension_numbers = #tpu.dot_dimension_numbers<[1], [0], [0], [1], [0, 0, 1, 1], [], []>, transpose_lhs_hint = false} : vector<784x784xf32>, vector<784x128xf32>, vector<784x128xf32> -> vector<784x128xf32>
    %swap3A_1379 = arith.constant 0 : index
    %swap3A_1380 = arith.constant 0 : index
    %swap3A_1381 = vector.load %arg11[%swap3A_1379, %swap3A_1380] : memref<784x128xf32, #tpu.memory_space<vmem>>, vector<784x128xf32>
    tpu.vector_store %arg11[%swap3A_1379, %swap3A_1380], %dot_general3A_1378 {strides = array<i32>} : memref<784x128xf32, #tpu.memory_space<vmem>>, vector<784x128xf32>,
    return
  }
  func.func @transform_0(%arg0: i32) -> (i32, i32, i32) {
    %c0_i32 = arith.constant 0 : i32
    %c0_i32_0 = arith.constant 0 : i32
    %c0_i32_1 = arith.constant 0 : i32
    return %arg0, %c0_i32, %c0_i32_0 : i32, i32, i32
  }
  func.func @transform_1(%arg0: i32) -> (i32, i32) {
    %c0_i32 = arith.constant 0 : i32
    %c0_i32_0 = arith.constant 0 : i32
    %c0_i32_1 = arith.constant 0 : i32
    return %c0_i32, %c0_i32_0 : i32, i32
  }
  func.func @transform_2(%arg0: i32) -> (i32, i32) {
    %c0_i32 = arith.constant 0 : i32
    %c0_i32_0 = arith.constant 0 : i32
    %c0_i32_1 = arith.constant 0 : i32
    return %c0_i32, %c0_i32_0 : i32, i32
  }
  func.func @transform_3(%arg0: i32) -> (i32, i32) {
    %c0_i32 = arith.constant 0 : i32
    %c0_i32_0 = arith.constant 0 : i32
    %c0_i32_1 = arith.constant 0 : i32
    return %c0_i32, %c0_i32_0 : i32, i32
  }
  func.func @transform_4(%arg0: i32) -> (i32, i32) {
    %c0_i32 = arith.constant 0 : i32
    %c0_i32_0 = arith.constant 0 : i32
    %c0_i32_1 = arith.constant 0 : i32
    return %c0_i32, %c0_i32_0 : i32, i32
  }
  func.func @transform_5(%arg0: i32) -> (i32, i32) {
    %c0_i32 = arith.constant 0 : i32
    %c0_i32_0 = arith.constant 0 : i32
    %c0_i32_1 = arith.constant 0 : i32
    return %c0_i32, %c0_i32_0 : i32, i32
  }
  func.func @transform_6(%arg0: i32) -> (i32, i32) {
    %c0_i32 = arith.constant 0 : i32
    %c0_i32_0 = arith.constant 0 : i32
    %c0_i32_1 = arith.constant 0 : i32
    return %c0_i32, %c0_i32_0 : i32, i32
  }
  func.func @transform_7(%arg0: i32) -> (i32, i32) {
    %c0_i32 = arith.constant 0 : i32
    %c0_i32_0 = arith.constant 0 : i32
    %c0_i32_1 = arith.constant 0 : i32
    return %c0_i32, %c0_i32_0 : i32, i32
  }
  func.func @transform_8(%arg0: i32) -> (i32, i32) {
    %c0_i32 = arith.constant 0 : i32
    %c0_i32_0 = arith.constant 0 : i32
    %c0_i32_1 = arith.constant 0 : i32
    return %c0_i32, %c0_i32_0 : i32, i32
  }
  func.func @transform_9(%arg0: i32) -> (i32, i32) {
    %c0_i32 = arith.constant 0 : i32
    %c0_i32_0 = arith.constant 0 : i32
    %c0_i32_1 = arith.constant 0 : i32
    return %c0_i32, %c0_i32_0 : i32, i32
  }
  func.func @transform_10(%arg0: i32) -> (i32, i32) {
    %c0_i32 = arith.constant 0 : i32
    %c0_i32_0 = arith.constant 0 : i32
    return %c0_i32, %arg0 : i32, i32
  }
}

</mosaic_0001>

<sc_bundles>
// kernel: kernel.6.cloned.1.call-start
scs
__scs_entry_jumppad:
0x0: {  	(pc) =	sbr.rel $0x88, $3  }
0x1: {  	(tag) =	ssettag $0x0;
	lr =	simm.s32 $0x1  }
0x2: {  	[smem:$0x3F91] =	sst lr;
	_ =	strace $0xD0000000  }
0x3: {  	_ = 	snop  }
0x4: {  	_ = 	snop  }
0x5: {  	_ = 	snop  }
0x6: {  	_ = 	snop  }
0x7: {  	_ = 	snop  }
__scs_overlays_trampoline_lowered:
0x8: {  	[smem:$0x3FA0] =	sst s0  }
0x9: {  	[smem:$0x3FA1] =	sst s1  }
0xa: {  	[smem:$0x3FA2] =	sst s2  }
0xb: {  	[smem:$0x3FA3] =	sst s3  }
0xc: {  	[smem:$0x3FA4] =	sst s4  }
0xd: {  	[smem:$0x3FA5] =	sst s5  }
0xe: {  	[smem:$0x3FA6] =	sst s6  }
0xf: {  	[smem:$0x3FA7] =	sst s7  }
0x10: {  	[smem:$0x3FA8] =	sst s8  }
0x11: {  	[smem:$0x3FA9] =	sst s9;
	s0 =	simm.s32 @!p0 $0x0  }
0x12: {  	s1 =	sld [smem:$0x3F8F];
	s0 =	simm.s32 @p0 $0x1  }
0x13: {  	[smem:$0x3FAA] =	sst s0;
	s0 =	simm.s32 @!p1 $0x0  }
0x14: {  	s2 =	sld [smem:$0x3F8E];
	s0 =	simm.s32 @p1 $0x1  }
0x15: {  	[smem:$0x3FAB] =	sst s0;
	s0 =	simm.s32 @!p2 $0x0  }
0x16: {  	s3 =	sld [smem:$0x3FDB];
	s0 =	simm.s32 @p2 $0x1  }
0x17: {  	s4 =	simm.s32 $0x1BF5;
	[smem:$0x3FAD] =	sst s0  }
0x18: {  	s0 =	sld [smem:$0x3F90];
	_ =	swait.ge [sflag:s4], $0x0  }
0x19: {  	s7 =	sld [smem:$0x3F91]  }
0x1a: {  	s8 =	sadd.s32 $0xFFFFE003, lr  }
0x1b: {  	s9 =	sadd.s32 $0xFFFFFEF7, lr;
	s5 =	simm.s32 $0xFFFFFFFF;
	p2 =	slt.u32 s8, $0xFFFFF086  }
0x1c: {  	p1 =	slt.u32 s9, $0xF7A;
	s5 =	simm.s32 @!p2 $0x0  }
0x1d: {  	s5 =	simm.s32 @p1 $0x1;
	p0 =	seq.s32 s7, s2  }
0x1e: {  	s7 =	smul.u32 @!p0 $0xF7A, s2;
	p2 =	seq.s32 @!p0 s5, $0x0  }
0x1f: {  	s9 =	smul.u32 $0xF7A, s1;
	s8 =	simm.s32 @!p0 $0x1BF5;
	p2 =	por !p2, p0  }
0x20: {  	[sflag:s8] =	ssyncset.s32 @!p0 $0xFFFFF086;
	s6 =	sadd.s32 @!p0 s3, s7;
	s7 =	simm.s32 @!p0 $0x108  }
0x21: {  	s3 =	sadd.s32 s3, s9;
	s6 =	sadd.s32 @!p0 $0x88, s6;
	s7 =	simm.s32 @p2 $0x1082  }
0x22: {  	[simem:s7], [sflag:s8] =	dma.local @!p0 [hbm:s6], $0xF7A  }
0x23: {  	s9 =	sor.u32 $0xD0000000, s2;
	s6 =	simm.s32 $0x108;
	_ =	swait.ge @!p0 [sflag:s8], $0x0  }
0x24: {  	s3 =	sadd.s32 $0x88, s3;
	s6 =	simm.s32 @!p1 $0x1082;
	[sflag:s4] =	ssyncset.s32 $0xFFFFF086  }
0x25: {  	[simem:s6], [sflag:s4] =	dma.local [hbm:s3], $0xF7A  }
0x26: {  	[smem:$0x3F91] =	sst s1;
	(tag) =	ssettag s2;
	_ =	strace s9  }
0x27: {  	s1 =	sld [smem:$0x3FA1]  }
0x28: {  	s2 =	sld [smem:$0x3FA2]  }
0x29: {  	s4 =	sld [smem:$0x3FA4]  }
0x2a: {  	p0 =	seq.s32 s5, $0x0;
	s5 =	sld [smem:$0x3FA5]  }
0x2b: {  	s6 =	sld [smem:$0x3FA6]  }
0x2c: {  	s7 =	sld [smem:$0x3FA7]  }
0x2d: {  	s3 =	simm.s32 $0x108;
	s8 =	sld [smem:$0x3FA8]  }
0x2e: {  	s3 =	simm.s32 @!p0 $0x1082;
	s9 =	sld [smem:$0x3FA9]  }
0x2f: {  	lr =	sadd.s32 s0, s3;
	s0 =	sld [smem:$0x3FA0]  }
0x30: {  	s3 =	sld [smem:$0x3FA3]  }
0x31: {  	[smem:$0x3FAC] =	sst s10  }
0x32: {  	s10 =	sld [smem:$0x3FAA];
	_ =	sdelay $0x3  }
0x33: {  	p0 =	seq.s32 s10, $0x1;
	s10 =	sld [smem:$0x3FAC];
	_ =	sdelay $0x3  }
0x34: {  	[smem:$0x3FAC] =	sst s10  }
0x35: {  	s10 =	sld [smem:$0x3FAB];
	_ =	sdelay $0x3  }
0x36: {  	p1 =	seq.s32 s10, $0x1;
	s10 =	sld [smem:$0x3FAC];
	_ =	sdelay $0x3  }
0x37: {  	[smem:$0x3FAC] =	sst s10  }
0x38: {  	s10 =	sld [smem:$0x3FAD]  }
0x39: {  	_ = 	snop;
	(pc) =	sbr.ind lr, $3  }
0x3a: {  	_ = 	snop  }
0x3b: {  	_ = 	snop  }
0x3c: {  	p2 =	seq.s32 s10, $0x1;
	s10 =	sld [smem:$0x3FAC]  }
0x3d: {  	_ =	shalt  }
0x3e: {  	_ =	shalt  }
0x3f: {  	_ =	shalt  }
0x40: {  	_ =	shalt  }
0x41: {  	_ =	shalt  }
0x42: {  	_ =	shalt  }
0x43: {  	_ =	shalt  }
0x44: {  	_ =	shalt  }
0x45: {  	_ =	shalt  }
0x46: {  	_ =	shalt  }
0x47: {  	_ =	shalt  }
0x48: {  	_ =	shalt  }
0x49: {  	_ =	shalt  }
0x4a: {  	_ =	shalt  }
0x4b: {  	_ =	shalt  }
0x4c: {  	_ =	shalt  }
0x4d: {  	_ =	shalt  }
0x4e: {  	_ =	shalt  }
0x4f: {  	_ =	shalt  }
0x50: {  	_ =	shalt  }
0x51: {  	_ =	shalt  }
0x52: {  	_ =	shalt  }
0x53: {  	_ =	shalt  }
0x54: {  	_ =	shalt  }
0x55: {  	_ =	shalt  }
0x56: {  	_ =	shalt  }
0x57: {  	_ =	shalt  }
0x58: {  	_ =	shalt  }
0x59: {  	_ =	shalt  }
0x5a: {  	_ =	shalt  }
0x5b: {  	_ =	shalt  }
0x5c: {  	_ =	shalt  }
0x5d: {  	_ =	shalt  }
0x5e: {  	_ =	shalt  }
0x5f: {  	_ =	shalt  }
0x60: {  	_ =	shalt  }
0x61: {  	_ =	shalt  }
0x62: {  	_ =	shalt  }
0x63: {  	_ =	shalt  }
0x64: {  	_ =	shalt  }
0x65: {  	_ =	shalt  }
0x66: {  	_ =	shalt  }
0x67: {  	_ =	shalt  }
0x68: {  	_ =	shalt  }
0x69: {  	_ =	shalt  }
0x6a: {  	_ =	shalt  }
0x6b: {  	_ =	shalt  }
0x6c: {  	_ =	shalt  }
0x6d: {  	_ =	shalt  }
0x6e: {  	_ =	shalt  }
0x6f: {  	_ =	shalt  }
0x70: {  	_ =	shalt  }
0x71: {  	_ =	shalt  }
0x72: {  	_ =	shalt  }
0x73: {  	_ =	shalt  }
0x74: {  	_ =	shalt  }
0x75: {  	_ =	shalt  }
0x76: {  	_ =	shalt  }
0x77: {  	_ =	shalt  }
0x78: {  	_ =	shalt  }
0x79: {  	_ =	shalt  }
0x7a: {  	_ =	shalt  }
0x7b: {  	_ =	shalt  }
0x7c: {  	_ =	shalt  }
0x7d: {  	_ =	shalt  }
0x7e: {  	_ =	shalt  }
0x7f: {  	_ =	shalt  }
0x80: {  	_ =	shalt  }
0x81: {  	_ =	shalt  }
0x82: {  	_ =	shalt  }
0x83: {  	_ =	shalt  }
0x84: {  	_ =	shalt  }
0x85: {  	_ =	shalt  }
0x86: {  	_ =	shalt  }
0x87: {  	_ =	shalt  }
.Lfunc_end0:
.L_simem_size_0:
called_computation_lowered:
.L_overlay_start_0:
0x88: {  	s2 =	sld [smem:$0x3FD9]  }
0x89: {  	s3 =	sld [smem:$0x3FFE];
	_ =	sdelay $0x1  }
0x8a: {  	s1 =	srdreg.scid  }
0x8b: {  	s0 =	sand.u32 $0x1, s1  }
0x8c: {  	s16 =	sshll.u32 s0, $0xA;
	s2 =	sadd.s32 s3, s2  }
0x8d: {  	s2 =	sadd.s32 s2, s16  }
0x8e: {  	[smem:$0x3FB8] =	sst s2  }
0x8f: {  	_ = 	snop  }
0x90: {  	(tm) =	ssettm $0x1  }
0x91: {  	s17 =	sld [smem:$0x3FFB];
	_ =	sdelay $0x3  }
0x92: {  	_ =	strace s17  }
0x93: {  	s2 =	sld [smem:$0x3FFC];
	_ =	sdelay $0x3  }
0x94: {  	_ =	strace s2  }
0x95: {  	s2 =	sld [smem:$0x3FFD];
	_ =	sdelay $0x3  }
0x96: {  	_ =	strace s2  }
0x97: {  	_ =	strace $0x8FFFFFFF  }
0x98: {  	s18 =	sld [smem:$0x3FDB];
	_ =	sdelay $0x1  }
0x99: {  	s19 =	simm.s32 $_scs_section_size  }
0x9a: {  	s4 =	simm.s32 $_size__tile_overlayer_lowered;
	s5 =	simm.s32 $_tile_overlayer_lowered  }
0x9b: {  	s22 =	simm.s32 $0x1BFF;
	s21 =	sshll.u32 s5, $0x1;
	s2 =	sadd.s32 s19, s18  }
0x9c: {  	s6 =	simm.s32 $0x0;
	s20 =	sshll.u32 s4, $0x1;
	s4 =	sadd.s32 s21, s2  }
0x9d: {  	[timem:s6], [sflag:s22] =	dma.local [hbm:s4], s20  }
0x9e: {  	_ =	swait.ge [sflag:s22], s20  }
0x9f: {  	s3 =	ssub.s32 $0x0, s20;
	[sflag:s22] =	ssyncset.done $0x0  }
0xa0: {  	[sflag:s22] =	ssyncadd.s32 s3;
	_ =	sdelay $0x1  }
0xa1: {  	s23 =	simm.s32 $0x1B8B  }
0xa2: {  	_ =	swait.ge [sflag:s23], $0x1  }
0xa3: {  	[sflag:s23] =	ssyncset.done $0x0  }
0xa4: {  	s25 =	simm.s32 $0x1B8E;
	s24 =	sld [smem:$0x3FFE];
	[sflag:s23] =	ssyncadd.s32 $0xFFFFFFFF  }
0xa5: {  	s26 =	simm.s32 $execute0_lowered;
	[smem:$0x3FD2] =	sst s25  }
0xa6: {  	s4 =	sshll.u32 s26, $0x1;
	_ =	strace $0x80000046;
	[dreg:$0x1] =	wrdreg $0xFFFFFFFF  }
0xa7: {  	s28 =	simm.s32 $_size_execute0_lowered;
	s2 =	sadd.s32 s2, s4;
	[dreg:$0x0] =	wrdreg $0x0  }
0xa8: {  	s4 =	sshll.u32 s28, $0x1;
	[dreg:$0x2] =	wrdreg s2  }
0xa9: {  	[dreg:$0x3] =	wrdreg s4  }
0xaa: {  	[dreg:$0x4] =	wrdreg $0xC0  }
0xab: {  	_ =	task [dreg:s6], $0x5FFFF  }
0xac: {  	[dreg:$0x1] =	wrdreg $0xFFFFFFFF  }
0xad: {  	[dreg:$0x0] =	wrdreg $0x60  }
0xae: {  	[dreg:$0x2] =	wrdreg s24  }
0xaf: {  	[dreg:$0x3] =	wrdreg $0x9  }
0xb0: {  	_ =	task.clear_ibuf [dreg:s6], $0x4FFFF;
	_ =	strace $0x90000046  }
0xb1: {  	s29 =	simm.s32 $0x9;
	_ =	strace $0x80000048  }
0xb2: {  	_ =	swait.ge [sflag:s29], $0x1  }
0xb3: {  	[sflag:s29] =	ssyncadd.s32 $0xFFFFFFFF  }
0xb4: {  	_ =	strace $0x90000048  }
0xb5: {  	_ =	sfence  }
0xb6: {  	s30 =	sld [smem:$0x0];
	_ =	sdelay $0x2  }
0xb7: {  	s31 =	sshll.u32 s1, $0xD;
	s1 =	sshrl.u32 s1, $0x2  }
0xb8: {  	s3 =	sand.u32 $0x4000, s31;
	s1 =	sadd.s32 s1, s30  }
0xb9: {  	s0 =	sor.u32 s3, s0;
	s1 =	sshll.u32 s1, $0x11  }
0xba: {  	s0 =	sor.u32 s1, s0  }
0xbb: {  	s0 =	sadd.s32 $0x8F2B, s0  }
0xbc: {  	[sflag:s0] =	ssyncadd.remote.s32 $0x1  }
0xbd: {  	_ =	sfence.sel $0xFFFF  }
0xbe: {  	[dreg:$0x0] =	wrdreg $0xFFFFFFFF;
	(pc) =	sbr.abs _section_cstart, $3  }
0xbf: {  	[dreg:$0x1] =	wrdreg $0xFFFFFFFF  }
0xc0: {  	_ =	task.clear_ibuf [dreg:s6], $0x2FFFF;
	_ =	strace $0x9FFFFFFF  }
0xc1: {  	(tm) =	ssettm $0x7FFFFFFF  }
tec
execute0_lowered:
.L_overlay_start_1:
0x0: {  	(tag) =	ssettag $0x1  }
0x1: {  	s1 =	srdreg.scid  }
0x2: {  	s0 =	stileid.u32;
	s6 =	sand.u32 $0x1, s1  }
0x3: {  	s8 =	rddreg [dreg:$0x0];
	s30 =	sshll.u32 s0, $0x8;
	s2 =	sshll.u32 s6, $0x7  }
0x4: {  	s7 =	simm.s32 $0x1;
	s1 =	rddreg [dreg:$0x1];
	s9 =	sor.u32 s2, s30  }
0x5: {  	s5 =	sadd.s32 $0x4000, s8;
	s2 =	simm.s32 $0x0;
	s3 =	sshrl.u32 s9, $0x3  }
0x6: {  	s10 =	ssub.s32 $0x2, s6;
	[smem:$0x7FF] =	sst s2;
	s3 =	sadd.s32 s3, s8  }
0x7: {  	_ =	strace $0x80000047;
	s4 =	sadd.s32 $0x4400, s3;
	s3 =	simm.s32 $0x2  }
0x8: {  	[tilespmem:s2], [sflag:$0x2] =	stream.linear.gather [hbm4b:s4+s2], $0x80, $0x38;
	[tilespmem:$0x4080] =	vst v63  }
0x9: {  	s6 =	simm.s32 $0x80;
	s11 =	sshrl.u32 s10, $0x1;
	_ =	swait.ge [sflag:s3], $0x80  }
0xa: {  	s9 =	sshll.u32 s9, $0x4;
	s31 =	ssub.s32 s10, s11;
	[sflag:s3] =	ssyncset.done $0x0  }
0xb: {  	s8 =	sadd.s32 s9, s8;
	s9 =	smax.u32 s31, $0x1;
	[sflag:s3] =	ssyncadd.s32 $0xFFFFFF80  }
0xc: {  	[tilespmem:s6], [sflag:$0x1] =	stream.indirect.gather [hbm4b:s5+s6], $0x80, s2, s6, $0xb8;
	[tilespmem:$0x4080] =	vst v63  }
0xd: {  	p0 =	sne.s32 s9, $0x1;
	_ =	swait.ge [sflag:s7], $0x4000  }
.Ltmp0:
0xe: {  	[sflag:s7] =	ssyncset.done $0x0;
	(pc) =	sbr.rel @!p0 .LBB2_2-.Ltmp0, $4  }
0xf: {  	s8 =	sadd.s32 $0xC600, s8;
	[sflag:s7] =	ssyncadd.s32 $0xFFFFC000  }
0x10: {  	[hbm4b:s8+s2] =	stream.linear.scatter [tilespmem:s6], [sflag:$0x2], $0x4000, $0x38;
	[tilespmem:$0x4080] =	vst v63  }
0x11: {  	_ =	swait.ge [sflag:s3], $0x4000  }
0x12: {  	s9 =	sadd.s32 $0xFFFFFFFF, s9;
	[sflag:s3] =	ssyncset.done $0x0  }
.LBB2_1:
0x13: {  	p0 =	sne.s32 s9, $0x1;
	s9 =	sadd.s32 $0xFFFFFFFF, s9;
	[sflag:s3] =	ssyncadd.s32 $0xFFFFC000  }
0x14: {  	[tilespmem:s2], [sflag:$0x2] =	stream.linear.gather [hbm4b:s4+s2], $0x80, $0x38;
	[tilespmem:$0x4080] =	vst v63  }
0x15: {  	_ =	swait.ge [sflag:s3], $0x80  }
0x16: {  	[sflag:s3] =	ssyncset.done $0x0  }
0x17: {  	[sflag:s3] =	ssyncadd.s32 $0xFFFFFF80  }
0x18: {  	[tilespmem:s6], [sflag:$0x1] =	stream.indirect.gather [hbm4b:s5+s6], $0x80, s2, s6, $0xb8;
	[tilespmem:$0x4080] =	vst v63  }
0x19: {  	_ =	swait.ge [sflag:s7], $0x4000  }
.Ltmp1:
0x1a: {  	[sflag:s7] =	ssyncset.done $0x0;
	(pc) =	sbr.rel @p0 .LBB2_1-.Ltmp1, $4  }
0x1b: {  	[sflag:s7] =	ssyncadd.s32 $0xFFFFC000  }
0x1c: {  	[hbm4b:s8+s2] =	stream.linear.scatter [tilespmem:s6], [sflag:$0x2], $0x4000, $0x38;
	[tilespmem:$0x4080] =	vst v63  }
0x1d: {  	_ =	swait.ge [sflag:s3], $0x4000  }
0x1e: {  	[sflag:s3] =	ssyncset.done $0x0  }
.LBB2_2:
0x1f: {  	[sflag:s3] =	ssyncadd.s32 $0xFFFFC000  }
0x20: {  	_ =	sfence.sel $0x180000  }
0x21: {  	[bflag:$0x0] =	sbarrier.arrive $0xFFFF  }
0x22: {  	p0 =	sne.s32 s0, $0x0;
	_ =	strace $0x90000047  }
0x23: {  	s0 =	sadd.s32 @!p0 $0x100000, s1;
	[bflag:$0x2] =	sbarrier.arrive $0xFFFF  }
0x24: {  	[sflag:s0] =	ssyncadd.tile.s32 @!p0 $0x1;
	_ =	shalt  }
.Lfunc_end2:
_tile_overlayer_lowered:
.L_overlay_start_2:
0x25: {  	(tag) =	ssettag $0x2  }
0x26: {  	s0 =	rddreg [dreg:$0x0];
	s2 =	stileid.u32  }
0x27: {  	s1 =	rddreg [dreg:$0x1];
	p0 =	sne.s32 s2, $0x0  }
0x28: {  	s3 =	rddreg [dreg:$0x2];
	[bflag:$0x3] =	sbarrier.arrive $0xFFFF;
	s2 =	simm.s32 @!p0 $0x1C02  }
0x29: {  	[timem:s3], [sflag:s2] =	dma.local @!p0 [hbm:s0], s1  }
0x2a: {  	s0 =	simm.s32 @!p0 $0x2  }
0x2b: {  	_ =	swait.ge @!p0 [sflag:s0], s1  }
0x2c: {  	s1 =	ssub.s32 @!p0 $0x0, s1;
	[sflag:s0] =	ssyncset.done @!p0 $0x0  }
0x2d: {  	[sflag:s0] =	ssyncadd.s32 @!p0 s1  }
0x2e: {  	[bflag:$0x3] =	sbarrier.arrive $0xFFFF  }
0x2f: {  	_ =	shalt  }

</sc_bundles>
